<compile_context>
chip_gen: v7x
topology: tpu7x:2x2x1
jax: 0.10.2.dev20260603
libtpu: 0.0.44.dev20260713+nightly
codegen_flags: <defaults>
</compile_context>

<pallas_src>
import functools

import jax
import jax.numpy as jnp
from jax import lax
from jax.experimental import pallas as pl
from jax.experimental.pallas import tpu as pltpu
from jax.experimental.pallas import tpu_sc as plsc

B = 2048
D = 2048
SAE = 8192
K = 3


BB = 256
SB = 1024
NRB = B // BB
NSB = SAE // SB
NEG_INF = float("-inf")


def _top3_of_tile(pre, j):
    iota = lax.broadcasted_iota(jnp.int32, (BB, SB), 1)
    t = pre
    vs, is_ = [], []
    for _ in range(3):
        m = jnp.max(t, axis=1, keepdims=True)
        pos = jnp.min(jnp.where(t == m, iota, SB), axis=1, keepdims=True)
        vs.append(m)
        is_.append(pos + j * SB)
        t = jnp.where(iota == pos, NEG_INF, t)
    return jnp.concatenate(vs, axis=1), jnp.concatenate(is_, axis=1)


def _merge6(v6, i6):
    iota = lax.broadcasted_iota(jnp.int32, (BB, 6), 1)
    vs, is_ = [], []
    for _ in range(3):
        m = jnp.max(v6, axis=1, keepdims=True)
        pos = jnp.min(jnp.where(v6 == m, iota, 6), axis=1, keepdims=True)
        vs.append(m)
        is_.append(jnp.sum(jnp.where(iota == pos, i6, 0), axis=1, keepdims=True))
        v6 = jnp.where(iota == pos, NEG_INF, v6)
    return jnp.concatenate(vs, axis=1), jnp.concatenate(is_, axis=1)


def _topk_body(x_ref, w_ref, b_ref, vals_ref, idx_ref, tv, ti):
    j = pl.program_id(0)
    i = pl.program_id(1)
    pre = lax.dot_general(x_ref[...], w_ref[...], (((1,), (1,)), ((), ())),
                          preferred_element_type=jnp.float32) + b_ref[0]
    nv, ni = _top3_of_tile(pre, j)
    rows = pl.ds(i * BB, BB)

    @pl.when(j == 0)
    def _():
        tv[rows, :] = nv
        ti[rows, :] = ni

    @pl.when(j > 0)
    def _():
        mv, mi = _merge6(jnp.concatenate([tv[rows, :], nv], axis=1),
                         jnp.concatenate([ti[rows, :], ni], axis=1))
        tv[rows, :] = mv
        ti[rows, :] = mi

    @pl.when(j == NSB - 1)
    def _():
        zf = jnp.zeros((BB, 13), jnp.float32)
        zi = jnp.zeros((BB, 13), jnp.int32)
        vals_ref[...] = jnp.concatenate([tv[rows, :], zf], axis=1)
        idx_ref[...] = jnp.concatenate([ti[rows, :], zi], axis=1)


def _topk_call(x, w_enc, b_enc2d):
    return pl.pallas_call(
        _topk_body,
        grid=(NSB, NRB),
        in_specs=[
            pl.BlockSpec((BB, D), lambda j, i: (i, 0)),
            pl.BlockSpec((SB, D), lambda j, i: (j, 0)),
            pl.BlockSpec((1, 1, SB), lambda j, i: (j, 0, 0)),
        ],
        out_specs=[
            pl.BlockSpec((BB, 16), lambda j, i: (i, 0)),
            pl.BlockSpec((BB, 16), lambda j, i: (i, 0)),
        ],
        out_shape=[
            jax.ShapeDtypeStruct((B, 16), jnp.float32),
            jax.ShapeDtypeStruct((B, 16), jnp.int32),
        ],
        scratch_shapes=[
            pltpu.VMEM((B, 3), jnp.float32),
            pltpu.VMEM((B, 3), jnp.int32),
        ],
    )(x, w_enc, b_enc2d)



NC = 2
NS = 16
NW = NC * NS
RPW = B // NW
NCH = D // 16




def _sc_body(x_hbm, idx_hbm, vals_hbm, we1_hbm, we2_hbm,
             wd_hbm, wd1_hbm, wd2_hbm, be1_hbm, be2_hbm, bsum_hbm, zero_hbm,
             recon_hbm, bm_hbm,
             x2, idx2, vals2, w1r, w2r, d0r, d1r, d2r,
             out2, be1_v, be2_v, bsum_v, bm_v, red_v, sem_g, sem_x, sem_o):
    wid = lax.axis_index("s") * NC + lax.axis_index("c")
    b0 = wid * RPW
    pltpu.sync_copy(be1_hbm, be1_v)
    pltpu.sync_copy(be2_hbm, be2_v)
    pltpu.sync_copy(bsum_hbm, bsum_v)
    pltpu.sync_copy(zero_hbm, bm_v)
    lane = lax.iota(jnp.int32, 16)
    zero16 = jnp.zeros((16,), jnp.float32)
    red_v[pl.ds(16, 16)] = zero16

    def hsum(v):
        for sh in (8, 4, 2, 1):
            red_v[pl.ds(0, 16)] = v
            v = red_v[pl.ds(0, 16)] + red_v[pl.ds(sh, 16)]
        return v[0]

    tables = (we1_hbm, we2_hbm, wd_hbm, wd1_hbm, wd2_hbm)

    def rows_of(s):
        return (w1r, w2r, d0r, d1r, d2r)[s]

    def fetch_row(b, s):
        pltpu.async_copy(x_hbm.at[pl.ds(b * D, D)], x2.at[s], sem_x)
        pltpu.async_copy(idx_hbm.at[pl.ds(b * 16, 16)], idx2.at[s], sem_x)
        pltpu.async_copy(vals_hbm.at[pl.ds(b * 16, 16)], vals2.at[s], sem_x)

    def wait_fetch(s):
        pltpu.make_async_copy(x_hbm.at[pl.ds(0, D)], x2.at[s], sem_x).wait()
        pltpu.make_async_copy(idx_hbm.at[pl.ds(0, 16)], idx2.at[s], sem_x).wait()
        pltpu.make_async_copy(vals_hbm.at[pl.ds(0, 16)], vals2.at[s], sem_x).wait()

    def issue_gathers(s):
        idx3 = idx2.at[s, pl.ds(0, 3)]
        for t in range(5):
            pltpu.async_copy(tables[t].at[idx3], rows_of(t).at[s], sem_g)

    def wait_gathers(s):
        for t in range(5):
            pltpu.make_async_copy(tables[t].at[pl.ds(0, 3)], rows_of(t).at[s],
                                  sem_g).wait()

    def wait_out(s):
        pltpu.make_async_copy(out2.at[s], recon_hbm.at[pl.ds(0, D)],
                              sem_o).wait()

    pltpu.sync_copy(x_hbm.at[pl.ds(b0 * D, D)], x2.at[0])
    pltpu.sync_copy(idx_hbm.at[pl.ds(b0 * 16, 16)], idx2.at[0])
    pltpu.sync_copy(vals_hbm.at[pl.ds(b0 * 16, 16)], vals2.at[0])
    fetch_row(b0 + 1, 1)
    issue_gathers(0)

    def pair_body(jj, carry):
        for i in (0, 1):
            p, q = i, 1 - i
            r = jj * 2 + i
            b = b0 + r

            if i == 0:
                wait_fetch(q)
                issue_gathers(q)
            else:
                @pl.when(jj < 31)
                def _():
                    wait_fetch(q)
                    issue_gathers(q)

            wait_gathers(p)

            def dot_body(c, accs):
                sl = pl.ds(c * 16, 16)
                xc = x2[p, sl]
                return (accs[0] + xc * w1r[p, 0, sl],
                        accs[1] + xc * w1r[p, 1, sl],
                        accs[2] + xc * w1r[p, 2, sl],
                        accs[3] + xc * w2r[p, 0, sl],
                        accs[4] + xc * w2r[p, 1, sl],
                        accs[5] + xc * w2r[p, 2, sl])

            accs = lax.fori_loop(0, NCH, dot_body, (zero16,) * 6)

            @pl.when(jj < 31)
            def _():
                fetch_row(b0 + (r + 2), p)

            idx_vec = idx2[p, :]
            vals_vec = vals2[p, :]
            cv = []
            for k in range(3):
                ik = idx_vec[k]
                w1k = hsum(accs[k]) + be1_v[pl.ds(ik, 16)][0]
                w2k = hsum(accs[3 + k]) + be2_v[pl.ds(ik, 16)][0]
                valk = vals_vec[k]
                live = valk != 0.0
                win = w1k > w2k
                c1k = jnp.where(live & win, w1k, 0.0)
                c2k = jnp.where(live & (~win), w2k, 0.0)
                cv.append((valk, c1k, c2k))

            @pl.when(jj >= 1)
            def _():
                wait_out(p)

            def rec_body(c, carry):
                sl = pl.ds(c * 16, 16)
                o = bsum_v[sl]
                o = o + cv[0][0] * d0r[p, 0, sl] + cv[1][0] * d0r[p, 1, sl] + cv[2][0] * d0r[p, 2, sl]
                o = o + cv[0][1] * d1r[p, 0, sl] + cv[1][1] * d1r[p, 1, sl] + cv[2][1] * d1r[p, 2, sl]
                o = o + cv[0][2] * d2r[p, 0, sl] + cv[1][2] * d2r[p, 1, sl] + cv[2][2] * d2r[p, 2, sl]
                out2[p, sl] = o
                return 0

            lax.fori_loop(0, NCH, rec_body, 0)
            pltpu.async_copy(out2.at[p], recon_hbm.at[pl.ds(b * D, D)], sem_o)

            for k in range(3):
                ik = idx_vec[k]
                for ch, flag in ((0, jnp.float32(1.0)),
                                 (1, jnp.where(cv[k][1] != 0.0, 1.0, 0.0)),
                                 (2, jnp.where(cv[k][2] != 0.0, 1.0, 0.0))):
                    sl = pl.ds(ch * (SAE + 16) + ik, 16)
                    cur = bm_v[sl]
                    bm_v[sl] = jnp.where(lane == 0,
                                         jnp.maximum(cur, flag), cur)
        return 0

    lax.fori_loop(0, RPW // 2, pair_body, 0)
    wait_out(0)
    wait_out(1)
    for ch in range(3):
        pltpu.sync_copy(bm_v.at[pl.ds(ch * (SAE + 16), SAE)],
                        bm_hbm.at[pl.ds((wid * 3 + ch) * SAE, SAE)])


@functools.cache
def _get_sc_call():
    return functools.partial(
        pl.kernel,
        mesh=plsc.VectorSubcoreMesh(core_axis_name="c", subcore_axis_name="s"),
        compiler_params=pltpu.CompilerParams(use_tc_tiling_on_sc=False),
        out_type=[jax.ShapeDtypeStruct((B * D,), jnp.float32),
                  jax.ShapeDtypeStruct((NW * 3 * SAE,), jnp.float32)],
        scratch_types=[
            pltpu.VMEM((2, D), jnp.float32),
            pltpu.VMEM((2, 16), jnp.int32),
            pltpu.VMEM((2, 16), jnp.float32),
            pltpu.VMEM((2, 3, D), jnp.float32),
            pltpu.VMEM((2, 3, D), jnp.float32),
            pltpu.VMEM((2, 3, D), jnp.float32),
            pltpu.VMEM((2, 3, D), jnp.float32),
            pltpu.VMEM((2, 3, D), jnp.float32),
            pltpu.VMEM((2, D), jnp.float32),
            pltpu.VMEM((SAE + 16,), jnp.float32),
            pltpu.VMEM((SAE + 16,), jnp.float32),
            pltpu.VMEM((D,), jnp.float32),
            pltpu.VMEM((3 * (SAE + 16),), jnp.float32),
            pltpu.VMEM((32,), jnp.float32),
            pltpu.SemaphoreType.DMA,
            pltpu.SemaphoreType.DMA,
            pltpu.SemaphoreType.DMA,
        ],
    )(_sc_body)



def _count_body(bm_ref, out_ref):
    mx = jnp.max(bm_ref[...], axis=0)
    cnt = jnp.sum(jnp.where(mx > 0.0, 1, 0).astype(jnp.int32),
                  axis=1, keepdims=True)
    out_ref[...] = jnp.broadcast_to(cnt, (3, 128))


def _count_call(bm):
    return pl.pallas_call(
        _count_body,
        out_shape=jax.ShapeDtypeStruct((3, 128), jnp.int32),
    )(bm)



def kernel(model_activations, W_enc, b_enc, W_dec, b_dec,
           W_enc1, b_enc1, W_dec1, b_dec1,
           W_enc2, b_enc2, W_dec2, b_dec2):
    x = model_activations
    vals16, idx16 = _topk_call(x, W_enc, b_enc.reshape(NSB, 1, SB))
    wdT = W_dec.T
    wd1T = W_dec1.T
    wd2T = W_dec2.T
    bsum = b_dec + b_dec1 + b_dec2
    zero = jnp.zeros((3 * (SAE + 16),), jnp.float32)
    pad16 = jnp.zeros((16,), jnp.float32)
    be1p = jnp.concatenate([b_enc1, pad16])
    be2p = jnp.concatenate([b_enc2, pad16])
    recon, bm = _get_sc_call()(x.reshape(-1), idx16.reshape(-1),
                               vals16.reshape(-1), W_enc1, W_enc2,
                               wdT, wd1T, wd2T, be1p, be2p, bsum, zero)
    cnt = _count_call(bm.reshape(NW, 3, SAE))
    return (recon.reshape(B, D), (cnt[0, 0], cnt[1, 0], cnt[2, 0]))

# --- scband reference (transcript-rebuilt; emitter-appended) ---
"""Pipeline reference for scband-topk-sparse-auto-encoder2-child-v2-7456063225990 (READ-ONLY COPY).

The authoritative reference and input builder live on the scoring server;
editing this copy changes nothing except your own understanding.
"""

import jax, jax.numpy as jnp
import numpy as np

B = 2048
D = 2048
SAE = 8192
K = 3

def _linear_params(key, in_dim, out_dim):
    k1, k2 = jax.random.split(key)
    bound = 1.0 / np.sqrt(in_dim)
    W = jax.random.uniform(k1, (out_dim, in_dim), jnp.float32, -bound, bound)
    b = jax.random.uniform(k2, (out_dim,), jnp.float32, -bound, bound)
    return W, b

def setup_inputs(seed: int = 0) -> dict:
    key = jax.random.key(seed)
    ks = jax.random.split(key, 7)
    x = jax.random.normal(ks[0], (B, D), jnp.float32)
    W_enc, b_enc = _linear_params(ks[1], D, SAE)
    W_dec, b_dec = _linear_params(ks[2], SAE, D)
    W_enc1, b_enc1 = _linear_params(ks[3], D, SAE)
    W_dec1, b_dec1 = _linear_params(ks[4], SAE, D)
    W_enc2, b_enc2 = _linear_params(ks[5], D, SAE)
    W_dec2, b_dec2 = _linear_params(ks[6], SAE, D)
    return {"model_activations": x,
            "W_enc": W_enc, "b_enc": b_enc, "W_dec": W_dec, "b_dec": b_dec,
            "W_enc1": W_enc1, "b_enc1": b_enc1, "W_dec1": W_dec1, "b_dec1": b_dec1,
            "W_enc2": W_enc2, "b_enc2": b_enc2, "W_dec2": W_dec2, "b_dec2": b_dec2}

def reference(model_activations, W_enc, b_enc, W_dec, b_dec,
              W_enc1, b_enc1, W_dec1, b_dec1,
              W_enc2, b_enc2, W_dec2, b_dec2):
    x = model_activations
    pre = x @ W_enc.T + b_enc
    vals, idx = jax.lax.top_k(pre, K)
    rows = jnp.arange(x.shape[0])[:, None]
    sae_act = jnp.zeros_like(pre).at[rows, idx].set(vals)
    num_live_parent = jnp.sum(jnp.zeros((SAE,), jnp.float32).at[idx.reshape(-1)].set(1.0)).astype(jnp.int32)
    pre1 = x @ W_enc1.T + b_enc1
    pre2 = x @ W_enc2.T + b_enc2
    masked1 = jnp.where(sae_act != 0.0, pre1, jnp.zeros_like(pre1))
    masked2 = jnp.where(sae_act != 0.0, pre2, jnp.zeros_like(pre2))
    winners = masked1 > masked2
    final1 = jnp.where(winners, masked1, jnp.zeros_like(masked1))
    final2 = jnp.where(~winners, masked2, jnp.zeros_like(masked2))
    num_live_c1 = jnp.sum(jnp.any(final1 != 0, axis=0)).astype(jnp.int32)
    num_live_c2 = jnp.sum(jnp.any(final2 != 0, axis=0)).astype(jnp.int32)
    reconstructed = (sae_act @ W_dec.T + b_dec) + (final1 @ W_dec1.T + b_dec1) + (final2 @ W_dec2.T + b_dec2)
    return (reconstructed, (num_live_parent, num_live_c1, num_live_c2))

if __name__ == "__main__":
    import jax
    _d = setup_inputs()
    print(jax.jit(kernel)(*tuple(_d.values())))

</pallas_src>

<mosaic_0001>
#map = affine_map<(d0, d1) -> (0)>
#map1 = affine_map<(d0, d1) -> (0, 0)>
module attributes {stable_mosaic.version = 14 : i64} {
  func.func @_sc_body(%arg0: i32, %arg1: i32, %arg2: memref<4194304xf32, #tpu.memory_space<hbm>>, %arg3: memref<32768xi32, #tpu.memory_space<hbm>>, %arg4: memref<32768xf32, #tpu.memory_space<hbm>>, %arg5: memref<8192x2048xf32, #tpu.memory_space<hbm>>, %arg6: memref<8192x2048xf32, #tpu.memory_space<hbm>>, %arg7: memref<8192x2048xf32, #tpu.memory_space<hbm>>, %arg8: memref<8192x2048xf32, #tpu.memory_space<hbm>>, %arg9: memref<8192x2048xf32, #tpu.memory_space<hbm>>, %arg10: memref<8208xf32, #tpu.memory_space<hbm>>, %arg11: memref<8208xf32, #tpu.memory_space<hbm>>, %arg12: memref<2048xf32, #tpu.memory_space<hbm>>, %arg13: memref<24624xf32, #tpu.memory_space<hbm>>, %arg14: memref<4194304xf32, #tpu.memory_space<hbm>>, %arg15: memref<786432xf32, #tpu.memory_space<hbm>>, %arg16: memref<2x2048xf32, #tpu.memory_space<vmem>>, %arg17: memref<2x16xi32, #tpu.memory_space<vmem>>, %arg18: memref<2x16xf32, #tpu.memory_space<vmem>>, %arg19: memref<2x3x2048xf32, #tpu.memory_space<vmem>>, %arg20: memref<2x3x2048xf32, #tpu.memory_space<vmem>>, %arg21: memref<2x3x2048xf32, #tpu.memory_space<vmem>>, %arg22: memref<2x3x2048xf32, #tpu.memory_space<vmem>>, %arg23: memref<2x3x2048xf32, #tpu.memory_space<vmem>>, %arg24: memref<2x2048xf32, #tpu.memory_space<vmem>>, %arg25: memref<8208xf32, #tpu.memory_space<vmem>>, %arg26: memref<8208xf32, #tpu.memory_space<vmem>>, %arg27: memref<2048xf32, #tpu.memory_space<vmem>>, %arg28: memref<24624xf32, #tpu.memory_space<vmem>>, %arg29: memref<32xf32, #tpu.memory_space<vmem>>, %arg30: memref<!tpu.dma_semaphore, #tpu.memory_space<semaphore_mem>>, %arg31: memref<!tpu.dma_semaphore, #tpu.memory_space<semaphore_mem>>, %arg32: memref<!tpu.dma_semaphore, #tpu.memory_space<semaphore_mem>>) attributes {dimension_semantics = [#tpu.dimension_semantics<core_parallel>, #tpu.dimension_semantics<subcore_parallel>], iteration_bounds = array<i64: 2, 16>, scalar_prefetch = 0 : i64, scratch_operands = 17 : i64, tpu.core_type = #tpu.core_type<sc_vector_subcore>, window_params = [{transform_indices = #map}, {transform_indices = #map}, {transform_indices = #map}, {transform_indices = #map1}, {transform_indices = #map1}, {transform_indices = #map1}, {transform_indices = #map1}, {transform_indices = #map1}, {transform_indices = #map}, {transform_indices = #map}, {transform_indices = #map}, {transform_indices = #map}, {transform_indices = #map}, {transform_indices = #map}]} {
    %mul3A = arith.constant 2 : i32
    %mul3A_0 = arith.muli %arg1, %mul3A : i32
    %add3A = arith.addi %mul3A_0, %arg0 : i32
    %mul3A_1 = arith.constant 64 : i32
    %mul3A_2 = arith.muli %add3A, %mul3A_1 : i32
    "tpu.region"() ({
      %run_scoped3A_154 = tpu.sem_alloc : memref<!tpu.dma_semaphore, #tpu.memory_space<semaphore_mem>>
      tpu.enqueue_dma source(%arg10 : memref<8208xf32, #tpu.memory_space<hbm>>) target(%arg25 : memref<8208xf32, #tpu.memory_space<vmem>>) target_semaphore(%run_scoped3A_154 : memref<!tpu.dma_semaphore, #tpu.memory_space<semaphore_mem>>)
      tpu.wait_dma2 semaphore(%run_scoped3A_154 : memref<!tpu.dma_semaphore, #tpu.memory_space<semaphore_mem>>) src(%arg10 : memref<8208xf32, #tpu.memory_space<hbm>>) dst(%arg25 : memref<8208xf32, #tpu.memory_space<vmem>>)
      tpu.yield
    }) : () -> ()
    "tpu.region"() ({
      %run_scoped3A_154 = tpu.sem_alloc : memref<!tpu.dma_semaphore, #tpu.memory_space<semaphore_mem>>
      tpu.enqueue_dma source(%arg11 : memref<8208xf32, #tpu.memory_space<hbm>>) target(%arg26 : memref<8208xf32, #tpu.memory_space<vmem>>) target_semaphore(%run_scoped3A_154 : memref<!tpu.dma_semaphore, #tpu.memory_space<semaphore_mem>>)
      tpu.wait_dma2 semaphore(%run_scoped3A_154 : memref<!tpu.dma_semaphore, #tpu.memory_space<semaphore_mem>>) src(%arg11 : memref<8208xf32, #tpu.memory_space<hbm>>) dst(%arg26 : memref<8208xf32, #tpu.memory_space<vmem>>)
      tpu.yield
    }) : () -> ()
    "tpu.region"() ({
      %run_scoped3A_154 = tpu.sem_alloc : memref<!tpu.dma_semaphore, #tpu.memory_space<semaphore_mem>>
      tpu.enqueue_dma source(%arg12 : memref<2048xf32, #tpu.memory_space<hbm>>) target(%arg27 : memref<2048xf32, #tpu.memory_space<vmem>>) target_semaphore(%run_scoped3A_154 : memref<!tpu.dma_semaphore, #tpu.memory_space<semaphore_mem>>)
      tpu.wait_dma2 semaphore(%run_scoped3A_154 : memref<!tpu.dma_semaphore, #tpu.memory_space<semaphore_mem>>) src(%arg12 : memref<2048xf32, #tpu.memory_space<hbm>>) dst(%arg27 : memref<2048xf32, #tpu.memory_space<vmem>>)
      tpu.yield
    }) : () -> ()
    "tpu.region"() ({
      %run_scoped3A_154 = tpu.sem_alloc : memref<!tpu.dma_semaphore, #tpu.memory_space<semaphore_mem>>
      tpu.enqueue_dma source(%arg13 : memref<24624xf32, #tpu.memory_space<hbm>>) target(%arg28 : memref<24624xf32, #tpu.memory_space<vmem>>) target_semaphore(%run_scoped3A_154 : memref<!tpu.dma_semaphore, #tpu.memory_space<semaphore_mem>>)
      tpu.wait_dma2 semaphore(%run_scoped3A_154 : memref<!tpu.dma_semaphore, #tpu.memory_space<semaphore_mem>>) src(%arg13 : memref<24624xf32, #tpu.memory_space<hbm>>) dst(%arg28 : memref<24624xf32, #tpu.memory_space<vmem>>)
      tpu.yield
    }) : () -> ()
    %iota3A = tpu.iota {dimensions = array<i32: 0>} : vector<16xi32>
    %broadcast_in_dim3A = arith.constant 0.000000e+00 : f32
    %broadcast_in_dim3A_3 = vector.broadcast %broadcast_in_dim3A : f32 to vector<16xf32>
    %swap3A = arith.constant 16 : index
    %swap3A_4 = tpu.vector_load %arg29[%swap3A] {strides = array<i32>} : memref<32xf32, #tpu.memory_space<vmem>>, vector<16xf32>,
    %swap3A_5 = vector.shape_cast %swap3A_4 : vector<16xf32> to vector<16xf32>
    %swap3A_6 = vector.shape_cast %broadcast_in_dim3A_3 : vector<16xf32> to vector<16xf32>
    tpu.vector_store %arg29[%swap3A], %swap3A_6 {strides = array<i32>} : memref<32xf32, #tpu.memory_space<vmem>>, vector<16xf32>,
    %mul3A_7 = arith.constant 2048 : i32
    %mul3A_8 = arith.muli %mul3A_2, %mul3A_7 : i32
    %run_scoped3A = arith.constant 0 : i32
    "tpu.region"() ({
      %run_scoped3A_154 = tpu.sem_alloc : memref<!tpu.dma_semaphore, #tpu.memory_space<semaphore_mem>>
      %dma_start3A_155 = arith.constant 0 : i32
      %dma_start3A_156 = tpu.memref_slice %arg16[%run_scoped3A, %dma_start3A_155] : memref<2x2048xf32, #tpu.memory_space<vmem>> -> memref<1x2048xf32, #tpu.memory_space<vmem>>
      %dma_start3A_157 = tpu.memref_squeeze %dma_start3A_156 : memref<1x2048xf32, #tpu.memory_space<vmem>> -> memref<2048xf32, #tpu.memory_space<vmem>>
      %dma_start3A_158 = tpu.memref_slice %arg2[%mul3A_8] : memref<4194304xf32, #tpu.memory_space<hbm>> -> memref<2048xf32, #tpu.memory_space<hbm>>
      %dma_start3A_159 = arith.constant 0 : i32
      %dma_start3A_160 = tpu.memref_slice %arg16[%run_scoped3A, %dma_start3A_159] : memref<2x2048xf32, #tpu.memory_space<vmem>> -> memref<1x2048xf32, #tpu.memory_space<vmem>>
      %dma_start3A_161 = tpu.memref_squeeze %dma_start3A_160 : memref<1x2048xf32, #tpu.memory_space<vmem>> -> memref<2048xf32, #tpu.memory_space<vmem>>
      %dma_start3A_162 = tpu.memref_slice %arg2[%mul3A_8] : memref<4194304xf32, #tpu.memory_space<hbm>> -> memref<2048xf32, #tpu.memory_space<hbm>>
      tpu.enqueue_dma source(%dma_start3A_162 : memref<2048xf32, #tpu.memory_space<hbm>>) target(%dma_start3A_161 : memref<2048xf32, #tpu.memory_space<vmem>>) target_semaphore(%run_scoped3A_154 : memref<!tpu.dma_semaphore, #tpu.memory_space<semaphore_mem>>)
      %dma_wait3A_163 = arith.constant 0 : i32
      %dma_wait3A_164 = tpu.memref_slice %arg16[%run_scoped3A, %dma_wait3A_163] : memref<2x2048xf32, #tpu.memory_space<vmem>> -> memref<1x2048xf32, #tpu.memory_space<vmem>>
      %dma_wait3A_165 = tpu.memref_squeeze %dma_wait3A_164 : memref<1x2048xf32, #tpu.memory_space<vmem>> -> memref<2048xf32, #tpu.memory_space<vmem>>
      %dma_wait3A_166 = tpu.memref_slice %arg2[%mul3A_8] : memref<4194304xf32, #tpu.memory_space<hbm>> -> memref<2048xf32, #tpu.memory_space<hbm>>
      %dma_wait3A_167 = arith.constant 0 : i32
      %dma_wait3A_168 = tpu.memref_slice %arg16[%run_scoped3A, %dma_wait3A_167] : memref<2x2048xf32, #tpu.memory_space<vmem>> -> memref<1x2048xf32, #tpu.memory_space<vmem>>
      %dma_wait3A_169 = tpu.memref_squeeze %dma_wait3A_168 : memref<1x2048xf32, #tpu.memory_space<vmem>> -> memref<2048xf32, #tpu.memory_space<vmem>>
      %dma_wait3A_170 = tpu.memref_slice %arg2[%mul3A_8] : memref<4194304xf32, #tpu.memory_space<hbm>> -> memref<2048xf32, #tpu.memory_space<hbm>>
      tpu.wait_dma2 semaphore(%run_scoped3A_154 : memref<!tpu.dma_semaphore, #tpu.memory_space<semaphore_mem>>) src(%dma_wait3A_170 : memref<2048xf32, #tpu.memory_space<hbm>>) dst(%dma_wait3A_169 : memref<2048xf32, #tpu.memory_space<vmem>>)
      tpu.yield
    }) : () -> ()
    %mul3A_9 = arith.constant 16 : i32
    %mul3A_10 = arith.muli %mul3A_2, %mul3A_9 : i32
    %run_scoped3A_11 = arith.constant 0 : i32
    "tpu.region"() ({
      %run_scoped3A_154 = tpu.sem_alloc : memref<!tpu.dma_semaphore, #tpu.memory_space<semaphore_mem>>
      %dma_start3A_155 = arith.constant 0 : i32
      %dma_start3A_156 = tpu.memref_slice %arg17[%run_scoped3A_11, %dma_start3A_155] : memref<2x16xi32, #tpu.memory_space<vmem>> -> memref<1x16xi32, #tpu.memory_space<vmem>>
      %dma_start3A_157 = tpu.memref_squeeze %dma_start3A_156 : memref<1x16xi32, #tpu.memory_space<vmem>> -> memref<16xi32, #tpu.memory_space<vmem>>
      %dma_start3A_158 = tpu.memref_slice %arg3[%mul3A_10] : memref<32768xi32, #tpu.memory_space<hbm>> -> memref<16xi32, #tpu.memory_space<hbm>>
      %dma_start3A_159 = arith.constant 0 : i32
      %dma_start3A_160 = tpu.memref_slice %arg17[%run_scoped3A_11, %dma_start3A_159] : memref<2x16xi32, #tpu.memory_space<vmem>> -> memref<1x16xi32, #tpu.memory_space<vmem>>
      %dma_start3A_161 = tpu.memref_squeeze %dma_start3A_160 : memref<1x16xi32, #tpu.memory_space<vmem>> -> memref<16xi32, #tpu.memory_space<vmem>>
      %dma_start3A_162 = tpu.memref_slice %arg3[%mul3A_10] : memref<32768xi32, #tpu.memory_space<hbm>> -> memref<16xi32, #tpu.memory_space<hbm>>
      tpu.enqueue_dma source(%dma_start3A_162 : memref<16xi32, #tpu.memory_space<hbm>>) target(%dma_start3A_161 : memref<16xi32, #tpu.memory_space<vmem>>) target_semaphore(%run_scoped3A_154 : memref<!tpu.dma_semaphore, #tpu.memory_space<semaphore_mem>>)
      %dma_wait3A_163 = arith.constant 0 : i32
      %dma_wait3A_164 = tpu.memref_slice %arg17[%run_scoped3A_11, %dma_wait3A_163] : memref<2x16xi32, #tpu.memory_space<vmem>> -> memref<1x16xi32, #tpu.memory_space<vmem>>
      %dma_wait3A_165 = tpu.memref_squeeze %dma_wait3A_164 : memref<1x16xi32, #tpu.memory_space<vmem>> -> memref<16xi32, #tpu.memory_space<vmem>>
      %dma_wait3A_166 = tpu.memref_slice %arg3[%mul3A_10] : memref<32768xi32, #tpu.memory_space<hbm>> -> memref<16xi32, #tpu.memory_space<hbm>>
      %dma_wait3A_167 = arith.constant 0 : i32
      %dma_wait3A_168 = tpu.memref_slice %arg17[%run_scoped3A_11, %dma_wait3A_167] : memref<2x16xi32, #tpu.memory_space<vmem>> -> memref<1x16xi32, #tpu.memory_space<vmem>>
      %dma_wait3A_169 = tpu.memref_squeeze %dma_wait3A_168 : memref<1x16xi32, #tpu.memory_space<vmem>> -> memref<16xi32, #tpu.memory_space<vmem>>
      %dma_wait3A_170 = tpu.memref_slice %arg3[%mul3A_10] : memref<32768xi32, #tpu.memory_space<hbm>> -> memref<16xi32, #tpu.memory_space<hbm>>
      tpu.wait_dma2 semaphore(%run_scoped3A_154 : memref<!tpu.dma_semaphore, #tpu.memory_space<semaphore_mem>>) src(%dma_wait3A_170 : memref<16xi32, #tpu.memory_space<hbm>>) dst(%dma_wait3A_169 : memref<16xi32, #tpu.memory_space<vmem>>)
      tpu.yield
    }) : () -> ()
    %mul3A_12 = arith.constant 16 : i32
    %mul3A_13 = arith.muli %mul3A_2, %mul3A_12 : i32
    %run_scoped3A_14 = arith.constant 0 : i32
    "tpu.region"() ({
      %run_scoped3A_154 = tpu.sem_alloc : memref<!tpu.dma_semaphore, #tpu.memory_space<semaphore_mem>>
      %dma_start3A_155 = arith.constant 0 : i32
      %dma_start3A_156 = tpu.memref_slice %arg18[%run_scoped3A_14, %dma_start3A_155] : memref<2x16xf32, #tpu.memory_space<vmem>> -> memref<1x16xf32, #tpu.memory_space<vmem>>
      %dma_start3A_157 = tpu.memref_squeeze %dma_start3A_156 : memref<1x16xf32, #tpu.memory_space<vmem>> -> memref<16xf32, #tpu.memory_space<vmem>>
      %dma_start3A_158 = tpu.memref_slice %arg4[%mul3A_13] : memref<32768xf32, #tpu.memory_space<hbm>> -> memref<16xf32, #tpu.memory_space<hbm>>
      %dma_start3A_159 = arith.constant 0 : i32
      %dma_start3A_160 = tpu.memref_slice %arg18[%run_scoped3A_14, %dma_start3A_159] : memref<2x16xf32, #tpu.memory_space<vmem>> -> memref<1x16xf32, #tpu.memory_space<vmem>>
      %dma_start3A_161 = tpu.memref_squeeze %dma_start3A_160 : memref<1x16xf32, #tpu.memory_space<vmem>> -> memref<16xf32, #tpu.memory_space<vmem>>
      %dma_start3A_162 = tpu.memref_slice %arg4[%mul3A_13] : memref<32768xf32, #tpu.memory_space<hbm>> -> memref<16xf32, #tpu.memory_space<hbm>>
      tpu.enqueue_dma source(%dma_start3A_162 : memref<16xf32, #tpu.memory_space<hbm>>) target(%dma_start3A_161 : memref<16xf32, #tpu.memory_space<vmem>>) target_semaphore(%run_scoped3A_154 : memref<!tpu.dma_semaphore, #tpu.memory_space<semaphore_mem>>)
      %dma_wait3A_163 = arith.constant 0 : i32
      %dma_wait3A_164 = tpu.memref_slice %arg18[%run_scoped3A_14, %dma_wait3A_163] : memref<2x16xf32, #tpu.memory_space<vmem>> -> memref<1x16xf32, #tpu.memory_space<vmem>>
      %dma_wait3A_165 = tpu.memref_squeeze %dma_wait3A_164 : memref<1x16xf32, #tpu.memory_space<vmem>> -> memref<16xf32, #tpu.memory_space<vmem>>
      %dma_wait3A_166 = tpu.memref_slice %arg4[%mul3A_13] : memref<32768xf32, #tpu.memory_space<hbm>> -> memref<16xf32, #tpu.memory_space<hbm>>
      %dma_wait3A_167 = arith.constant 0 : i32
      %dma_wait3A_168 = tpu.memref_slice %arg18[%run_scoped3A_14, %dma_wait3A_167] : memref<2x16xf32, #tpu.memory_space<vmem>> -> memref<1x16xf32, #tpu.memory_space<vmem>>
      %dma_wait3A_169 = tpu.memref_squeeze %dma_wait3A_168 : memref<1x16xf32, #tpu.memory_space<vmem>> -> memref<16xf32, #tpu.memory_space<vmem>>
      %dma_wait3A_170 = tpu.memref_slice %arg4[%mul3A_13] : memref<32768xf32, #tpu.memory_space<hbm>> -> memref<16xf32, #tpu.memory_space<hbm>>
      tpu.wait_dma2 semaphore(%run_scoped3A_154 : memref<!tpu.dma_semaphore, #tpu.memory_space<semaphore_mem>>) src(%dma_wait3A_170 : memref<16xf32, #tpu.memory_space<hbm>>) dst(%dma_wait3A_169 : memref<16xf32, #tpu.memory_space<vmem>>)
      tpu.yield
    }) : () -> ()
    %add3A_15 = arith.constant 1 : i32
    %add3A_16 = arith.addi %mul3A_2, %add3A_15 : i32
    %mul3A_17 = arith.constant 2048 : i32
    %mul3A_18 = arith.muli %add3A_16, %mul3A_17 : i32
    %dma_start3A = arith.constant 1 : i32
    %dma_start3A_19 = arith.constant 0 : i32
    %dma_start3A_20 = tpu.memref_slice %arg16[%dma_start3A, %dma_start3A_19] : memref<2x2048xf32, #tpu.memory_space<vmem>> -> memref<1x2048xf32, #tpu.memory_space<vmem>>
    %dma_start3A_21 = tpu.memref_squeeze %dma_start3A_20 : memref<1x2048xf32, #tpu.memory_space<vmem>> -> memref<2048xf32, #tpu.memory_space<vmem>>
    %dma_start3A_22 = tpu.memref_slice %arg2[%mul3A_18] : memref<4194304xf32, #tpu.memory_space<hbm>> -> memref<2048xf32, #tpu.memory_space<hbm>>
    %dma_start3A_23 = arith.constant 0 : i32
    %dma_start3A_24 = tpu.memref_slice %arg16[%dma_start3A, %dma_start3A_23] : memref<2x2048xf32, #tpu.memory_space<vmem>> -> memref<1x2048xf32, #tpu.memory_space<vmem>>
    %dma_start3A_25 = tpu.memref_squeeze %dma_start3A_24 : memref<1x2048xf32, #tpu.memory_space<vmem>> -> memref<2048xf32, #tpu.memory_space<vmem>>
    %dma_start3A_26 = tpu.memref_slice %arg2[%mul3A_18] : memref<4194304xf32, #tpu.memory_space<hbm>> -> memref<2048xf32, #tpu.memory_space<hbm>>
    tpu.enqueue_dma source(%dma_start3A_26 : memref<2048xf32, #tpu.memory_space<hbm>>) target(%dma_start3A_25 : memref<2048xf32, #tpu.memory_space<vmem>>) target_semaphore(%arg31 : memref<!tpu.dma_semaphore, #tpu.memory_space<semaphore_mem>>)
    %mul3A_27 = arith.constant 16 : i32
    %mul3A_28 = arith.muli %add3A_16, %mul3A_27 : i32
    %dma_start3A_29 = arith.constant 1 : i32
    %dma_start3A_30 = arith.constant 0 : i32
    %dma_start3A_31 = tpu.memref_slice %arg17[%dma_start3A_29, %dma_start3A_30] : memref<2x16xi32, #tpu.memory_space<vmem>> -> memref<1x16xi32, #tpu.memory_space<vmem>>
    %dma_start3A_32 = tpu.memref_squeeze %dma_start3A_31 : memref<1x16xi32, #tpu.memory_space<vmem>> -> memref<16xi32, #tpu.memory_space<vmem>>
    %dma_start3A_33 = tpu.memref_slice %arg3[%mul3A_28] : memref<32768xi32, #tpu.memory_space<hbm>> -> memref<16xi32, #tpu.memory_space<hbm>>
    %dma_start3A_34 = arith.constant 0 : i32
    %dma_start3A_35 = tpu.memref_slice %arg17[%dma_start3A_29, %dma_start3A_34] : memref<2x16xi32, #tpu.memory_space<vmem>> -> memref<1x16xi32, #tpu.memory_space<vmem>>
    %dma_start3A_36 = tpu.memref_squeeze %dma_start3A_35 : memref<1x16xi32, #tpu.memory_space<vmem>> -> memref<16xi32, #tpu.memory_space<vmem>>
    %dma_start3A_37 = tpu.memref_slice %arg3[%mul3A_28] : memref<32768xi32, #tpu.memory_space<hbm>> -> memref<16xi32, #tpu.memory_space<hbm>>
    tpu.enqueue_dma source(%dma_start3A_37 : memref<16xi32, #tpu.memory_space<hbm>>) target(%dma_start3A_36 : memref<16xi32, #tpu.memory_space<vmem>>) target_semaphore(%arg31 : memref<!tpu.dma_semaphore, #tpu.memory_space<semaphore_mem>>)
    %mul3A_38 = arith.constant 16 : i32
    %mul3A_39 = arith.muli %add3A_16, %mul3A_38 : i32
    %dma_start3A_40 = arith.constant 1 : i32
    %dma_start3A_41 = arith.constant 0 : i32
    %dma_start3A_42 = tpu.memref_slice %arg18[%dma_start3A_40, %dma_start3A_41] : memref<2x16xf32, #tpu.memory_space<vmem>> -> memref<1x16xf32, #tpu.memory_space<vmem>>
    %dma_start3A_43 = tpu.memref_squeeze %dma_start3A_42 : memref<1x16xf32, #tpu.memory_space<vmem>> -> memref<16xf32, #tpu.memory_space<vmem>>
    %dma_start3A_44 = tpu.memref_slice %arg4[%mul3A_39] : memref<32768xf32, #tpu.memory_space<hbm>> -> memref<16xf32, #tpu.memory_space<hbm>>
    %dma_start3A_45 = arith.constant 0 : i32
    %dma_start3A_46 = tpu.memref_slice %arg18[%dma_start3A_40, %dma_start3A_45] : memref<2x16xf32, #tpu.memory_space<vmem>> -> memref<1x16xf32, #tpu.memory_space<vmem>>
    %dma_start3A_47 = tpu.memref_squeeze %dma_start3A_46 : memref<1x16xf32, #tpu.memory_space<vmem>> -> memref<16xf32, #tpu.memory_space<vmem>>
    %dma_start3A_48 = tpu.memref_slice %arg4[%mul3A_39] : memref<32768xf32, #tpu.memory_space<hbm>> -> memref<16xf32, #tpu.memory_space<hbm>>
    tpu.enqueue_dma source(%dma_start3A_48 : memref<16xf32, #tpu.memory_space<hbm>>) target(%dma_start3A_47 : memref<16xf32, #tpu.memory_space<vmem>>) target_semaphore(%arg31 : memref<!tpu.dma_semaphore, #tpu.memory_space<semaphore_mem>>)
    %dma_start3A_49 = arith.constant 0 : i32
    %dma_start3A_50 = arith.constant 0 : i32
    %dma_start3A_51 = arith.constant 0 : i32
    %dma_start3A_52 = arith.constant 0 : i32
    %dma_start3A_53 = tpu.memref_slice %arg19[%dma_start3A_50, %dma_start3A_51, %dma_start3A_52] : memref<2x3x2048xf32, #tpu.memory_space<vmem>> -> memref<1x3x2048xf32, #tpu.memory_space<vmem>>
    %dma_start3A_54 = tpu.memref_squeeze %dma_start3A_53 : memref<1x3x2048xf32, #tpu.memory_space<vmem>> -> memref<3x2048xf32, #tpu.memory_space<vmem>>
    %dma_start3A_55 = arith.constant 0 : i32
    %dma_start3A_56 = tpu.memref_slice %arg17[%dma_start3A_49, %dma_start3A_55] : memref<2x16xi32, #tpu.memory_space<vmem>> -> memref<1x3xi32, #tpu.memory_space<vmem>>
    %dma_start3A_57 = tpu.memref_squeeze %dma_start3A_56 : memref<1x3xi32, #tpu.memory_space<vmem>> -> memref<3xi32, #tpu.memory_space<vmem>>
    %dma_start3A_58 = arith.constant 0 : i32
    %dma_start3A_59 = arith.constant 0 : i32
    %dma_start3A_60 = tpu.memref_slice %arg5[%dma_start3A_58, %dma_start3A_59] : memref<8192x2048xf32, #tpu.memory_space<hbm>> -> memref<8192x2048xf32, #tpu.memory_space<hbm>>
    tpu.enqueue_indirect_dma source(%dma_start3A_60 : memref<8192x2048xf32, #tpu.memory_space<hbm>>) target(%dma_start3A_54 : memref<3x2048xf32, #tpu.memory_space<vmem>>) offsets(%dma_start3A_57 : memref<3xi32, #tpu.memory_space<vmem>>) semaphore(%arg30 : memref<!tpu.dma_semaphore, #tpu.memory_space<semaphore_mem>>)
    %dma_start3A_61 = arith.constant 0 : i32
    %dma_start3A_62 = arith.constant 0 : i32
    %dma_start3A_63 = arith.constant 0 : i32
    %dma_start3A_64 = arith.constant 0 : i32
    %dma_start3A_65 = tpu.memref_slice %arg20[%dma_start3A_62, %dma_start3A_63, %dma_start3A_64] : memref<2x3x2048xf32, #tpu.memory_space<vmem>> -> memref<1x3x2048xf32, #tpu.memory_space<vmem>>
    %dma_start3A_66 = tpu.memref_squeeze %dma_start3A_65 : memref<1x3x2048xf32, #tpu.memory_space<vmem>> -> memref<3x2048xf32, #tpu.memory_space<vmem>>
    %dma_start3A_67 = arith.constant 0 : i32
    %dma_start3A_68 = tpu.memref_slice %arg17[%dma_start3A_61, %dma_start3A_67] : memref<2x16xi32, #tpu.memory_space<vmem>> -> memref<1x3xi32, #tpu.memory_space<vmem>>
    %dma_start3A_69 = tpu.memref_squeeze %dma_start3A_68 : memref<1x3xi32, #tpu.memory_space<vmem>> -> memref<3xi32, #tpu.memory_space<vmem>>
    %dma_start3A_70 = arith.constant 0 : i32
    %dma_start3A_71 = arith.constant 0 : i32
    %dma_start3A_72 = tpu.memref_slice %arg6[%dma_start3A_70, %dma_start3A_71] : memref<8192x2048xf32, #tpu.memory_space<hbm>> -> memref<8192x2048xf32, #tpu.memory_space<hbm>>
    tpu.enqueue_indirect_dma source(%dma_start3A_72 : memref<8192x2048xf32, #tpu.memory_space<hbm>>) target(%dma_start3A_66 : memref<3x2048xf32, #tpu.memory_space<vmem>>) offsets(%dma_start3A_69 : memref<3xi32, #tpu.memory_space<vmem>>) semaphore(%arg30 : memref<!tpu.dma_semaphore, #tpu.memory_space<semaphore_mem>>)
    %dma_start3A_73 = arith.constant 0 : i32
    %dma_start3A_74 = arith.constant 0 : i32
    %dma_start3A_75 = arith.constant 0 : i32
    %dma_start3A_76 = arith.constant 0 : i32
    %dma_start3A_77 = tpu.memref_slice %arg21[%dma_start3A_74, %dma_start3A_75, %dma_start3A_76] : memref<2x3x2048xf32, #tpu.memory_space<vmem>> -> memref<1x3x2048xf32, #tpu.memory_space<vmem>>
    %dma_start3A_78 = tpu.memref_squeeze %dma_start3A_77 : memref<1x3x2048xf32, #tpu.memory_space<vmem>> -> memref<3x2048xf32, #tpu.memory_space<vmem>>
    %dma_start3A_79 = arith.constant 0 : i32
    %dma_start3A_80 = tpu.memref_slice %arg17[%dma_start3A_73, %dma_start3A_79] : memref<2x16xi32, #tpu.memory_space<vmem>> -> memref<1x3xi32, #tpu.memory_space<vmem>>
    %dma_start3A_81 = tpu.memref_squeeze %dma_start3A_80 : memref<1x3xi32, #tpu.memory_space<vmem>> -> memref<3xi32, #tpu.memory_space<vmem>>
    %dma_start3A_82 = arith.constant 0 : i32
    %dma_start3A_83 = arith.constant 0 : i32
    %dma_start3A_84 = tpu.memref_slice %arg7[%dma_start3A_82, %dma_start3A_83] : memref<8192x2048xf32, #tpu.memory_space<hbm>> -> memref<8192x2048xf32, #tpu.memory_space<hbm>>
    tpu.enqueue_indirect_dma source(%dma_start3A_84 : memref<8192x2048xf32, #tpu.memory_space<hbm>>) target(%dma_start3A_78 : memref<3x2048xf32, #tpu.memory_space<vmem>>) offsets(%dma_start3A_81 : memref<3xi32, #tpu.memory_space<vmem>>) semaphore(%arg30 : memref<!tpu.dma_semaphore, #tpu.memory_space<semaphore_mem>>)
    %dma_start3A_85 = arith.constant 0 : i32
    %dma_start3A_86 = arith.constant 0 : i32
    %dma_start3A_87 = arith.constant 0 : i32
    %dma_start3A_88 = arith.constant 0 : i32
    %dma_start3A_89 = tpu.memref_slice %arg22[%dma_start3A_86, %dma_start3A_87, %dma_start3A_88] : memref<2x3x2048xf32, #tpu.memory_space<vmem>> -> memref<1x3x2048xf32, #tpu.memory_space<vmem>>
    %dma_start3A_90 = tpu.memref_squeeze %dma_start3A_89 : memref<1x3x2048xf32, #tpu.memory_space<vmem>> -> memref<3x2048xf32, #tpu.memory_space<vmem>>
    %dma_start3A_91 = arith.constant 0 : i32
    %dma_start3A_92 = tpu.memref_slice %arg17[%dma_start3A_85, %dma_start3A_91] : memref<2x16xi32, #tpu.memory_space<vmem>> -> memref<1x3xi32, #tpu.memory_space<vmem>>
    %dma_start3A_93 = tpu.memref_squeeze %dma_start3A_92 : memref<1x3xi32, #tpu.memory_space<vmem>> -> memref<3xi32, #tpu.memory_space<vmem>>
    %dma_start3A_94 = arith.constant 0 : i32
    %dma_start3A_95 = arith.constant 0 : i32
    %dma_start3A_96 = tpu.memref_slice %arg8[%dma_start3A_94, %dma_start3A_95] : memref<8192x2048xf32, #tpu.memory_space<hbm>> -> memref<8192x2048xf32, #tpu.memory_space<hbm>>
    tpu.enqueue_indirect_dma source(%dma_start3A_96 : memref<8192x2048xf32, #tpu.memory_space<hbm>>) target(%dma_start3A_90 : memref<3x2048xf32, #tpu.memory_space<vmem>>) offsets(%dma_start3A_93 : memref<3xi32, #tpu.memory_space<vmem>>) semaphore(%arg30 : memref<!tpu.dma_semaphore, #tpu.memory_space<semaphore_mem>>)
    %dma_start3A_97 = arith.constant 0 : i32
    %dma_start3A_98 = arith.constant 0 : i32
    %dma_start3A_99 = arith.constant 0 : i32
    %dma_start3A_100 = arith.constant 0 : i32
    %dma_start3A_101 = tpu.memref_slice %arg23[%dma_start3A_98, %dma_start3A_99, %dma_start3A_100] : memref<2x3x2048xf32, #tpu.memory_space<vmem>> -> memref<1x3x2048xf32, #tpu.memory_space<vmem>>
    %dma_start3A_102 = tpu.memref_squeeze %dma_start3A_101 : memref<1x3x2048xf32, #tpu.memory_space<vmem>> -> memref<3x2048xf32, #tpu.memory_space<vmem>>
    %dma_start3A_103 = arith.constant 0 : i32
    %dma_start3A_104 = tpu.memref_slice %arg17[%dma_start3A_97, %dma_start3A_103] : memref<2x16xi32, #tpu.memory_space<vmem>> -> memref<1x3xi32, #tpu.memory_space<vmem>>
    %dma_start3A_105 = tpu.memref_squeeze %dma_start3A_104 : memref<1x3xi32, #tpu.memory_space<vmem>> -> memref<3xi32, #tpu.memory_space<vmem>>
    %dma_start3A_106 = arith.constant 0 : i32
    %dma_start3A_107 = arith.constant 0 : i32
    %dma_start3A_108 = tpu.memref_slice %arg9[%dma_start3A_106, %dma_start3A_107] : memref<8192x2048xf32, #tpu.memory_space<hbm>> -> memref<8192x2048xf32, #tpu.memory_space<hbm>>
    tpu.enqueue_indirect_dma source(%dma_start3A_108 : memref<8192x2048xf32, #tpu.memory_space<hbm>>) target(%dma_start3A_102 : memref<3x2048xf32, #tpu.memory_space<vmem>>) offsets(%dma_start3A_105 : memref<3xi32, #tpu.memory_space<vmem>>) semaphore(%arg30 : memref<!tpu.dma_semaphore, #tpu.memory_space<semaphore_mem>>)
    %scan3A = arith.constant 0 : i32
    %scan3A_109 = arith.constant 0 : i32
    %scan3A_110 = arith.constant 32 : i32
    %scan3A_111 = arith.addi %scan3A_109, %scan3A_110 : i32
    %scan3A_112 = arith.constant 1 : i32
    %scan3A_113 = scf.for %scan3A_154 = %scan3A_109 to %scan3A_111 step %scan3A_112 iter_args(%scan3A_155 = %scan3A) -> (i32)  : i32 {
      %mul3A_156 = arith.constant 2 : i32
      %mul3A_157 = arith.muli %scan3A_154, %mul3A_156 : i32
      %add3A_158 = arith.constant 0 : i32
      %add3A_159 = arith.addi %mul3A_157, %add3A_158 : i32
      %add3A_160 = arith.addi %mul3A_2, %add3A_159 : i32
      %dma_wait3A_161 = arith.constant 1 : i32
      %dma_wait3A_162 = arith.constant 0 : i32
      %dma_wait3A_163 = tpu.memref_slice %arg16[%dma_wait3A_161, %dma_wait3A_162] : memref<2x2048xf32, #tpu.memory_space<vmem>> -> memref<1x2048xf32, #tpu.memory_space<vmem>>
      %dma_wait3A_164 = tpu.memref_squeeze %dma_wait3A_163 : memref<1x2048xf32, #tpu.memory_space<vmem>> -> memref<2048xf32, #tpu.memory_space<vmem>>
      %dma_wait3A_165 = arith.constant 0 : i32
      %dma_wait3A_166 = tpu.memref_slice %arg2[%dma_wait3A_165] : memref<4194304xf32, #tpu.memory_space<hbm>> -> memref<2048xf32, #tpu.memory_space<hbm>>
      %dma_wait3A_167 = arith.constant 0 : i32
      %dma_wait3A_168 = tpu.memref_slice %arg16[%dma_wait3A_161, %dma_wait3A_167] : memref<2x2048xf32, #tpu.memory_space<vmem>> -> memref<1x2048xf32, #tpu.memory_space<vmem>>
      %dma_wait3A_169 = tpu.memref_squeeze %dma_wait3A_168 : memref<1x2048xf32, #tpu.memory_space<vmem>> -> memref<2048xf32, #tpu.memory_space<vmem>>
      %dma_wait3A_170 = arith.constant 0 : i32
      %dma_wait3A_171 = tpu.memref_slice %arg2[%dma_wait3A_170] : memref<4194304xf32, #tpu.memory_space<hbm>> -> memref<2048xf32, #tpu.memory_space<hbm>>
      tpu.wait_dma2 semaphore(%arg31 : memref<!tpu.dma_semaphore, #tpu.memory_space<semaphore_mem>>) src(%dma_wait3A_171 : memref<2048xf32, #tpu.memory_space<hbm>>) dst(%dma_wait3A_169 : memref<2048xf32, #tpu.memory_space<vmem>>)
      %dma_wait3A_172 = arith.constant 1 : i32
      %dma_wait3A_173 = arith.constant 0 : i32
      %dma_wait3A_174 = tpu.memref_slice %arg17[%dma_wait3A_172, %dma_wait3A_173] : memref<2x16xi32, #tpu.memory_space<vmem>> -> memref<1x16xi32, #tpu.memory_space<vmem>>
      %dma_wait3A_175 = tpu.memref_squeeze %dma_wait3A_174 : memref<1x16xi32, #tpu.memory_space<vmem>> -> memref<16xi32, #tpu.memory_space<vmem>>
      %dma_wait3A_176 = arith.constant 0 : i32
      %dma_wait3A_177 = tpu.memref_slice %arg3[%dma_wait3A_176] : memref<32768xi32, #tpu.memory_space<hbm>> -> memref<16xi32, #tpu.memory_space<hbm>>
      %dma_wait3A_178 = arith.constant 0 : i32
      %dma_wait3A_179 = tpu.memref_slice %arg17[%dma_wait3A_172, %dma_wait3A_178] : memref<2x16xi32, #tpu.memory_space<vmem>> -> memref<1x16xi32, #tpu.memory_space<vmem>>
      %dma_wait3A_180 = tpu.memref_squeeze %dma_wait3A_179 : memref<1x16xi32, #tpu.memory_space<vmem>> -> memref<16xi32, #tpu.memory_space<vmem>>
      %dma_wait3A_181 = arith.constant 0 : i32
      %dma_wait3A_182 = tpu.memref_slice %arg3[%dma_wait3A_181] : memref<32768xi32, #tpu.memory_space<hbm>> -> memref<16xi32, #tpu.memory_space<hbm>>
      tpu.wait_dma2 semaphore(%arg31 : memref<!tpu.dma_semaphore, #tpu.memory_space<semaphore_mem>>) src(%dma_wait3A_182 : memref<16xi32, #tpu.memory_space<hbm>>) dst(%dma_wait3A_180 : memref<16xi32, #tpu.memory_space<vmem>>)
      %dma_wait3A_183 = arith.constant 1 : i32
      %dma_wait3A_184 = arith.constant 0 : i32
      %dma_wait3A_185 = tpu.memref_slice %arg18[%dma_wait3A_183, %dma_wait3A_184] : memref<2x16xf32, #tpu.memory_space<vmem>> -> memref<1x16xf32, #tpu.memory_space<vmem>>
      %dma_wait3A_186 = tpu.memref_squeeze %dma_wait3A_185 : memref<1x16xf32, #tpu.memory_space<vmem>> -> memref<16xf32, #tpu.memory_space<vmem>>
      %dma_wait3A_187 = arith.constant 0 : i32
      %dma_wait3A_188 = tpu.memref_slice %arg4[%dma_wait3A_187] : memref<32768xf32, #tpu.memory_space<hbm>> -> memref<16xf32, #tpu.memory_space<hbm>>
      %dma_wait3A_189 = arith.constant 0 : i32
      %dma_wait3A_190 = tpu.memref_slice %arg18[%dma_wait3A_183, %dma_wait3A_189] : memref<2x16xf32, #tpu.memory_space<vmem>> -> memref<1x16xf32, #tpu.memory_space<vmem>>
      %dma_wait3A_191 = tpu.memref_squeeze %dma_wait3A_190 : memref<1x16xf32, #tpu.memory_space<vmem>> -> memref<16xf32, #tpu.memory_space<vmem>>
      %dma_wait3A_192 = arith.constant 0 : i32
      %dma_wait3A_193 = tpu.memref_slice %arg4[%dma_wait3A_192] : memref<32768xf32, #tpu.memory_space<hbm>> -> memref<16xf32, #tpu.memory_space<hbm>>
      tpu.wait_dma2 semaphore(%arg31 : memref<!tpu.dma_semaphore, #tpu.memory_space<semaphore_mem>>) src(%dma_wait3A_193 : memref<16xf32, #tpu.memory_space<hbm>>) dst(%dma_wait3A_191 : memref<16xf32, #tpu.memory_space<vmem>>)
      %dma_start3A_194 = arith.constant 1 : i32
      %dma_start3A_195 = arith.constant 1 : i32
      %dma_start3A_196 = arith.constant 0 : i32
      %dma_start3A_197 = arith.constant 0 : i32
      %dma_start3A_198 = tpu.memref_slice %arg19[%dma_start3A_195, %dma_start3A_196, %dma_start3A_197] : memref<2x3x2048xf32, #tpu.memory_space<vmem>> -> memref<1x3x2048xf32, #tpu.memory_space<vmem>>
      %dma_start3A_199 = tpu.memref_squeeze %dma_start3A_198 : memref<1x3x2048xf32, #tpu.memory_space<vmem>> -> memref<3x2048xf32, #tpu.memory_space<vmem>>
      %dma_start3A_200 = arith.constant 0 : i32
      %dma_start3A_201 = tpu.memref_slice %arg17[%dma_start3A_194, %dma_start3A_200] : memref<2x16xi32, #tpu.memory_space<vmem>> -> memref<1x3xi32, #tpu.memory_space<vmem>>
      %dma_start3A_202 = tpu.memref_squeeze %dma_start3A_201 : memref<1x3xi32, #tpu.memory_space<vmem>> -> memref<3xi32, #tpu.memory_space<vmem>>
      %dma_start3A_203 = arith.constant 0 : i32
      %dma_start3A_204 = arith.constant 0 : i32
      %dma_start3A_205 = tpu.memref_slice %arg5[%dma_start3A_203, %dma_start3A_204] : memref<8192x2048xf32, #tpu.memory_space<hbm>> -> memref<8192x2048xf32, #tpu.memory_space<hbm>>
      tpu.enqueue_indirect_dma source(%dma_start3A_205 : memref<8192x2048xf32, #tpu.memory_space<hbm>>) target(%dma_start3A_199 : memref<3x2048xf32, #tpu.memory_space<vmem>>) offsets(%dma_start3A_202 : memref<3xi32, #tpu.memory_space<vmem>>) semaphore(%arg30 : memref<!tpu.dma_semaphore, #tpu.memory_space<semaphore_mem>>)
      %dma_start3A_206 = arith.constant 1 : i32
      %dma_start3A_207 = arith.constant 1 : i32
      %dma_start3A_208 = arith.constant 0 : i32
      %dma_start3A_209 = arith.constant 0 : i32
      %dma_start3A_210 = tpu.memref_slice %arg20[%dma_start3A_207, %dma_start3A_208, %dma_start3A_209] : memref<2x3x2048xf32, #tpu.memory_space<vmem>> -> memref<1x3x2048xf32, #tpu.memory_space<vmem>>
      %dma_start3A_211 = tpu.memref_squeeze %dma_start3A_210 : memref<1x3x2048xf32, #tpu.memory_space<vmem>> -> memref<3x2048xf32, #tpu.memory_space<vmem>>
      %dma_start3A_212 = arith.constant 0 : i32
      %dma_start3A_213 = tpu.memref_slice %arg17[%dma_start3A_206, %dma_start3A_212] : memref<2x16xi32, #tpu.memory_space<vmem>> -> memref<1x3xi32, #tpu.memory_space<vmem>>
      %dma_start3A_214 = tpu.memref_squeeze %dma_start3A_213 : memref<1x3xi32, #tpu.memory_space<vmem>> -> memref<3xi32, #tpu.memory_space<vmem>>
      %dma_start3A_215 = arith.constant 0 : i32
      %dma_start3A_216 = arith.constant 0 : i32
      %dma_start3A_217 = tpu.memref_slice %arg6[%dma_start3A_215, %dma_start3A_216] : memref<8192x2048xf32, #tpu.memory_space<hbm>> -> memref<8192x2048xf32, #tpu.memory_space<hbm>>
      tpu.enqueue_indirect_dma source(%dma_start3A_217 : memref<8192x2048xf32, #tpu.memory_space<hbm>>) target(%dma_start3A_211 : memref<3x2048xf32, #tpu.memory_space<vmem>>) offsets(%dma_start3A_214 : memref<3xi32, #tpu.memory_space<vmem>>) semaphore(%arg30 : memref<!tpu.dma_semaphore, #tpu.memory_space<semaphore_mem>>)
      %dma_start3A_218 = arith.constant 1 : i32
      %dma_start3A_219 = arith.constant 1 : i32
      %dma_start3A_220 = arith.constant 0 : i32
      %dma_start3A_221 = arith.constant 0 : i32
      %dma_start3A_222 = tpu.memref_slice %arg21[%dma_start3A_219, %dma_start3A_220, %dma_start3A_221] : memref<2x3x2048xf32, #tpu.memory_space<vmem>> -> memref<1x3x2048xf32, #tpu.memory_space<vmem>>
      %dma_start3A_223 = tpu.memref_squeeze %dma_start3A_222 : memref<1x3x2048xf32, #tpu.memory_space<vmem>> -> memref<3x2048xf32, #tpu.memory_space<vmem>>
      %dma_start3A_224 = arith.constant 0 : i32
      %dma_start3A_225 = tpu.memref_slice %arg17[%dma_start3A_218, %dma_start3A_224] : memref<2x16xi32, #tpu.memory_space<vmem>> -> memref<1x3xi32, #tpu.memory_space<vmem>>
      %dma_start3A_226 = tpu.memref_squeeze %dma_start3A_225 : memref<1x3xi32, #tpu.memory_space<vmem>> -> memref<3xi32, #tpu.memory_space<vmem>>
      %dma_start3A_227 = arith.constant 0 : i32
      %dma_start3A_228 = arith.constant 0 : i32
      %dma_start3A_229 = tpu.memref_slice %arg7[%dma_start3A_227, %dma_start3A_228] : memref<8192x2048xf32, #tpu.memory_space<hbm>> -> memref<8192x2048xf32, #tpu.memory_space<hbm>>
      tpu.enqueue_indirect_dma source(%dma_start3A_229 : memref<8192x2048xf32, #tpu.memory_space<hbm>>) target(%dma_start3A_223 : memref<3x2048xf32, #tpu.memory_space<vmem>>) offsets(%dma_start3A_226 : memref<3xi32, #tpu.memory_space<vmem>>) semaphore(%arg30 : memref<!tpu.dma_semaphore, #tpu.memory_space<semaphore_mem>>)
      %dma_start3A_230 = arith.constant 1 : i32
      %dma_start3A_231 = arith.constant 1 : i32
      %dma_start3A_232 = arith.constant 0 : i32
      %dma_start3A_233 = arith.constant 0 : i32
      %dma_start3A_234 = tpu.memref_slice %arg22[%dma_start3A_231, %dma_start3A_232, %dma_start3A_233] : memref<2x3x2048xf32, #tpu.memory_space<vmem>> -> memref<1x3x2048xf32, #tpu.memory_space<vmem>>
      %dma_start3A_235 = tpu.memref_squeeze %dma_start3A_234 : memref<1x3x2048xf32, #tpu.memory_space<vmem>> -> memref<3x2048xf32, #tpu.memory_space<vmem>>
      %dma_start3A_236 = arith.constant 0 : i32
      %dma_start3A_237 = tpu.memref_slice %arg17[%dma_start3A_230, %dma_start3A_236] : memref<2x16xi32, #tpu.memory_space<vmem>> -> memref<1x3xi32, #tpu.memory_space<vmem>>
      %dma_start3A_238 = tpu.memref_squeeze %dma_start3A_237 : memref<1x3xi32, #tpu.memory_space<vmem>> -> memref<3xi32, #tpu.memory_space<vmem>>
      %dma_start3A_239 = arith.constant 0 : i32
      %dma_start3A_240 = arith.constant 0 : i32
      %dma_start3A_241 = tpu.memref_slice %arg8[%dma_start3A_239, %dma_start3A_240] : memref<8192x2048xf32, #tpu.memory_space<hbm>> -> memref<8192x2048xf32, #tpu.memory_space<hbm>>
      tpu.enqueue_indirect_dma source(%dma_start3A_241 : memref<8192x2048xf32, #tpu.memory_space<hbm>>) target(%dma_start3A_235 : memref<3x2048xf32, #tpu.memory_space<vmem>>) offsets(%dma_start3A_238 : memref<3xi32, #tpu.memory_space<vmem>>) semaphore(%arg30 : memref<!tpu.dma_semaphore, #tpu.memory_space<semaphore_mem>>)
      %dma_start3A_242 = arith.constant 1 : i32
      %dma_start3A_243 = arith.constant 1 : i32
      %dma_start3A_244 = arith.constant 0 : i32
      %dma_start3A_245 = arith.constant 0 : i32
      %dma_start3A_246 = tpu.memref_slice %arg23[%dma_start3A_243, %dma_start3A_244, %dma_start3A_245] : memref<2x3x2048xf32, #tpu.memory_space<vmem>> -> memref<1x3x2048xf32, #tpu.memory_space<vmem>>
      %dma_start3A_247 = tpu.memref_squeeze %dma_start3A_246 : memref<1x3x2048xf32, #tpu.memory_space<vmem>> -> memref<3x2048xf32, #tpu.memory_space<vmem>>
      %dma_start3A_248 = arith.constant 0 : i32
      %dma_start3A_249 = tpu.memref_slice %arg17[%dma_start3A_242, %dma_start3A_248] : memref<2x16xi32, #tpu.memory_space<vmem>> -> memref<1x3xi32, #tpu.memory_space<vmem>>
      %dma_start3A_250 = tpu.memref_squeeze %dma_start3A_249 : memref<1x3xi32, #tpu.memory_space<vmem>> -> memref<3xi32, #tpu.memory_space<vmem>>
      %dma_start3A_251 = arith.constant 0 : i32
      %dma_start3A_252 = arith.constant 0 : i32
      %dma_start3A_253 = tpu.memref_slice %arg9[%dma_start3A_251, %dma_start3A_252] : memref<8192x2048xf32, #tpu.memory_space<hbm>> -> memref<8192x2048xf32, #tpu.memory_space<hbm>>
      tpu.enqueue_indirect_dma source(%dma_start3A_253 : memref<8192x2048xf32, #tpu.memory_space<hbm>>) target(%dma_start3A_247 : memref<3x2048xf32, #tpu.memory_space<vmem>>) offsets(%dma_start3A_250 : memref<3xi32, #tpu.memory_space<vmem>>) semaphore(%arg30 : memref<!tpu.dma_semaphore, #tpu.memory_space<semaphore_mem>>)
      %dma_wait3A_254 = arith.constant 0 : i32
      %dma_wait3A_255 = arith.constant 0 : i32
      %dma_wait3A_256 = arith.constant 0 : i32
      %dma_wait3A_257 = tpu.memref_slice %arg19[%dma_wait3A_254, %dma_wait3A_255, %dma_wait3A_256] : memref<2x3x2048xf32, #tpu.memory_space<vmem>> -> memref<1x3x2048xf32, #tpu.memory_space<vmem>>
      %dma_wait3A_258 = tpu.memref_squeeze %dma_wait3A_257 : memref<1x3x2048xf32, #tpu.memory_space<vmem>> -> memref<3x2048xf32, #tpu.memory_space<vmem>>
      %dma_wait3A_259 = arith.constant 0 : i32
      %dma_wait3A_260 = arith.constant 0 : i32
      %dma_wait3A_261 = tpu.memref_slice %arg5[%dma_wait3A_259, %dma_wait3A_260] : memref<8192x2048xf32, #tpu.memory_space<hbm>> -> memref<3x2048xf32, #tpu.memory_space<hbm>>
      %dma_wait3A_262 = arith.constant 0 : i32
      %dma_wait3A_263 = arith.constant 0 : i32
      %dma_wait3A_264 = tpu.memref_slice %arg19[%dma_wait3A_254, %dma_wait3A_262, %dma_wait3A_263] : memref<2x3x2048xf32, #tpu.memory_space<vmem>> -> memref<1x3x2048xf32, #tpu.memory_space<vmem>>
      %dma_wait3A_265 = tpu.memref_squeeze %dma_wait3A_264 : memref<1x3x2048xf32, #tpu.memory_space<vmem>> -> memref<3x2048xf32, #tpu.memory_space<vmem>>
      %dma_wait3A_266 = arith.constant 0 : i32
      %dma_wait3A_267 = arith.constant 0 : i32
      %dma_wait3A_268 = tpu.memref_slice %arg5[%dma_wait3A_266, %dma_wait3A_267] : memref<8192x2048xf32, #tpu.memory_space<hbm>> -> memref<3x2048xf32, #tpu.memory_space<hbm>>
      tpu.wait_dma2 semaphore(%arg30 : memref<!tpu.dma_semaphore, #tpu.memory_space<semaphore_mem>>) src(%dma_wait3A_268 : memref<3x2048xf32, #tpu.memory_space<hbm>>) dst(%dma_wait3A_265 : memref<3x2048xf32, #tpu.memory_space<vmem>>)
      %dma_wait3A_269 = arith.constant 0 : i32
      %dma_wait3A_270 = arith.constant 0 : i32
      %dma_wait3A_271 = arith.constant 0 : i32
      %dma_wait3A_272 = tpu.memref_slice %arg20[%dma_wait3A_269, %dma_wait3A_270, %dma_wait3A_271] : memref<2x3x2048xf32, #tpu.memory_space<vmem>> -> memref<1x3x2048xf32, #tpu.memory_space<vmem>>
      %dma_wait3A_273 = tpu.memref_squeeze %dma_wait3A_272 : memref<1x3x2048xf32, #tpu.memory_space<vmem>> -> memref<3x2048xf32, #tpu.memory_space<vmem>>
      %dma_wait3A_274 = arith.constant 0 : i32
      %dma_wait3A_275 = arith.constant 0 : i32
      %dma_wait3A_276 = tpu.memref_slice %arg6[%dma_wait3A_274, %dma_wait3A_275] : memref<8192x2048xf32, #tpu.memory_space<hbm>> -> memref<3x2048xf32, #tpu.memory_space<hbm>>
      %dma_wait3A_277 = arith.constant 0 : i32
      %dma_wait3A_278 = arith.constant 0 : i32
      %dma_wait3A_279 = tpu.memref_slice %arg20[%dma_wait3A_269, %dma_wait3A_277, %dma_wait3A_278] : memref<2x3x2048xf32, #tpu.memory_space<vmem>> -> memref<1x3x2048xf32, #tpu.memory_space<vmem>>
      %dma_wait3A_280 = tpu.memref_squeeze %dma_wait3A_279 : memref<1x3x2048xf32, #tpu.memory_space<vmem>> -> memref<3x2048xf32, #tpu.memory_space<vmem>>
      %dma_wait3A_281 = arith.constant 0 : i32
      %dma_wait3A_282 = arith.constant 0 : i32
      %dma_wait3A_283 = tpu.memref_slice %arg6[%dma_wait3A_281, %dma_wait3A_282] : memref<8192x2048xf32, #tpu.memory_space<hbm>> -> memref<3x2048xf32, #tpu.memory_space<hbm>>
      tpu.wait_dma2 semaphore(%arg30 : memref<!tpu.dma_semaphore, #tpu.memory_space<semaphore_mem>>) src(%dma_wait3A_283 : memref<3x2048xf32, #tpu.memory_space<hbm>>) dst(%dma_wait3A_280 : memref<3x2048xf32, #tpu.memory_space<vmem>>)
      %dma_wait3A_284 = arith.constant 0 : i32
      %dma_wait3A_285 = arith.constant 0 : i32
      %dma_wait3A_286 = arith.constant 0 : i32
      %dma_wait3A_287 = tpu.memref_slice %arg21[%dma_wait3A_284, %dma_wait3A_285, %dma_wait3A_286] : memref<2x3x2048xf32, #tpu.memory_space<vmem>> -> memref<1x3x2048xf32, #tpu.memory_space<vmem>>
      %dma_wait3A_288 = tpu.memref_squeeze %dma_wait3A_287 : memref<1x3x2048xf32, #tpu.memory_space<vmem>> -> memref<3x2048xf32, #tpu.memory_space<vmem>>
      %dma_wait3A_289 = arith.constant 0 : i32
      %dma_wait3A_290 = arith.constant 0 : i32
      %dma_wait3A_291 = tpu.memref_slice %arg7[%dma_wait3A_289, %dma_wait3A_290] : memref<8192x2048xf32, #tpu.memory_space<hbm>> -> memref<3x2048xf32, #tpu.memory_space<hbm>>
      %dma_wait3A_292 = arith.constant 0 : i32
      %dma_wait3A_293 = arith.constant 0 : i32
      %dma_wait3A_294 = tpu.memref_slice %arg21[%dma_wait3A_284, %dma_wait3A_292, %dma_wait3A_293] : memref<2x3x2048xf32, #tpu.memory_space<vmem>> -> memref<1x3x2048xf32, #tpu.memory_space<vmem>>
      %dma_wait3A_295 = tpu.memref_squeeze %dma_wait3A_294 : memref<1x3x2048xf32, #tpu.memory_space<vmem>> -> memref<3x2048xf32, #tpu.memory_space<vmem>>
      %dma_wait3A_296 = arith.constant 0 : i32
      %dma_wait3A_297 = arith.constant 0 : i32
      %dma_wait3A_298 = tpu.memref_slice %arg7[%dma_wait3A_296, %dma_wait3A_297] : memref<8192x2048xf32, #tpu.memory_space<hbm>> -> memref<3x2048xf32, #tpu.memory_space<hbm>>
      tpu.wait_dma2 semaphore(%arg30 : memref<!tpu.dma_semaphore, #tpu.memory_space<semaphore_mem>>) src(%dma_wait3A_298 : memref<3x2048xf32, #tpu.memory_space<hbm>>) dst(%dma_wait3A_295 : memref<3x2048xf32, #tpu.memory_space<vmem>>)
      %dma_wait3A_299 = arith.constant 0 : i32
      %dma_wait3A_300 = arith.constant 0 : i32
      %dma_wait3A_301 = arith.constant 0 : i32
      %dma_wait3A_302 = tpu.memref_slice %arg22[%dma_wait3A_299, %dma_wait3A_300, %dma_wait3A_301] : memref<2x3x2048xf32, #tpu.memory_space<vmem>> -> memref<1x3x2048xf32, #tpu.memory_space<vmem>>
      %dma_wait3A_303 = tpu.memref_squeeze %dma_wait3A_302 : memref<1x3x2048xf32, #tpu.memory_space<vmem>> -> memref<3x2048xf32, #tpu.memory_space<vmem>>
      %dma_wait3A_304 = arith.constant 0 : i32
      %dma_wait3A_305 = arith.constant 0 : i32
      %dma_wait3A_306 = tpu.memref_slice %arg8[%dma_wait3A_304, %dma_wait3A_305] : memref<8192x2048xf32, #tpu.memory_space<hbm>> -> memref<3x2048xf32, #tpu.memory_space<hbm>>
      %dma_wait3A_307 = arith.constant 0 : i32
      %dma_wait3A_308 = arith.constant 0 : i32
      %dma_wait3A_309 = tpu.memref_slice %arg22[%dma_wait3A_299, %dma_wait3A_307, %dma_wait3A_308] : memref<2x3x2048xf32, #tpu.memory_space<vmem>> -> memref<1x3x2048xf32, #tpu.memory_space<vmem>>
      %dma_wait3A_310 = tpu.memref_squeeze %dma_wait3A_309 : memref<1x3x2048xf32, #tpu.memory_space<vmem>> -> memref<3x2048xf32, #tpu.memory_space<vmem>>
      %dma_wait3A_311 = arith.constant 0 : i32
      %dma_wait3A_312 = arith.constant 0 : i32
      %dma_wait3A_313 = tpu.memref_slice %arg8[%dma_wait3A_311, %dma_wait3A_312] : memref<8192x2048xf32, #tpu.memory_space<hbm>> -> memref<3x2048xf32, #tpu.memory_space<hbm>>
      tpu.wait_dma2 semaphore(%arg30 : memref<!tpu.dma_semaphore, #tpu.memory_space<semaphore_mem>>) src(%dma_wait3A_313 : memref<3x2048xf32, #tpu.memory_space<hbm>>) dst(%dma_wait3A_310 : memref<3x2048xf32, #tpu.memory_space<vmem>>)
      %dma_wait3A_314 = arith.constant 0 : i32
      %dma_wait3A_315 = arith.constant 0 : i32
      %dma_wait3A_316 = arith.constant 0 : i32
      %dma_wait3A_317 = tpu.memref_slice %arg23[%dma_wait3A_314, %dma_wait3A_315, %dma_wait3A_316] : memref<2x3x2048xf32, #tpu.memory_space<vmem>> -> memref<1x3x2048xf32, #tpu.memory_space<vmem>>
      %dma_wait3A_318 = tpu.memref_squeeze %dma_wait3A_317 : memref<1x3x2048xf32, #tpu.memory_space<vmem>> -> memref<3x2048xf32, #tpu.memory_space<vmem>>
      %dma_wait3A_319 = arith.constant 0 : i32
      %dma_wait3A_320 = arith.constant 0 : i32
      %dma_wait3A_321 = tpu.memref_slice %arg9[%dma_wait3A_319, %dma_wait3A_320] : memref<8192x2048xf32, #tpu.memory_space<hbm>> -> memref<3x2048xf32, #tpu.memory_space<hbm>>
      %dma_wait3A_322 = arith.constant 0 : i32
      %dma_wait3A_323 = arith.constant 0 : i32
      %dma_wait3A_324 = tpu.memref_slice %arg23[%dma_wait3A_314, %dma_wait3A_322, %dma_wait3A_323] : memref<2x3x2048xf32, #tpu.memory_space<vmem>> -> memref<1x3x2048xf32, #tpu.memory_space<vmem>>
      %dma_wait3A_325 = tpu.memref_squeeze %dma_wait3A_324 : memref<1x3x2048xf32, #tpu.memory_space<vmem>> -> memref<3x2048xf32, #tpu.memory_space<vmem>>
      %dma_wait3A_326 = arith.constant 0 : i32
      %dma_wait3A_327 = arith.constant 0 : i32
      %dma_wait3A_328 = tpu.memref_slice %arg9[%dma_wait3A_326, %dma_wait3A_327] : memref<8192x2048xf32, #tpu.memory_space<hbm>> -> memref<3x2048xf32, #tpu.memory_space<hbm>>
      tpu.wait_dma2 semaphore(%arg30 : memref<!tpu.dma_semaphore, #tpu.memory_space<semaphore_mem>>) src(%dma_wait3A_328 : memref<3x2048xf32, #tpu.memory_space<hbm>>) dst(%dma_wait3A_325 : memref<3x2048xf32, #tpu.memory_space<vmem>>)
      %scan3A_329 = arith.constant 0 : i32
      %scan3A_330 = arith.constant 128 : i32
      %scan3A_331 = arith.addi %scan3A_329, %scan3A_330 : i32
      %scan3A_332 = arith.constant 1 : i32
      %scan3A_333:6 = scf.for %scan3A_1550 = %scan3A_329 to %scan3A_331 step %scan3A_332 iter_args(%scan3A_1551 = %broadcast_in_dim3A_3, %scan3A_1552 = %broadcast_in_dim3A_3, %scan3A_1553 = %broadcast_in_dim3A_3, %scan3A_1554 = %broadcast_in_dim3A_3, %scan3A_1555 = %broadcast_in_dim3A_3, %scan3A_1556 = %broadcast_in_dim3A_3) -> (vector<16xf32>, vector<16xf32>, vector<16xf32>, vector<16xf32>, vector<16xf32>, vector<16xf32>)  : i32 {
        %mul3A_1557 = arith.constant 16 : i32
        %mul3A_1558 = arith.muli %scan3A_1550, %mul3A_1557 : i32
        %get3A_1559 = arith.constant 0 : i32
        %get3A_1560 = arith.index_cast %get3A_1559 : i32 to index
        %get3A_1561 = arith.index_cast %mul3A_1558 : i32 to index
        %get3A_1562 = tpu.vector_load %arg16[%get3A_1560, %get3A_1561] {strides = array<i32>} : memref<2x2048xf32, #tpu.memory_space<vmem>>, vector<1x16xf32>,
        %get3A_1563 = vector.shape_cast %get3A_1562 : vector<1x16xf32> to vector<16xf32>
        %get3A_1564 = arith.constant 0 : i32
        %get3A_1565 = arith.constant 0 : i32
        %get3A_1566 = arith.index_cast %get3A_1564 : i32 to index
        %get3A_1567 = arith.index_cast %get3A_1565 : i32 to index
        %get3A_1568 = arith.index_cast %mul3A_1558 : i32 to index
        %get3A_1569 = tpu.vector_load %arg19[%get3A_1566, %get3A_1567, %get3A_1568] {strides = array<i32>} : memref<2x3x2048xf32, #tpu.memory_space<vmem>>, vector<1x1x16xf32>,
        %get3A_1570 = vector.shape_cast %get3A_1569 : vector<1x1x16xf32> to vector<16xf32>
        %mul3A_1571 = arith.mulf %get3A_1563, %get3A_1570 : vector<16xf32>
        %add3A_1572 = arith.addf %scan3A_1551, %mul3A_1571 : vector<16xf32>
        %get3A_1573 = arith.constant 0 : i32
        %get3A_1574 = arith.constant 1 : i32
        %get3A_1575 = arith.index_cast %get3A_1573 : i32 to index
        %get3A_1576 = arith.index_cast %get3A_1574 : i32 to index
        %get3A_1577 = arith.index_cast %mul3A_1558 : i32 to index
        %get3A_1578 = tpu.vector_load %arg19[%get3A_1575, %get3A_1576, %get3A_1577] {strides = array<i32>} : memref<2x3x2048xf32, #tpu.memory_space<vmem>>, vector<1x1x16xf32>,
        %get3A_1579 = vector.shape_cast %get3A_1578 : vector<1x1x16xf32> to vector<16xf32>
        %mul3A_1580 = arith.mulf %get3A_1563, %get3A_1579 : vector<16xf32>
        %add3A_1581 = arith.addf %scan3A_1552, %mul3A_1580 : vector<16xf32>
        %get3A_1582 = arith.constant 0 : i32
        %get3A_1583 = arith.constant 2 : i32
        %get3A_1584 = arith.index_cast %get3A_1582 : i32 to index
        %get3A_1585 = arith.index_cast %get3A_1583 : i32 to index
        %get3A_1586 = arith.index_cast %mul3A_1558 : i32 to index
        %get3A_1587 = tpu.vector_load %arg19[%get3A_1584, %get3A_1585, %get3A_1586] {strides = array<i32>} : memref<2x3x2048xf32, #tpu.memory_space<vmem>>, vector<1x1x16xf32>,
        %get3A_1588 = vector.shape_cast %get3A_1587 : vector<1x1x16xf32> to vector<16xf32>
        %mul3A_1589 = arith.mulf %get3A_1563, %get3A_1588 : vector<16xf32>
        %add3A_1590 = arith.addf %scan3A_1553, %mul3A_1589 : vector<16xf32>
        %get3A_1591 = arith.constant 0 : i32
        %get3A_1592 = arith.constant 0 : i32
        %get3A_1593 = arith.index_cast %get3A_1591 : i32 to index
        %get3A_1594 = arith.index_cast %get3A_1592 : i32 to index
        %get3A_1595 = arith.index_cast %mul3A_1558 : i32 to index
        %get3A_1596 = tpu.vector_load %arg20[%get3A_1593, %get3A_1594, %get3A_1595] {strides = array<i32>} : memref<2x3x2048xf32, #tpu.memory_space<vmem>>, vector<1x1x16xf32>,
        %get3A_1597 = vector.shape_cast %get3A_1596 : vector<1x1x16xf32> to vector<16xf32>
        %mul3A_1598 = arith.mulf %get3A_1563, %get3A_1597 : vector<16xf32>
        %add3A_1599 = arith.addf %scan3A_1554, %mul3A_1598 : vector<16xf32>
        %get3A_1600 = arith.constant 0 : i32
        %get3A_1601 = arith.constant 1 : i32
        %get3A_1602 = arith.index_cast %get3A_1600 : i32 to index
        %get3A_1603 = arith.index_cast %get3A_1601 : i32 to index
        %get3A_1604 = arith.index_cast %mul3A_1558 : i32 to index
        %get3A_1605 = tpu.vector_load %arg20[%get3A_1602, %get3A_1603, %get3A_1604] {strides = array<i32>} : memref<2x3x2048xf32, #tpu.memory_space<vmem>>, vector<1x1x16xf32>,
        %get3A_1606 = vector.shape_cast %get3A_1605 : vector<1x1x16xf32> to vector<16xf32>
        %mul3A_1607 = arith.mulf %get3A_1563, %get3A_1606 : vector<16xf32>
        %add3A_1608 = arith.addf %scan3A_1555, %mul3A_1607 : vector<16xf32>
        %get3A_1609 = arith.constant 0 : i32
        %get3A_1610 = arith.constant 2 : i32
        %get3A_1611 = arith.index_cast %get3A_1609 : i32 to index
        %get3A_1612 = arith.index_cast %get3A_1610 : i32 to index
        %get3A_1613 = arith.index_cast %mul3A_1558 : i32 to index
        %get3A_1614 = tpu.vector_load %arg20[%get3A_1611, %get3A_1612, %get3A_1613] {strides = array<i32>} : memref<2x3x2048xf32, #tpu.memory_space<vmem>>, vector<1x1x16xf32>,
        %get3A_1615 = vector.shape_cast %get3A_1614 : vector<1x1x16xf32> to vector<16xf32>
        %mul3A_1616 = arith.mulf %get3A_1563, %get3A_1615 : vector<16xf32>
        %add3A_1617 = arith.addf %scan3A_1556, %mul3A_1616 : vector<16xf32>
        scf.yield %add3A_1572, %add3A_1581, %add3A_1590, %add3A_1599, %add3A_1608, %add3A_1617 : vector<16xf32>, vector<16xf32>, vector<16xf32>, vector<16xf32>, vector<16xf32>, vector<16xf32>
      }
      %scan3A_334 = arith.constant 128 : i32
      %lt3A = arith.constant 31 : i32
      %lt3A_335 = arith.cmpi slt, %scan3A_154, %lt3A : i32
      %convert_element_type3A = arith.extui %lt3A_335 : i1 to i32
      %cond3A = arith.constant 0 : i32
      %cond3A_336 = arith.cmpi ne, %convert_element_type3A, %cond3A : i32
      scf.if %cond3A_336 {
        %add3A_1550 = arith.constant 2 : i32
        %add3A_1551 = arith.addi %add3A_159, %add3A_1550 : i32
        %add3A_1552 = arith.addi %mul3A_2, %add3A_1551 : i32
        %mul3A_1553 = arith.constant 2048 : i32
        %mul3A_1554 = arith.muli %add3A_1552, %mul3A_1553 : i32
        %dma_start3A_1555 = arith.constant 0 : i32
        %dma_start3A_1556 = arith.constant 0 : i32
        %dma_start3A_1557 = tpu.memref_slice %arg16[%dma_start3A_1555, %dma_start3A_1556] : memref<2x2048xf32, #tpu.memory_space<vmem>> -> memref<1x2048xf32, #tpu.memory_space<vmem>>
        %dma_start3A_1558 = tpu.memref_squeeze %dma_start3A_1557 : memref<1x2048xf32, #tpu.memory_space<vmem>> -> memref<2048xf32, #tpu.memory_space<vmem>>
        %dma_start3A_1559 = tpu.memref_slice %arg2[%mul3A_1554] : memref<4194304xf32, #tpu.memory_space<hbm>> -> memref<2048xf32, #tpu.memory_space<hbm>>
        %dma_start3A_1560 = arith.constant 0 : i32
        %dma_start3A_1561 = tpu.memref_slice %arg16[%dma_start3A_1555, %dma_start3A_1560] : memref<2x2048xf32, #tpu.memory_space<vmem>> -> memref<1x2048xf32, #tpu.memory_space<vmem>>
        %dma_start3A_1562 = tpu.memref_squeeze %dma_start3A_1561 : memref<1x2048xf32, #tpu.memory_space<vmem>> -> memref<2048xf32, #tpu.memory_space<vmem>>
        %dma_start3A_1563 = tpu.memref_slice %arg2[%mul3A_1554] : memref<4194304xf32, #tpu.memory_space<hbm>> -> memref<2048xf32, #tpu.memory_space<hbm>>
        tpu.enqueue_dma source(%dma_start3A_1563 : memref<2048xf32, #tpu.memory_space<hbm>>) target(%dma_start3A_1562 : memref<2048xf32, #tpu.memory_space<vmem>>) target_semaphore(%arg31 : memref<!tpu.dma_semaphore, #tpu.memory_space<semaphore_mem>>)
        %mul3A_1564 = arith.constant 16 : i32
        %mul3A_1565 = arith.muli %add3A_1552, %mul3A_1564 : i32
        %dma_start3A_1566 = arith.constant 0 : i32
        %dma_start3A_1567 = arith.constant 0 : i32
        %dma_start3A_1568 = tpu.memref_slice %arg17[%dma_start3A_1566, %dma_start3A_1567] : memref<2x16xi32, #tpu.memory_space<vmem>> -> memref<1x16xi32, #tpu.memory_space<vmem>>
        %dma_start3A_1569 = tpu.memref_squeeze %dma_start3A_1568 : memref<1x16xi32, #tpu.memory_space<vmem>> -> memref<16xi32, #tpu.memory_space<vmem>>
        %dma_start3A_1570 = tpu.memref_slice %arg3[%mul3A_1565] : memref<32768xi32, #tpu.memory_space<hbm>> -> memref<16xi32, #tpu.memory_space<hbm>>
        %dma_start3A_1571 = arith.constant 0 : i32
        %dma_start3A_1572 = tpu.memref_slice %arg17[%dma_start3A_1566, %dma_start3A_1571] : memref<2x16xi32, #tpu.memory_space<vmem>> -> memref<1x16xi32, #tpu.memory_space<vmem>>
        %dma_start3A_1573 = tpu.memref_squeeze %dma_start3A_1572 : memref<1x16xi32, #tpu.memory_space<vmem>> -> memref<16xi32, #tpu.memory_space<vmem>>
        %dma_start3A_1574 = tpu.memref_slice %arg3[%mul3A_1565] : memref<32768xi32, #tpu.memory_space<hbm>> -> memref<16xi32, #tpu.memory_space<hbm>>
        tpu.enqueue_dma source(%dma_start3A_1574 : memref<16xi32, #tpu.memory_space<hbm>>) target(%dma_start3A_1573 : memref<16xi32, #tpu.memory_space<vmem>>) target_semaphore(%arg31 : memref<!tpu.dma_semaphore, #tpu.memory_space<semaphore_mem>>)
        %mul3A_1575 = arith.constant 16 : i32
        %mul3A_1576 = arith.muli %add3A_1552, %mul3A_1575 : i32
        %dma_start3A_1577 = arith.constant 0 : i32
        %dma_start3A_1578 = arith.constant 0 : i32
        %dma_start3A_1579 = tpu.memref_slice %arg18[%dma_start3A_1577, %dma_start3A_1578] : memref<2x16xf32, #tpu.memory_space<vmem>> -> memref<1x16xf32, #tpu.memory_space<vmem>>
        %dma_start3A_1580 = tpu.memref_squeeze %dma_start3A_1579 : memref<1x16xf32, #tpu.memory_space<vmem>> -> memref<16xf32, #tpu.memory_space<vmem>>
        %dma_start3A_1581 = tpu.memref_slice %arg4[%mul3A_1576] : memref<32768xf32, #tpu.memory_space<hbm>> -> memref<16xf32, #tpu.memory_space<hbm>>
        %dma_start3A_1582 = arith.constant 0 : i32
        %dma_start3A_1583 = tpu.memref_slice %arg18[%dma_start3A_1577, %dma_start3A_1582] : memref<2x16xf32, #tpu.memory_space<vmem>> -> memref<1x16xf32, #tpu.memory_space<vmem>>
        %dma_start3A_1584 = tpu.memref_squeeze %dma_start3A_1583 : memref<1x16xf32, #tpu.memory_space<vmem>> -> memref<16xf32, #tpu.memory_space<vmem>>
        %dma_start3A_1585 = tpu.memref_slice %arg4[%mul3A_1576] : memref<32768xf32, #tpu.memory_space<hbm>> -> memref<16xf32, #tpu.memory_space<hbm>>
        tpu.enqueue_dma source(%dma_start3A_1585 : memref<16xf32, #tpu.memory_space<hbm>>) target(%dma_start3A_1584 : memref<16xf32, #tpu.memory_space<vmem>>) target_semaphore(%arg31 : memref<!tpu.dma_semaphore, #tpu.memory_space<semaphore_mem>>)
      } else {
      }
      %get3A = arith.constant 0 : i32
      %get3A_337 = arith.index_cast %get3A : i32 to index
      %get3A_338 = arith.constant 0 : index
      %get3A_339 = tpu.vector_load %arg17[%get3A_337, %get3A_338] {strides = array<i32>} : memref<2x16xi32, #tpu.memory_space<vmem>>, vector<1x16xi32>,
      %get3A_340 = vector.shape_cast %get3A_339 : vector<1x16xi32> to vector<16xi32>
      %get3A_341 = arith.constant 0 : i32
      %get3A_342 = arith.index_cast %get3A_341 : i32 to index
      %get3A_343 = arith.constant 0 : index
      %get3A_344 = tpu.vector_load %arg18[%get3A_342, %get3A_343] {strides = array<i32>} : memref<2x16xf32, #tpu.memory_space<vmem>>, vector<1x16xf32>,
      %get3A_345 = vector.shape_cast %get3A_344 : vector<1x16xf32> to vector<16xf32>
      %slice3A = vector.extract_strided_slice %get3A_340 {offsets = [0], sizes = [1], strides = [1]} : vector<16xi32> to vector<1xi32>
      %squeeze3A = vector.extract %slice3A[0] : i32 from vector<1xi32>
      %swap3A_346 = arith.constant 0 : index
      %swap3A_347 = tpu.vector_load %arg29[%swap3A_346] {strides = array<i32>} : memref<32xf32, #tpu.memory_space<vmem>>, vector<16xf32>,
      %swap3A_348 = vector.shape_cast %swap3A_347 : vector<16xf32> to vector<16xf32>
      %swap3A_349 = vector.shape_cast %scan3A_333#0 : vector<16xf32> to vector<16xf32>
      tpu.vector_store %arg29[%swap3A_346], %swap3A_349 {strides = array<i32>} : memref<32xf32, #tpu.memory_space<vmem>>, vector<16xf32>,
      %get3A_350 = arith.constant 0 : index
      %get3A_351 = tpu.vector_load %arg29[%get3A_350] {strides = array<i32>} : memref<32xf32, #tpu.memory_space<vmem>>, vector<16xf32>,
      %get3A_352 = vector.shape_cast %get3A_351 : vector<16xf32> to vector<16xf32>
      %get3A_353 = arith.constant 8 : index
      %get3A_354 = tpu.vector_load %arg29[%get3A_353] {strides = array<i32>} : memref<32xf32, #tpu.memory_space<vmem>>, vector<16xf32>,
      %get3A_355 = vector.shape_cast %get3A_354 : vector<16xf32> to vector<16xf32>
      %add3A_356 = arith.addf %get3A_352, %get3A_355 : vector<16xf32>
      %swap3A_357 = arith.constant 0 : index
      %swap3A_358 = tpu.vector_load %arg29[%swap3A_357] {strides = array<i32>} : memref<32xf32, #tpu.memory_space<vmem>>, vector<16xf32>,
      %swap3A_359 = vector.shape_cast %swap3A_358 : vector<16xf32> to vector<16xf32>
      %swap3A_360 = vector.shape_cast %add3A_356 : vector<16xf32> to vector<16xf32>
      tpu.vector_store %arg29[%swap3A_357], %swap3A_360 {strides = array<i32>} : memref<32xf32, #tpu.memory_space<vmem>>, vector<16xf32>,
      %get3A_361 = arith.constant 0 : index
      %get3A_362 = tpu.vector_load %arg29[%get3A_361] {strides = array<i32>} : memref<32xf32, #tpu.memory_space<vmem>>, vector<16xf32>,
      %get3A_363 = vector.shape_cast %get3A_362 : vector<16xf32> to vector<16xf32>
      %get3A_364 = arith.constant 4 : index
      %get3A_365 = tpu.vector_load %arg29[%get3A_364] {strides = array<i32>} : memref<32xf32, #tpu.memory_space<vmem>>, vector<16xf32>,
      %get3A_366 = vector.shape_cast %get3A_365 : vector<16xf32> to vector<16xf32>
      %add3A_367 = arith.addf %get3A_363, %get3A_366 : vector<16xf32>
      %swap3A_368 = arith.constant 0 : index
      %swap3A_369 = tpu.vector_load %arg29[%swap3A_368] {strides = array<i32>} : memref<32xf32, #tpu.memory_space<vmem>>, vector<16xf32>,
      %swap3A_370 = vector.shape_cast %swap3A_369 : vector<16xf32> to vector<16xf32>
      %swap3A_371 = vector.shape_cast %add3A_367 : vector<16xf32> to vector<16xf32>
      tpu.vector_store %arg29[%swap3A_368], %swap3A_371 {strides = array<i32>} : memref<32xf32, #tpu.memory_space<vmem>>, vector<16xf32>,
      %get3A_372 = arith.constant 0 : index
      %get3A_373 = tpu.vector_load %arg29[%get3A_372] {strides = array<i32>} : memref<32xf32, #tpu.memory_space<vmem>>, vector<16xf32>,
      %get3A_374 = vector.shape_cast %get3A_373 : vector<16xf32> to vector<16xf32>
      %get3A_375 = arith.constant 2 : index
      %get3A_376 = tpu.vector_load %arg29[%get3A_375] {strides = array<i32>} : memref<32xf32, #tpu.memory_space<vmem>>, vector<16xf32>,
      %get3A_377 = vector.shape_cast %get3A_376 : vector<16xf32> to vector<16xf32>
      %add3A_378 = arith.addf %get3A_374, %get3A_377 : vector<16xf32>
      %swap3A_379 = arith.constant 0 : index
      %swap3A_380 = tpu.vector_load %arg29[%swap3A_379] {strides = array<i32>} : memref<32xf32, #tpu.memory_space<vmem>>, vector<16xf32>,
      %swap3A_381 = vector.shape_cast %swap3A_380 : vector<16xf32> to vector<16xf32>
      %swap3A_382 = vector.shape_cast %add3A_378 : vector<16xf32> to vector<16xf32>
      tpu.vector_store %arg29[%swap3A_379], %swap3A_382 {strides = array<i32>} : memref<32xf32, #tpu.memory_space<vmem>>, vector<16xf32>,
      %get3A_383 = arith.constant 0 : index
      %get3A_384 = tpu.vector_load %arg29[%get3A_383] {strides = array<i32>} : memref<32xf32, #tpu.memory_space<vmem>>, vector<16xf32>,
      %get3A_385 = vector.shape_cast %get3A_384 : vector<16xf32> to vector<16xf32>
      %get3A_386 = arith.constant 1 : index
      %get3A_387 = tpu.vector_load %arg29[%get3A_386] {strides = array<i32>} : memref<32xf32, #tpu.memory_space<vmem>>, vector<16xf32>,
      %get3A_388 = vector.shape_cast %get3A_387 : vector<16xf32> to vector<16xf32>
      %add3A_389 = arith.addf %get3A_385, %get3A_388 : vector<16xf32>
      %slice3A_390 = vector.extract_strided_slice %add3A_389 {offsets = [0], sizes = [1], strides = [1]} : vector<16xf32> to vector<1xf32>
      %squeeze3A_391 = vector.extract %slice3A_390[0] : f32 from vector<1xf32>
      %get3A_392 = arith.index_cast %squeeze3A : i32 to index
      %get3A_393 = tpu.vector_load %arg25[%get3A_392] {strides = array<i32>} : memref<8208xf32, #tpu.memory_space<vmem>>, vector<16xf32>,
      %get3A_394 = vector.shape_cast %get3A_393 : vector<16xf32> to vector<16xf32>
      %slice3A_395 = vector.extract_strided_slice %get3A_394 {offsets = [0], sizes = [1], strides = [1]} : vector<16xf32> to vector<1xf32>
      %squeeze3A_396 = vector.extract %slice3A_395[0] : f32 from vector<1xf32>
      %add3A_397 = arith.addf %squeeze3A_391, %squeeze3A_396 : f32
      %swap3A_398 = arith.constant 0 : index
      %swap3A_399 = tpu.vector_load %arg29[%swap3A_398] {strides = array<i32>} : memref<32xf32, #tpu.memory_space<vmem>>, vector<16xf32>,
      %swap3A_400 = vector.shape_cast %swap3A_399 : vector<16xf32> to vector<16xf32>
      %swap3A_401 = vector.shape_cast %scan3A_333#3 : vector<16xf32> to vector<16xf32>
      tpu.vector_store %arg29[%swap3A_398], %swap3A_401 {strides = array<i32>} : memref<32xf32, #tpu.memory_space<vmem>>, vector<16xf32>,
      %get3A_402 = arith.constant 0 : index
      %get3A_403 = tpu.vector_load %arg29[%get3A_402] {strides = array<i32>} : memref<32xf32, #tpu.memory_space<vmem>>, vector<16xf32>,
      %get3A_404 = vector.shape_cast %get3A_403 : vector<16xf32> to vector<16xf32>
      %get3A_405 = arith.constant 8 : index
      %get3A_406 = tpu.vector_load %arg29[%get3A_405] {strides = array<i32>} : memref<32xf32, #tpu.memory_space<vmem>>, vector<16xf32>,
      %get3A_407 = vector.shape_cast %get3A_406 : vector<16xf32> to vector<16xf32>
      %add3A_408 = arith.addf %get3A_404, %get3A_407 : vector<16xf32>
      %swap3A_409 = arith.constant 0 : index
      %swap3A_410 = tpu.vector_load %arg29[%swap3A_409] {strides = array<i32>} : memref<32xf32, #tpu.memory_space<vmem>>, vector<16xf32>,
      %swap3A_411 = vector.shape_cast %swap3A_410 : vector<16xf32> to vector<16xf32>
      %swap3A_412 = vector.shape_cast %add3A_408 : vector<16xf32> to vector<16xf32>
      tpu.vector_store %arg29[%swap3A_409], %swap3A_412 {strides = array<i32>} : memref<32xf32, #tpu.memory_space<vmem>>, vector<16xf32>,
      %get3A_413 = arith.constant 0 : index
      %get3A_414 = tpu.vector_load %arg29[%get3A_413] {strides = array<i32>} : memref<32xf32, #tpu.memory_space<vmem>>, vector<16xf32>,
      %get3A_415 = vector.shape_cast %get3A_414 : vector<16xf32> to vector<16xf32>
      %get3A_416 = arith.constant 4 : index
      %get3A_417 = tpu.vector_load %arg29[%get3A_416] {strides = array<i32>} : memref<32xf32, #tpu.memory_space<vmem>>, vector<16xf32>,
      %get3A_418 = vector.shape_cast %get3A_417 : vector<16xf32> to vector<16xf32>
      %add3A_419 = arith.addf %get3A_415, %get3A_418 : vector<16xf32>
      %swap3A_420 = arith.constant 0 : index
      %swap3A_421 = tpu.vector_load %arg29[%swap3A_420] {strides = array<i32>} : memref<32xf32, #tpu.memory_space<vmem>>, vector<16xf32>,
      %swap3A_422 = vector.shape_cast %swap3A_421 : vector<16xf32> to vector<16xf32>
      %swap3A_423 = vector.shape_cast %add3A_419 : vector<16xf32> to vector<16xf32>
      tpu.vector_store %arg29[%swap3A_420], %swap3A_423 {strides = array<i32>} : memref<32xf32, #tpu.memory_space<vmem>>, vector<16xf32>,
      %get3A_424 = arith.constant 0 : index
      %get3A_425 = tpu.vector_load %arg29[%get3A_424] {strides = array<i32>} : memref<32xf32, #tpu.memory_space<vmem>>, vector<16xf32>,
      %get3A_426 = vector.shape_cast %get3A_425 : vector<16xf32> to vector<16xf32>
      %get3A_427 = arith.constant 2 : index
      %get3A_428 = tpu.vector_load %arg29[%get3A_427] {strides = array<i32>} : memref<32xf32, #tpu.memory_space<vmem>>, vector<16xf32>,
      %get3A_429 = vector.shape_cast %get3A_428 : vector<16xf32> to vector<16xf32>
      %add3A_430 = arith.addf %get3A_426, %get3A_429 : vector<16xf32>
      %swap3A_431 = arith.constant 0 : index
      %swap3A_432 = tpu.vector_load %arg29[%swap3A_431] {strides = array<i32>} : memref<32xf32, #tpu.memory_space<vmem>>, vector<16xf32>,
      %swap3A_433 = vector.shape_cast %swap3A_432 : vector<16xf32> to vector<16xf32>
      %swap3A_434 = vector.shape_cast %add3A_430 : vector<16xf32> to vector<16xf32>
      tpu.vector_store %arg29[%swap3A_431], %swap3A_434 {strides = array<i32>} : memref<32xf32, #tpu.memory_space<vmem>>, vector<16xf32>,
      %get3A_435 = arith.constant 0 : index
      %get3A_436 = tpu.vector_load %arg29[%get3A_435] {strides = array<i32>} : memref<32xf32, #tpu.memory_space<vmem>>, vector<16xf32>,
      %get3A_437 = vector.shape_cast %get3A_436 : vector<16xf32> to vector<16xf32>
      %get3A_438 = arith.constant 1 : index
      %get3A_439 = tpu.vector_load %arg29[%get3A_438] {strides = array<i32>} : memref<32xf32, #tpu.memory_space<vmem>>, vector<16xf32>,
      %get3A_440 = vector.shape_cast %get3A_439 : vector<16xf32> to vector<16xf32>
      %add3A_441 = arith.addf %get3A_437, %get3A_440 : vector<16xf32>
      %slice3A_442 = vector.extract_strided_slice %add3A_441 {offsets = [0], sizes = [1], strides = [1]} : vector<16xf32> to vector<1xf32>
      %squeeze3A_443 = vector.extract %slice3A_442[0] : f32 from vector<1xf32>
      %get3A_444 = arith.index_cast %squeeze3A : i32 to index
      %get3A_445 = tpu.vector_load %arg26[%get3A_444] {strides = array<i32>} : memref<8208xf32, #tpu.memory_space<vmem>>, vector<16xf32>,
      %get3A_446 = vector.shape_cast %get3A_445 : vector<16xf32> to vector<16xf32>
      %slice3A_447 = vector.extract_strided_slice %get3A_446 {offsets = [0], sizes = [1], strides = [1]} : vector<16xf32> to vector<1xf32>
      %squeeze3A_448 = vector.extract %slice3A_447[0] : f32 from vector<1xf32>
      %add3A_449 = arith.addf %squeeze3A_443, %squeeze3A_448 : f32
      %slice3A_450 = vector.extract_strided_slice %get3A_345 {offsets = [0], sizes = [1], strides = [1]} : vector<16xf32> to vector<1xf32>
      %squeeze3A_451 = vector.extract %slice3A_450[0] : f32 from vector<1xf32>
      %ne3A = arith.constant 0.000000e+00 : f32
      %ne3A_452 = arith.cmpf one, %squeeze3A_451, %ne3A : f32
      %gt3A = arith.cmpf ogt, %add3A_397, %add3A_449 : f32
      %and3A = arith.andi %ne3A_452, %gt3A : i1
      %jit3A = arith.constant 0.000000e+00 : f32
      %select_n3A = arith.select %and3A, %add3A_397, %jit3A : f32
      %not3A = arith.constant true
      %not3A_453 = arith.xori %gt3A, %not3A : i1
      %and3A_454 = arith.andi %ne3A_452, %not3A_453 : i1
      %jit3A_455 = arith.constant 0.000000e+00 : f32
      %select_n3A_456 = arith.select %and3A_454, %add3A_449, %jit3A_455 : f32
      %slice3A_457 = vector.extract_strided_slice %get3A_340 {offsets = [1], sizes = [1], strides = [1]} : vector<16xi32> to vector<1xi32>
      %squeeze3A_458 = vector.extract %slice3A_457[0] : i32 from vector<1xi32>
      %swap3A_459 = arith.constant 0 : index
      %swap3A_460 = tpu.vector_load %arg29[%swap3A_459] {strides = array<i32>} : memref<32xf32, #tpu.memory_space<vmem>>, vector<16xf32>,
      %swap3A_461 = vector.shape_cast %swap3A_460 : vector<16xf32> to vector<16xf32>
      %swap3A_462 = vector.shape_cast %scan3A_333#1 : vector<16xf32> to vector<16xf32>
      tpu.vector_store %arg29[%swap3A_459], %swap3A_462 {strides = array<i32>} : memref<32xf32, #tpu.memory_space<vmem>>, vector<16xf32>,
      %get3A_463 = arith.constant 0 : index
      %get3A_464 = tpu.vector_load %arg29[%get3A_463] {strides = array<i32>} : memref<32xf32, #tpu.memory_space<vmem>>, vector<16xf32>,
      %get3A_465 = vector.shape_cast %get3A_464 : vector<16xf32> to vector<16xf32>
      %get3A_466 = arith.constant 8 : index
      %get3A_467 = tpu.vector_load %arg29[%get3A_466] {strides = array<i32>} : memref<32xf32, #tpu.memory_space<vmem>>, vector<16xf32>,
      %get3A_468 = vector.shape_cast %get3A_467 : vector<16xf32> to vector<16xf32>
      %add3A_469 = arith.addf %get3A_465, %get3A_468 : vector<16xf32>
      %swap3A_470 = arith.constant 0 : index
      %swap3A_471 = tpu.vector_load %arg29[%swap3A_470] {strides = array<i32>} : memref<32xf32, #tpu.memory_space<vmem>>, vector<16xf32>,
      %swap3A_472 = vector.shape_cast %swap3A_471 : vector<16xf32> to vector<16xf32>
      %swap3A_473 = vector.shape_cast %add3A_469 : vector<16xf32> to vector<16xf32>
      tpu.vector_store %arg29[%swap3A_470], %swap3A_473 {strides = array<i32>} : memref<32xf32, #tpu.memory_space<vmem>>, vector<16xf32>,
      %get3A_474 = arith.constant 0 : index
      %get3A_475 = tpu.vector_load %arg29[%get3A_474] {strides = array<i32>} : memref<32xf32, #tpu.memory_space<vmem>>, vector<16xf32>,
      %get3A_476 = vector.shape_cast %get3A_475 : vector<16xf32> to vector<16xf32>
      %get3A_477 = arith.constant 4 : index
      %get3A_478 = tpu.vector_load %arg29[%get3A_477] {strides = array<i32>} : memref<32xf32, #tpu.memory_space<vmem>>, vector<16xf32>,
      %get3A_479 = vector.shape_cast %get3A_478 : vector<16xf32> to vector<16xf32>
      %add3A_480 = arith.addf %get3A_476, %get3A_479 : vector<16xf32>
      %swap3A_481 = arith.constant 0 : index
      %swap3A_482 = tpu.vector_load %arg29[%swap3A_481] {strides = array<i32>} : memref<32xf32, #tpu.memory_space<vmem>>, vector<16xf32>,
      %swap3A_483 = vector.shape_cast %swap3A_482 : vector<16xf32> to vector<16xf32>
      %swap3A_484 = vector.shape_cast %add3A_480 : vector<16xf32> to vector<16xf32>
      tpu.vector_store %arg29[%swap3A_481], %swap3A_484 {strides = array<i32>} : memref<32xf32, #tpu.memory_space<vmem>>, vector<16xf32>,
      %get3A_485 = arith.constant 0 : index
      %get3A_486 = tpu.vector_load %arg29[%get3A_485] {strides = array<i32>} : memref<32xf32, #tpu.memory_space<vmem>>, vector<16xf32>,
      %get3A_487 = vector.shape_cast %get3A_486 : vector<16xf32> to vector<16xf32>
      %get3A_488 = arith.constant 2 : index
      %get3A_489 = tpu.vector_load %arg29[%get3A_488] {strides = array<i32>} : memref<32xf32, #tpu.memory_space<vmem>>, vector<16xf32>,
      %get3A_490 = vector.shape_cast %get3A_489 : vector<16xf32> to vector<16xf32>
      %add3A_491 = arith.addf %get3A_487, %get3A_490 : vector<16xf32>
      %swap3A_492 = arith.constant 0 : index
      %swap3A_493 = tpu.vector_load %arg29[%swap3A_492] {strides = array<i32>} : memref<32xf32, #tpu.memory_space<vmem>>, vector<16xf32>,
      %swap3A_494 = vector.shape_cast %swap3A_493 : vector<16xf32> to vector<16xf32>
      %swap3A_495 = vector.shape_cast %add3A_491 : vector<16xf32> to vector<16xf32>
      tpu.vector_store %arg29[%swap3A_492], %swap3A_495 {strides = array<i32>} : memref<32xf32, #tpu.memory_space<vmem>>, vector<16xf32>,
      %get3A_496 = arith.constant 0 : index
      %get3A_497 = tpu.vector_load %arg29[%get3A_496] {strides = array<i32>} : memref<32xf32, #tpu.memory_space<vmem>>, vector<16xf32>,
      %get3A_498 = vector.shape_cast %get3A_497 : vector<16xf32> to vector<16xf32>
      %get3A_499 = arith.constant 1 : index
      %get3A_500 = tpu.vector_load %arg29[%get3A_499] {strides = array<i32>} : memref<32xf32, #tpu.memory_space<vmem>>, vector<16xf32>,
      %get3A_501 = vector.shape_cast %get3A_500 : vector<16xf32> to vector<16xf32>
      %add3A_502 = arith.addf %get3A_498, %get3A_501 : vector<16xf32>
      %slice3A_503 = vector.extract_strided_slice %add3A_502 {offsets = [0], sizes = [1], strides = [1]} : vector<16xf32> to vector<1xf32>
      %squeeze3A_504 = vector.extract %slice3A_503[0] : f32 from vector<1xf32>
      %get3A_505 = arith.index_cast %squeeze3A_458 : i32 to index
      %get3A_506 = tpu.vector_load %arg25[%get3A_505] {strides = array<i32>} : memref<8208xf32, #tpu.memory_space<vmem>>, vector<16xf32>,
      %get3A_507 = vector.shape_cast %get3A_506 : vector<16xf32> to vector<16xf32>
      %slice3A_508 = vector.extract_strided_slice %get3A_507 {offsets = [0], sizes = [1], strides = [1]} : vector<16xf32> to vector<1xf32>
      %squeeze3A_509 = vector.extract %slice3A_508[0] : f32 from vector<1xf32>
      %add3A_510 = arith.addf %squeeze3A_504, %squeeze3A_509 : f32
      %swap3A_511 = arith.constant 0 : index
      %swap3A_512 = tpu.vector_load %arg29[%swap3A_511] {strides = array<i32>} : memref<32xf32, #tpu.memory_space<vmem>>, vector<16xf32>,
      %swap3A_513 = vector.shape_cast %swap3A_512 : vector<16xf32> to vector<16xf32>
      %swap3A_514 = vector.shape_cast %scan3A_333#4 : vector<16xf32> to vector<16xf32>
      tpu.vector_store %arg29[%swap3A_511], %swap3A_514 {strides = array<i32>} : memref<32xf32, #tpu.memory_space<vmem>>, vector<16xf32>,
      %get3A_515 = arith.constant 0 : index
      %get3A_516 = tpu.vector_load %arg29[%get3A_515] {strides = array<i32>} : memref<32xf32, #tpu.memory_space<vmem>>, vector<16xf32>,
      %get3A_517 = vector.shape_cast %get3A_516 : vector<16xf32> to vector<16xf32>
      %get3A_518 = arith.constant 8 : index
      %get3A_519 = tpu.vector_load %arg29[%get3A_518] {strides = array<i32>} : memref<32xf32, #tpu.memory_space<vmem>>, vector<16xf32>,
      %get3A_520 = vector.shape_cast %get3A_519 : vector<16xf32> to vector<16xf32>
      %add3A_521 = arith.addf %get3A_517, %get3A_520 : vector<16xf32>
      %swap3A_522 = arith.constant 0 : index
      %swap3A_523 = tpu.vector_load %arg29[%swap3A_522] {strides = array<i32>} : memref<32xf32, #tpu.memory_space<vmem>>, vector<16xf32>,
      %swap3A_524 = vector.shape_cast %swap3A_523 : vector<16xf32> to vector<16xf32>
      %swap3A_525 = vector.shape_cast %add3A_521 : vector<16xf32> to vector<16xf32>
      tpu.vector_store %arg29[%swap3A_522], %swap3A_525 {strides = array<i32>} : memref<32xf32, #tpu.memory_space<vmem>>, vector<16xf32>,
      %get3A_526 = arith.constant 0 : index
      %get3A_527 = tpu.vector_load %arg29[%get3A_526] {strides = array<i32>} : memref<32xf32, #tpu.memory_space<vmem>>, vector<16xf32>,
      %get3A_528 = vector.shape_cast %get3A_527 : vector<16xf32> to vector<16xf32>
      %get3A_529 = arith.constant 4 : index
      %get3A_530 = tpu.vector_load %arg29[%get3A_529] {strides = array<i32>} : memref<32xf32, #tpu.memory_space<vmem>>, vector<16xf32>,
      %get3A_531 = vector.shape_cast %get3A_530 : vector<16xf32> to vector<16xf32>
      %add3A_532 = arith.addf %get3A_528, %get3A_531 : vector<16xf32>
      %swap3A_533 = arith.constant 0 : index
      %swap3A_534 = tpu.vector_load %arg29[%swap3A_533] {strides = array<i32>} : memref<32xf32, #tpu.memory_space<vmem>>, vector<16xf32>,
      %swap3A_535 = vector.shape_cast %swap3A_534 : vector<16xf32> to vector<16xf32>
      %swap3A_536 = vector.shape_cast %add3A_532 : vector<16xf32> to vector<16xf32>
      tpu.vector_store %arg29[%swap3A_533], %swap3A_536 {strides = array<i32>} : memref<32xf32, #tpu.memory_space<vmem>>, vector<16xf32>,
      %get3A_537 = arith.constant 0 : index
      %get3A_538 = tpu.vector_load %arg29[%get3A_537] {strides = array<i32>} : memref<32xf32, #tpu.memory_space<vmem>>, vector<16xf32>,
      %get3A_539 = vector.shape_cast %get3A_538 : vector<16xf32> to vector<16xf32>
      %get3A_540 = arith.constant 2 : index
      %get3A_541 = tpu.vector_load %arg29[%get3A_540] {strides = array<i32>} : memref<32xf32, #tpu.memory_space<vmem>>, vector<16xf32>,
      %get3A_542 = vector.shape_cast %get3A_541 : vector<16xf32> to vector<16xf32>
      %add3A_543 = arith.addf %get3A_539, %get3A_542 : vector<16xf32>
      %swap3A_544 = arith.constant 0 : index
      %swap3A_545 = tpu.vector_load %arg29[%swap3A_544] {strides = array<i32>} : memref<32xf32, #tpu.memory_space<vmem>>, vector<16xf32>,
      %swap3A_546 = vector.shape_cast %swap3A_545 : vector<16xf32> to vector<16xf32>
      %swap3A_547 = vector.shape_cast %add3A_543 : vector<16xf32> to vector<16xf32>
      tpu.vector_store %arg29[%swap3A_544], %swap3A_547 {strides = array<i32>} : memref<32xf32, #tpu.memory_space<vmem>>, vector<16xf32>,
      %get3A_548 = arith.constant 0 : index
      %get3A_549 = tpu.vector_load %arg29[%get3A_548] {strides = array<i32>} : memref<32xf32, #tpu.memory_space<vmem>>, vector<16xf32>,
      %get3A_550 = vector.shape_cast %get3A_549 : vector<16xf32> to vector<16xf32>
      %get3A_551 = arith.constant 1 : index
      %get3A_552 = tpu.vector_load %arg29[%get3A_551] {strides = array<i32>} : memref<32xf32, #tpu.memory_space<vmem>>, vector<16xf32>,
      %get3A_553 = vector.shape_cast %get3A_552 : vector<16xf32> to vector<16xf32>
      %add3A_554 = arith.addf %get3A_550, %get3A_553 : vector<16xf32>
      %slice3A_555 = vector.extract_strided_slice %add3A_554 {offsets = [0], sizes = [1], strides = [1]} : vector<16xf32> to vector<1xf32>
      %squeeze3A_556 = vector.extract %slice3A_555[0] : f32 from vector<1xf32>
      %get3A_557 = arith.index_cast %squeeze3A_458 : i32 to index
      %get3A_558 = tpu.vector_load %arg26[%get3A_557] {strides = array<i32>} : memref<8208xf32, #tpu.memory_space<vmem>>, vector<16xf32>,
      %get3A_559 = vector.shape_cast %get3A_558 : vector<16xf32> to vector<16xf32>
      %slice3A_560 = vector.extract_strided_slice %get3A_559 {offsets = [0], sizes = [1], strides = [1]} : vector<16xf32> to vector<1xf32>
      %squeeze3A_561 = vector.extract %slice3A_560[0] : f32 from vector<1xf32>
      %add3A_562 = arith.addf %squeeze3A_556, %squeeze3A_561 : f32
      %slice3A_563 = vector.extract_strided_slice %get3A_345 {offsets = [1], sizes = [1], strides = [1]} : vector<16xf32> to vector<1xf32>
      %squeeze3A_564 = vector.extract %slice3A_563[0] : f32 from vector<1xf32>
      %ne3A_565 = arith.constant 0.000000e+00 : f32
      %ne3A_566 = arith.cmpf one, %squeeze3A_564, %ne3A_565 : f32
      %gt3A_567 = arith.cmpf ogt, %add3A_510, %add3A_562 : f32
      %and3A_568 = arith.andi %ne3A_566, %gt3A_567 : i1
      %jit3A_569 = arith.constant 0.000000e+00 : f32
      %select_n3A_570 = arith.select %and3A_568, %add3A_510, %jit3A_569 : f32
      %not3A_571 = arith.constant true
      %not3A_572 = arith.xori %gt3A_567, %not3A_571 : i1
      %and3A_573 = arith.andi %ne3A_566, %not3A_572 : i1
      %jit3A_574 = arith.constant 0.000000e+00 : f32
      %select_n3A_575 = arith.select %and3A_573, %add3A_562, %jit3A_574 : f32
      %slice3A_576 = vector.extract_strided_slice %get3A_340 {offsets = [2], sizes = [1], strides = [1]} : vector<16xi32> to vector<1xi32>
      %squeeze3A_577 = vector.extract %slice3A_576[0] : i32 from vector<1xi32>
      %swap3A_578 = arith.constant 0 : index
      %swap3A_579 = tpu.vector_load %arg29[%swap3A_578] {strides = array<i32>} : memref<32xf32, #tpu.memory_space<vmem>>, vector<16xf32>,
      %swap3A_580 = vector.shape_cast %swap3A_579 : vector<16xf32> to vector<16xf32>
      %swap3A_581 = vector.shape_cast %scan3A_333#2 : vector<16xf32> to vector<16xf32>
      tpu.vector_store %arg29[%swap3A_578], %swap3A_581 {strides = array<i32>} : memref<32xf32, #tpu.memory_space<vmem>>, vector<16xf32>,
      %get3A_582 = arith.constant 0 : index
      %get3A_583 = tpu.vector_load %arg29[%get3A_582] {strides = array<i32>} : memref<32xf32, #tpu.memory_space<vmem>>, vector<16xf32>,
      %get3A_584 = vector.shape_cast %get3A_583 : vector<16xf32> to vector<16xf32>
      %get3A_585 = arith.constant 8 : index
      %get3A_586 = tpu.vector_load %arg29[%get3A_585] {strides = array<i32>} : memref<32xf32, #tpu.memory_space<vmem>>, vector<16xf32>,
      %get3A_587 = vector.shape_cast %get3A_586 : vector<16xf32> to vector<16xf32>
      %add3A_588 = arith.addf %get3A_584, %get3A_587 : vector<16xf32>
      %swap3A_589 = arith.constant 0 : index
      %swap3A_590 = tpu.vector_load %arg29[%swap3A_589] {strides = array<i32>} : memref<32xf32, #tpu.memory_space<vmem>>, vector<16xf32>,
      %swap3A_591 = vector.shape_cast %swap3A_590 : vector<16xf32> to vector<16xf32>
      %swap3A_592 = vector.shape_cast %add3A_588 : vector<16xf32> to vector<16xf32>
      tpu.vector_store %arg29[%swap3A_589], %swap3A_592 {strides = array<i32>} : memref<32xf32, #tpu.memory_space<vmem>>, vector<16xf32>,
      %get3A_593 = arith.constant 0 : index
      %get3A_594 = tpu.vector_load %arg29[%get3A_593] {strides = array<i32>} : memref<32xf32, #tpu.memory_space<vmem>>, vector<16xf32>,
      %get3A_595 = vector.shape_cast %get3A_594 : vector<16xf32> to vector<16xf32>
      %get3A_596 = arith.constant 4 : index
      %get3A_597 = tpu.vector_load %arg29[%get3A_596] {strides = array<i32>} : memref<32xf32, #tpu.memory_space<vmem>>, vector<16xf32>,
      %get3A_598 = vector.shape_cast %get3A_597 : vector<16xf32> to vector<16xf32>
      %add3A_599 = arith.addf %get3A_595, %get3A_598 : vector<16xf32>
      %swap3A_600 = arith.constant 0 : index
      %swap3A_601 = tpu.vector_load %arg29[%swap3A_600] {strides = array<i32>} : memref<32xf32, #tpu.memory_space<vmem>>, vector<16xf32>,
      %swap3A_602 = vector.shape_cast %swap3A_601 : vector<16xf32> to vector<16xf32>
      %swap3A_603 = vector.shape_cast %add3A_599 : vector<16xf32> to vector<16xf32>
      tpu.vector_store %arg29[%swap3A_600], %swap3A_603 {strides = array<i32>} : memref<32xf32, #tpu.memory_space<vmem>>, vector<16xf32>,
      %get3A_604 = arith.constant 0 : index
      %get3A_605 = tpu.vector_load %arg29[%get3A_604] {strides = array<i32>} : memref<32xf32, #tpu.memory_space<vmem>>, vector<16xf32>,
      %get3A_606 = vector.shape_cast %get3A_605 : vector<16xf32> to vector<16xf32>
      %get3A_607 = arith.constant 2 : index
      %get3A_608 = tpu.vector_load %arg29[%get3A_607] {strides = array<i32>} : memref<32xf32, #tpu.memory_space<vmem>>, vector<16xf32>,
      %get3A_609 = vector.shape_cast %get3A_608 : vector<16xf32> to vector<16xf32>
      %add3A_610 = arith.addf %get3A_606, %get3A_609 : vector<16xf32>
      %swap3A_611 = arith.constant 0 : index
      %swap3A_612 = tpu.vector_load %arg29[%swap3A_611] {strides = array<i32>} : memref<32xf32, #tpu.memory_space<vmem>>, vector<16xf32>,
      %swap3A_613 = vector.shape_cast %swap3A_612 : vector<16xf32> to vector<16xf32>
      %swap3A_614 = vector.shape_cast %add3A_610 : vector<16xf32> to vector<16xf32>
      tpu.vector_store %arg29[%swap3A_611], %swap3A_614 {strides = array<i32>} : memref<32xf32, #tpu.memory_space<vmem>>, vector<16xf32>,
      %get3A_615 = arith.constant 0 : index
      %get3A_616 = tpu.vector_load %arg29[%get3A_615] {strides = array<i32>} : memref<32xf32, #tpu.memory_space<vmem>>, vector<16xf32>,
      %get3A_617 = vector.shape_cast %get3A_616 : vector<16xf32> to vector<16xf32>
      %get3A_618 = arith.constant 1 : index
      %get3A_619 = tpu.vector_load %arg29[%get3A_618] {strides = array<i32>} : memref<32xf32, #tpu.memory_space<vmem>>, vector<16xf32>,
      %get3A_620 = vector.shape_cast %get3A_619 : vector<16xf32> to vector<16xf32>
      %add3A_621 = arith.addf %get3A_617, %get3A_620 : vector<16xf32>
      %slice3A_622 = vector.extract_strided_slice %add3A_621 {offsets = [0], sizes = [1], strides = [1]} : vector<16xf32> to vector<1xf32>
      %squeeze3A_623 = vector.extract %slice3A_622[0] : f32 from vector<1xf32>
      %get3A_624 = arith.index_cast %squeeze3A_577 : i32 to index
      %get3A_625 = tpu.vector_load %arg25[%get3A_624] {strides = array<i32>} : memref<8208xf32, #tpu.memory_space<vmem>>, vector<16xf32>,
      %get3A_626 = vector.shape_cast %get3A_625 : vector<16xf32> to vector<16xf32>
      %slice3A_627 = vector.extract_strided_slice %get3A_626 {offsets = [0], sizes = [1], strides = [1]} : vector<16xf32> to vector<1xf32>
      %squeeze3A_628 = vector.extract %slice3A_627[0] : f32 from vector<1xf32>
      %add3A_629 = arith.addf %squeeze3A_623, %squeeze3A_628 : f32
      %swap3A_630 = arith.constant 0 : index
      %swap3A_631 = tpu.vector_load %arg29[%swap3A_630] {strides = array<i32>} : memref<32xf32, #tpu.memory_space<vmem>>, vector<16xf32>,
      %swap3A_632 = vector.shape_cast %swap3A_631 : vector<16xf32> to vector<16xf32>
      %swap3A_633 = vector.shape_cast %scan3A_333#5 : vector<16xf32> to vector<16xf32>
      tpu.vector_store %arg29[%swap3A_630], %swap3A_633 {strides = array<i32>} : memref<32xf32, #tpu.memory_space<vmem>>, vector<16xf32>,
      %get3A_634 = arith.constant 0 : index
      %get3A_635 = tpu.vector_load %arg29[%get3A_634] {strides = array<i32>} : memref<32xf32, #tpu.memory_space<vmem>>, vector<16xf32>,
      %get3A_636 = vector.shape_cast %get3A_635 : vector<16xf32> to vector<16xf32>
      %get3A_637 = arith.constant 8 : index
      %get3A_638 = tpu.vector_load %arg29[%get3A_637] {strides = array<i32>} : memref<32xf32, #tpu.memory_space<vmem>>, vector<16xf32>,
      %get3A_639 = vector.shape_cast %get3A_638 : vector<16xf32> to vector<16xf32>
      %add3A_640 = arith.addf %get3A_636, %get3A_639 : vector<16xf32>
      %swap3A_641 = arith.constant 0 : index
      %swap3A_642 = tpu.vector_load %arg29[%swap3A_641] {strides = array<i32>} : memref<32xf32, #tpu.memory_space<vmem>>, vector<16xf32>,
      %swap3A_643 = vector.shape_cast %swap3A_642 : vector<16xf32> to vector<16xf32>
      %swap3A_644 = vector.shape_cast %add3A_640 : vector<16xf32> to vector<16xf32>
      tpu.vector_store %arg29[%swap3A_641], %swap3A_644 {strides = array<i32>} : memref<32xf32, #tpu.memory_space<vmem>>, vector<16xf32>,
      %get3A_645 = arith.constant 0 : index
      %get3A_646 = tpu.vector_load %arg29[%get3A_645] {strides = array<i32>} : memref<32xf32, #tpu.memory_space<vmem>>, vector<16xf32>,
      %get3A_647 = vector.shape_cast %get3A_646 : vector<16xf32> to vector<16xf32>
      %get3A_648 = arith.constant 4 : index
      %get3A_649 = tpu.vector_load %arg29[%get3A_648] {strides = array<i32>} : memref<32xf32, #tpu.memory_space<vmem>>, vector<16xf32>,
      %get3A_650 = vector.shape_cast %get3A_649 : vector<16xf32> to vector<16xf32>
      %add3A_651 = arith.addf %get3A_647, %get3A_650 : vector<16xf32>
      %swap3A_652 = arith.constant 0 : index
      %swap3A_653 = tpu.vector_load %arg29[%swap3A_652] {strides = array<i32>} : memref<32xf32, #tpu.memory_space<vmem>>, vector<16xf32>,
      %swap3A_654 = vector.shape_cast %swap3A_653 : vector<16xf32> to vector<16xf32>
      %swap3A_655 = vector.shape_cast %add3A_651 : vector<16xf32> to vector<16xf32>
      tpu.vector_store %arg29[%swap3A_652], %swap3A_655 {strides = array<i32>} : memref<32xf32, #tpu.memory_space<vmem>>, vector<16xf32>,
      %get3A_656 = arith.constant 0 : index
      %get3A_657 = tpu.vector_load %arg29[%get3A_656] {strides = array<i32>} : memref<32xf32, #tpu.memory_space<vmem>>, vector<16xf32>,
      %get3A_658 = vector.shape_cast %get3A_657 : vector<16xf32> to vector<16xf32>
      %get3A_659 = arith.constant 2 : index
      %get3A_660 = tpu.vector_load %arg29[%get3A_659] {strides = array<i32>} : memref<32xf32, #tpu.memory_space<vmem>>, vector<16xf32>,
      %get3A_661 = vector.shape_cast %get3A_660 : vector<16xf32> to vector<16xf32>
      %add3A_662 = arith.addf %get3A_658, %get3A_661 : vector<16xf32>
      %swap3A_663 = arith.constant 0 : index
      %swap3A_664 = tpu.vector_load %arg29[%swap3A_663] {strides = array<i32>} : memref<32xf32, #tpu.memory_space<vmem>>, vector<16xf32>,
      %swap3A_665 = vector.shape_cast %swap3A_664 : vector<16xf32> to vector<16xf32>
      %swap3A_666 = vector.shape_cast %add3A_662 : vector<16xf32> to vector<16xf32>
      tpu.vector_store %arg29[%swap3A_663], %swap3A_666 {strides = array<i32>} : memref<32xf32, #tpu.memory_space<vmem>>, vector<16xf32>,
      %get3A_667 = arith.constant 0 : index
      %get3A_668 = tpu.vector_load %arg29[%get3A_667] {strides = array<i32>} : memref<32xf32, #tpu.memory_space<vmem>>, vector<16xf32>,
      %get3A_669 = vector.shape_cast %get3A_668 : vector<16xf32> to vector<16xf32>
      %get3A_670 = arith.constant 1 : index
      %get3A_671 = tpu.vector_load %arg29[%get3A_670] {strides = array<i32>} : memref<32xf32, #tpu.memory_space<vmem>>, vector<16xf32>,
      %get3A_672 = vector.shape_cast %get3A_671 : vector<16xf32> to vector<16xf32>
      %add3A_673 = arith.addf %get3A_669, %get3A_672 : vector<16xf32>
      %slice3A_674 = vector.extract_strided_slice %add3A_673 {offsets = [0], sizes = [1], strides = [1]} : vector<16xf32> to vector<1xf32>
      %squeeze3A_675 = vector.extract %slice3A_674[0] : f32 from vector<1xf32>
      %get3A_676 = arith.index_cast %squeeze3A_577 : i32 to index
      %get3A_677 = tpu.vector_load %arg26[%get3A_676] {strides = array<i32>} : memref<8208xf32, #tpu.memory_space<vmem>>, vector<16xf32>,
      %get3A_678 = vector.shape_cast %get3A_677 : vector<16xf32> to vector<16xf32>
      %slice3A_679 = vector.extract_strided_slice %get3A_678 {offsets = [0], sizes = [1], strides = [1]} : vector<16xf32> to vector<1xf32>
      %squeeze3A_680 = vector.extract %slice3A_679[0] : f32 from vector<1xf32>
      %add3A_681 = arith.addf %squeeze3A_675, %squeeze3A_680 : f32
      %slice3A_682 = vector.extract_strided_slice %get3A_345 {offsets = [2], sizes = [1], strides = [1]} : vector<16xf32> to vector<1xf32>
      %squeeze3A_683 = vector.extract %slice3A_682[0] : f32 from vector<1xf32>
      %ne3A_684 = arith.constant 0.000000e+00 : f32
      %ne3A_685 = arith.cmpf one, %squeeze3A_683, %ne3A_684 : f32
      %gt3A_686 = arith.cmpf ogt, %add3A_629, %add3A_681 : f32
      %and3A_687 = arith.andi %ne3A_685, %gt3A_686 : i1
      %jit3A_688 = arith.constant 0.000000e+00 : f32
      %select_n3A_689 = arith.select %and3A_687, %add3A_629, %jit3A_688 : f32
      %not3A_690 = arith.constant true
      %not3A_691 = arith.xori %gt3A_686, %not3A_690 : i1
      %and3A_692 = arith.andi %ne3A_685, %not3A_691 : i1
      %jit3A_693 = arith.constant 0.000000e+00 : f32
      %select_n3A_694 = arith.select %and3A_692, %add3A_681, %jit3A_693 : f32
      %ge3A = arith.constant 1 : i32
      %ge3A_695 = arith.cmpi sge, %scan3A_154, %ge3A : i32
      %convert_element_type3A_696 = arith.extui %ge3A_695 : i1 to i32
      %cond3A_697 = arith.constant 0 : i32
      %cond3A_698 = arith.cmpi ne, %convert_element_type3A_696, %cond3A_697 : i32
      scf.if %cond3A_698 {
        %dma_wait3A_1550 = arith.constant 0 : i32
        %dma_wait3A_1551 = arith.constant 0 : i32
        %dma_wait3A_1552 = tpu.memref_slice %arg24[%dma_wait3A_1550, %dma_wait3A_1551] : memref<2x2048xf32, #tpu.memory_space<vmem>> -> memref<1x2048xf32, #tpu.memory_space<vmem>>
        %dma_wait3A_1553 = tpu.memref_squeeze %dma_wait3A_1552 : memref<1x2048xf32, #tpu.memory_space<vmem>> -> memref<2048xf32, #tpu.memory_space<vmem>>
        %dma_wait3A_1554 = arith.constant 0 : i32
        %dma_wait3A_1555 = tpu.memref_slice %arg14[%dma_wait3A_1554] : memref<4194304xf32, #tpu.memory_space<hbm>> -> memref<2048xf32, #tpu.memory_space<hbm>>
        %dma_wait3A_1556 = arith.constant 0 : i32
        %dma_wait3A_1557 = tpu.memref_slice %arg14[%dma_wait3A_1556] : memref<4194304xf32, #tpu.memory_space<hbm>> -> memref<2048xf32, #tpu.memory_space<hbm>>
        %dma_wait3A_1558 = arith.constant 0 : i32
        %dma_wait3A_1559 = tpu.memref_slice %arg24[%dma_wait3A_1550, %dma_wait3A_1558] : memref<2x2048xf32, #tpu.memory_space<vmem>> -> memref<1x2048xf32, #tpu.memory_space<vmem>>
        %dma_wait3A_1560 = tpu.memref_squeeze %dma_wait3A_1559 : memref<1x2048xf32, #tpu.memory_space<vmem>> -> memref<2048xf32, #tpu.memory_space<vmem>>
        tpu.wait_dma2 semaphore(%arg32 : memref<!tpu.dma_semaphore, #tpu.memory_space<semaphore_mem>>) src(%dma_wait3A_1560 : memref<2048xf32, #tpu.memory_space<vmem>>) dst(%dma_wait3A_1557 : memref<2048xf32, #tpu.memory_space<hbm>>)
      } else {
      }
      %scan3A_699 = arith.constant 0 : i32
      %scan3A_700 = arith.constant 0 : i32
      %scan3A_701 = arith.constant 128 : i32
      %scan3A_702 = arith.addi %scan3A_700, %scan3A_701 : i32
      %scan3A_703 = arith.constant 1 : i32
      %scan3A_704 = scf.for %scan3A_1550 = %scan3A_700 to %scan3A_702 step %scan3A_703 iter_args(%scan3A_1551 = %scan3A_699) -> (i32)  : i32 {
        %mul3A_1552 = arith.constant 16 : i32
        %mul3A_1553 = arith.muli %scan3A_1550, %mul3A_1552 : i32
        %get3A_1554 = arith.index_cast %mul3A_1553 : i32 to index
        %get3A_1555 = tpu.vector_load %arg27[%get3A_1554] {strides = array<i32>} : memref<2048xf32, #tpu.memory_space<vmem>>, vector<16xf32>,
        %get3A_1556 = vector.shape_cast %get3A_1555 : vector<16xf32> to vector<16xf32>
        %get3A_1557 = arith.constant 0 : i32
        %get3A_1558 = arith.constant 0 : i32
        %get3A_1559 = arith.index_cast %get3A_1557 : i32 to index
        %get3A_1560 = arith.index_cast %get3A_1558 : i32 to index
        %get3A_1561 = arith.index_cast %mul3A_1553 : i32 to index
        %get3A_1562 = tpu.vector_load %arg21[%get3A_1559, %get3A_1560, %get3A_1561] {strides = array<i32>} : memref<2x3x2048xf32, #tpu.memory_space<vmem>>, vector<1x1x16xf32>,
        %get3A_1563 = vector.shape_cast %get3A_1562 : vector<1x1x16xf32> to vector<16xf32>
        %mul3A_1564 = vector.broadcast %squeeze3A_451 : f32 to vector<16xf32>
        %mul3A_1565 = arith.mulf %mul3A_1564, %get3A_1563 : vector<16xf32>
        %add3A_1566 = arith.addf %get3A_1556, %mul3A_1565 : vector<16xf32>
        %get3A_1567 = arith.constant 0 : i32
        %get3A_1568 = arith.constant 1 : i32
        %get3A_1569 = arith.index_cast %get3A_1567 : i32 to index
        %get3A_1570 = arith.index_cast %get3A_1568 : i32 to index
        %get3A_1571 = arith.index_cast %mul3A_1553 : i32 to index
        %get3A_1572 = tpu.vector_load %arg21[%get3A_1569, %get3A_1570, %get3A_1571] {strides = array<i32>} : memref<2x3x2048xf32, #tpu.memory_space<vmem>>, vector<1x1x16xf32>,
        %get3A_1573 = vector.shape_cast %get3A_1572 : vector<1x1x16xf32> to vector<16xf32>
        %mul3A_1574 = vector.broadcast %squeeze3A_564 : f32 to vector<16xf32>
        %mul3A_1575 = arith.mulf %mul3A_1574, %get3A_1573 : vector<16xf32>
        %add3A_1576 = arith.addf %add3A_1566, %mul3A_1575 : vector<16xf32>
        %get3A_1577 = arith.constant 0 : i32
        %get3A_1578 = arith.constant 2 : i32
        %get3A_1579 = arith.index_cast %get3A_1577 : i32 to index
        %get3A_1580 = arith.index_cast %get3A_1578 : i32 to index
        %get3A_1581 = arith.index_cast %mul3A_1553 : i32 to index
        %get3A_1582 = tpu.vector_load %arg21[%get3A_1579, %get3A_1580, %get3A_1581] {strides = array<i32>} : memref<2x3x2048xf32, #tpu.memory_space<vmem>>, vector<1x1x16xf32>,
        %get3A_1583 = vector.shape_cast %get3A_1582 : vector<1x1x16xf32> to vector<16xf32>
        %mul3A_1584 = vector.broadcast %squeeze3A_683 : f32 to vector<16xf32>
        %mul3A_1585 = arith.mulf %mul3A_1584, %get3A_1583 : vector<16xf32>
        %add3A_1586 = arith.addf %add3A_1576, %mul3A_1585 : vector<16xf32>
        %get3A_1587 = arith.constant 0 : i32
        %get3A_1588 = arith.constant 0 : i32
        %get3A_1589 = arith.index_cast %get3A_1587 : i32 to index
        %get3A_1590 = arith.index_cast %get3A_1588 : i32 to index
        %get3A_1591 = arith.index_cast %mul3A_1553 : i32 to index
        %get3A_1592 = tpu.vector_load %arg22[%get3A_1589, %get3A_1590, %get3A_1591] {strides = array<i32>} : memref<2x3x2048xf32, #tpu.memory_space<vmem>>, vector<1x1x16xf32>,
        %get3A_1593 = vector.shape_cast %get3A_1592 : vector<1x1x16xf32> to vector<16xf32>
        %mul3A_1594 = vector.broadcast %select_n3A : f32 to vector<16xf32>
        %mul3A_1595 = arith.mulf %mul3A_1594, %get3A_1593 : vector<16xf32>
        %add3A_1596 = arith.addf %add3A_1586, %mul3A_1595 : vector<16xf32>
        %get3A_1597 = arith.constant 0 : i32
        %get3A_1598 = arith.constant 1 : i32
        %get3A_1599 = arith.index_cast %get3A_1597 : i32 to index
        %get3A_1600 = arith.index_cast %get3A_1598 : i32 to index
        %get3A_1601 = arith.index_cast %mul3A_1553 : i32 to index
        %get3A_1602 = tpu.vector_load %arg22[%get3A_1599, %get3A_1600, %get3A_1601] {strides = array<i32>} : memref<2x3x2048xf32, #tpu.memory_space<vmem>>, vector<1x1x16xf32>,
        %get3A_1603 = vector.shape_cast %get3A_1602 : vector<1x1x16xf32> to vector<16xf32>
        %mul3A_1604 = vector.broadcast %select_n3A_570 : f32 to vector<16xf32>
        %mul3A_1605 = arith.mulf %mul3A_1604, %get3A_1603 : vector<16xf32>
        %add3A_1606 = arith.addf %add3A_1596, %mul3A_1605 : vector<16xf32>
        %get3A_1607 = arith.constant 0 : i32
        %get3A_1608 = arith.constant 2 : i32
        %get3A_1609 = arith.index_cast %get3A_1607 : i32 to index
        %get3A_1610 = arith.index_cast %get3A_1608 : i32 to index
        %get3A_1611 = arith.index_cast %mul3A_1553 : i32 to index
        %get3A_1612 = tpu.vector_load %arg22[%get3A_1609, %get3A_1610, %get3A_1611] {strides = array<i32>} : memref<2x3x2048xf32, #tpu.memory_space<vmem>>, vector<1x1x16xf32>,
        %get3A_1613 = vector.shape_cast %get3A_1612 : vector<1x1x16xf32> to vector<16xf32>
        %mul3A_1614 = vector.broadcast %select_n3A_689 : f32 to vector<16xf32>
        %mul3A_1615 = arith.mulf %mul3A_1614, %get3A_1613 : vector<16xf32>
        %add3A_1616 = arith.addf %add3A_1606, %mul3A_1615 : vector<16xf32>
        %get3A_1617 = arith.constant 0 : i32
        %get3A_1618 = arith.constant 0 : i32
        %get3A_1619 = arith.index_cast %get3A_1617 : i32 to index
        %get3A_1620 = arith.index_cast %get3A_1618 : i32 to index
        %get3A_1621 = arith.index_cast %mul3A_1553 : i32 to index
        %get3A_1622 = tpu.vector_load %arg23[%get3A_1619, %get3A_1620, %get3A_1621] {strides = array<i32>} : memref<2x3x2048xf32, #tpu.memory_space<vmem>>, vector<1x1x16xf32>,
        %get3A_1623 = vector.shape_cast %get3A_1622 : vector<1x1x16xf32> to vector<16xf32>
        %mul3A_1624 = vector.broadcast %select_n3A_456 : f32 to vector<16xf32>
        %mul3A_1625 = arith.mulf %mul3A_1624, %get3A_1623 : vector<16xf32>
        %add3A_1626 = arith.addf %add3A_1616, %mul3A_1625 : vector<16xf32>
        %get3A_1627 = arith.constant 0 : i32
        %get3A_1628 = arith.constant 1 : i32
        %get3A_1629 = arith.index_cast %get3A_1627 : i32 to index
        %get3A_1630 = arith.index_cast %get3A_1628 : i32 to index
        %get3A_1631 = arith.index_cast %mul3A_1553 : i32 to index
        %get3A_1632 = tpu.vector_load %arg23[%get3A_1629, %get3A_1630, %get3A_1631] {strides = array<i32>} : memref<2x3x2048xf32, #tpu.memory_space<vmem>>, vector<1x1x16xf32>,
        %get3A_1633 = vector.shape_cast %get3A_1632 : vector<1x1x16xf32> to vector<16xf32>
        %mul3A_1634 = vector.broadcast %select_n3A_575 : f32 to vector<16xf32>
        %mul3A_1635 = arith.mulf %mul3A_1634, %get3A_1633 : vector<16xf32>
        %add3A_1636 = arith.addf %add3A_1626, %mul3A_1635 : vector<16xf32>
        %get3A_1637 = arith.constant 0 : i32
        %get3A_1638 = arith.constant 2 : i32
        %get3A_1639 = arith.index_cast %get3A_1637 : i32 to index
        %get3A_1640 = arith.index_cast %get3A_1638 : i32 to index
        %get3A_1641 = arith.index_cast %mul3A_1553 : i32 to index
        %get3A_1642 = tpu.vector_load %arg23[%get3A_1639, %get3A_1640, %get3A_1641] {strides = array<i32>} : memref<2x3x2048xf32, #tpu.memory_space<vmem>>, vector<1x1x16xf32>,
        %get3A_1643 = vector.shape_cast %get3A_1642 : vector<1x1x16xf32> to vector<16xf32>
        %mul3A_1644 = vector.broadcast %select_n3A_694 : f32 to vector<16xf32>
        %mul3A_1645 = arith.mulf %mul3A_1644, %get3A_1643 : vector<16xf32>
        %add3A_1646 = arith.addf %add3A_1636, %mul3A_1645 : vector<16xf32>
        %swap3A_1647 = arith.constant 0 : i32
        %swap3A_1648 = arith.index_cast %swap3A_1647 : i32 to index
        %swap3A_1649 = arith.index_cast %mul3A_1553 : i32 to index
        %swap3A_1650 = tpu.vector_load %arg24[%swap3A_1648, %swap3A_1649] {strides = array<i32>} : memref<2x2048xf32, #tpu.memory_space<vmem>>, vector<1x16xf32>,
        %swap3A_1651 = vector.shape_cast %swap3A_1650 : vector<1x16xf32> to vector<16xf32>
        %swap3A_1652 = vector.shape_cast %add3A_1646 : vector<16xf32> to vector<1x16xf32>
        tpu.vector_store %arg24[%swap3A_1648, %swap3A_1649], %swap3A_1652 {strides = array<i32>} : memref<2x2048xf32, #tpu.memory_space<vmem>>, vector<1x16xf32>,
        %scan3A_1653 = arith.constant 0 : i32
        scf.yield %scan3A_1653 : i32
      }
      %scan3A_705 = arith.constant 128 : i32
      %mul3A_706 = arith.constant 2048 : i32
      %mul3A_707 = arith.muli %add3A_160, %mul3A_706 : i32
      %dma_start3A_708 = arith.constant 0 : i32
      %dma_start3A_709 = arith.constant 0 : i32
      %dma_start3A_710 = tpu.memref_slice %arg24[%dma_start3A_708, %dma_start3A_709] : memref<2x2048xf32, #tpu.memory_space<vmem>> -> memref<1x2048xf32, #tpu.memory_space<vmem>>
      %dma_start3A_711 = tpu.memref_squeeze %dma_start3A_710 : memref<1x2048xf32, #tpu.memory_space<vmem>> -> memref<2048xf32, #tpu.memory_space<vmem>>
      %dma_start3A_712 = tpu.memref_slice %arg14[%mul3A_707] : memref<4194304xf32, #tpu.memory_space<hbm>> -> memref<2048xf32, #tpu.memory_space<hbm>>
      %dma_start3A_713 = tpu.memref_slice %arg14[%mul3A_707] : memref<4194304xf32, #tpu.memory_space<hbm>> -> memref<2048xf32, #tpu.memory_space<hbm>>
      %dma_start3A_714 = arith.constant 0 : i32
      %dma_start3A_715 = tpu.memref_slice %arg24[%dma_start3A_708, %dma_start3A_714] : memref<2x2048xf32, #tpu.memory_space<vmem>> -> memref<1x2048xf32, #tpu.memory_space<vmem>>
      %dma_start3A_716 = tpu.memref_squeeze %dma_start3A_715 : memref<1x2048xf32, #tpu.memory_space<vmem>> -> memref<2048xf32, #tpu.memory_space<vmem>>
      tpu.enqueue_dma source(%dma_start3A_716 : memref<2048xf32, #tpu.memory_space<vmem>>) target(%dma_start3A_713 : memref<2048xf32, #tpu.memory_space<hbm>>) target_semaphore(%arg32 : memref<!tpu.dma_semaphore, #tpu.memory_space<semaphore_mem>>)
      %slice3A_717 = vector.extract_strided_slice %get3A_340 {offsets = [0], sizes = [1], strides = [1]} : vector<16xi32> to vector<1xi32>
      %squeeze3A_718 = vector.extract %slice3A_717[0] : i32 from vector<1xi32>
      %ne3A_719 = arith.constant 0.000000e+00 : f32
      %ne3A_720 = arith.cmpf one, %select_n3A, %ne3A_719 : f32
      %jit3A_721 = arith.constant 1.000000e+00 : f32
      %jit3A_722 = arith.constant 0.000000e+00 : f32
      %select_n3A_723 = arith.select %ne3A_720, %jit3A_721, %jit3A_722 : f32
      %ne3A_724 = arith.constant 0.000000e+00 : f32
      %ne3A_725 = arith.cmpf one, %select_n3A_456, %ne3A_724 : f32
      %jit3A_726 = arith.constant 1.000000e+00 : f32
      %jit3A_727 = arith.constant 0.000000e+00 : f32
      %select_n3A_728 = arith.select %ne3A_725, %jit3A_726, %jit3A_727 : f32
      %add3A_729 = arith.constant 0 : i32
      %add3A_730 = arith.addi %add3A_729, %squeeze3A_718 : i32
      %get3A_731 = arith.index_cast %add3A_730 : i32 to index
      %get3A_732 = tpu.vector_load %arg28[%get3A_731] {strides = array<i32>} : memref<24624xf32, #tpu.memory_space<vmem>>, vector<16xf32>,
      %get3A_733 = vector.shape_cast %get3A_732 : vector<16xf32> to vector<16xf32>
      %eq3A = arith.constant 0 : i32
      %eq3A_734 = vector.broadcast %eq3A : i32 to vector<16xi32>
      %eq3A_735 = arith.cmpi eq, %iota3A, %eq3A_734 : vector<16xi32>
      %max3A = arith.constant 1.000000e+00 : f32
      %max3A_736 = vector.broadcast %max3A : f32 to vector<16xf32>
      %max3A_737 = arith.maximumf %get3A_733, %max3A_736 : vector<16xf32>
      %select_n3A_738 = arith.select %eq3A_735, %max3A_737, %get3A_733 : vector<16xi1>, vector<16xf32>
      %swap3A_739 = arith.index_cast %add3A_730 : i32 to index
      %swap3A_740 = tpu.vector_load %arg28[%swap3A_739] {strides = array<i32>} : memref<24624xf32, #tpu.memory_space<vmem>>, vector<16xf32>,
      %swap3A_741 = vector.shape_cast %swap3A_740 : vector<16xf32> to vector<16xf32>
      %swap3A_742 = vector.shape_cast %select_n3A_738 : vector<16xf32> to vector<16xf32>
      tpu.vector_store %arg28[%swap3A_739], %swap3A_742 {strides = array<i32>} : memref<24624xf32, #tpu.memory_space<vmem>>, vector<16xf32>,
      %add3A_743 = arith.constant 8208 : i32
      %add3A_744 = arith.addi %add3A_743, %squeeze3A_718 : i32
      %get3A_745 = arith.index_cast %add3A_744 : i32 to index
      %get3A_746 = tpu.vector_load %arg28[%get3A_745] {strides = array<i32>} : memref<24624xf32, #tpu.memory_space<vmem>>, vector<16xf32>,
      %get3A_747 = vector.shape_cast %get3A_746 : vector<16xf32> to vector<16xf32>
      %eq3A_748 = arith.constant 0 : i32
      %eq3A_749 = vector.broadcast %eq3A_748 : i32 to vector<16xi32>
      %eq3A_750 = arith.cmpi eq, %iota3A, %eq3A_749 : vector<16xi32>
      %max3A_751 = vector.broadcast %select_n3A_723 : f32 to vector<16xf32>
      %max3A_752 = arith.maximumf %get3A_747, %max3A_751 : vector<16xf32>
      %select_n3A_753 = arith.select %eq3A_750, %max3A_752, %get3A_747 : vector<16xi1>, vector<16xf32>
      %swap3A_754 = arith.index_cast %add3A_744 : i32 to index
      %swap3A_755 = tpu.vector_load %arg28[%swap3A_754] {strides = array<i32>} : memref<24624xf32, #tpu.memory_space<vmem>>, vector<16xf32>,
      %swap3A_756 = vector.shape_cast %swap3A_755 : vector<16xf32> to vector<16xf32>
      %swap3A_757 = vector.shape_cast %select_n3A_753 : vector<16xf32> to vector<16xf32>
      tpu.vector_store %arg28[%swap3A_754], %swap3A_757 {strides = array<i32>} : memref<24624xf32, #tpu.memory_space<vmem>>, vector<16xf32>,
      %add3A_758 = arith.constant 16416 : i32
      %add3A_759 = arith.addi %add3A_758, %squeeze3A_718 : i32
      %get3A_760 = arith.index_cast %add3A_759 : i32 to index
      %get3A_761 = tpu.vector_load %arg28[%get3A_760] {strides = array<i32>} : memref<24624xf32, #tpu.memory_space<vmem>>, vector<16xf32>,
      %get3A_762 = vector.shape_cast %get3A_761 : vector<16xf32> to vector<16xf32>
      %eq3A_763 = arith.constant 0 : i32
      %eq3A_764 = vector.broadcast %eq3A_763 : i32 to vector<16xi32>
      %eq3A_765 = arith.cmpi eq, %iota3A, %eq3A_764 : vector<16xi32>
      %max3A_766 = vector.broadcast %select_n3A_728 : f32 to vector<16xf32>
      %max3A_767 = arith.maximumf %get3A_762, %max3A_766 : vector<16xf32>
      %select_n3A_768 = arith.select %eq3A_765, %max3A_767, %get3A_762 : vector<16xi1>, vector<16xf32>
      %swap3A_769 = arith.index_cast %add3A_759 : i32 to index
      %swap3A_770 = tpu.vector_load %arg28[%swap3A_769] {strides = array<i32>} : memref<24624xf32, #tpu.memory_space<vmem>>, vector<16xf32>,
      %swap3A_771 = vector.shape_cast %swap3A_770 : vector<16xf32> to vector<16xf32>
      %swap3A_772 = vector.shape_cast %select_n3A_768 : vector<16xf32> to vector<16xf32>
      tpu.vector_store %arg28[%swap3A_769], %swap3A_772 {strides = array<i32>} : memref<24624xf32, #tpu.memory_space<vmem>>, vector<16xf32>,
      %slice3A_773 = vector.extract_strided_slice %get3A_340 {offsets = [1], sizes = [1], strides = [1]} : vector<16xi32> to vector<1xi32>
      %squeeze3A_774 = vector.extract %slice3A_773[0] : i32 from vector<1xi32>
      %ne3A_775 = arith.constant 0.000000e+00 : f32
      %ne3A_776 = arith.cmpf one, %select_n3A_570, %ne3A_775 : f32
      %jit3A_777 = arith.constant 1.000000e+00 : f32
      %jit3A_778 = arith.constant 0.000000e+00 : f32
      %select_n3A_779 = arith.select %ne3A_776, %jit3A_777, %jit3A_778 : f32
      %ne3A_780 = arith.constant 0.000000e+00 : f32
      %ne3A_781 = arith.cmpf one, %select_n3A_575, %ne3A_780 : f32
      %jit3A_782 = arith.constant 1.000000e+00 : f32
      %jit3A_783 = arith.constant 0.000000e+00 : f32
      %select_n3A_784 = arith.select %ne3A_781, %jit3A_782, %jit3A_783 : f32
      %add3A_785 = arith.constant 0 : i32
      %add3A_786 = arith.addi %add3A_785, %squeeze3A_774 : i32
      %get3A_787 = arith.index_cast %add3A_786 : i32 to index
      %get3A_788 = tpu.vector_load %arg28[%get3A_787] {strides = array<i32>} : memref<24624xf32, #tpu.memory_space<vmem>>, vector<16xf32>,
      %get3A_789 = vector.shape_cast %get3A_788 : vector<16xf32> to vector<16xf32>
      %eq3A_790 = arith.constant 0 : i32
      %eq3A_791 = vector.broadcast %eq3A_790 : i32 to vector<16xi32>
      %eq3A_792 = arith.cmpi eq, %iota3A, %eq3A_791 : vector<16xi32>
      %max3A_793 = arith.constant 1.000000e+00 : f32
      %max3A_794 = vector.broadcast %max3A_793 : f32 to vector<16xf32>
      %max3A_795 = arith.maximumf %get3A_789, %max3A_794 : vector<16xf32>
      %select_n3A_796 = arith.select %eq3A_792, %max3A_795, %get3A_789 : vector<16xi1>, vector<16xf32>
      %swap3A_797 = arith.index_cast %add3A_786 : i32 to index
      %swap3A_798 = tpu.vector_load %arg28[%swap3A_797] {strides = array<i32>} : memref<24624xf32, #tpu.memory_space<vmem>>, vector<16xf32>,
      %swap3A_799 = vector.shape_cast %swap3A_798 : vector<16xf32> to vector<16xf32>
      %swap3A_800 = vector.shape_cast %select_n3A_796 : vector<16xf32> to vector<16xf32>
      tpu.vector_store %arg28[%swap3A_797], %swap3A_800 {strides = array<i32>} : memref<24624xf32, #tpu.memory_space<vmem>>, vector<16xf32>,
      %add3A_801 = arith.constant 8208 : i32
      %add3A_802 = arith.addi %add3A_801, %squeeze3A_774 : i32
      %get3A_803 = arith.index_cast %add3A_802 : i32 to index
      %get3A_804 = tpu.vector_load %arg28[%get3A_803] {strides = array<i32>} : memref<24624xf32, #tpu.memory_space<vmem>>, vector<16xf32>,
      %get3A_805 = vector.shape_cast %get3A_804 : vector<16xf32> to vector<16xf32>
      %eq3A_806 = arith.constant 0 : i32
      %eq3A_807 = vector.broadcast %eq3A_806 : i32 to vector<16xi32>
      %eq3A_808 = arith.cmpi eq, %iota3A, %eq3A_807 : vector<16xi32>
      %max3A_809 = vector.broadcast %select_n3A_779 : f32 to vector<16xf32>
      %max3A_810 = arith.maximumf %get3A_805, %max3A_809 : vector<16xf32>
      %select_n3A_811 = arith.select %eq3A_808, %max3A_810, %get3A_805 : vector<16xi1>, vector<16xf32>
      %swap3A_812 = arith.index_cast %add3A_802 : i32 to index
      %swap3A_813 = tpu.vector_load %arg28[%swap3A_812] {strides = array<i32>} : memref<24624xf32, #tpu.memory_space<vmem>>, vector<16xf32>,
      %swap3A_814 = vector.shape_cast %swap3A_813 : vector<16xf32> to vector<16xf32>
      %swap3A_815 = vector.shape_cast %select_n3A_811 : vector<16xf32> to vector<16xf32>
      tpu.vector_store %arg28[%swap3A_812], %swap3A_815 {strides = array<i32>} : memref<24624xf32, #tpu.memory_space<vmem>>, vector<16xf32>,
      %add3A_816 = arith.constant 16416 : i32
      %add3A_817 = arith.addi %add3A_816, %squeeze3A_774 : i32
      %get3A_818 = arith.index_cast %add3A_817 : i32 to index
      %get3A_819 = tpu.vector_load %arg28[%get3A_818] {strides = array<i32>} : memref<24624xf32, #tpu.memory_space<vmem>>, vector<16xf32>,
      %get3A_820 = vector.shape_cast %get3A_819 : vector<16xf32> to vector<16xf32>
      %eq3A_821 = arith.constant 0 : i32
      %eq3A_822 = vector.broadcast %eq3A_821 : i32 to vector<16xi32>
      %eq3A_823 = arith.cmpi eq, %iota3A, %eq3A_822 : vector<16xi32>
      %max3A_824 = vector.broadcast %select_n3A_784 : f32 to vector<16xf32>
      %max3A_825 = arith.maximumf %get3A_820, %max3A_824 : vector<16xf32>
      %select_n3A_826 = arith.select %eq3A_823, %max3A_825, %get3A_820 : vector<16xi1>, vector<16xf32>
      %swap3A_827 = arith.index_cast %add3A_817 : i32 to index
      %swap3A_828 = tpu.vector_load %arg28[%swap3A_827] {strides = array<i32>} : memref<24624xf32, #tpu.memory_space<vmem>>, vector<16xf32>,
      %swap3A_829 = vector.shape_cast %swap3A_828 : vector<16xf32> to vector<16xf32>
      %swap3A_830 = vector.shape_cast %select_n3A_826 : vector<16xf32> to vector<16xf32>
      tpu.vector_store %arg28[%swap3A_827], %swap3A_830 {strides = array<i32>} : memref<24624xf32, #tpu.memory_space<vmem>>, vector<16xf32>,
      %slice3A_831 = vector.extract_strided_slice %get3A_340 {offsets = [2], sizes = [1], strides = [1]} : vector<16xi32> to vector<1xi32>
      %squeeze3A_832 = vector.extract %slice3A_831[0] : i32 from vector<1xi32>
      %ne3A_833 = arith.constant 0.000000e+00 : f32
      %ne3A_834 = arith.cmpf one, %select_n3A_689, %ne3A_833 : f32
      %jit3A_835 = arith.constant 1.000000e+00 : f32
      %jit3A_836 = arith.constant 0.000000e+00 : f32
      %select_n3A_837 = arith.select %ne3A_834, %jit3A_835, %jit3A_836 : f32
      %ne3A_838 = arith.constant 0.000000e+00 : f32
      %ne3A_839 = arith.cmpf one, %select_n3A_694, %ne3A_838 : f32
      %jit3A_840 = arith.constant 1.000000e+00 : f32
      %jit3A_841 = arith.constant 0.000000e+00 : f32
      %select_n3A_842 = arith.select %ne3A_839, %jit3A_840, %jit3A_841 : f32
      %add3A_843 = arith.constant 0 : i32
      %add3A_844 = arith.addi %add3A_843, %squeeze3A_832 : i32
      %get3A_845 = arith.index_cast %add3A_844 : i32 to index
      %get3A_846 = tpu.vector_load %arg28[%get3A_845] {strides = array<i32>} : memref<24624xf32, #tpu.memory_space<vmem>>, vector<16xf32>,
      %get3A_847 = vector.shape_cast %get3A_846 : vector<16xf32> to vector<16xf32>
      %eq3A_848 = arith.constant 0 : i32
      %eq3A_849 = vector.broadcast %eq3A_848 : i32 to vector<16xi32>
      %eq3A_850 = arith.cmpi eq, %iota3A, %eq3A_849 : vector<16xi32>
      %max3A_851 = arith.constant 1.000000e+00 : f32
      %max3A_852 = vector.broadcast %max3A_851 : f32 to vector<16xf32>
      %max3A_853 = arith.maximumf %get3A_847, %max3A_852 : vector<16xf32>
      %select_n3A_854 = arith.select %eq3A_850, %max3A_853, %get3A_847 : vector<16xi1>, vector<16xf32>
      %swap3A_855 = arith.index_cast %add3A_844 : i32 to index
      %swap3A_856 = tpu.vector_load %arg28[%swap3A_855] {strides = array<i32>} : memref<24624xf32, #tpu.memory_space<vmem>>, vector<16xf32>,
      %swap3A_857 = vector.shape_cast %swap3A_856 : vector<16xf32> to vector<16xf32>
      %swap3A_858 = vector.shape_cast %select_n3A_854 : vector<16xf32> to vector<16xf32>
      tpu.vector_store %arg28[%swap3A_855], %swap3A_858 {strides = array<i32>} : memref<24624xf32, #tpu.memory_space<vmem>>, vector<16xf32>,
      %add3A_859 = arith.constant 8208 : i32
      %add3A_860 = arith.addi %add3A_859, %squeeze3A_832 : i32
      %get3A_861 = arith.index_cast %add3A_860 : i32 to index
      %get3A_862 = tpu.vector_load %arg28[%get3A_861] {strides = array<i32>} : memref<24624xf32, #tpu.memory_space<vmem>>, vector<16xf32>,
      %get3A_863 = vector.shape_cast %get3A_862 : vector<16xf32> to vector<16xf32>
      %eq3A_864 = arith.constant 0 : i32
      %eq3A_865 = vector.broadcast %eq3A_864 : i32 to vector<16xi32>
      %eq3A_866 = arith.cmpi eq, %iota3A, %eq3A_865 : vector<16xi32>
      %max3A_867 = vector.broadcast %select_n3A_837 : f32 to vector<16xf32>
      %max3A_868 = arith.maximumf %get3A_863, %max3A_867 : vector<16xf32>
      %select_n3A_869 = arith.select %eq3A_866, %max3A_868, %get3A_863 : vector<16xi1>, vector<16xf32>
      %swap3A_870 = arith.index_cast %add3A_860 : i32 to index
      %swap3A_871 = tpu.vector_load %arg28[%swap3A_870] {strides = array<i32>} : memref<24624xf32, #tpu.memory_space<vmem>>, vector<16xf32>,
      %swap3A_872 = vector.shape_cast %swap3A_871 : vector<16xf32> to vector<16xf32>
      %swap3A_873 = vector.shape_cast %select_n3A_869 : vector<16xf32> to vector<16xf32>
      tpu.vector_store %arg28[%swap3A_870], %swap3A_873 {strides = array<i32>} : memref<24624xf32, #tpu.memory_space<vmem>>, vector<16xf32>,
      %add3A_874 = arith.constant 16416 : i32
      %add3A_875 = arith.addi %add3A_874, %squeeze3A_832 : i32
      %get3A_876 = arith.index_cast %add3A_875 : i32 to index
      %get3A_877 = tpu.vector_load %arg28[%get3A_876] {strides = array<i32>} : memref<24624xf32, #tpu.memory_space<vmem>>, vector<16xf32>,
      %get3A_878 = vector.shape_cast %get3A_877 : vector<16xf32> to vector<16xf32>
      %eq3A_879 = arith.constant 0 : i32
      %eq3A_880 = vector.broadcast %eq3A_879 : i32 to vector<16xi32>
      %eq3A_881 = arith.cmpi eq, %iota3A, %eq3A_880 : vector<16xi32>
      %max3A_882 = vector.broadcast %select_n3A_842 : f32 to vector<16xf32>
      %max3A_883 = arith.maximumf %get3A_878, %max3A_882 : vector<16xf32>
      %select_n3A_884 = arith.select %eq3A_881, %max3A_883, %get3A_878 : vector<16xi1>, vector<16xf32>
      %swap3A_885 = arith.index_cast %add3A_875 : i32 to index
      %swap3A_886 = tpu.vector_load %arg28[%swap3A_885] {strides = array<i32>} : memref<24624xf32, #tpu.memory_space<vmem>>, vector<16xf32>,
      %swap3A_887 = vector.shape_cast %swap3A_886 : vector<16xf32> to vector<16xf32>
      %swap3A_888 = vector.shape_cast %select_n3A_884 : vector<16xf32> to vector<16xf32>
      tpu.vector_store %arg28[%swap3A_885], %swap3A_888 {strides = array<i32>} : memref<24624xf32, #tpu.memory_space<vmem>>, vector<16xf32>,
      %mul3A_889 = arith.constant 2 : i32
      %mul3A_890 = arith.muli %scan3A_154, %mul3A_889 : i32
      %add3A_891 = arith.constant 1 : i32
      %add3A_892 = arith.addi %mul3A_890, %add3A_891 : i32
      %add3A_893 = arith.addi %mul3A_2, %add3A_892 : i32
      %lt3A_894 = arith.constant 31 : i32
      %lt3A_895 = arith.cmpi slt, %scan3A_154, %lt3A_894 : i32
      %convert_element_type3A_896 = arith.extui %lt3A_895 : i1 to i32
      %cond3A_897 = arith.constant 0 : i32
      %cond3A_898 = arith.cmpi ne, %convert_element_type3A_896, %cond3A_897 : i32
      scf.if %cond3A_898 {
        %dma_wait3A_1550 = arith.constant 0 : i32
        %dma_wait3A_1551 = arith.constant 0 : i32
        %dma_wait3A_1552 = tpu.memref_slice %arg16[%dma_wait3A_1550, %dma_wait3A_1551] : memref<2x2048xf32, #tpu.memory_space<vmem>> -> memref<1x2048xf32, #tpu.memory_space<vmem>>
        %dma_wait3A_1553 = tpu.memref_squeeze %dma_wait3A_1552 : memref<1x2048xf32, #tpu.memory_space<vmem>> -> memref<2048xf32, #tpu.memory_space<vmem>>
        %dma_wait3A_1554 = arith.constant 0 : i32
        %dma_wait3A_1555 = tpu.memref_slice %arg2[%dma_wait3A_1554] : memref<4194304xf32, #tpu.memory_space<hbm>> -> memref<2048xf32, #tpu.memory_space<hbm>>
        %dma_wait3A_1556 = arith.constant 0 : i32
        %dma_wait3A_1557 = tpu.memref_slice %arg16[%dma_wait3A_1550, %dma_wait3A_1556] : memref<2x2048xf32, #tpu.memory_space<vmem>> -> memref<1x2048xf32, #tpu.memory_space<vmem>>
        %dma_wait3A_1558 = tpu.memref_squeeze %dma_wait3A_1557 : memref<1x2048xf32, #tpu.memory_space<vmem>> -> memref<2048xf32, #tpu.memory_space<vmem>>
        %dma_wait3A_1559 = arith.constant 0 : i32
        %dma_wait3A_1560 = tpu.memref_slice %arg2[%dma_wait3A_1559] : memref<4194304xf32, #tpu.memory_space<hbm>> -> memref<2048xf32, #tpu.memory_space<hbm>>
        tpu.wait_dma2 semaphore(%arg31 : memref<!tpu.dma_semaphore, #tpu.memory_space<semaphore_mem>>) src(%dma_wait3A_1560 : memref<2048xf32, #tpu.memory_space<hbm>>) dst(%dma_wait3A_1558 : memref<2048xf32, #tpu.memory_space<vmem>>)
        %dma_wait3A_1561 = arith.constant 0 : i32
        %dma_wait3A_1562 = arith.constant 0 : i32
        %dma_wait3A_1563 = tpu.memref_slice %arg17[%dma_wait3A_1561, %dma_wait3A_1562] : memref<2x16xi32, #tpu.memory_space<vmem>> -> memref<1x16xi32, #tpu.memory_space<vmem>>
        %dma_wait3A_1564 = tpu.memref_squeeze %dma_wait3A_1563 : memref<1x16xi32, #tpu.memory_space<vmem>> -> memref<16xi32, #tpu.memory_space<vmem>>
        %dma_wait3A_1565 = arith.constant 0 : i32
        %dma_wait3A_1566 = tpu.memref_slice %arg3[%dma_wait3A_1565] : memref<32768xi32, #tpu.memory_space<hbm>> -> memref<16xi32, #tpu.memory_space<hbm>>
        %dma_wait3A_1567 = arith.constant 0 : i32
        %dma_wait3A_1568 = tpu.memref_slice %arg17[%dma_wait3A_1561, %dma_wait3A_1567] : memref<2x16xi32, #tpu.memory_space<vmem>> -> memref<1x16xi32, #tpu.memory_space<vmem>>
        %dma_wait3A_1569 = tpu.memref_squeeze %dma_wait3A_1568 : memref<1x16xi32, #tpu.memory_space<vmem>> -> memref<16xi32, #tpu.memory_space<vmem>>
        %dma_wait3A_1570 = arith.constant 0 : i32
        %dma_wait3A_1571 = tpu.memref_slice %arg3[%dma_wait3A_1570] : memref<32768xi32, #tpu.memory_space<hbm>> -> memref<16xi32, #tpu.memory_space<hbm>>
        tpu.wait_dma2 semaphore(%arg31 : memref<!tpu.dma_semaphore, #tpu.memory_space<semaphore_mem>>) src(%dma_wait3A_1571 : memref<16xi32, #tpu.memory_space<hbm>>) dst(%dma_wait3A_1569 : memref<16xi32, #tpu.memory_space<vmem>>)
        %dma_wait3A_1572 = arith.constant 0 : i32
        %dma_wait3A_1573 = arith.constant 0 : i32
        %dma_wait3A_1574 = tpu.memref_slice %arg18[%dma_wait3A_1572, %dma_wait3A_1573] : memref<2x16xf32, #tpu.memory_space<vmem>> -> memref<1x16xf32, #tpu.memory_space<vmem>>
        %dma_wait3A_1575 = tpu.memref_squeeze %dma_wait3A_1574 : memref<1x16xf32, #tpu.memory_space<vmem>> -> memref<16xf32, #tpu.memory_space<vmem>>
        %dma_wait3A_1576 = arith.constant 0 : i32
        %dma_wait3A_1577 = tpu.memref_slice %arg4[%dma_wait3A_1576] : memref<32768xf32, #tpu.memory_space<hbm>> -> memref<16xf32, #tpu.memory_space<hbm>>
        %dma_wait3A_1578 = arith.constant 0 : i32
        %dma_wait3A_1579 = tpu.memref_slice %arg18[%dma_wait3A_1572, %dma_wait3A_1578] : memref<2x16xf32, #tpu.memory_space<vmem>> -> memref<1x16xf32, #tpu.memory_space<vmem>>
        %dma_wait3A_1580 = tpu.memref_squeeze %dma_wait3A_1579 : memref<1x16xf32, #tpu.memory_space<vmem>> -> memref<16xf32, #tpu.memory_space<vmem>>
        %dma_wait3A_1581 = arith.constant 0 : i32
        %dma_wait3A_1582 = tpu.memref_slice %arg4[%dma_wait3A_1581] : memref<32768xf32, #tpu.memory_space<hbm>> -> memref<16xf32, #tpu.memory_space<hbm>>
        tpu.wait_dma2 semaphore(%arg31 : memref<!tpu.dma_semaphore, #tpu.memory_space<semaphore_mem>>) src(%dma_wait3A_1582 : memref<16xf32, #tpu.memory_space<hbm>>) dst(%dma_wait3A_1580 : memref<16xf32, #tpu.memory_space<vmem>>)
        %dma_start3A_1583 = arith.constant 0 : i32
        %dma_start3A_1584 = arith.constant 0 : i32
        %dma_start3A_1585 = arith.constant 0 : i32
        %dma_start3A_1586 = arith.constant 0 : i32
        %dma_start3A_1587 = tpu.memref_slice %arg19[%dma_start3A_1584, %dma_start3A_1585, %dma_start3A_1586] : memref<2x3x2048xf32, #tpu.memory_space<vmem>> -> memref<1x3x2048xf32, #tpu.memory_space<vmem>>
        %dma_start3A_1588 = tpu.memref_squeeze %dma_start3A_1587 : memref<1x3x2048xf32, #tpu.memory_space<vmem>> -> memref<3x2048xf32, #tpu.memory_space<vmem>>
        %dma_start3A_1589 = arith.constant 0 : i32
        %dma_start3A_1590 = tpu.memref_slice %arg17[%dma_start3A_1583, %dma_start3A_1589] : memref<2x16xi32, #tpu.memory_space<vmem>> -> memref<1x3xi32, #tpu.memory_space<vmem>>
        %dma_start3A_1591 = tpu.memref_squeeze %dma_start3A_1590 : memref<1x3xi32, #tpu.memory_space<vmem>> -> memref<3xi32, #tpu.memory_space<vmem>>
        %dma_start3A_1592 = arith.constant 0 : i32
        %dma_start3A_1593 = arith.constant 0 : i32
        %dma_start3A_1594 = tpu.memref_slice %arg5[%dma_start3A_1592, %dma_start3A_1593] : memref<8192x2048xf32, #tpu.memory_space<hbm>> -> memref<8192x2048xf32, #tpu.memory_space<hbm>>
        tpu.enqueue_indirect_dma source(%dma_start3A_1594 : memref<8192x2048xf32, #tpu.memory_space<hbm>>) target(%dma_start3A_1588 : memref<3x2048xf32, #tpu.memory_space<vmem>>) offsets(%dma_start3A_1591 : memref<3xi32, #tpu.memory_space<vmem>>) semaphore(%arg30 : memref<!tpu.dma_semaphore, #tpu.memory_space<semaphore_mem>>)
        %dma_start3A_1595 = arith.constant 0 : i32
        %dma_start3A_1596 = arith.constant 0 : i32
        %dma_start3A_1597 = arith.constant 0 : i32
        %dma_start3A_1598 = arith.constant 0 : i32
        %dma_start3A_1599 = tpu.memref_slice %arg20[%dma_start3A_1596, %dma_start3A_1597, %dma_start3A_1598] : memref<2x3x2048xf32, #tpu.memory_space<vmem>> -> memref<1x3x2048xf32, #tpu.memory_space<vmem>>
        %dma_start3A_1600 = tpu.memref_squeeze %dma_start3A_1599 : memref<1x3x2048xf32, #tpu.memory_space<vmem>> -> memref<3x2048xf32, #tpu.memory_space<vmem>>
        %dma_start3A_1601 = arith.constant 0 : i32
        %dma_start3A_1602 = tpu.memref_slice %arg17[%dma_start3A_1595, %dma_start3A_1601] : memref<2x16xi32, #tpu.memory_space<vmem>> -> memref<1x3xi32, #tpu.memory_space<vmem>>
        %dma_start3A_1603 = tpu.memref_squeeze %dma_start3A_1602 : memref<1x3xi32, #tpu.memory_space<vmem>> -> memref<3xi32, #tpu.memory_space<vmem>>
        %dma_start3A_1604 = arith.constant 0 : i32
        %dma_start3A_1605 = arith.constant 0 : i32
        %dma_start3A_1606 = tpu.memref_slice %arg6[%dma_start3A_1604, %dma_start3A_1605] : memref<8192x2048xf32, #tpu.memory_space<hbm>> -> memref<8192x2048xf32, #tpu.memory_space<hbm>>
        tpu.enqueue_indirect_dma source(%dma_start3A_1606 : memref<8192x2048xf32, #tpu.memory_space<hbm>>) target(%dma_start3A_1600 : memref<3x2048xf32, #tpu.memory_space<vmem>>) offsets(%dma_start3A_1603 : memref<3xi32, #tpu.memory_space<vmem>>) semaphore(%arg30 : memref<!tpu.dma_semaphore, #tpu.memory_space<semaphore_mem>>)
        %dma_start3A_1607 = arith.constant 0 : i32
        %dma_start3A_1608 = arith.constant 0 : i32
        %dma_start3A_1609 = arith.constant 0 : i32
        %dma_start3A_1610 = arith.constant 0 : i32
        %dma_start3A_1611 = tpu.memref_slice %arg21[%dma_start3A_1608, %dma_start3A_1609, %dma_start3A_1610] : memref<2x3x2048xf32, #tpu.memory_space<vmem>> -> memref<1x3x2048xf32, #tpu.memory_space<vmem>>
        %dma_start3A_1612 = tpu.memref_squeeze %dma_start3A_1611 : memref<1x3x2048xf32, #tpu.memory_space<vmem>> -> memref<3x2048xf32, #tpu.memory_space<vmem>>
        %dma_start3A_1613 = arith.constant 0 : i32
        %dma_start3A_1614 = tpu.memref_slice %arg17[%dma_start3A_1607, %dma_start3A_1613] : memref<2x16xi32, #tpu.memory_space<vmem>> -> memref<1x3xi32, #tpu.memory_space<vmem>>
        %dma_start3A_1615 = tpu.memref_squeeze %dma_start3A_1614 : memref<1x3xi32, #tpu.memory_space<vmem>> -> memref<3xi32, #tpu.memory_space<vmem>>
        %dma_start3A_1616 = arith.constant 0 : i32
        %dma_start3A_1617 = arith.constant 0 : i32
        %dma_start3A_1618 = tpu.memref_slice %arg7[%dma_start3A_1616, %dma_start3A_1617] : memref<8192x2048xf32, #tpu.memory_space<hbm>> -> memref<8192x2048xf32, #tpu.memory_space<hbm>>
        tpu.enqueue_indirect_dma source(%dma_start3A_1618 : memref<8192x2048xf32, #tpu.memory_space<hbm>>) target(%dma_start3A_1612 : memref<3x2048xf32, #tpu.memory_space<vmem>>) offsets(%dma_start3A_1615 : memref<3xi32, #tpu.memory_space<vmem>>) semaphore(%arg30 : memref<!tpu.dma_semaphore, #tpu.memory_space<semaphore_mem>>)
        %dma_start3A_1619 = arith.constant 0 : i32
        %dma_start3A_1620 = arith.constant 0 : i32
        %dma_start3A_1621 = arith.constant 0 : i32
        %dma_start3A_1622 = arith.constant 0 : i32
        %dma_start3A_1623 = tpu.memref_slice %arg22[%dma_start3A_1620, %dma_start3A_1621, %dma_start3A_1622] : memref<2x3x2048xf32, #tpu.memory_space<vmem>> -> memref<1x3x2048xf32, #tpu.memory_space<vmem>>
        %dma_start3A_1624 = tpu.memref_squeeze %dma_start3A_1623 : memref<1x3x2048xf32, #tpu.memory_space<vmem>> -> memref<3x2048xf32, #tpu.memory_space<vmem>>
        %dma_start3A_1625 = arith.constant 0 : i32
        %dma_start3A_1626 = tpu.memref_slice %arg17[%dma_start3A_1619, %dma_start3A_1625] : memref<2x16xi32, #tpu.memory_space<vmem>> -> memref<1x3xi32, #tpu.memory_space<vmem>>
        %dma_start3A_1627 = tpu.memref_squeeze %dma_start3A_1626 : memref<1x3xi32, #tpu.memory_space<vmem>> -> memref<3xi32, #tpu.memory_space<vmem>>
        %dma_start3A_1628 = arith.constant 0 : i32
        %dma_start3A_1629 = arith.constant 0 : i32
        %dma_start3A_1630 = tpu.memref_slice %arg8[%dma_start3A_1628, %dma_start3A_1629] : memref<8192x2048xf32, #tpu.memory_space<hbm>> -> memref<8192x2048xf32, #tpu.memory_space<hbm>>
        tpu.enqueue_indirect_dma source(%dma_start3A_1630 : memref<8192x2048xf32, #tpu.memory_space<hbm>>) target(%dma_start3A_1624 : memref<3x2048xf32, #tpu.memory_space<vmem>>) offsets(%dma_start3A_1627 : memref<3xi32, #tpu.memory_space<vmem>>) semaphore(%arg30 : memref<!tpu.dma_semaphore, #tpu.memory_space<semaphore_mem>>)
        %dma_start3A_1631 = arith.constant 0 : i32
        %dma_start3A_1632 = arith.constant 0 : i32
        %dma_start3A_1633 = arith.constant 0 : i32
        %dma_start3A_1634 = arith.constant 0 : i32
        %dma_start3A_1635 = tpu.memref_slice %arg23[%dma_start3A_1632, %dma_start3A_1633, %dma_start3A_1634] : memref<2x3x2048xf32, #tpu.memory_space<vmem>> -> memref<1x3x2048xf32, #tpu.memory_space<vmem>>
        %dma_start3A_1636 = tpu.memref_squeeze %dma_start3A_1635 : memref<1x3x2048xf32, #tpu.memory_space<vmem>> -> memref<3x2048xf32, #tpu.memory_space<vmem>>
        %dma_start3A_1637 = arith.constant 0 : i32
        %dma_start3A_1638 = tpu.memref_slice %arg17[%dma_start3A_1631, %dma_start3A_1637] : memref<2x16xi32, #tpu.memory_space<vmem>> -> memref<1x3xi32, #tpu.memory_space<vmem>>
        %dma_start3A_1639 = tpu.memref_squeeze %dma_start3A_1638 : memref<1x3xi32, #tpu.memory_space<vmem>> -> memref<3xi32, #tpu.memory_space<vmem>>
        %dma_start3A_1640 = arith.constant 0 : i32
        %dma_start3A_1641 = arith.constant 0 : i32
        %dma_start3A_1642 = tpu.memref_slice %arg9[%dma_start3A_1640, %dma_start3A_1641] : memref<8192x2048xf32, #tpu.memory_space<hbm>> -> memref<8192x2048xf32, #tpu.memory_space<hbm>>
        tpu.enqueue_indirect_dma source(%dma_start3A_1642 : memref<8192x2048xf32, #tpu.memory_space<hbm>>) target(%dma_start3A_1636 : memref<3x2048xf32, #tpu.memory_space<vmem>>) offsets(%dma_start3A_1639 : memref<3xi32, #tpu.memory_space<vmem>>) semaphore(%arg30 : memref<!tpu.dma_semaphore, #tpu.memory_space<semaphore_mem>>)
      } else {
      }
      %dma_wait3A_899 = arith.constant 1 : i32
      %dma_wait3A_900 = arith.constant 0 : i32
      %dma_wait3A_901 = arith.constant 0 : i32
      %dma_wait3A_902 = tpu.memref_slice %arg19[%dma_wait3A_899, %dma_wait3A_900, %dma_wait3A_901] : memref<2x3x2048xf32, #tpu.memory_space<vmem>> -> memref<1x3x2048xf32, #tpu.memory_space<vmem>>
      %dma_wait3A_903 = tpu.memref_squeeze %dma_wait3A_902 : memref<1x3x2048xf32, #tpu.memory_space<vmem>> -> memref<3x2048xf32, #tpu.memory_space<vmem>>
      %dma_wait3A_904 = arith.constant 0 : i32
      %dma_wait3A_905 = arith.constant 0 : i32
      %dma_wait3A_906 = tpu.memref_slice %arg5[%dma_wait3A_904, %dma_wait3A_905] : memref<8192x2048xf32, #tpu.memory_space<hbm>> -> memref<3x2048xf32, #tpu.memory_space<hbm>>
      %dma_wait3A_907 = arith.constant 0 : i32
      %dma_wait3A_908 = arith.constant 0 : i32
      %dma_wait3A_909 = tpu.memref_slice %arg19[%dma_wait3A_899, %dma_wait3A_907, %dma_wait3A_908] : memref<2x3x2048xf32, #tpu.memory_space<vmem>> -> memref<1x3x2048xf32, #tpu.memory_space<vmem>>
      %dma_wait3A_910 = tpu.memref_squeeze %dma_wait3A_909 : memref<1x3x2048xf32, #tpu.memory_space<vmem>> -> memref<3x2048xf32, #tpu.memory_space<vmem>>
      %dma_wait3A_911 = arith.constant 0 : i32
      %dma_wait3A_912 = arith.constant 0 : i32
      %dma_wait3A_913 = tpu.memref_slice %arg5[%dma_wait3A_911, %dma_wait3A_912] : memref<8192x2048xf32, #tpu.memory_space<hbm>> -> memref<3x2048xf32, #tpu.memory_space<hbm>>
      tpu.wait_dma2 semaphore(%arg30 : memref<!tpu.dma_semaphore, #tpu.memory_space<semaphore_mem>>) src(%dma_wait3A_913 : memref<3x2048xf32, #tpu.memory_space<hbm>>) dst(%dma_wait3A_910 : memref<3x2048xf32, #tpu.memory_space<vmem>>)
      %dma_wait3A_914 = arith.constant 1 : i32
      %dma_wait3A_915 = arith.constant 0 : i32
      %dma_wait3A_916 = arith.constant 0 : i32
      %dma_wait3A_917 = tpu.memref_slice %arg20[%dma_wait3A_914, %dma_wait3A_915, %dma_wait3A_916] : memref<2x3x2048xf32, #tpu.memory_space<vmem>> -> memref<1x3x2048xf32, #tpu.memory_space<vmem>>
      %dma_wait3A_918 = tpu.memref_squeeze %dma_wait3A_917 : memref<1x3x2048xf32, #tpu.memory_space<vmem>> -> memref<3x2048xf32, #tpu.memory_space<vmem>>
      %dma_wait3A_919 = arith.constant 0 : i32
      %dma_wait3A_920 = arith.constant 0 : i32
      %dma_wait3A_921 = tpu.memref_slice %arg6[%dma_wait3A_919, %dma_wait3A_920] : memref<8192x2048xf32, #tpu.memory_space<hbm>> -> memref<3x2048xf32, #tpu.memory_space<hbm>>
      %dma_wait3A_922 = arith.constant 0 : i32
      %dma_wait3A_923 = arith.constant 0 : i32
      %dma_wait3A_924 = tpu.memref_slice %arg20[%dma_wait3A_914, %dma_wait3A_922, %dma_wait3A_923] : memref<2x3x2048xf32, #tpu.memory_space<vmem>> -> memref<1x3x2048xf32, #tpu.memory_space<vmem>>
      %dma_wait3A_925 = tpu.memref_squeeze %dma_wait3A_924 : memref<1x3x2048xf32, #tpu.memory_space<vmem>> -> memref<3x2048xf32, #tpu.memory_space<vmem>>
      %dma_wait3A_926 = arith.constant 0 : i32
      %dma_wait3A_927 = arith.constant 0 : i32
      %dma_wait3A_928 = tpu.memref_slice %arg6[%dma_wait3A_926, %dma_wait3A_927] : memref<8192x2048xf32, #tpu.memory_space<hbm>> -> memref<3x2048xf32, #tpu.memory_space<hbm>>
      tpu.wait_dma2 semaphore(%arg30 : memref<!tpu.dma_semaphore, #tpu.memory_space<semaphore_mem>>) src(%dma_wait3A_928 : memref<3x2048xf32, #tpu.memory_space<hbm>>) dst(%dma_wait3A_925 : memref<3x2048xf32, #tpu.memory_space<vmem>>)
      %dma_wait3A_929 = arith.constant 1 : i32
      %dma_wait3A_930 = arith.constant 0 : i32
      %dma_wait3A_931 = arith.constant 0 : i32
      %dma_wait3A_932 = tpu.memref_slice %arg21[%dma_wait3A_929, %dma_wait3A_930, %dma_wait3A_931] : memref<2x3x2048xf32, #tpu.memory_space<vmem>> -> memref<1x3x2048xf32, #tpu.memory_space<vmem>>
      %dma_wait3A_933 = tpu.memref_squeeze %dma_wait3A_932 : memref<1x3x2048xf32, #tpu.memory_space<vmem>> -> memref<3x2048xf32, #tpu.memory_space<vmem>>
      %dma_wait3A_934 = arith.constant 0 : i32
      %dma_wait3A_935 = arith.constant 0 : i32
      %dma_wait3A_936 = tpu.memref_slice %arg7[%dma_wait3A_934, %dma_wait3A_935] : memref<8192x2048xf32, #tpu.memory_space<hbm>> -> memref<3x2048xf32, #tpu.memory_space<hbm>>
      %dma_wait3A_937 = arith.constant 0 : i32
      %dma_wait3A_938 = arith.constant 0 : i32
      %dma_wait3A_939 = tpu.memref_slice %arg21[%dma_wait3A_929, %dma_wait3A_937, %dma_wait3A_938] : memref<2x3x2048xf32, #tpu.memory_space<vmem>> -> memref<1x3x2048xf32, #tpu.memory_space<vmem>>
      %dma_wait3A_940 = tpu.memref_squeeze %dma_wait3A_939 : memref<1x3x2048xf32, #tpu.memory_space<vmem>> -> memref<3x2048xf32, #tpu.memory_space<vmem>>
      %dma_wait3A_941 = arith.constant 0 : i32
      %dma_wait3A_942 = arith.constant 0 : i32
      %dma_wait3A_943 = tpu.memref_slice %arg7[%dma_wait3A_941, %dma_wait3A_942] : memref<8192x2048xf32, #tpu.memory_space<hbm>> -> memref<3x2048xf32, #tpu.memory_space<hbm>>
      tpu.wait_dma2 semaphore(%arg30 : memref<!tpu.dma_semaphore, #tpu.memory_space<semaphore_mem>>) src(%dma_wait3A_943 : memref<3x2048xf32, #tpu.memory_space<hbm>>) dst(%dma_wait3A_940 : memref<3x2048xf32, #tpu.memory_space<vmem>>)
      %dma_wait3A_944 = arith.constant 1 : i32
      %dma_wait3A_945 = arith.constant 0 : i32
      %dma_wait3A_946 = arith.constant 0 : i32
      %dma_wait3A_947 = tpu.memref_slice %arg22[%dma_wait3A_944, %dma_wait3A_945, %dma_wait3A_946] : memref<2x3x2048xf32, #tpu.memory_space<vmem>> -> memref<1x3x2048xf32, #tpu.memory_space<vmem>>
      %dma_wait3A_948 = tpu.memref_squeeze %dma_wait3A_947 : memref<1x3x2048xf32, #tpu.memory_space<vmem>> -> memref<3x2048xf32, #tpu.memory_space<vmem>>
      %dma_wait3A_949 = arith.constant 0 : i32
      %dma_wait3A_950 = arith.constant 0 : i32
      %dma_wait3A_951 = tpu.memref_slice %arg8[%dma_wait3A_949, %dma_wait3A_950] : memref<8192x2048xf32, #tpu.memory_space<hbm>> -> memref<3x2048xf32, #tpu.memory_space<hbm>>
      %dma_wait3A_952 = arith.constant 0 : i32
      %dma_wait3A_953 = arith.constant 0 : i32
      %dma_wait3A_954 = tpu.memref_slice %arg22[%dma_wait3A_944, %dma_wait3A_952, %dma_wait3A_953] : memref<2x3x2048xf32, #tpu.memory_space<vmem>> -> memref<1x3x2048xf32, #tpu.memory_space<vmem>>
      %dma_wait3A_955 = tpu.memref_squeeze %dma_wait3A_954 : memref<1x3x2048xf32, #tpu.memory_space<vmem>> -> memref<3x2048xf32, #tpu.memory_space<vmem>>
      %dma_wait3A_956 = arith.constant 0 : i32
      %dma_wait3A_957 = arith.constant 0 : i32
      %dma_wait3A_958 = tpu.memref_slice %arg8[%dma_wait3A_956, %dma_wait3A_957] : memref<8192x2048xf32, #tpu.memory_space<hbm>> -> memref<3x2048xf32, #tpu.memory_space<hbm>>
      tpu.wait_dma2 semaphore(%arg30 : memref<!tpu.dma_semaphore, #tpu.memory_space<semaphore_mem>>) src(%dma_wait3A_958 : memref<3x2048xf32, #tpu.memory_space<hbm>>) dst(%dma_wait3A_955 : memref<3x2048xf32, #tpu.memory_space<vmem>>)
      %dma_wait3A_959 = arith.constant 1 : i32
      %dma_wait3A_960 = arith.constant 0 : i32
      %dma_wait3A_961 = arith.constant 0 : i32
      %dma_wait3A_962 = tpu.memref_slice %arg23[%dma_wait3A_959, %dma_wait3A_960, %dma_wait3A_961] : memref<2x3x2048xf32, #tpu.memory_space<vmem>> -> memref<1x3x2048xf32, #tpu.memory_space<vmem>>
      %dma_wait3A_963 = tpu.memref_squeeze %dma_wait3A_962 : memref<1x3x2048xf32, #tpu.memory_space<vmem>> -> memref<3x2048xf32, #tpu.memory_space<vmem>>
      %dma_wait3A_964 = arith.constant 0 : i32
      %dma_wait3A_965 = arith.constant 0 : i32
      %dma_wait3A_966 = tpu.memref_slice %arg9[%dma_wait3A_964, %dma_wait3A_965] : memref<8192x2048xf32, #tpu.memory_space<hbm>> -> memref<3x2048xf32, #tpu.memory_space<hbm>>
      %dma_wait3A_967 = arith.constant 0 : i32
      %dma_wait3A_968 = arith.constant 0 : i32
      %dma_wait3A_969 = tpu.memref_slice %arg23[%dma_wait3A_959, %dma_wait3A_967, %dma_wait3A_968] : memref<2x3x2048xf32, #tpu.memory_space<vmem>> -> memref<1x3x2048xf32, #tpu.memory_space<vmem>>
      %dma_wait3A_970 = tpu.memref_squeeze %dma_wait3A_969 : memref<1x3x2048xf32, #tpu.memory_space<vmem>> -> memref<3x2048xf32, #tpu.memory_space<vmem>>
      %dma_wait3A_971 = arith.constant 0 : i32
      %dma_wait3A_972 = arith.constant 0 : i32
      %dma_wait3A_973 = tpu.memref_slice %arg9[%dma_wait3A_971, %dma_wait3A_972] : memref<8192x2048xf32, #tpu.memory_space<hbm>> -> memref<3x2048xf32, #tpu.memory_space<hbm>>
      tpu.wait_dma2 semaphore(%arg30 : memref<!tpu.dma_semaphore, #tpu.memory_space<semaphore_mem>>) src(%dma_wait3A_973 : memref<3x2048xf32, #tpu.memory_space<hbm>>) dst(%dma_wait3A_970 : memref<3x2048xf32, #tpu.memory_space<vmem>>)
      %scan3A_974 = arith.constant 0 : i32
      %scan3A_975 = arith.constant 128 : i32
      %scan3A_976 = arith.addi %scan3A_974, %scan3A_975 : i32
      %scan3A_977 = arith.constant 1 : i32
      %scan3A_978:6 = scf.for %scan3A_1550 = %scan3A_974 to %scan3A_976 step %scan3A_977 iter_args(%scan3A_1551 = %broadcast_in_dim3A_3, %scan3A_1552 = %broadcast_in_dim3A_3, %scan3A_1553 = %broadcast_in_dim3A_3, %scan3A_1554 = %broadcast_in_dim3A_3, %scan3A_1555 = %broadcast_in_dim3A_3, %scan3A_1556 = %broadcast_in_dim3A_3) -> (vector<16xf32>, vector<16xf32>, vector<16xf32>, vector<16xf32>, vector<16xf32>, vector<16xf32>)  : i32 {
        %mul3A_1557 = arith.constant 16 : i32
        %mul3A_1558 = arith.muli %scan3A_1550, %mul3A_1557 : i32
        %get3A_1559 = arith.constant 1 : i32
        %get3A_1560 = arith.index_cast %get3A_1559 : i32 to index
        %get3A_1561 = arith.index_cast %mul3A_1558 : i32 to index
        %get3A_1562 = tpu.vector_load %arg16[%get3A_1560, %get3A_1561] {strides = array<i32>} : memref<2x2048xf32, #tpu.memory_space<vmem>>, vector<1x16xf32>,
        %get3A_1563 = vector.shape_cast %get3A_1562 : vector<1x16xf32> to vector<16xf32>
        %get3A_1564 = arith.constant 1 : i32
        %get3A_1565 = arith.constant 0 : i32
        %get3A_1566 = arith.index_cast %get3A_1564 : i32 to index
        %get3A_1567 = arith.index_cast %get3A_1565 : i32 to index
        %get3A_1568 = arith.index_cast %mul3A_1558 : i32 to index
        %get3A_1569 = tpu.vector_load %arg19[%get3A_1566, %get3A_1567, %get3A_1568] {strides = array<i32>} : memref<2x3x2048xf32, #tpu.memory_space<vmem>>, vector<1x1x16xf32>,
        %get3A_1570 = vector.shape_cast %get3A_1569 : vector<1x1x16xf32> to vector<16xf32>
        %mul3A_1571 = arith.mulf %get3A_1563, %get3A_1570 : vector<16xf32>
        %add3A_1572 = arith.addf %scan3A_1551, %mul3A_1571 : vector<16xf32>
        %get3A_1573 = arith.constant 1 : i32
        %get3A_1574 = arith.constant 1 : i32
        %get3A_1575 = arith.index_cast %get3A_1573 : i32 to index
        %get3A_1576 = arith.index_cast %get3A_1574 : i32 to index
        %get3A_1577 = arith.index_cast %mul3A_1558 : i32 to index
        %get3A_1578 = tpu.vector_load %arg19[%get3A_1575, %get3A_1576, %get3A_1577] {strides = array<i32>} : memref<2x3x2048xf32, #tpu.memory_space<vmem>>, vector<1x1x16xf32>,
        %get3A_1579 = vector.shape_cast %get3A_1578 : vector<1x1x16xf32> to vector<16xf32>
        %mul3A_1580 = arith.mulf %get3A_1563, %get3A_1579 : vector<16xf32>
        %add3A_1581 = arith.addf %scan3A_1552, %mul3A_1580 : vector<16xf32>
        %get3A_1582 = arith.constant 1 : i32
        %get3A_1583 = arith.constant 2 : i32
        %get3A_1584 = arith.index_cast %get3A_1582 : i32 to index
        %get3A_1585 = arith.index_cast %get3A_1583 : i32 to index
        %get3A_1586 = arith.index_cast %mul3A_1558 : i32 to index
        %get3A_1587 = tpu.vector_load %arg19[%get3A_1584, %get3A_1585, %get3A_1586] {strides = array<i32>} : memref<2x3x2048xf32, #tpu.memory_space<vmem>>, vector<1x1x16xf32>,
        %get3A_1588 = vector.shape_cast %get3A_1587 : vector<1x1x16xf32> to vector<16xf32>
        %mul3A_1589 = arith.mulf %get3A_1563, %get3A_1588 : vector<16xf32>
        %add3A_1590 = arith.addf %scan3A_1553, %mul3A_1589 : vector<16xf32>
        %get3A_1591 = arith.constant 1 : i32
        %get3A_1592 = arith.constant 0 : i32
        %get3A_1593 = arith.index_cast %get3A_1591 : i32 to index
        %get3A_1594 = arith.index_cast %get3A_1592 : i32 to index
        %get3A_1595 = arith.index_cast %mul3A_1558 : i32 to index
        %get3A_1596 = tpu.vector_load %arg20[%get3A_1593, %get3A_1594, %get3A_1595] {strides = array<i32>} : memref<2x3x2048xf32, #tpu.memory_space<vmem>>, vector<1x1x16xf32>,
        %get3A_1597 = vector.shape_cast %get3A_1596 : vector<1x1x16xf32> to vector<16xf32>
        %mul3A_1598 = arith.mulf %get3A_1563, %get3A_1597 : vector<16xf32>
        %add3A_1599 = arith.addf %scan3A_1554, %mul3A_1598 : vector<16xf32>
        %get3A_1600 = arith.constant 1 : i32
        %get3A_1601 = arith.constant 1 : i32
        %get3A_1602 = arith.index_cast %get3A_1600 : i32 to index
        %get3A_1603 = arith.index_cast %get3A_1601 : i32 to index
        %get3A_1604 = arith.index_cast %mul3A_1558 : i32 to index
        %get3A_1605 = tpu.vector_load %arg20[%get3A_1602, %get3A_1603, %get3A_1604] {strides = array<i32>} : memref<2x3x2048xf32, #tpu.memory_space<vmem>>, vector<1x1x16xf32>,
        %get3A_1606 = vector.shape_cast %get3A_1605 : vector<1x1x16xf32> to vector<16xf32>
        %mul3A_1607 = arith.mulf %get3A_1563, %get3A_1606 : vector<16xf32>
        %add3A_1608 = arith.addf %scan3A_1555, %mul3A_1607 : vector<16xf32>
        %get3A_1609 = arith.constant 1 : i32
        %get3A_1610 = arith.constant 2 : i32
        %get3A_1611 = arith.index_cast %get3A_1609 : i32 to index
        %get3A_1612 = arith.index_cast %get3A_1610 : i32 to index
        %get3A_1613 = arith.index_cast %mul3A_1558 : i32 to index
        %get3A_1614 = tpu.vector_load %arg20[%get3A_1611, %get3A_1612, %get3A_1613] {strides = array<i32>} : memref<2x3x2048xf32, #tpu.memory_space<vmem>>, vector<1x1x16xf32>,
        %get3A_1615 = vector.shape_cast %get3A_1614 : vector<1x1x16xf32> to vector<16xf32>
        %mul3A_1616 = arith.mulf %get3A_1563, %get3A_1615 : vector<16xf32>
        %add3A_1617 = arith.addf %scan3A_1556, %mul3A_1616 : vector<16xf32>
        scf.yield %add3A_1572, %add3A_1581, %add3A_1590, %add3A_1599, %add3A_1608, %add3A_1617 : vector<16xf32>, vector<16xf32>, vector<16xf32>, vector<16xf32>, vector<16xf32>, vector<16xf32>
      }
      %scan3A_979 = arith.constant 128 : i32
      %lt3A_980 = arith.constant 31 : i32
      %lt3A_981 = arith.cmpi slt, %scan3A_154, %lt3A_980 : i32
      %convert_element_type3A_982 = arith.extui %lt3A_981 : i1 to i32
      %cond3A_983 = arith.constant 0 : i32
      %cond3A_984 = arith.cmpi ne, %convert_element_type3A_982, %cond3A_983 : i32
      scf.if %cond3A_984 {
        %add3A_1550 = arith.constant 2 : i32
        %add3A_1551 = arith.addi %add3A_892, %add3A_1550 : i32
        %add3A_1552 = arith.addi %mul3A_2, %add3A_1551 : i32
        %mul3A_1553 = arith.constant 2048 : i32
        %mul3A_1554 = arith.muli %add3A_1552, %mul3A_1553 : i32
        %dma_start3A_1555 = arith.constant 1 : i32
        %dma_start3A_1556 = arith.constant 0 : i32
        %dma_start3A_1557 = tpu.memref_slice %arg16[%dma_start3A_1555, %dma_start3A_1556] : memref<2x2048xf32, #tpu.memory_space<vmem>> -> memref<1x2048xf32, #tpu.memory_space<vmem>>
        %dma_start3A_1558 = tpu.memref_squeeze %dma_start3A_1557 : memref<1x2048xf32, #tpu.memory_space<vmem>> -> memref<2048xf32, #tpu.memory_space<vmem>>
        %dma_start3A_1559 = tpu.memref_slice %arg2[%mul3A_1554] : memref<4194304xf32, #tpu.memory_space<hbm>> -> memref<2048xf32, #tpu.memory_space<hbm>>
        %dma_start3A_1560 = arith.constant 0 : i32
        %dma_start3A_1561 = tpu.memref_slice %arg16[%dma_start3A_1555, %dma_start3A_1560] : memref<2x2048xf32, #tpu.memory_space<vmem>> -> memref<1x2048xf32, #tpu.memory_space<vmem>>
        %dma_start3A_1562 = tpu.memref_squeeze %dma_start3A_1561 : memref<1x2048xf32, #tpu.memory_space<vmem>> -> memref<2048xf32, #tpu.memory_space<vmem>>
        %dma_start3A_1563 = tpu.memref_slice %arg2[%mul3A_1554] : memref<4194304xf32, #tpu.memory_space<hbm>> -> memref<2048xf32, #tpu.memory_space<hbm>>
        tpu.enqueue_dma source(%dma_start3A_1563 : memref<2048xf32, #tpu.memory_space<hbm>>) target(%dma_start3A_1562 : memref<2048xf32, #tpu.memory_space<vmem>>) target_semaphore(%arg31 : memref<!tpu.dma_semaphore, #tpu.memory_space<semaphore_mem>>)
        %mul3A_1564 = arith.constant 16 : i32
        %mul3A_1565 = arith.muli %add3A_1552, %mul3A_1564 : i32
        %dma_start3A_1566 = arith.constant 1 : i32
        %dma_start3A_1567 = arith.constant 0 : i32
        %dma_start3A_1568 = tpu.memref_slice %arg17[%dma_start3A_1566, %dma_start3A_1567] : memref<2x16xi32, #tpu.memory_space<vmem>> -> memref<1x16xi32, #tpu.memory_space<vmem>>
        %dma_start3A_1569 = tpu.memref_squeeze %dma_start3A_1568 : memref<1x16xi32, #tpu.memory_space<vmem>> -> memref<16xi32, #tpu.memory_space<vmem>>
        %dma_start3A_1570 = tpu.memref_slice %arg3[%mul3A_1565] : memref<32768xi32, #tpu.memory_space<hbm>> -> memref<16xi32, #tpu.memory_space<hbm>>
        %dma_start3A_1571 = arith.constant 0 : i32
        %dma_start3A_1572 = tpu.memref_slice %arg17[%dma_start3A_1566, %dma_start3A_1571] : memref<2x16xi32, #tpu.memory_space<vmem>> -> memref<1x16xi32, #tpu.memory_space<vmem>>
        %dma_start3A_1573 = tpu.memref_squeeze %dma_start3A_1572 : memref<1x16xi32, #tpu.memory_space<vmem>> -> memref<16xi32, #tpu.memory_space<vmem>>
        %dma_start3A_1574 = tpu.memref_slice %arg3[%mul3A_1565] : memref<32768xi32, #tpu.memory_space<hbm>> -> memref<16xi32, #tpu.memory_space<hbm>>
        tpu.enqueue_dma source(%dma_start3A_1574 : memref<16xi32, #tpu.memory_space<hbm>>) target(%dma_start3A_1573 : memref<16xi32, #tpu.memory_space<vmem>>) target_semaphore(%arg31 : memref<!tpu.dma_semaphore, #tpu.memory_space<semaphore_mem>>)
        %mul3A_1575 = arith.constant 16 : i32
        %mul3A_1576 = arith.muli %add3A_1552, %mul3A_1575 : i32
        %dma_start3A_1577 = arith.constant 1 : i32
        %dma_start3A_1578 = arith.constant 0 : i32
        %dma_start3A_1579 = tpu.memref_slice %arg18[%dma_start3A_1577, %dma_start3A_1578] : memref<2x16xf32, #tpu.memory_space<vmem>> -> memref<1x16xf32, #tpu.memory_space<vmem>>
        %dma_start3A_1580 = tpu.memref_squeeze %dma_start3A_1579 : memref<1x16xf32, #tpu.memory_space<vmem>> -> memref<16xf32, #tpu.memory_space<vmem>>
        %dma_start3A_1581 = tpu.memref_slice %arg4[%mul3A_1576] : memref<32768xf32, #tpu.memory_space<hbm>> -> memref<16xf32, #tpu.memory_space<hbm>>
        %dma_start3A_1582 = arith.constant 0 : i32
        %dma_start3A_1583 = tpu.memref_slice %arg18[%dma_start3A_1577, %dma_start3A_1582] : memref<2x16xf32, #tpu.memory_space<vmem>> -> memref<1x16xf32, #tpu.memory_space<vmem>>
        %dma_start3A_1584 = tpu.memref_squeeze %dma_start3A_1583 : memref<1x16xf32, #tpu.memory_space<vmem>> -> memref<16xf32, #tpu.memory_space<vmem>>
        %dma_start3A_1585 = tpu.memref_slice %arg4[%mul3A_1576] : memref<32768xf32, #tpu.memory_space<hbm>> -> memref<16xf32, #tpu.memory_space<hbm>>
        tpu.enqueue_dma source(%dma_start3A_1585 : memref<16xf32, #tpu.memory_space<hbm>>) target(%dma_start3A_1584 : memref<16xf32, #tpu.memory_space<vmem>>) target_semaphore(%arg31 : memref<!tpu.dma_semaphore, #tpu.memory_space<semaphore_mem>>)
      } else {
      }
      %get3A_985 = arith.constant 1 : i32
      %get3A_986 = arith.index_cast %get3A_985 : i32 to index
      %get3A_987 = arith.constant 0 : index
      %get3A_988 = tpu.vector_load %arg17[%get3A_986, %get3A_987] {strides = array<i32>} : memref<2x16xi32, #tpu.memory_space<vmem>>, vector<1x16xi32>,
      %get3A_989 = vector.shape_cast %get3A_988 : vector<1x16xi32> to vector<16xi32>
      %get3A_990 = arith.constant 1 : i32
      %get3A_991 = arith.index_cast %get3A_990 : i32 to index
      %get3A_992 = arith.constant 0 : index
      %get3A_993 = tpu.vector_load %arg18[%get3A_991, %get3A_992] {strides = array<i32>} : memref<2x16xf32, #tpu.memory_space<vmem>>, vector<1x16xf32>,
      %get3A_994 = vector.shape_cast %get3A_993 : vector<1x16xf32> to vector<16xf32>
      %slice3A_995 = vector.extract_strided_slice %get3A_989 {offsets = [0], sizes = [1], strides = [1]} : vector<16xi32> to vector<1xi32>
      %squeeze3A_996 = vector.extract %slice3A_995[0] : i32 from vector<1xi32>
      %swap3A_997 = arith.constant 0 : index
      %swap3A_998 = tpu.vector_load %arg29[%swap3A_997] {strides = array<i32>} : memref<32xf32, #tpu.memory_space<vmem>>, vector<16xf32>,
      %swap3A_999 = vector.shape_cast %swap3A_998 : vector<16xf32> to vector<16xf32>
      %swap3A_1000 = vector.shape_cast %scan3A_978#0 : vector<16xf32> to vector<16xf32>
      tpu.vector_store %arg29[%swap3A_997], %swap3A_1000 {strides = array<i32>} : memref<32xf32, #tpu.memory_space<vmem>>, vector<16xf32>,
      %get3A_1001 = arith.constant 0 : index
      %get3A_1002 = tpu.vector_load %arg29[%get3A_1001] {strides = array<i32>} : memref<32xf32, #tpu.memory_space<vmem>>, vector<16xf32>,
      %get3A_1003 = vector.shape_cast %get3A_1002 : vector<16xf32> to vector<16xf32>
      %get3A_1004 = arith.constant 8 : index
      %get3A_1005 = tpu.vector_load %arg29[%get3A_1004] {strides = array<i32>} : memref<32xf32, #tpu.memory_space<vmem>>, vector<16xf32>,
      %get3A_1006 = vector.shape_cast %get3A_1005 : vector<16xf32> to vector<16xf32>
      %add3A_1007 = arith.addf %get3A_1003, %get3A_1006 : vector<16xf32>
      %swap3A_1008 = arith.constant 0 : index
      %swap3A_1009 = tpu.vector_load %arg29[%swap3A_1008] {strides = array<i32>} : memref<32xf32, #tpu.memory_space<vmem>>, vector<16xf32>,
      %swap3A_1010 = vector.shape_cast %swap3A_1009 : vector<16xf32> to vector<16xf32>
      %swap3A_1011 = vector.shape_cast %add3A_1007 : vector<16xf32> to vector<16xf32>
      tpu.vector_store %arg29[%swap3A_1008], %swap3A_1011 {strides = array<i32>} : memref<32xf32, #tpu.memory_space<vmem>>, vector<16xf32>,
      %get3A_1012 = arith.constant 0 : index
      %get3A_1013 = tpu.vector_load %arg29[%get3A_1012] {strides = array<i32>} : memref<32xf32, #tpu.memory_space<vmem>>, vector<16xf32>,
      %get3A_1014 = vector.shape_cast %get3A_1013 : vector<16xf32> to vector<16xf32>
      %get3A_1015 = arith.constant 4 : index
      %get3A_1016 = tpu.vector_load %arg29[%get3A_1015] {strides = array<i32>} : memref<32xf32, #tpu.memory_space<vmem>>, vector<16xf32>,
      %get3A_1017 = vector.shape_cast %get3A_1016 : vector<16xf32> to vector<16xf32>
      %add3A_1018 = arith.addf %get3A_1014, %get3A_1017 : vector<16xf32>
      %swap3A_1019 = arith.constant 0 : index
      %swap3A_1020 = tpu.vector_load %arg29[%swap3A_1019] {strides = array<i32>} : memref<32xf32, #tpu.memory_space<vmem>>, vector<16xf32>,
      %swap3A_1021 = vector.shape_cast %swap3A_1020 : vector<16xf32> to vector<16xf32>
      %swap3A_1022 = vector.shape_cast %add3A_1018 : vector<16xf32> to vector<16xf32>
      tpu.vector_store %arg29[%swap3A_1019], %swap3A_1022 {strides = array<i32>} : memref<32xf32, #tpu.memory_space<vmem>>, vector<16xf32>,
      %get3A_1023 = arith.constant 0 : index
      %get3A_1024 = tpu.vector_load %arg29[%get3A_1023] {strides = array<i32>} : memref<32xf32, #tpu.memory_space<vmem>>, vector<16xf32>,
      %get3A_1025 = vector.shape_cast %get3A_1024 : vector<16xf32> to vector<16xf32>
      %get3A_1026 = arith.constant 2 : index
      %get3A_1027 = tpu.vector_load %arg29[%get3A_1026] {strides = array<i32>} : memref<32xf32, #tpu.memory_space<vmem>>, vector<16xf32>,
      %get3A_1028 = vector.shape_cast %get3A_1027 : vector<16xf32> to vector<16xf32>
      %add3A_1029 = arith.addf %get3A_1025, %get3A_1028 : vector<16xf32>
      %swap3A_1030 = arith.constant 0 : index
      %swap3A_1031 = tpu.vector_load %arg29[%swap3A_1030] {strides = array<i32>} : memref<32xf32, #tpu.memory_space<vmem>>, vector<16xf32>,
      %swap3A_1032 = vector.shape_cast %swap3A_1031 : vector<16xf32> to vector<16xf32>
      %swap3A_1033 = vector.shape_cast %add3A_1029 : vector<16xf32> to vector<16xf32>
      tpu.vector_store %arg29[%swap3A_1030], %swap3A_1033 {strides = array<i32>} : memref<32xf32, #tpu.memory_space<vmem>>, vector<16xf32>,
      %get3A_1034 = arith.constant 0 : index
      %get3A_1035 = tpu.vector_load %arg29[%get3A_1034] {strides = array<i32>} : memref<32xf32, #tpu.memory_space<vmem>>, vector<16xf32>,
      %get3A_1036 = vector.shape_cast %get3A_1035 : vector<16xf32> to vector<16xf32>
      %get3A_1037 = arith.constant 1 : index
      %get3A_1038 = tpu.vector_load %arg29[%get3A_1037] {strides = array<i32>} : memref<32xf32, #tpu.memory_space<vmem>>, vector<16xf32>,
      %get3A_1039 = vector.shape_cast %get3A_1038 : vector<16xf32> to vector<16xf32>
      %add3A_1040 = arith.addf %get3A_1036, %get3A_1039 : vector<16xf32>
      %slice3A_1041 = vector.extract_strided_slice %add3A_1040 {offsets = [0], sizes = [1], strides = [1]} : vector<16xf32> to vector<1xf32>
      %squeeze3A_1042 = vector.extract %slice3A_1041[0] : f32 from vector<1xf32>
      %get3A_1043 = arith.index_cast %squeeze3A_996 : i32 to index
      %get3A_1044 = tpu.vector_load %arg25[%get3A_1043] {strides = array<i32>} : memref<8208xf32, #tpu.memory_space<vmem>>, vector<16xf32>,
      %get3A_1045 = vector.shape_cast %get3A_1044 : vector<16xf32> to vector<16xf32>
      %slice3A_1046 = vector.extract_strided_slice %get3A_1045 {offsets = [0], sizes = [1], strides = [1]} : vector<16xf32> to vector<1xf32>
      %squeeze3A_1047 = vector.extract %slice3A_1046[0] : f32 from vector<1xf32>
      %add3A_1048 = arith.addf %squeeze3A_1042, %squeeze3A_1047 : f32
      %swap3A_1049 = arith.constant 0 : index
      %swap3A_1050 = tpu.vector_load %arg29[%swap3A_1049] {strides = array<i32>} : memref<32xf32, #tpu.memory_space<vmem>>, vector<16xf32>,
      %swap3A_1051 = vector.shape_cast %swap3A_1050 : vector<16xf32> to vector<16xf32>
      %swap3A_1052 = vector.shape_cast %scan3A_978#3 : vector<16xf32> to vector<16xf32>
      tpu.vector_store %arg29[%swap3A_1049], %swap3A_1052 {strides = array<i32>} : memref<32xf32, #tpu.memory_space<vmem>>, vector<16xf32>,
      %get3A_1053 = arith.constant 0 : index
      %get3A_1054 = tpu.vector_load %arg29[%get3A_1053] {strides = array<i32>} : memref<32xf32, #tpu.memory_space<vmem>>, vector<16xf32>,
      %get3A_1055 = vector.shape_cast %get3A_1054 : vector<16xf32> to vector<16xf32>
      %get3A_1056 = arith.constant 8 : index
      %get3A_1057 = tpu.vector_load %arg29[%get3A_1056] {strides = array<i32>} : memref<32xf32, #tpu.memory_space<vmem>>, vector<16xf32>,
      %get3A_1058 = vector.shape_cast %get3A_1057 : vector<16xf32> to vector<16xf32>
      %add3A_1059 = arith.addf %get3A_1055, %get3A_1058 : vector<16xf32>
      %swap3A_1060 = arith.constant 0 : index
      %swap3A_1061 = tpu.vector_load %arg29[%swap3A_1060] {strides = array<i32>} : memref<32xf32, #tpu.memory_space<vmem>>, vector<16xf32>,
      %swap3A_1062 = vector.shape_cast %swap3A_1061 : vector<16xf32> to vector<16xf32>
      %swap3A_1063 = vector.shape_cast %add3A_1059 : vector<16xf32> to vector<16xf32>
      tpu.vector_store %arg29[%swap3A_1060], %swap3A_1063 {strides = array<i32>} : memref<32xf32, #tpu.memory_space<vmem>>, vector<16xf32>,
      %get3A_1064 = arith.constant 0 : index
      %get3A_1065 = tpu.vector_load %arg29[%get3A_1064] {strides = array<i32>} : memref<32xf32, #tpu.memory_space<vmem>>, vector<16xf32>,
      %get3A_1066 = vector.shape_cast %get3A_1065 : vector<16xf32> to vector<16xf32>
      %get3A_1067 = arith.constant 4 : index
      %get3A_1068 = tpu.vector_load %arg29[%get3A_1067] {strides = array<i32>} : memref<32xf32, #tpu.memory_space<vmem>>, vector<16xf32>,
      %get3A_1069 = vector.shape_cast %get3A_1068 : vector<16xf32> to vector<16xf32>
      %add3A_1070 = arith.addf %get3A_1066, %get3A_1069 : vector<16xf32>
      %swap3A_1071 = arith.constant 0 : index
      %swap3A_1072 = tpu.vector_load %arg29[%swap3A_1071] {strides = array<i32>} : memref<32xf32, #tpu.memory_space<vmem>>, vector<16xf32>,
      %swap3A_1073 = vector.shape_cast %swap3A_1072 : vector<16xf32> to vector<16xf32>
      %swap3A_1074 = vector.shape_cast %add3A_1070 : vector<16xf32> to vector<16xf32>
      tpu.vector_store %arg29[%swap3A_1071], %swap3A_1074 {strides = array<i32>} : memref<32xf32, #tpu.memory_space<vmem>>, vector<16xf32>,
      %get3A_1075 = arith.constant 0 : index
      %get3A_1076 = tpu.vector_load %arg29[%get3A_1075] {strides = array<i32>} : memref<32xf32, #tpu.memory_space<vmem>>, vector<16xf32>,
      %get3A_1077 = vector.shape_cast %get3A_1076 : vector<16xf32> to vector<16xf32>
      %get3A_1078 = arith.constant 2 : index
      %get3A_1079 = tpu.vector_load %arg29[%get3A_1078] {strides = array<i32>} : memref<32xf32, #tpu.memory_space<vmem>>, vector<16xf32>,
      %get3A_1080 = vector.shape_cast %get3A_1079 : vector<16xf32> to vector<16xf32>
      %add3A_1081 = arith.addf %get3A_1077, %get3A_1080 : vector<16xf32>
      %swap3A_1082 = arith.constant 0 : index
      %swap3A_1083 = tpu.vector_load %arg29[%swap3A_1082] {strides = array<i32>} : memref<32xf32, #tpu.memory_space<vmem>>, vector<16xf32>,
      %swap3A_1084 = vector.shape_cast %swap3A_1083 : vector<16xf32> to vector<16xf32>
      %swap3A_1085 = vector.shape_cast %add3A_1081 : vector<16xf32> to vector<16xf32>
      tpu.vector_store %arg29[%swap3A_1082], %swap3A_1085 {strides = array<i32>} : memref<32xf32, #tpu.memory_space<vmem>>, vector<16xf32>,
      %get3A_1086 = arith.constant 0 : index
      %get3A_1087 = tpu.vector_load %arg29[%get3A_1086] {strides = array<i32>} : memref<32xf32, #tpu.memory_space<vmem>>, vector<16xf32>,
      %get3A_1088 = vector.shape_cast %get3A_1087 : vector<16xf32> to vector<16xf32>
      %get3A_1089 = arith.constant 1 : index
      %get3A_1090 = tpu.vector_load %arg29[%get3A_1089] {strides = array<i32>} : memref<32xf32, #tpu.memory_space<vmem>>, vector<16xf32>,
      %get3A_1091 = vector.shape_cast %get3A_1090 : vector<16xf32> to vector<16xf32>
      %add3A_1092 = arith.addf %get3A_1088, %get3A_1091 : vector<16xf32>
      %slice3A_1093 = vector.extract_strided_slice %add3A_1092 {offsets = [0], sizes = [1], strides = [1]} : vector<16xf32> to vector<1xf32>
      %squeeze3A_1094 = vector.extract %slice3A_1093[0] : f32 from vector<1xf32>
      %get3A_1095 = arith.index_cast %squeeze3A_996 : i32 to index
      %get3A_1096 = tpu.vector_load %arg26[%get3A_1095] {strides = array<i32>} : memref<8208xf32, #tpu.memory_space<vmem>>, vector<16xf32>,
      %get3A_1097 = vector.shape_cast %get3A_1096 : vector<16xf32> to vector<16xf32>
      %slice3A_1098 = vector.extract_strided_slice %get3A_1097 {offsets = [0], sizes = [1], strides = [1]} : vector<16xf32> to vector<1xf32>
      %squeeze3A_1099 = vector.extract %slice3A_1098[0] : f32 from vector<1xf32>
      %add3A_1100 = arith.addf %squeeze3A_1094, %squeeze3A_1099 : f32
      %slice3A_1101 = vector.extract_strided_slice %get3A_994 {offsets = [0], sizes = [1], strides = [1]} : vector<16xf32> to vector<1xf32>
      %squeeze3A_1102 = vector.extract %slice3A_1101[0] : f32 from vector<1xf32>
      %ne3A_1103 = arith.constant 0.000000e+00 : f32
      %ne3A_1104 = arith.cmpf one, %squeeze3A_1102, %ne3A_1103 : f32
      %gt3A_1105 = arith.cmpf ogt, %add3A_1048, %add3A_1100 : f32
      %and3A_1106 = arith.andi %ne3A_1104, %gt3A_1105 : i1
      %jit3A_1107 = arith.constant 0.000000e+00 : f32
      %select_n3A_1108 = arith.select %and3A_1106, %add3A_1048, %jit3A_1107 : f32
      %not3A_1109 = arith.constant true
      %not3A_1110 = arith.xori %gt3A_1105, %not3A_1109 : i1
      %and3A_1111 = arith.andi %ne3A_1104, %not3A_1110 : i1
      %jit3A_1112 = arith.constant 0.000000e+00 : f32
      %select_n3A_1113 = arith.select %and3A_1111, %add3A_1100, %jit3A_1112 : f32
      %slice3A_1114 = vector.extract_strided_slice %get3A_989 {offsets = [1], sizes = [1], strides = [1]} : vector<16xi32> to vector<1xi32>
      %squeeze3A_1115 = vector.extract %slice3A_1114[0] : i32 from vector<1xi32>
      %swap3A_1116 = arith.constant 0 : index
      %swap3A_1117 = tpu.vector_load %arg29[%swap3A_1116] {strides = array<i32>} : memref<32xf32, #tpu.memory_space<vmem>>, vector<16xf32>,
      %swap3A_1118 = vector.shape_cast %swap3A_1117 : vector<16xf32> to vector<16xf32>
      %swap3A_1119 = vector.shape_cast %scan3A_978#1 : vector<16xf32> to vector<16xf32>
      tpu.vector_store %arg29[%swap3A_1116], %swap3A_1119 {strides = array<i32>} : memref<32xf32, #tpu.memory_space<vmem>>, vector<16xf32>,
      %get3A_1120 = arith.constant 0 : index
      %get3A_1121 = tpu.vector_load %arg29[%get3A_1120] {strides = array<i32>} : memref<32xf32, #tpu.memory_space<vmem>>, vector<16xf32>,
      %get3A_1122 = vector.shape_cast %get3A_1121 : vector<16xf32> to vector<16xf32>
      %get3A_1123 = arith.constant 8 : index
      %get3A_1124 = tpu.vector_load %arg29[%get3A_1123] {strides = array<i32>} : memref<32xf32, #tpu.memory_space<vmem>>, vector<16xf32>,
      %get3A_1125 = vector.shape_cast %get3A_1124 : vector<16xf32> to vector<16xf32>
      %add3A_1126 = arith.addf %get3A_1122, %get3A_1125 : vector<16xf32>
      %swap3A_1127 = arith.constant 0 : index
      %swap3A_1128 = tpu.vector_load %arg29[%swap3A_1127] {strides = array<i32>} : memref<32xf32, #tpu.memory_space<vmem>>, vector<16xf32>,
      %swap3A_1129 = vector.shape_cast %swap3A_1128 : vector<16xf32> to vector<16xf32>
      %swap3A_1130 = vector.shape_cast %add3A_1126 : vector<16xf32> to vector<16xf32>
      tpu.vector_store %arg29[%swap3A_1127], %swap3A_1130 {strides = array<i32>} : memref<32xf32, #tpu.memory_space<vmem>>, vector<16xf32>,
      %get3A_1131 = arith.constant 0 : index
      %get3A_1132 = tpu.vector_load %arg29[%get3A_1131] {strides = array<i32>} : memref<32xf32, #tpu.memory_space<vmem>>, vector<16xf32>,
      %get3A_1133 = vector.shape_cast %get3A_1132 : vector<16xf32> to vector<16xf32>
      %get3A_1134 = arith.constant 4 : index
      %get3A_1135 = tpu.vector_load %arg29[%get3A_1134] {strides = array<i32>} : memref<32xf32, #tpu.memory_space<vmem>>, vector<16xf32>,
      %get3A_1136 = vector.shape_cast %get3A_1135 : vector<16xf32> to vector<16xf32>
      %add3A_1137 = arith.addf %get3A_1133, %get3A_1136 : vector<16xf32>
      %swap3A_1138 = arith.constant 0 : index
      %swap3A_1139 = tpu.vector_load %arg29[%swap3A_1138] {strides = array<i32>} : memref<32xf32, #tpu.memory_space<vmem>>, vector<16xf32>,
      %swap3A_1140 = vector.shape_cast %swap3A_1139 : vector<16xf32> to vector<16xf32>
      %swap3A_1141 = vector.shape_cast %add3A_1137 : vector<16xf32> to vector<16xf32>
      tpu.vector_store %arg29[%swap3A_1138], %swap3A_1141 {strides = array<i32>} : memref<32xf32, #tpu.memory_space<vmem>>, vector<16xf32>,
      %get3A_1142 = arith.constant 0 : index
      %get3A_1143 = tpu.vector_load %arg29[%get3A_1142] {strides = array<i32>} : memref<32xf32, #tpu.memory_space<vmem>>, vector<16xf32>,
      %get3A_1144 = vector.shape_cast %get3A_1143 : vector<16xf32> to vector<16xf32>
      %get3A_1145 = arith.constant 2 : index
      %get3A_1146 = tpu.vector_load %arg29[%get3A_1145] {strides = array<i32>} : memref<32xf32, #tpu.memory_space<vmem>>, vector<16xf32>,
      %get3A_1147 = vector.shape_cast %get3A_1146 : vector<16xf32> to vector<16xf32>
      %add3A_1148 = arith.addf %get3A_1144, %get3A_1147 : vector<16xf32>
      %swap3A_1149 = arith.constant 0 : index
      %swap3A_1150 = tpu.vector_load %arg29[%swap3A_1149] {strides = array<i32>} : memref<32xf32, #tpu.memory_space<vmem>>, vector<16xf32>,
      %swap3A_1151 = vector.shape_cast %swap3A_1150 : vector<16xf32> to vector<16xf32>
      %swap3A_1152 = vector.shape_cast %add3A_1148 : vector<16xf32> to vector<16xf32>
      tpu.vector_store %arg29[%swap3A_1149], %swap3A_1152 {strides = array<i32>} : memref<32xf32, #tpu.memory_space<vmem>>, vector<16xf32>,
      %get3A_1153 = arith.constant 0 : index
      %get3A_1154 = tpu.vector_load %arg29[%get3A_1153] {strides = array<i32>} : memref<32xf32, #tpu.memory_space<vmem>>, vector<16xf32>,
      %get3A_1155 = vector.shape_cast %get3A_1154 : vector<16xf32> to vector<16xf32>
      %get3A_1156 = arith.constant 1 : index
      %get3A_1157 = tpu.vector_load %arg29[%get3A_1156] {strides = array<i32>} : memref<32xf32, #tpu.memory_space<vmem>>, vector<16xf32>,
      %get3A_1158 = vector.shape_cast %get3A_1157 : vector<16xf32> to vector<16xf32>
      %add3A_1159 = arith.addf %get3A_1155, %get3A_1158 : vector<16xf32>
      %slice3A_1160 = vector.extract_strided_slice %add3A_1159 {offsets = [0], sizes = [1], strides = [1]} : vector<16xf32> to vector<1xf32>
      %squeeze3A_1161 = vector.extract %slice3A_1160[0] : f32 from vector<1xf32>
      %get3A_1162 = arith.index_cast %squeeze3A_1115 : i32 to index
      %get3A_1163 = tpu.vector_load %arg25[%get3A_1162] {strides = array<i32>} : memref<8208xf32, #tpu.memory_space<vmem>>, vector<16xf32>,
      %get3A_1164 = vector.shape_cast %get3A_1163 : vector<16xf32> to vector<16xf32>
      %slice3A_1165 = vector.extract_strided_slice %get3A_1164 {offsets = [0], sizes = [1], strides = [1]} : vector<16xf32> to vector<1xf32>
      %squeeze3A_1166 = vector.extract %slice3A_1165[0] : f32 from vector<1xf32>
      %add3A_1167 = arith.addf %squeeze3A_1161, %squeeze3A_1166 : f32
      %swap3A_1168 = arith.constant 0 : index
      %swap3A_1169 = tpu.vector_load %arg29[%swap3A_1168] {strides = array<i32>} : memref<32xf32, #tpu.memory_space<vmem>>, vector<16xf32>,
      %swap3A_1170 = vector.shape_cast %swap3A_1169 : vector<16xf32> to vector<16xf32>
      %swap3A_1171 = vector.shape_cast %scan3A_978#4 : vector<16xf32> to vector<16xf32>
      tpu.vector_store %arg29[%swap3A_1168], %swap3A_1171 {strides = array<i32>} : memref<32xf32, #tpu.memory_space<vmem>>, vector<16xf32>,
      %get3A_1172 = arith.constant 0 : index
      %get3A_1173 = tpu.vector_load %arg29[%get3A_1172] {strides = array<i32>} : memref<32xf32, #tpu.memory_space<vmem>>, vector<16xf32>,
      %get3A_1174 = vector.shape_cast %get3A_1173 : vector<16xf32> to vector<16xf32>
      %get3A_1175 = arith.constant 8 : index
      %get3A_1176 = tpu.vector_load %arg29[%get3A_1175] {strides = array<i32>} : memref<32xf32, #tpu.memory_space<vmem>>, vector<16xf32>,
      %get3A_1177 = vector.shape_cast %get3A_1176 : vector<16xf32> to vector<16xf32>
      %add3A_1178 = arith.addf %get3A_1174, %get3A_1177 : vector<16xf32>
      %swap3A_1179 = arith.constant 0 : index
      %swap3A_1180 = tpu.vector_load %arg29[%swap3A_1179] {strides = array<i32>} : memref<32xf32, #tpu.memory_space<vmem>>, vector<16xf32>,
      %swap3A_1181 = vector.shape_cast %swap3A_1180 : vector<16xf32> to vector<16xf32>
      %swap3A_1182 = vector.shape_cast %add3A_1178 : vector<16xf32> to vector<16xf32>
      tpu.vector_store %arg29[%swap3A_1179], %swap3A_1182 {strides = array<i32>} : memref<32xf32, #tpu.memory_space<vmem>>, vector<16xf32>,
      %get3A_1183 = arith.constant 0 : index
      %get3A_1184 = tpu.vector_load %arg29[%get3A_1183] {strides = array<i32>} : memref<32xf32, #tpu.memory_space<vmem>>, vector<16xf32>,
      %get3A_1185 = vector.shape_cast %get3A_1184 : vector<16xf32> to vector<16xf32>
      %get3A_1186 = arith.constant 4 : index
      %get3A_1187 = tpu.vector_load %arg29[%get3A_1186] {strides = array<i32>} : memref<32xf32, #tpu.memory_space<vmem>>, vector<16xf32>,
      %get3A_1188 = vector.shape_cast %get3A_1187 : vector<16xf32> to vector<16xf32>
      %add3A_1189 = arith.addf %get3A_1185, %get3A_1188 : vector<16xf32>
      %swap3A_1190 = arith.constant 0 : index
      %swap3A_1191 = tpu.vector_load %arg29[%swap3A_1190] {strides = array<i32>} : memref<32xf32, #tpu.memory_space<vmem>>, vector<16xf32>,
      %swap3A_1192 = vector.shape_cast %swap3A_1191 : vector<16xf32> to vector<16xf32>
      %swap3A_1193 = vector.shape_cast %add3A_1189 : vector<16xf32> to vector<16xf32>
      tpu.vector_store %arg29[%swap3A_1190], %swap3A_1193 {strides = array<i32>} : memref<32xf32, #tpu.memory_space<vmem>>, vector<16xf32>,
      %get3A_1194 = arith.constant 0 : index
      %get3A_1195 = tpu.vector_load %arg29[%get3A_1194] {strides = array<i32>} : memref<32xf32, #tpu.memory_space<vmem>>, vector<16xf32>,
      %get3A_1196 = vector.shape_cast %get3A_1195 : vector<16xf32> to vector<16xf32>
      %get3A_1197 = arith.constant 2 : index
      %get3A_1198 = tpu.vector_load %arg29[%get3A_1197] {strides = array<i32>} : memref<32xf32, #tpu.memory_space<vmem>>, vector<16xf32>,
      %get3A_1199 = vector.shape_cast %get3A_1198 : vector<16xf32> to vector<16xf32>
      %add3A_1200 = arith.addf %get3A_1196, %get3A_1199 : vector<16xf32>
      %swap3A_1201 = arith.constant 0 : index
      %swap3A_1202 = tpu.vector_load %arg29[%swap3A_1201] {strides = array<i32>} : memref<32xf32, #tpu.memory_space<vmem>>, vector<16xf32>,
      %swap3A_1203 = vector.shape_cast %swap3A_1202 : vector<16xf32> to vector<16xf32>
      %swap3A_1204 = vector.shape_cast %add3A_1200 : vector<16xf32> to vector<16xf32>
      tpu.vector_store %arg29[%swap3A_1201], %swap3A_1204 {strides = array<i32>} : memref<32xf32, #tpu.memory_space<vmem>>, vector<16xf32>,
      %get3A_1205 = arith.constant 0 : index
      %get3A_1206 = tpu.vector_load %arg29[%get3A_1205] {strides = array<i32>} : memref<32xf32, #tpu.memory_space<vmem>>, vector<16xf32>,
      %get3A_1207 = vector.shape_cast %get3A_1206 : vector<16xf32> to vector<16xf32>
      %get3A_1208 = arith.constant 1 : index
      %get3A_1209 = tpu.vector_load %arg29[%get3A_1208] {strides = array<i32>} : memref<32xf32, #tpu.memory_space<vmem>>, vector<16xf32>,
      %get3A_1210 = vector.shape_cast %get3A_1209 : vector<16xf32> to vector<16xf32>
      %add3A_1211 = arith.addf %get3A_1207, %get3A_1210 : vector<16xf32>
      %slice3A_1212 = vector.extract_strided_slice %add3A_1211 {offsets = [0], sizes = [1], strides = [1]} : vector<16xf32> to vector<1xf32>
      %squeeze3A_1213 = vector.extract %slice3A_1212[0] : f32 from vector<1xf32>
      %get3A_1214 = arith.index_cast %squeeze3A_1115 : i32 to index
      %get3A_1215 = tpu.vector_load %arg26[%get3A_1214] {strides = array<i32>} : memref<8208xf32, #tpu.memory_space<vmem>>, vector<16xf32>,
      %get3A_1216 = vector.shape_cast %get3A_1215 : vector<16xf32> to vector<16xf32>
      %slice3A_1217 = vector.extract_strided_slice %get3A_1216 {offsets = [0], sizes = [1], strides = [1]} : vector<16xf32> to vector<1xf32>
      %squeeze3A_1218 = vector.extract %slice3A_1217[0] : f32 from vector<1xf32>
      %add3A_1219 = arith.addf %squeeze3A_1213, %squeeze3A_1218 : f32
      %slice3A_1220 = vector.extract_strided_slice %get3A_994 {offsets = [1], sizes = [1], strides = [1]} : vector<16xf32> to vector<1xf32>
      %squeeze3A_1221 = vector.extract %slice3A_1220[0] : f32 from vector<1xf32>
      %ne3A_1222 = arith.constant 0.000000e+00 : f32
      %ne3A_1223 = arith.cmpf one, %squeeze3A_1221, %ne3A_1222 : f32
      %gt3A_1224 = arith.cmpf ogt, %add3A_1167, %add3A_1219 : f32
      %and3A_1225 = arith.andi %ne3A_1223, %gt3A_1224 : i1
      %jit3A_1226 = arith.constant 0.000000e+00 : f32
      %select_n3A_1227 = arith.select %and3A_1225, %add3A_1167, %jit3A_1226 : f32
      %not3A_1228 = arith.constant true
      %not3A_1229 = arith.xori %gt3A_1224, %not3A_1228 : i1
      %and3A_1230 = arith.andi %ne3A_1223, %not3A_1229 : i1
      %jit3A_1231 = arith.constant 0.000000e+00 : f32
      %select_n3A_1232 = arith.select %and3A_1230, %add3A_1219, %jit3A_1231 : f32
      %slice3A_1233 = vector.extract_strided_slice %get3A_989 {offsets = [2], sizes = [1], strides = [1]} : vector<16xi32> to vector<1xi32>
      %squeeze3A_1234 = vector.extract %slice3A_1233[0] : i32 from vector<1xi32>
      %swap3A_1235 = arith.constant 0 : index
      %swap3A_1236 = tpu.vector_load %arg29[%swap3A_1235] {strides = array<i32>} : memref<32xf32, #tpu.memory_space<vmem>>, vector<16xf32>,
      %swap3A_1237 = vector.shape_cast %swap3A_1236 : vector<16xf32> to vector<16xf32>
      %swap3A_1238 = vector.shape_cast %scan3A_978#2 : vector<16xf32> to vector<16xf32>
      tpu.vector_store %arg29[%swap3A_1235], %swap3A_1238 {strides = array<i32>} : memref<32xf32, #tpu.memory_space<vmem>>, vector<16xf32>,
      %get3A_1239 = arith.constant 0 : index
      %get3A_1240 = tpu.vector_load %arg29[%get3A_1239] {strides = array<i32>} : memref<32xf32, #tpu.memory_space<vmem>>, vector<16xf32>,
      %get3A_1241 = vector.shape_cast %get3A_1240 : vector<16xf32> to vector<16xf32>
      %get3A_1242 = arith.constant 8 : index
      %get3A_1243 = tpu.vector_load %arg29[%get3A_1242] {strides = array<i32>} : memref<32xf32, #tpu.memory_space<vmem>>, vector<16xf32>,
      %get3A_1244 = vector.shape_cast %get3A_1243 : vector<16xf32> to vector<16xf32>
      %add3A_1245 = arith.addf %get3A_1241, %get3A_1244 : vector<16xf32>
      %swap3A_1246 = arith.constant 0 : index
      %swap3A_1247 = tpu.vector_load %arg29[%swap3A_1246] {strides = array<i32>} : memref<32xf32, #tpu.memory_space<vmem>>, vector<16xf32>,
      %swap3A_1248 = vector.shape_cast %swap3A_1247 : vector<16xf32> to vector<16xf32>
      %swap3A_1249 = vector.shape_cast %add3A_1245 : vector<16xf32> to vector<16xf32>
      tpu.vector_store %arg29[%swap3A_1246], %swap3A_1249 {strides = array<i32>} : memref<32xf32, #tpu.memory_space<vmem>>, vector<16xf32>,
      %get3A_1250 = arith.constant 0 : index
      %get3A_1251 = tpu.vector_load %arg29[%get3A_1250] {strides = array<i32>} : memref<32xf32, #tpu.memory_space<vmem>>, vector<16xf32>,
      %get3A_1252 = vector.shape_cast %get3A_1251 : vector<16xf32> to vector<16xf32>
      %get3A_1253 = arith.constant 4 : index
      %get3A_1254 = tpu.vector_load %arg29[%get3A_1253] {strides = array<i32>} : memref<32xf32, #tpu.memory_space<vmem>>, vector<16xf32>,
      %get3A_1255 = vector.shape_cast %get3A_1254 : vector<16xf32> to vector<16xf32>
      %add3A_1256 = arith.addf %get3A_1252, %get3A_1255 : vector<16xf32>
      %swap3A_1257 = arith.constant 0 : index
      %swap3A_1258 = tpu.vector_load %arg29[%swap3A_1257] {strides = array<i32>} : memref<32xf32, #tpu.memory_space<vmem>>, vector<16xf32>,
      %swap3A_1259 = vector.shape_cast %swap3A_1258 : vector<16xf32> to vector<16xf32>
      %swap3A_1260 = vector.shape_cast %add3A_1256 : vector<16xf32> to vector<16xf32>
      tpu.vector_store %arg29[%swap3A_1257], %swap3A_1260 {strides = array<i32>} : memref<32xf32, #tpu.memory_space<vmem>>, vector<16xf32>,
      %get3A_1261 = arith.constant 0 : index
      %get3A_1262 = tpu.vector_load %arg29[%get3A_1261] {strides = array<i32>} : memref<32xf32, #tpu.memory_space<vmem>>, vector<16xf32>,
      %get3A_1263 = vector.shape_cast %get3A_1262 : vector<16xf32> to vector<16xf32>
      %get3A_1264 = arith.constant 2 : index
      %get3A_1265 = tpu.vector_load %arg29[%get3A_1264] {strides = array<i32>} : memref<32xf32, #tpu.memory_space<vmem>>, vector<16xf32>,
      %get3A_1266 = vector.shape_cast %get3A_1265 : vector<16xf32> to vector<16xf32>
      %add3A_1267 = arith.addf %get3A_1263, %get3A_1266 : vector<16xf32>
      %swap3A_1268 = arith.constant 0 : index
      %swap3A_1269 = tpu.vector_load %arg29[%swap3A_1268] {strides = array<i32>} : memref<32xf32, #tpu.memory_space<vmem>>, vector<16xf32>,
      %swap3A_1270 = vector.shape_cast %swap3A_1269 : vector<16xf32> to vector<16xf32>
      %swap3A_1271 = vector.shape_cast %add3A_1267 : vector<16xf32> to vector<16xf32>
      tpu.vector_store %arg29[%swap3A_1268], %swap3A_1271 {strides = array<i32>} : memref<32xf32, #tpu.memory_space<vmem>>, vector<16xf32>,
      %get3A_1272 = arith.constant 0 : index
      %get3A_1273 = tpu.vector_load %arg29[%get3A_1272] {strides = array<i32>} : memref<32xf32, #tpu.memory_space<vmem>>, vector<16xf32>,
      %get3A_1274 = vector.shape_cast %get3A_1273 : vector<16xf32> to vector<16xf32>
      %get3A_1275 = arith.constant 1 : index
      %get3A_1276 = tpu.vector_load %arg29[%get3A_1275] {strides = array<i32>} : memref<32xf32, #tpu.memory_space<vmem>>, vector<16xf32>,
      %get3A_1277 = vector.shape_cast %get3A_1276 : vector<16xf32> to vector<16xf32>
      %add3A_1278 = arith.addf %get3A_1274, %get3A_1277 : vector<16xf32>
      %slice3A_1279 = vector.extract_strided_slice %add3A_1278 {offsets = [0], sizes = [1], strides = [1]} : vector<16xf32> to vector<1xf32>
      %squeeze3A_1280 = vector.extract %slice3A_1279[0] : f32 from vector<1xf32>
      %get3A_1281 = arith.index_cast %squeeze3A_1234 : i32 to index
      %get3A_1282 = tpu.vector_load %arg25[%get3A_1281] {strides = array<i32>} : memref<8208xf32, #tpu.memory_space<vmem>>, vector<16xf32>,
      %get3A_1283 = vector.shape_cast %get3A_1282 : vector<16xf32> to vector<16xf32>
      %slice3A_1284 = vector.extract_strided_slice %get3A_1283 {offsets = [0], sizes = [1], strides = [1]} : vector<16xf32> to vector<1xf32>
      %squeeze3A_1285 = vector.extract %slice3A_1284[0] : f32 from vector<1xf32>
      %add3A_1286 = arith.addf %squeeze3A_1280, %squeeze3A_1285 : f32
      %swap3A_1287 = arith.constant 0 : index
      %swap3A_1288 = tpu.vector_load %arg29[%swap3A_1287] {strides = array<i32>} : memref<32xf32, #tpu.memory_space<vmem>>, vector<16xf32>,
      %swap3A_1289 = vector.shape_cast %swap3A_1288 : vector<16xf32> to vector<16xf32>
      %swap3A_1290 = vector.shape_cast %scan3A_978#5 : vector<16xf32> to vector<16xf32>
      tpu.vector_store %arg29[%swap3A_1287], %swap3A_1290 {strides = array<i32>} : memref<32xf32, #tpu.memory_space<vmem>>, vector<16xf32>,
      %get3A_1291 = arith.constant 0 : index
      %get3A_1292 = tpu.vector_load %arg29[%get3A_1291] {strides = array<i32>} : memref<32xf32, #tpu.memory_space<vmem>>, vector<16xf32>,
      %get3A_1293 = vector.shape_cast %get3A_1292 : vector<16xf32> to vector<16xf32>
      %get3A_1294 = arith.constant 8 : index
      %get3A_1295 = tpu.vector_load %arg29[%get3A_1294] {strides = array<i32>} : memref<32xf32, #tpu.memory_space<vmem>>, vector<16xf32>,
      %get3A_1296 = vector.shape_cast %get3A_1295 : vector<16xf32> to vector<16xf32>
      %add3A_1297 = arith.addf %get3A_1293, %get3A_1296 : vector<16xf32>
      %swap3A_1298 = arith.constant 0 : index
      %swap3A_1299 = tpu.vector_load %arg29[%swap3A_1298] {strides = array<i32>} : memref<32xf32, #tpu.memory_space<vmem>>, vector<16xf32>,
      %swap3A_1300 = vector.shape_cast %swap3A_1299 : vector<16xf32> to vector<16xf32>
      %swap3A_1301 = vector.shape_cast %add3A_1297 : vector<16xf32> to vector<16xf32>
      tpu.vector_store %arg29[%swap3A_1298], %swap3A_1301 {strides = array<i32>} : memref<32xf32, #tpu.memory_space<vmem>>, vector<16xf32>,
      %get3A_1302 = arith.constant 0 : index
      %get3A_1303 = tpu.vector_load %arg29[%get3A_1302] {strides = array<i32>} : memref<32xf32, #tpu.memory_space<vmem>>, vector<16xf32>,
      %get3A_1304 = vector.shape_cast %get3A_1303 : vector<16xf32> to vector<16xf32>
      %get3A_1305 = arith.constant 4 : index
      %get3A_1306 = tpu.vector_load %arg29[%get3A_1305] {strides = array<i32>} : memref<32xf32, #tpu.memory_space<vmem>>, vector<16xf32>,
      %get3A_1307 = vector.shape_cast %get3A_1306 : vector<16xf32> to vector<16xf32>
      %add3A_1308 = arith.addf %get3A_1304, %get3A_1307 : vector<16xf32>
      %swap3A_1309 = arith.constant 0 : index
      %swap3A_1310 = tpu.vector_load %arg29[%swap3A_1309] {strides = array<i32>} : memref<32xf32, #tpu.memory_space<vmem>>, vector<16xf32>,
      %swap3A_1311 = vector.shape_cast %swap3A_1310 : vector<16xf32> to vector<16xf32>
      %swap3A_1312 = vector.shape_cast %add3A_1308 : vector<16xf32> to vector<16xf32>
      tpu.vector_store %arg29[%swap3A_1309], %swap3A_1312 {strides = array<i32>} : memref<32xf32, #tpu.memory_space<vmem>>, vector<16xf32>,
      %get3A_1313 = arith.constant 0 : index
      %get3A_1314 = tpu.vector_load %arg29[%get3A_1313] {strides = array<i32>} : memref<32xf32, #tpu.memory_space<vmem>>, vector<16xf32>,
      %get3A_1315 = vector.shape_cast %get3A_1314 : vector<16xf32> to vector<16xf32>
      %get3A_1316 = arith.constant 2 : index
      %get3A_1317 = tpu.vector_load %arg29[%get3A_1316] {strides = array<i32>} : memref<32xf32, #tpu.memory_space<vmem>>, vector<16xf32>,
      %get3A_1318 = vector.shape_cast %get3A_1317 : vector<16xf32> to vector<16xf32>
      %add3A_1319 = arith.addf %get3A_1315, %get3A_1318 : vector<16xf32>
      %swap3A_1320 = arith.constant 0 : index
      %swap3A_1321 = tpu.vector_load %arg29[%swap3A_1320] {strides = array<i32>} : memref<32xf32, #tpu.memory_space<vmem>>, vector<16xf32>,
      %swap3A_1322 = vector.shape_cast %swap3A_1321 : vector<16xf32> to vector<16xf32>
      %swap3A_1323 = vector.shape_cast %add3A_1319 : vector<16xf32> to vector<16xf32>
      tpu.vector_store %arg29[%swap3A_1320], %swap3A_1323 {strides = array<i32>} : memref<32xf32, #tpu.memory_space<vmem>>, vector<16xf32>,
      %get3A_1324 = arith.constant 0 : index
      %get3A_1325 = tpu.vector_load %arg29[%get3A_1324] {strides = array<i32>} : memref<32xf32, #tpu.memory_space<vmem>>, vector<16xf32>,
      %get3A_1326 = vector.shape_cast %get3A_1325 : vector<16xf32> to vector<16xf32>
      %get3A_1327 = arith.constant 1 : index
      %get3A_1328 = tpu.vector_load %arg29[%get3A_1327] {strides = array<i32>} : memref<32xf32, #tpu.memory_space<vmem>>, vector<16xf32>,
      %get3A_1329 = vector.shape_cast %get3A_1328 : vector<16xf32> to vector<16xf32>
      %add3A_1330 = arith.addf %get3A_1326, %get3A_1329 : vector<16xf32>
      %slice3A_1331 = vector.extract_strided_slice %add3A_1330 {offsets = [0], sizes = [1], strides = [1]} : vector<16xf32> to vector<1xf32>
      %squeeze3A_1332 = vector.extract %slice3A_1331[0] : f32 from vector<1xf32>
      %get3A_1333 = arith.index_cast %squeeze3A_1234 : i32 to index
      %get3A_1334 = tpu.vector_load %arg26[%get3A_1333] {strides = array<i32>} : memref<8208xf32, #tpu.memory_space<vmem>>, vector<16xf32>,
      %get3A_1335 = vector.shape_cast %get3A_1334 : vector<16xf32> to vector<16xf32>
      %slice3A_1336 = vector.extract_strided_slice %get3A_1335 {offsets = [0], sizes = [1], strides = [1]} : vector<16xf32> to vector<1xf32>
      %squeeze3A_1337 = vector.extract %slice3A_1336[0] : f32 from vector<1xf32>
      %add3A_1338 = arith.addf %squeeze3A_1332, %squeeze3A_1337 : f32
      %slice3A_1339 = vector.extract_strided_slice %get3A_994 {offsets = [2], sizes = [1], strides = [1]} : vector<16xf32> to vector<1xf32>
      %squeeze3A_1340 = vector.extract %slice3A_1339[0] : f32 from vector<1xf32>
      %ne3A_1341 = arith.constant 0.000000e+00 : f32
      %ne3A_1342 = arith.cmpf one, %squeeze3A_1340, %ne3A_1341 : f32
      %gt3A_1343 = arith.cmpf ogt, %add3A_1286, %add3A_1338 : f32
      %and3A_1344 = arith.andi %ne3A_1342, %gt3A_1343 : i1
      %jit3A_1345 = arith.constant 0.000000e+00 : f32
      %select_n3A_1346 = arith.select %and3A_1344, %add3A_1286, %jit3A_1345 : f32
      %not3A_1347 = arith.constant true
      %not3A_1348 = arith.xori %gt3A_1343, %not3A_1347 : i1
      %and3A_1349 = arith.andi %ne3A_1342, %not3A_1348 : i1
      %jit3A_1350 = arith.constant 0.000000e+00 : f32
      %select_n3A_1351 = arith.select %and3A_1349, %add3A_1338, %jit3A_1350 : f32
      %ge3A_1352 = arith.constant 1 : i32
      %ge3A_1353 = arith.cmpi sge, %scan3A_154, %ge3A_1352 : i32
      %convert_element_type3A_1354 = arith.extui %ge3A_1353 : i1 to i32
      %cond3A_1355 = arith.constant 0 : i32
      %cond3A_1356 = arith.cmpi ne, %convert_element_type3A_1354, %cond3A_1355 : i32
      scf.if %cond3A_1356 {
        %dma_wait3A_1550 = arith.constant 1 : i32
        %dma_wait3A_1551 = arith.constant 0 : i32
        %dma_wait3A_1552 = tpu.memref_slice %arg24[%dma_wait3A_1550, %dma_wait3A_1551] : memref<2x2048xf32, #tpu.memory_space<vmem>> -> memref<1x2048xf32, #tpu.memory_space<vmem>>
        %dma_wait3A_1553 = tpu.memref_squeeze %dma_wait3A_1552 : memref<1x2048xf32, #tpu.memory_space<vmem>> -> memref<2048xf32, #tpu.memory_space<vmem>>
        %dma_wait3A_1554 = arith.constant 0 : i32
        %dma_wait3A_1555 = tpu.memref_slice %arg14[%dma_wait3A_1554] : memref<4194304xf32, #tpu.memory_space<hbm>> -> memref<2048xf32, #tpu.memory_space<hbm>>
        %dma_wait3A_1556 = arith.constant 0 : i32
        %dma_wait3A_1557 = tpu.memref_slice %arg14[%dma_wait3A_1556] : memref<4194304xf32, #tpu.memory_space<hbm>> -> memref<2048xf32, #tpu.memory_space<hbm>>
        %dma_wait3A_1558 = arith.constant 0 : i32
        %dma_wait3A_1559 = tpu.memref_slice %arg24[%dma_wait3A_1550, %dma_wait3A_1558] : memref<2x2048xf32, #tpu.memory_space<vmem>> -> memref<1x2048xf32, #tpu.memory_space<vmem>>
        %dma_wait3A_1560 = tpu.memref_squeeze %dma_wait3A_1559 : memref<1x2048xf32, #tpu.memory_space<vmem>> -> memref<2048xf32, #tpu.memory_space<vmem>>
        tpu.wait_dma2 semaphore(%arg32 : memref<!tpu.dma_semaphore, #tpu.memory_space<semaphore_mem>>) src(%dma_wait3A_1560 : memref<2048xf32, #tpu.memory_space<vmem>>) dst(%dma_wait3A_1557 : memref<2048xf32, #tpu.memory_space<hbm>>)
      } else {
      }
      %scan3A_1357 = arith.constant 0 : i32
      %scan3A_1358 = arith.constant 0 : i32
      %scan3A_1359 = arith.constant 128 : i32
      %scan3A_1360 = arith.addi %scan3A_1358, %scan3A_1359 : i32
      %scan3A_1361 = arith.constant 1 : i32
      %scan3A_1362 = scf.for %scan3A_1550 = %scan3A_1358 to %scan3A_1360 step %scan3A_1361 iter_args(%scan3A_1551 = %scan3A_1357) -> (i32)  : i32 {
        %mul3A_1552 = arith.constant 16 : i32
        %mul3A_1553 = arith.muli %scan3A_1550, %mul3A_1552 : i32
        %get3A_1554 = arith.index_cast %mul3A_1553 : i32 to index
        %get3A_1555 = tpu.vector_load %arg27[%get3A_1554] {strides = array<i32>} : memref<2048xf32, #tpu.memory_space<vmem>>, vector<16xf32>,
        %get3A_1556 = vector.shape_cast %get3A_1555 : vector<16xf32> to vector<16xf32>
        %get3A_1557 = arith.constant 1 : i32
        %get3A_1558 = arith.constant 0 : i32
        %get3A_1559 = arith.index_cast %get3A_1557 : i32 to index
        %get3A_1560 = arith.index_cast %get3A_1558 : i32 to index
        %get3A_1561 = arith.index_cast %mul3A_1553 : i32 to index
        %get3A_1562 = tpu.vector_load %arg21[%get3A_1559, %get3A_1560, %get3A_1561] {strides = array<i32>} : memref<2x3x2048xf32, #tpu.memory_space<vmem>>, vector<1x1x16xf32>,
        %get3A_1563 = vector.shape_cast %get3A_1562 : vector<1x1x16xf32> to vector<16xf32>
        %mul3A_1564 = vector.broadcast %squeeze3A_1102 : f32 to vector<16xf32>
        %mul3A_1565 = arith.mulf %mul3A_1564, %get3A_1563 : vector<16xf32>
        %add3A_1566 = arith.addf %get3A_1556, %mul3A_1565 : vector<16xf32>
        %get3A_1567 = arith.constant 1 : i32
        %get3A_1568 = arith.constant 1 : i32
        %get3A_1569 = arith.index_cast %get3A_1567 : i32 to index
        %get3A_1570 = arith.index_cast %get3A_1568 : i32 to index
        %get3A_1571 = arith.index_cast %mul3A_1553 : i32 to index
        %get3A_1572 = tpu.vector_load %arg21[%get3A_1569, %get3A_1570, %get3A_1571] {strides = array<i32>} : memref<2x3x2048xf32, #tpu.memory_space<vmem>>, vector<1x1x16xf32>,
        %get3A_1573 = vector.shape_cast %get3A_1572 : vector<1x1x16xf32> to vector<16xf32>
        %mul3A_1574 = vector.broadcast %squeeze3A_1221 : f32 to vector<16xf32>
        %mul3A_1575 = arith.mulf %mul3A_1574, %get3A_1573 : vector<16xf32>
        %add3A_1576 = arith.addf %add3A_1566, %mul3A_1575 : vector<16xf32>
        %get3A_1577 = arith.constant 1 : i32
        %get3A_1578 = arith.constant 2 : i32
        %get3A_1579 = arith.index_cast %get3A_1577 : i32 to index
        %get3A_1580 = arith.index_cast %get3A_1578 : i32 to index
        %get3A_1581 = arith.index_cast %mul3A_1553 : i32 to index
        %get3A_1582 = tpu.vector_load %arg21[%get3A_1579, %get3A_1580, %get3A_1581] {strides = array<i32>} : memref<2x3x2048xf32, #tpu.memory_space<vmem>>, vector<1x1x16xf32>,
        %get3A_1583 = vector.shape_cast %get3A_1582 : vector<1x1x16xf32> to vector<16xf32>
        %mul3A_1584 = vector.broadcast %squeeze3A_1340 : f32 to vector<16xf32>
        %mul3A_1585 = arith.mulf %mul3A_1584, %get3A_1583 : vector<16xf32>
        %add3A_1586 = arith.addf %add3A_1576, %mul3A_1585 : vector<16xf32>
        %get3A_1587 = arith.constant 1 : i32
        %get3A_1588 = arith.constant 0 : i32
        %get3A_1589 = arith.index_cast %get3A_1587 : i32 to index
        %get3A_1590 = arith.index_cast %get3A_1588 : i32 to index
        %get3A_1591 = arith.index_cast %mul3A_1553 : i32 to index
        %get3A_1592 = tpu.vector_load %arg22[%get3A_1589, %get3A_1590, %get3A_1591] {strides = array<i32>} : memref<2x3x2048xf32, #tpu.memory_space<vmem>>, vector<1x1x16xf32>,
        %get3A_1593 = vector.shape_cast %get3A_1592 : vector<1x1x16xf32> to vector<16xf32>
        %mul3A_1594 = vector.broadcast %select_n3A_1108 : f32 to vector<16xf32>
        %mul3A_1595 = arith.mulf %mul3A_1594, %get3A_1593 : vector<16xf32>
        %add3A_1596 = arith.addf %add3A_1586, %mul3A_1595 : vector<16xf32>
        %get3A_1597 = arith.constant 1 : i32
        %get3A_1598 = arith.constant 1 : i32
        %get3A_1599 = arith.index_cast %get3A_1597 : i32 to index
        %get3A_1600 = arith.index_cast %get3A_1598 : i32 to index
        %get3A_1601 = arith.index_cast %mul3A_1553 : i32 to index
        %get3A_1602 = tpu.vector_load %arg22[%get3A_1599, %get3A_1600, %get3A_1601] {strides = array<i32>} : memref<2x3x2048xf32, #tpu.memory_space<vmem>>, vector<1x1x16xf32>,
        %get3A_1603 = vector.shape_cast %get3A_1602 : vector<1x1x16xf32> to vector<16xf32>
        %mul3A_1604 = vector.broadcast %select_n3A_1227 : f32 to vector<16xf32>
        %mul3A_1605 = arith.mulf %mul3A_1604, %get3A_1603 : vector<16xf32>
        %add3A_1606 = arith.addf %add3A_1596, %mul3A_1605 : vector<16xf32>
        %get3A_1607 = arith.constant 1 : i32
        %get3A_1608 = arith.constant 2 : i32
        %get3A_1609 = arith.index_cast %get3A_1607 : i32 to index
        %get3A_1610 = arith.index_cast %get3A_1608 : i32 to index
        %get3A_1611 = arith.index_cast %mul3A_1553 : i32 to index
        %get3A_1612 = tpu.vector_load %arg22[%get3A_1609, %get3A_1610, %get3A_1611] {strides = array<i32>} : memref<2x3x2048xf32, #tpu.memory_space<vmem>>, vector<1x1x16xf32>,
        %get3A_1613 = vector.shape_cast %get3A_1612 : vector<1x1x16xf32> to vector<16xf32>
        %mul3A_1614 = vector.broadcast %select_n3A_1346 : f32 to vector<16xf32>
        %mul3A_1615 = arith.mulf %mul3A_1614, %get3A_1613 : vector<16xf32>
        %add3A_1616 = arith.addf %add3A_1606, %mul3A_1615 : vector<16xf32>
        %get3A_1617 = arith.constant 1 : i32
        %get3A_1618 = arith.constant 0 : i32
        %get3A_1619 = arith.index_cast %get3A_1617 : i32 to index
        %get3A_1620 = arith.index_cast %get3A_1618 : i32 to index
        %get3A_1621 = arith.index_cast %mul3A_1553 : i32 to index
        %get3A_1622 = tpu.vector_load %arg23[%get3A_1619, %get3A_1620, %get3A_1621] {strides = array<i32>} : memref<2x3x2048xf32, #tpu.memory_space<vmem>>, vector<1x1x16xf32>,
        %get3A_1623 = vector.shape_cast %get3A_1622 : vector<1x1x16xf32> to vector<16xf32>
        %mul3A_1624 = vector.broadcast %select_n3A_1113 : f32 to vector<16xf32>
        %mul3A_1625 = arith.mulf %mul3A_1624, %get3A_1623 : vector<16xf32>
        %add3A_1626 = arith.addf %add3A_1616, %mul3A_1625 : vector<16xf32>
        %get3A_1627 = arith.constant 1 : i32
        %get3A_1628 = arith.constant 1 : i32
        %get3A_1629 = arith.index_cast %get3A_1627 : i32 to index
        %get3A_1630 = arith.index_cast %get3A_1628 : i32 to index
        %get3A_1631 = arith.index_cast %mul3A_1553 : i32 to index
        %get3A_1632 = tpu.vector_load %arg23[%get3A_1629, %get3A_1630, %get3A_1631] {strides = array<i32>} : memref<2x3x2048xf32, #tpu.memory_space<vmem>>, vector<1x1x16xf32>,
        %get3A_1633 = vector.shape_cast %get3A_1632 : vector<1x1x16xf32> to vector<16xf32>
        %mul3A_1634 = vector.broadcast %select_n3A_1232 : f32 to vector<16xf32>
        %mul3A_1635 = arith.mulf %mul3A_1634, %get3A_1633 : vector<16xf32>
        %add3A_1636 = arith.addf %add3A_1626, %mul3A_1635 : vector<16xf32>
        %get3A_1637 = arith.constant 1 : i32
        %get3A_1638 = arith.constant 2 : i32
        %get3A_1639 = arith.index_cast %get3A_1637 : i32 to index
        %get3A_1640 = arith.index_cast %get3A_1638 : i32 to index
        %get3A_1641 = arith.index_cast %mul3A_1553 : i32 to index
        %get3A_1642 = tpu.vector_load %arg23[%get3A_1639, %get3A_1640, %get3A_1641] {strides = array<i32>} : memref<2x3x2048xf32, #tpu.memory_space<vmem>>, vector<1x1x16xf32>,
        %get3A_1643 = vector.shape_cast %get3A_1642 : vector<1x1x16xf32> to vector<16xf32>
        %mul3A_1644 = vector.broadcast %select_n3A_1351 : f32 to vector<16xf32>
        %mul3A_1645 = arith.mulf %mul3A_1644, %get3A_1643 : vector<16xf32>
        %add3A_1646 = arith.addf %add3A_1636, %mul3A_1645 : vector<16xf32>
        %swap3A_1647 = arith.constant 1 : i32
        %swap3A_1648 = arith.index_cast %swap3A_1647 : i32 to index
        %swap3A_1649 = arith.index_cast %mul3A_1553 : i32 to index
        %swap3A_1650 = tpu.vector_load %arg24[%swap3A_1648, %swap3A_1649] {strides = array<i32>} : memref<2x2048xf32, #tpu.memory_space<vmem>>, vector<1x16xf32>,
        %swap3A_1651 = vector.shape_cast %swap3A_1650 : vector<1x16xf32> to vector<16xf32>
        %swap3A_1652 = vector.shape_cast %add3A_1646 : vector<16xf32> to vector<1x16xf32>
        tpu.vector_store %arg24[%swap3A_1648, %swap3A_1649], %swap3A_1652 {strides = array<i32>} : memref<2x2048xf32, #tpu.memory_space<vmem>>, vector<1x16xf32>,
        %scan3A_1653 = arith.constant 0 : i32
        scf.yield %scan3A_1653 : i32
      }
      %scan3A_1363 = arith.constant 128 : i32
      %mul3A_1364 = arith.constant 2048 : i32
      %mul3A_1365 = arith.muli %add3A_893, %mul3A_1364 : i32
      %dma_start3A_1366 = arith.constant 1 : i32
      %dma_start3A_1367 = arith.constant 0 : i32
      %dma_start3A_1368 = tpu.memref_slice %arg24[%dma_start3A_1366, %dma_start3A_1367] : memref<2x2048xf32, #tpu.memory_space<vmem>> -> memref<1x2048xf32, #tpu.memory_space<vmem>>
      %dma_start3A_1369 = tpu.memref_squeeze %dma_start3A_1368 : memref<1x2048xf32, #tpu.memory_space<vmem>> -> memref<2048xf32, #tpu.memory_space<vmem>>
      %dma_start3A_1370 = tpu.memref_slice %arg14[%mul3A_1365] : memref<4194304xf32, #tpu.memory_space<hbm>> -> memref<2048xf32, #tpu.memory_space<hbm>>
      %dma_start3A_1371 = tpu.memref_slice %arg14[%mul3A_1365] : memref<4194304xf32, #tpu.memory_space<hbm>> -> memref<2048xf32, #tpu.memory_space<hbm>>
      %dma_start3A_1372 = arith.constant 0 : i32
      %dma_start3A_1373 = tpu.memref_slice %arg24[%dma_start3A_1366, %dma_start3A_1372] : memref<2x2048xf32, #tpu.memory_space<vmem>> -> memref<1x2048xf32, #tpu.memory_space<vmem>>
      %dma_start3A_1374 = tpu.memref_squeeze %dma_start3A_1373 : memref<1x2048xf32, #tpu.memory_space<vmem>> -> memref<2048xf32, #tpu.memory_space<vmem>>
      tpu.enqueue_dma source(%dma_start3A_1374 : memref<2048xf32, #tpu.memory_space<vmem>>) target(%dma_start3A_1371 : memref<2048xf32, #tpu.memory_space<hbm>>) target_semaphore(%arg32 : memref<!tpu.dma_semaphore, #tpu.memory_space<semaphore_mem>>)
      %slice3A_1375 = vector.extract_strided_slice %get3A_989 {offsets = [0], sizes = [1], strides = [1]} : vector<16xi32> to vector<1xi32>
      %squeeze3A_1376 = vector.extract %slice3A_1375[0] : i32 from vector<1xi32>
      %ne3A_1377 = arith.constant 0.000000e+00 : f32
      %ne3A_1378 = arith.cmpf one, %select_n3A_1108, %ne3A_1377 : f32
      %jit3A_1379 = arith.constant 1.000000e+00 : f32
      %jit3A_1380 = arith.constant 0.000000e+00 : f32
      %select_n3A_1381 = arith.select %ne3A_1378, %jit3A_1379, %jit3A_1380 : f32
      %ne3A_1382 = arith.constant 0.000000e+00 : f32
      %ne3A_1383 = arith.cmpf one, %select_n3A_1113, %ne3A_1382 : f32
      %jit3A_1384 = arith.constant 1.000000e+00 : f32
      %jit3A_1385 = arith.constant 0.000000e+00 : f32
      %select_n3A_1386 = arith.select %ne3A_1383, %jit3A_1384, %jit3A_1385 : f32
      %add3A_1387 = arith.constant 0 : i32
      %add3A_1388 = arith.addi %add3A_1387, %squeeze3A_1376 : i32
      %get3A_1389 = arith.index_cast %add3A_1388 : i32 to index
      %get3A_1390 = tpu.vector_load %arg28[%get3A_1389] {strides = array<i32>} : memref<24624xf32, #tpu.memory_space<vmem>>, vector<16xf32>,
      %get3A_1391 = vector.shape_cast %get3A_1390 : vector<16xf32> to vector<16xf32>
      %eq3A_1392 = arith.constant 0 : i32
      %eq3A_1393 = vector.broadcast %eq3A_1392 : i32 to vector<16xi32>
      %eq3A_1394 = arith.cmpi eq, %iota3A, %eq3A_1393 : vector<16xi32>
      %max3A_1395 = arith.constant 1.000000e+00 : f32
      %max3A_1396 = vector.broadcast %max3A_1395 : f32 to vector<16xf32>
      %max3A_1397 = arith.maximumf %get3A_1391, %max3A_1396 : vector<16xf32>
      %select_n3A_1398 = arith.select %eq3A_1394, %max3A_1397, %get3A_1391 : vector<16xi1>, vector<16xf32>
      %swap3A_1399 = arith.index_cast %add3A_1388 : i32 to index
      %swap3A_1400 = tpu.vector_load %arg28[%swap3A_1399] {strides = array<i32>} : memref<24624xf32, #tpu.memory_space<vmem>>, vector<16xf32>,
      %swap3A_1401 = vector.shape_cast %swap3A_1400 : vector<16xf32> to vector<16xf32>
      %swap3A_1402 = vector.shape_cast %select_n3A_1398 : vector<16xf32> to vector<16xf32>
      tpu.vector_store %arg28[%swap3A_1399], %swap3A_1402 {strides = array<i32>} : memref<24624xf32, #tpu.memory_space<vmem>>, vector<16xf32>,
      %add3A_1403 = arith.constant 8208 : i32
      %add3A_1404 = arith.addi %add3A_1403, %squeeze3A_1376 : i32
      %get3A_1405 = arith.index_cast %add3A_1404 : i32 to index
      %get3A_1406 = tpu.vector_load %arg28[%get3A_1405] {strides = array<i32>} : memref<24624xf32, #tpu.memory_space<vmem>>, vector<16xf32>,
      %get3A_1407 = vector.shape_cast %get3A_1406 : vector<16xf32> to vector<16xf32>
      %eq3A_1408 = arith.constant 0 : i32
      %eq3A_1409 = vector.broadcast %eq3A_1408 : i32 to vector<16xi32>
      %eq3A_1410 = arith.cmpi eq, %iota3A, %eq3A_1409 : vector<16xi32>
      %max3A_1411 = vector.broadcast %select_n3A_1381 : f32 to vector<16xf32>
      %max3A_1412 = arith.maximumf %get3A_1407, %max3A_1411 : vector<16xf32>
      %select_n3A_1413 = arith.select %eq3A_1410, %max3A_1412, %get3A_1407 : vector<16xi1>, vector<16xf32>
      %swap3A_1414 = arith.index_cast %add3A_1404 : i32 to index
      %swap3A_1415 = tpu.vector_load %arg28[%swap3A_1414] {strides = array<i32>} : memref<24624xf32, #tpu.memory_space<vmem>>, vector<16xf32>,
      %swap3A_1416 = vector.shape_cast %swap3A_1415 : vector<16xf32> to vector<16xf32>
      %swap3A_1417 = vector.shape_cast %select_n3A_1413 : vector<16xf32> to vector<16xf32>
      tpu.vector_store %arg28[%swap3A_1414], %swap3A_1417 {strides = array<i32>} : memref<24624xf32, #tpu.memory_space<vmem>>, vector<16xf32>,
      %add3A_1418 = arith.constant 16416 : i32
      %add3A_1419 = arith.addi %add3A_1418, %squeeze3A_1376 : i32
      %get3A_1420 = arith.index_cast %add3A_1419 : i32 to index
      %get3A_1421 = tpu.vector_load %arg28[%get3A_1420] {strides = array<i32>} : memref<24624xf32, #tpu.memory_space<vmem>>, vector<16xf32>,
      %get3A_1422 = vector.shape_cast %get3A_1421 : vector<16xf32> to vector<16xf32>
      %eq3A_1423 = arith.constant 0 : i32
      %eq3A_1424 = vector.broadcast %eq3A_1423 : i32 to vector<16xi32>
      %eq3A_1425 = arith.cmpi eq, %iota3A, %eq3A_1424 : vector<16xi32>
      %max3A_1426 = vector.broadcast %select_n3A_1386 : f32 to vector<16xf32>
      %max3A_1427 = arith.maximumf %get3A_1422, %max3A_1426 : vector<16xf32>
      %select_n3A_1428 = arith.select %eq3A_1425, %max3A_1427, %get3A_1422 : vector<16xi1>, vector<16xf32>
      %swap3A_1429 = arith.index_cast %add3A_1419 : i32 to index
      %swap3A_1430 = tpu.vector_load %arg28[%swap3A_1429] {strides = array<i32>} : memref<24624xf32, #tpu.memory_space<vmem>>, vector<16xf32>,
      %swap3A_1431 = vector.shape_cast %swap3A_1430 : vector<16xf32> to vector<16xf32>
      %swap3A_1432 = vector.shape_cast %select_n3A_1428 : vector<16xf32> to vector<16xf32>
      tpu.vector_store %arg28[%swap3A_1429], %swap3A_1432 {strides = array<i32>} : memref<24624xf32, #tpu.memory_space<vmem>>, vector<16xf32>,
      %slice3A_1433 = vector.extract_strided_slice %get3A_989 {offsets = [1], sizes = [1], strides = [1]} : vector<16xi32> to vector<1xi32>
      %squeeze3A_1434 = vector.extract %slice3A_1433[0] : i32 from vector<1xi32>
      %ne3A_1435 = arith.constant 0.000000e+00 : f32
      %ne3A_1436 = arith.cmpf one, %select_n3A_1227, %ne3A_1435 : f32
      %jit3A_1437 = arith.constant 1.000000e+00 : f32
      %jit3A_1438 = arith.constant 0.000000e+00 : f32
      %select_n3A_1439 = arith.select %ne3A_1436, %jit3A_1437, %jit3A_1438 : f32
      %ne3A_1440 = arith.constant 0.000000e+00 : f32
      %ne3A_1441 = arith.cmpf one, %select_n3A_1232, %ne3A_1440 : f32
      %jit3A_1442 = arith.constant 1.000000e+00 : f32
      %jit3A_1443 = arith.constant 0.000000e+00 : f32
      %select_n3A_1444 = arith.select %ne3A_1441, %jit3A_1442, %jit3A_1443 : f32
      %add3A_1445 = arith.constant 0 : i32
      %add3A_1446 = arith.addi %add3A_1445, %squeeze3A_1434 : i32
      %get3A_1447 = arith.index_cast %add3A_1446 : i32 to index
      %get3A_1448 = tpu.vector_load %arg28[%get3A_1447] {strides = array<i32>} : memref<24624xf32, #tpu.memory_space<vmem>>, vector<16xf32>,
      %get3A_1449 = vector.shape_cast %get3A_1448 : vector<16xf32> to vector<16xf32>
      %eq3A_1450 = arith.constant 0 : i32
      %eq3A_1451 = vector.broadcast %eq3A_1450 : i32 to vector<16xi32>
      %eq3A_1452 = arith.cmpi eq, %iota3A, %eq3A_1451 : vector<16xi32>
      %max3A_1453 = arith.constant 1.000000e+00 : f32
      %max3A_1454 = vector.broadcast %max3A_1453 : f32 to vector<16xf32>
      %max3A_1455 = arith.maximumf %get3A_1449, %max3A_1454 : vector<16xf32>
      %select_n3A_1456 = arith.select %eq3A_1452, %max3A_1455, %get3A_1449 : vector<16xi1>, vector<16xf32>
      %swap3A_1457 = arith.index_cast %add3A_1446 : i32 to index
      %swap3A_1458 = tpu.vector_load %arg28[%swap3A_1457] {strides = array<i32>} : memref<24624xf32, #tpu.memory_space<vmem>>, vector<16xf32>,
      %swap3A_1459 = vector.shape_cast %swap3A_1458 : vector<16xf32> to vector<16xf32>
      %swap3A_1460 = vector.shape_cast %select_n3A_1456 : vector<16xf32> to vector<16xf32>
      tpu.vector_store %arg28[%swap3A_1457], %swap3A_1460 {strides = array<i32>} : memref<24624xf32, #tpu.memory_space<vmem>>, vector<16xf32>,
      %add3A_1461 = arith.constant 8208 : i32
      %add3A_1462 = arith.addi %add3A_1461, %squeeze3A_1434 : i32
      %get3A_1463 = arith.index_cast %add3A_1462 : i32 to index
      %get3A_1464 = tpu.vector_load %arg28[%get3A_1463] {strides = array<i32>} : memref<24624xf32, #tpu.memory_space<vmem>>, vector<16xf32>,
      %get3A_1465 = vector.shape_cast %get3A_1464 : vector<16xf32> to vector<16xf32>
      %eq3A_1466 = arith.constant 0 : i32
      %eq3A_1467 = vector.broadcast %eq3A_1466 : i32 to vector<16xi32>
      %eq3A_1468 = arith.cmpi eq, %iota3A, %eq3A_1467 : vector<16xi32>
      %max3A_1469 = vector.broadcast %select_n3A_1439 : f32 to vector<16xf32>
      %max3A_1470 = arith.maximumf %get3A_1465, %max3A_1469 : vector<16xf32>
      %select_n3A_1471 = arith.select %eq3A_1468, %max3A_1470, %get3A_1465 : vector<16xi1>, vector<16xf32>
      %swap3A_1472 = arith.index_cast %add3A_1462 : i32 to index
      %swap3A_1473 = tpu.vector_load %arg28[%swap3A_1472] {strides = array<i32>} : memref<24624xf32, #tpu.memory_space<vmem>>, vector<16xf32>,
      %swap3A_1474 = vector.shape_cast %swap3A_1473 : vector<16xf32> to vector<16xf32>
      %swap3A_1475 = vector.shape_cast %select_n3A_1471 : vector<16xf32> to vector<16xf32>
      tpu.vector_store %arg28[%swap3A_1472], %swap3A_1475 {strides = array<i32>} : memref<24624xf32, #tpu.memory_space<vmem>>, vector<16xf32>,
      %add3A_1476 = arith.constant 16416 : i32
      %add3A_1477 = arith.addi %add3A_1476, %squeeze3A_1434 : i32
      %get3A_1478 = arith.index_cast %add3A_1477 : i32 to index
      %get3A_1479 = tpu.vector_load %arg28[%get3A_1478] {strides = array<i32>} : memref<24624xf32, #tpu.memory_space<vmem>>, vector<16xf32>,
      %get3A_1480 = vector.shape_cast %get3A_1479 : vector<16xf32> to vector<16xf32>
      %eq3A_1481 = arith.constant 0 : i32
      %eq3A_1482 = vector.broadcast %eq3A_1481 : i32 to vector<16xi32>
      %eq3A_1483 = arith.cmpi eq, %iota3A, %eq3A_1482 : vector<16xi32>
      %max3A_1484 = vector.broadcast %select_n3A_1444 : f32 to vector<16xf32>
      %max3A_1485 = arith.maximumf %get3A_1480, %max3A_1484 : vector<16xf32>
      %select_n3A_1486 = arith.select %eq3A_1483, %max3A_1485, %get3A_1480 : vector<16xi1>, vector<16xf32>
      %swap3A_1487 = arith.index_cast %add3A_1477 : i32 to index
      %swap3A_1488 = tpu.vector_load %arg28[%swap3A_1487] {strides = array<i32>} : memref<24624xf32, #tpu.memory_space<vmem>>, vector<16xf32>,
      %swap3A_1489 = vector.shape_cast %swap3A_1488 : vector<16xf32> to vector<16xf32>
      %swap3A_1490 = vector.shape_cast %select_n3A_1486 : vector<16xf32> to vector<16xf32>
      tpu.vector_store %arg28[%swap3A_1487], %swap3A_1490 {strides = array<i32>} : memref<24624xf32, #tpu.memory_space<vmem>>, vector<16xf32>,
      %slice3A_1491 = vector.extract_strided_slice %get3A_989 {offsets = [2], sizes = [1], strides = [1]} : vector<16xi32> to vector<1xi32>
      %squeeze3A_1492 = vector.extract %slice3A_1491[0] : i32 from vector<1xi32>
      %ne3A_1493 = arith.constant 0.000000e+00 : f32
      %ne3A_1494 = arith.cmpf one, %select_n3A_1346, %ne3A_1493 : f32
      %jit3A_1495 = arith.constant 1.000000e+00 : f32
      %jit3A_1496 = arith.constant 0.000000e+00 : f32
      %select_n3A_1497 = arith.select %ne3A_1494, %jit3A_1495, %jit3A_1496 : f32
      %ne3A_1498 = arith.constant 0.000000e+00 : f32
      %ne3A_1499 = arith.cmpf one, %select_n3A_1351, %ne3A_1498 : f32
      %jit3A_1500 = arith.constant 1.000000e+00 : f32
      %jit3A_1501 = arith.constant 0.000000e+00 : f32
      %select_n3A_1502 = arith.select %ne3A_1499, %jit3A_1500, %jit3A_1501 : f32
      %add3A_1503 = arith.constant 0 : i32
      %add3A_1504 = arith.addi %add3A_1503, %squeeze3A_1492 : i32
      %get3A_1505 = arith.index_cast %add3A_1504 : i32 to index
      %get3A_1506 = tpu.vector_load %arg28[%get3A_1505] {strides = array<i32>} : memref<24624xf32, #tpu.memory_space<vmem>>, vector<16xf32>,
      %get3A_1507 = vector.shape_cast %get3A_1506 : vector<16xf32> to vector<16xf32>
      %eq3A_1508 = arith.constant 0 : i32
      %eq3A_1509 = vector.broadcast %eq3A_1508 : i32 to vector<16xi32>
      %eq3A_1510 = arith.cmpi eq, %iota3A, %eq3A_1509 : vector<16xi32>
      %max3A_1511 = arith.constant 1.000000e+00 : f32
      %max3A_1512 = vector.broadcast %max3A_1511 : f32 to vector<16xf32>
      %max3A_1513 = arith.maximumf %get3A_1507, %max3A_1512 : vector<16xf32>
      %select_n3A_1514 = arith.select %eq3A_1510, %max3A_1513, %get3A_1507 : vector<16xi1>, vector<16xf32>
      %swap3A_1515 = arith.index_cast %add3A_1504 : i32 to index
      %swap3A_1516 = tpu.vector_load %arg28[%swap3A_1515] {strides = array<i32>} : memref<24624xf32, #tpu.memory_space<vmem>>, vector<16xf32>,
      %swap3A_1517 = vector.shape_cast %swap3A_1516 : vector<16xf32> to vector<16xf32>
      %swap3A_1518 = vector.shape_cast %select_n3A_1514 : vector<16xf32> to vector<16xf32>
      tpu.vector_store %arg28[%swap3A_1515], %swap3A_1518 {strides = array<i32>} : memref<24624xf32, #tpu.memory_space<vmem>>, vector<16xf32>,
      %add3A_1519 = arith.constant 8208 : i32
      %add3A_1520 = arith.addi %add3A_1519, %squeeze3A_1492 : i32
      %get3A_1521 = arith.index_cast %add3A_1520 : i32 to index
      %get3A_1522 = tpu.vector_load %arg28[%get3A_1521] {strides = array<i32>} : memref<24624xf32, #tpu.memory_space<vmem>>, vector<16xf32>,
      %get3A_1523 = vector.shape_cast %get3A_1522 : vector<16xf32> to vector<16xf32>
      %eq3A_1524 = arith.constant 0 : i32
      %eq3A_1525 = vector.broadcast %eq3A_1524 : i32 to vector<16xi32>
      %eq3A_1526 = arith.cmpi eq, %iota3A, %eq3A_1525 : vector<16xi32>
      %max3A_1527 = vector.broadcast %select_n3A_1497 : f32 to vector<16xf32>
      %max3A_1528 = arith.maximumf %get3A_1523, %max3A_1527 : vector<16xf32>
      %select_n3A_1529 = arith.select %eq3A_1526, %max3A_1528, %get3A_1523 : vector<16xi1>, vector<16xf32>
      %swap3A_1530 = arith.index_cast %add3A_1520 : i32 to index
      %swap3A_1531 = tpu.vector_load %arg28[%swap3A_1530] {strides = array<i32>} : memref<24624xf32, #tpu.memory_space<vmem>>, vector<16xf32>,
      %swap3A_1532 = vector.shape_cast %swap3A_1531 : vector<16xf32> to vector<16xf32>
      %swap3A_1533 = vector.shape_cast %select_n3A_1529 : vector<16xf32> to vector<16xf32>
      tpu.vector_store %arg28[%swap3A_1530], %swap3A_1533 {strides = array<i32>} : memref<24624xf32, #tpu.memory_space<vmem>>, vector<16xf32>,
      %add3A_1534 = arith.constant 16416 : i32
      %add3A_1535 = arith.addi %add3A_1534, %squeeze3A_1492 : i32
      %get3A_1536 = arith.index_cast %add3A_1535 : i32 to index
      %get3A_1537 = tpu.vector_load %arg28[%get3A_1536] {strides = array<i32>} : memref<24624xf32, #tpu.memory_space<vmem>>, vector<16xf32>,
      %get3A_1538 = vector.shape_cast %get3A_1537 : vector<16xf32> to vector<16xf32>
      %eq3A_1539 = arith.constant 0 : i32
      %eq3A_1540 = vector.broadcast %eq3A_1539 : i32 to vector<16xi32>
      %eq3A_1541 = arith.cmpi eq, %iota3A, %eq3A_1540 : vector<16xi32>
      %max3A_1542 = vector.broadcast %select_n3A_1502 : f32 to vector<16xf32>
      %max3A_1543 = arith.maximumf %get3A_1538, %max3A_1542 : vector<16xf32>
      %select_n3A_1544 = arith.select %eq3A_1541, %max3A_1543, %get3A_1538 : vector<16xi1>, vector<16xf32>
      %swap3A_1545 = arith.index_cast %add3A_1535 : i32 to index
      %swap3A_1546 = tpu.vector_load %arg28[%swap3A_1545] {strides = array<i32>} : memref<24624xf32, #tpu.memory_space<vmem>>, vector<16xf32>,
      %swap3A_1547 = vector.shape_cast %swap3A_1546 : vector<16xf32> to vector<16xf32>
      %swap3A_1548 = vector.shape_cast %select_n3A_1544 : vector<16xf32> to vector<16xf32>
      tpu.vector_store %arg28[%swap3A_1545], %swap3A_1548 {strides = array<i32>} : memref<24624xf32, #tpu.memory_space<vmem>>, vector<16xf32>,
      %scan3A_1549 = arith.constant 0 : i32
      scf.yield %scan3A_1549 : i32
    }
    %scan3A_114 = arith.constant 32 : i32
    %dma_wait3A = arith.constant 0 : i32
    %dma_wait3A_115 = arith.constant 0 : i32
    %dma_wait3A_116 = tpu.memref_slice %arg24[%dma_wait3A, %dma_wait3A_115] : memref<2x2048xf32, #tpu.memory_space<vmem>> -> memref<1x2048xf32, #tpu.memory_space<vmem>>
    %dma_wait3A_117 = tpu.memref_squeeze %dma_wait3A_116 : memref<1x2048xf32, #tpu.memory_space<vmem>> -> memref<2048xf32, #tpu.memory_space<vmem>>
    %dma_wait3A_118 = arith.constant 0 : i32
    %dma_wait3A_119 = tpu.memref_slice %arg14[%dma_wait3A_118] : memref<4194304xf32, #tpu.memory_space<hbm>> -> memref<2048xf32, #tpu.memory_space<hbm>>
    %dma_wait3A_120 = arith.constant 0 : i32
    %dma_wait3A_121 = tpu.memref_slice %arg14[%dma_wait3A_120] : memref<4194304xf32, #tpu.memory_space<hbm>> -> memref<2048xf32, #tpu.memory_space<hbm>>
    %dma_wait3A_122 = arith.constant 0 : i32
    %dma_wait3A_123 = tpu.memref_slice %arg24[%dma_wait3A, %dma_wait3A_122] : memref<2x2048xf32, #tpu.memory_space<vmem>> -> memref<1x2048xf32, #tpu.memory_space<vmem>>
    %dma_wait3A_124 = tpu.memref_squeeze %dma_wait3A_123 : memref<1x2048xf32, #tpu.memory_space<vmem>> -> memref<2048xf32, #tpu.memory_space<vmem>>
    tpu.wait_dma2 semaphore(%arg32 : memref<!tpu.dma_semaphore, #tpu.memory_space<semaphore_mem>>) src(%dma_wait3A_124 : memref<2048xf32, #tpu.memory_space<vmem>>) dst(%dma_wait3A_121 : memref<2048xf32, #tpu.memory_space<hbm>>)
    %dma_wait3A_125 = arith.constant 1 : i32
    %dma_wait3A_126 = arith.constant 0 : i32
    %dma_wait3A_127 = tpu.memref_slice %arg24[%dma_wait3A_125, %dma_wait3A_126] : memref<2x2048xf32, #tpu.memory_space<vmem>> -> memref<1x2048xf32, #tpu.memory_space<vmem>>
    %dma_wait3A_128 = tpu.memref_squeeze %dma_wait3A_127 : memref<1x2048xf32, #tpu.memory_space<vmem>> -> memref<2048xf32, #tpu.memory_space<vmem>>
    %dma_wait3A_129 = arith.constant 0 : i32
    %dma_wait3A_130 = tpu.memref_slice %arg14[%dma_wait3A_129] : memref<4194304xf32, #tpu.memory_space<hbm>> -> memref<2048xf32, #tpu.memory_space<hbm>>
    %dma_wait3A_131 = arith.constant 0 : i32
    %dma_wait3A_132 = tpu.memref_slice %arg14[%dma_wait3A_131] : memref<4194304xf32, #tpu.memory_space<hbm>> -> memref<2048xf32, #tpu.memory_space<hbm>>
    %dma_wait3A_133 = arith.constant 0 : i32
    %dma_wait3A_134 = tpu.memref_slice %arg24[%dma_wait3A_125, %dma_wait3A_133] : memref<2x2048xf32, #tpu.memory_space<vmem>> -> memref<1x2048xf32, #tpu.memory_space<vmem>>
    %dma_wait3A_135 = tpu.memref_squeeze %dma_wait3A_134 : memref<1x2048xf32, #tpu.memory_space<vmem>> -> memref<2048xf32, #tpu.memory_space<vmem>>
    tpu.wait_dma2 semaphore(%arg32 : memref<!tpu.dma_semaphore, #tpu.memory_space<semaphore_mem>>) src(%dma_wait3A_135 : memref<2048xf32, #tpu.memory_space<vmem>>) dst(%dma_wait3A_132 : memref<2048xf32, #tpu.memory_space<hbm>>)
    %mul3A_136 = arith.constant 3 : i32
    %mul3A_137 = arith.muli %add3A, %mul3A_136 : i32
    %add3A_138 = arith.constant 0 : i32
    %add3A_139 = arith.addi %mul3A_137, %add3A_138 : i32
    %mul3A_140 = arith.constant 8192 : i32
    %mul3A_141 = arith.muli %add3A_139, %mul3A_140 : i32
    "tpu.region"() ({
      %run_scoped3A_154 = tpu.sem_alloc : memref<!tpu.dma_semaphore, #tpu.memory_space<semaphore_mem>>
      %dma_start3A_155 = arith.constant 0 : i32
      %dma_start3A_156 = tpu.memref_slice %arg28[%dma_start3A_155] : memref<24624xf32, #tpu.memory_space<vmem>> -> memref<8192xf32, #tpu.memory_space<vmem>>
      %dma_start3A_157 = tpu.memref_slice %arg15[%mul3A_141] : memref<786432xf32, #tpu.memory_space<hbm>> -> memref<8192xf32, #tpu.memory_space<hbm>>
      %dma_start3A_158 = tpu.memref_slice %arg15[%mul3A_141] : memref<786432xf32, #tpu.memory_space<hbm>> -> memref<8192xf32, #tpu.memory_space<hbm>>
      %dma_start3A_159 = arith.constant 0 : i32
      %dma_start3A_160 = tpu.memref_slice %arg28[%dma_start3A_159] : memref<24624xf32, #tpu.memory_space<vmem>> -> memref<8192xf32, #tpu.memory_space<vmem>>
      tpu.enqueue_dma source(%dma_start3A_160 : memref<8192xf32, #tpu.memory_space<vmem>>) target(%dma_start3A_158 : memref<8192xf32, #tpu.memory_space<hbm>>) target_semaphore(%run_scoped3A_154 : memref<!tpu.dma_semaphore, #tpu.memory_space<semaphore_mem>>)
      %dma_wait3A_161 = arith.constant 0 : i32
      %dma_wait3A_162 = tpu.memref_slice %arg28[%dma_wait3A_161] : memref<24624xf32, #tpu.memory_space<vmem>> -> memref<8192xf32, #tpu.memory_space<vmem>>
      %dma_wait3A_163 = tpu.memref_slice %arg15[%mul3A_141] : memref<786432xf32, #tpu.memory_space<hbm>> -> memref<8192xf32, #tpu.memory_space<hbm>>
      %dma_wait3A_164 = tpu.memref_slice %arg15[%mul3A_141] : memref<786432xf32, #tpu.memory_space<hbm>> -> memref<8192xf32, #tpu.memory_space<hbm>>
      %dma_wait3A_165 = arith.constant 0 : i32
      %dma_wait3A_166 = tpu.memref_slice %arg28[%dma_wait3A_165] : memref<24624xf32, #tpu.memory_space<vmem>> -> memref<8192xf32, #tpu.memory_space<vmem>>
      tpu.wait_dma2 semaphore(%run_scoped3A_154 : memref<!tpu.dma_semaphore, #tpu.memory_space<semaphore_mem>>) src(%dma_wait3A_166 : memref<8192xf32, #tpu.memory_space<vmem>>) dst(%dma_wait3A_164 : memref<8192xf32, #tpu.memory_space<hbm>>)
      tpu.yield
    }) : () -> ()
    %mul3A_142 = arith.constant 3 : i32
    %mul3A_143 = arith.muli %add3A, %mul3A_142 : i32
    %add3A_144 = arith.constant 1 : i32
    %add3A_145 = arith.addi %mul3A_143, %add3A_144 : i32
    %mul3A_146 = arith.constant 8192 : i32
    %mul3A_147 = arith.muli %add3A_145, %mul3A_146 : i32
    "tpu.region"() ({
      %run_scoped3A_154 = tpu.sem_alloc : memref<!tpu.dma_semaphore, #tpu.memory_space<semaphore_mem>>
      %dma_start3A_155 = arith.constant 8208 : i32
      %dma_start3A_156 = tpu.memref_slice %arg28[%dma_start3A_155] : memref<24624xf32, #tpu.memory_space<vmem>> -> memref<8192xf32, #tpu.memory_space<vmem>>
      %dma_start3A_157 = tpu.memref_slice %arg15[%mul3A_147] : memref<786432xf32, #tpu.memory_space<hbm>> -> memref<8192xf32, #tpu.memory_space<hbm>>
      %dma_start3A_158 = tpu.memref_slice %arg15[%mul3A_147] : memref<786432xf32, #tpu.memory_space<hbm>> -> memref<8192xf32, #tpu.memory_space<hbm>>
      %dma_start3A_159 = arith.constant 8208 : i32
      %dma_start3A_160 = tpu.memref_slice %arg28[%dma_start3A_159] : memref<24624xf32, #tpu.memory_space<vmem>> -> memref<8192xf32, #tpu.memory_space<vmem>>
      tpu.enqueue_dma source(%dma_start3A_160 : memref<8192xf32, #tpu.memory_space<vmem>>) target(%dma_start3A_158 : memref<8192xf32, #tpu.memory_space<hbm>>) target_semaphore(%run_scoped3A_154 : memref<!tpu.dma_semaphore, #tpu.memory_space<semaphore_mem>>)
      %dma_wait3A_161 = arith.constant 8208 : i32
      %dma_wait3A_162 = tpu.memref_slice %arg28[%dma_wait3A_161] : memref<24624xf32, #tpu.memory_space<vmem>> -> memref<8192xf32, #tpu.memory_space<vmem>>
      %dma_wait3A_163 = tpu.memref_slice %arg15[%mul3A_147] : memref<786432xf32, #tpu.memory_space<hbm>> -> memref<8192xf32, #tpu.memory_space<hbm>>
      %dma_wait3A_164 = tpu.memref_slice %arg15[%mul3A_147] : memref<786432xf32, #tpu.memory_space<hbm>> -> memref<8192xf32, #tpu.memory_space<hbm>>
      %dma_wait3A_165 = arith.constant 8208 : i32
      %dma_wait3A_166 = tpu.memref_slice %arg28[%dma_wait3A_165] : memref<24624xf32, #tpu.memory_space<vmem>> -> memref<8192xf32, #tpu.memory_space<vmem>>
      tpu.wait_dma2 semaphore(%run_scoped3A_154 : memref<!tpu.dma_semaphore, #tpu.memory_space<semaphore_mem>>) src(%dma_wait3A_166 : memref<8192xf32, #tpu.memory_space<vmem>>) dst(%dma_wait3A_164 : memref<8192xf32, #tpu.memory_space<hbm>>)
      tpu.yield
    }) : () -> ()
    %mul3A_148 = arith.constant 3 : i32
    %mul3A_149 = arith.muli %add3A, %mul3A_148 : i32
    %add3A_150 = arith.constant 2 : i32
    %add3A_151 = arith.addi %mul3A_149, %add3A_150 : i32
    %mul3A_152 = arith.constant 8192 : i32
    %mul3A_153 = arith.muli %add3A_151, %mul3A_152 : i32
    "tpu.region"() ({
      %run_scoped3A_154 = tpu.sem_alloc : memref<!tpu.dma_semaphore, #tpu.memory_space<semaphore_mem>>
      %dma_start3A_155 = arith.constant 16416 : i32
      %dma_start3A_156 = tpu.memref_slice %arg28[%dma_start3A_155] : memref<24624xf32, #tpu.memory_space<vmem>> -> memref<8192xf32, #tpu.memory_space<vmem>>
      %dma_start3A_157 = tpu.memref_slice %arg15[%mul3A_153] : memref<786432xf32, #tpu.memory_space<hbm>> -> memref<8192xf32, #tpu.memory_space<hbm>>
      %dma_start3A_158 = tpu.memref_slice %arg15[%mul3A_153] : memref<786432xf32, #tpu.memory_space<hbm>> -> memref<8192xf32, #tpu.memory_space<hbm>>
      %dma_start3A_159 = arith.constant 16416 : i32
      %dma_start3A_160 = tpu.memref_slice %arg28[%dma_start3A_159] : memref<24624xf32, #tpu.memory_space<vmem>> -> memref<8192xf32, #tpu.memory_space<vmem>>
      tpu.enqueue_dma source(%dma_start3A_160 : memref<8192xf32, #tpu.memory_space<vmem>>) target(%dma_start3A_158 : memref<8192xf32, #tpu.memory_space<hbm>>) target_semaphore(%run_scoped3A_154 : memref<!tpu.dma_semaphore, #tpu.memory_space<semaphore_mem>>)
      %dma_wait3A_161 = arith.constant 16416 : i32
      %dma_wait3A_162 = tpu.memref_slice %arg28[%dma_wait3A_161] : memref<24624xf32, #tpu.memory_space<vmem>> -> memref<8192xf32, #tpu.memory_space<vmem>>
      %dma_wait3A_163 = tpu.memref_slice %arg15[%mul3A_153] : memref<786432xf32, #tpu.memory_space<hbm>> -> memref<8192xf32, #tpu.memory_space<hbm>>
      %dma_wait3A_164 = tpu.memref_slice %arg15[%mul3A_153] : memref<786432xf32, #tpu.memory_space<hbm>> -> memref<8192xf32, #tpu.memory_space<hbm>>
      %dma_wait3A_165 = arith.constant 16416 : i32
      %dma_wait3A_166 = tpu.memref_slice %arg28[%dma_wait3A_165] : memref<24624xf32, #tpu.memory_space<vmem>> -> memref<8192xf32, #tpu.memory_space<vmem>>
      tpu.wait_dma2 semaphore(%run_scoped3A_154 : memref<!tpu.dma_semaphore, #tpu.memory_space<semaphore_mem>>) src(%dma_wait3A_166 : memref<8192xf32, #tpu.memory_space<vmem>>) dst(%dma_wait3A_164 : memref<8192xf32, #tpu.memory_space<hbm>>)
      tpu.yield
    }) : () -> ()
    return
  }
}

module attributes {stable_mosaic.version = 14 : i64} {
  func.func @_topk_body(%arg0: i32, %arg1: i32, %arg2: memref<256x2048xf32, #tpu.memory_space<vmem>>, %arg3: memref<1024x2048xf32, #tpu.memory_space<vmem>>, %arg4: memref<1x1x1024xf32, #tpu.memory_space<vmem>>, %arg5: memref<256x16xf32, #tpu.memory_space<vmem>>, %arg6: memref<256x16xi32, #tpu.memory_space<vmem>>, %arg7: memref<2048x3xf32, #tpu.memory_space<vmem>>, %arg8: memref<2048x3xi32, #tpu.memory_space<vmem>>) attributes {dimension_semantics = [#tpu.dimension_semantics<arbitrary>, #tpu.dimension_semantics<arbitrary>], iteration_bounds = array<i64: 8, 8>, scalar_prefetch = 0 : i64, scratch_operands = 2 : i64, tpu.core_type = #tpu.core_type<tc>, window_params = [{transform_indices = @transform_0, window_bounds = array<i64: 256, 2048>}, {transform_indices = @transform_1, window_bounds = array<i64: 1024, 2048>}, {transform_indices = @transform_2, window_bounds = array<i64: 1, 1, 1024>}, {transform_indices = @transform_3, window_bounds = array<i64: 256, 16>}, {transform_indices = @transform_4, window_bounds = array<i64: 256, 16>}]} {
    %get3A = arith.constant 0 : index
    %get3A_0 = arith.constant 0 : index
    %get3A_1 = vector.load %arg2[%get3A, %get3A_0] : memref<256x2048xf32, #tpu.memory_space<vmem>>, vector<256x2048xf32>
    %get3A_2 = arith.constant 0 : index
    %get3A_3 = arith.constant 0 : index
    %get3A_4 = vector.load %arg3[%get3A_2, %get3A_3] : memref<1024x2048xf32, #tpu.memory_space<vmem>>, vector<1024x2048xf32>
    %dot_general3A = arith.constant dense<0.000000e+00> : vector<256x1024xf32>
    %dot_general3A_5 = tpu.matmul %get3A_1, %get3A_4, %dot_general3A {dimension_numbers = #tpu.dot_dimension_numbers<[1], [1], [0], [0], [0, 0, 1, 0], [], []>, transpose_lhs_hint = false} : vector<256x2048xf32>, vector<1024x2048xf32>, vector<256x1024xf32> -> vector<256x1024xf32>
    %get3A_6 = arith.constant 0 : index
    %get3A_7 = arith.constant 0 : index
    %get3A_8 = arith.constant 0 : index
    %get3A_9 = vector.load %arg4[%get3A_6, %get3A_7, %get3A_8] : memref<1x1x1024xf32, #tpu.memory_space<vmem>>, vector<1x1x1024xf32>
    %get3A_10 = vector.shape_cast %get3A_9 : vector<1x1x1024xf32> to vector<1x1024xf32>
    %add3A = vector.broadcast %get3A_10 : vector<1x1024xf32> to vector<256x1024xf32>
    %add3A_11 = arith.addf %dot_general3A_5, %add3A : vector<256x1024xf32>
    %iota3A = tpu.iota {dimensions = array<i32: 1>} : vector<256x1024xi32>
    %reduce_max3A = arith.constant dense<0xFF800000> : vector<256xf32>
    %reduce_max3A_12 = vector.multi_reduction <maximumf>, %add3A_11, %reduce_max3A [1] : vector<256x1024xf32> to vector<256xf32>
    %broadcast_in_dim3A = vector.shape_cast %reduce_max3A_12 : vector<256xf32> to vector<256x1xf32>
    %eq3A = vector.broadcast %broadcast_in_dim3A : vector<256x1xf32> to vector<256x1024xf32>
    %eq3A_13 = arith.cmpf oeq, %add3A_11, %eq3A : vector<256x1024xf32>
    %jit3A = arith.constant 1024 : i32
    %broadcast_in_dim3A_14 = vector.broadcast %jit3A : i32 to vector<256x1024xi32>
    %select_n3A = arith.select %eq3A_13, %iota3A, %broadcast_in_dim3A_14 : vector<256x1024xi1>, vector<256x1024xi32>
    %reduce_min3A = arith.constant dense<2147483647> : vector<256xi32>
    %reduce_min3A_15 = vector.multi_reduction <minsi>, %select_n3A, %reduce_min3A [1] : vector<256x1024xi32> to vector<256xi32>
    %broadcast_in_dim3A_16 = vector.shape_cast %reduce_min3A_15 : vector<256xi32> to vector<256x1xi32>
    %mul3A = arith.constant 1024 : i32
    %mul3A_17 = arith.muli %arg0, %mul3A : i32
    %add3A_18 = vector.broadcast %mul3A_17 : i32 to vector<256x1xi32>
    %add3A_19 = arith.addi %broadcast_in_dim3A_16, %add3A_18 : vector<256x1xi32>
    %eq3A_20 = vector.broadcast %broadcast_in_dim3A_16 : vector<256x1xi32> to vector<256x1024xi32>
    %eq3A_21 = arith.cmpi eq, %iota3A, %eq3A_20 : vector<256x1024xi32>
    %jit3A_22 = arith.constant 0xFF800000 : f32
    %broadcast_in_dim3A_23 = vector.broadcast %jit3A_22 : f32 to vector<256x1024xf32>
    %select_n3A_24 = arith.select %eq3A_21, %broadcast_in_dim3A_23, %add3A_11 : vector<256x1024xi1>, vector<256x1024xf32>
    %reduce_max3A_25 = arith.constant dense<0xFF800000> : vector<256xf32>
    %reduce_max3A_26 = vector.multi_reduction <maximumf>, %select_n3A_24, %reduce_max3A_25 [1] : vector<256x1024xf32> to vector<256xf32>
    %broadcast_in_dim3A_27 = vector.shape_cast %reduce_max3A_26 : vector<256xf32> to vector<256x1xf32>
    %eq3A_28 = vector.broadcast %broadcast_in_dim3A_27 : vector<256x1xf32> to vector<256x1024xf32>
    %eq3A_29 = arith.cmpf oeq, %select_n3A_24, %eq3A_28 : vector<256x1024xf32>
    %jit3A_30 = arith.constant 1024 : i32
    %broadcast_in_dim3A_31 = vector.broadcast %jit3A_30 : i32 to vector<256x1024xi32>
    %select_n3A_32 = arith.select %eq3A_29, %iota3A, %broadcast_in_dim3A_31 : vector<256x1024xi1>, vector<256x1024xi32>
    %reduce_min3A_33 = arith.constant dense<2147483647> : vector<256xi32>
    %reduce_min3A_34 = vector.multi_reduction <minsi>, %select_n3A_32, %reduce_min3A_33 [1] : vector<256x1024xi32> to vector<256xi32>
    %broadcast_in_dim3A_35 = vector.shape_cast %reduce_min3A_34 : vector<256xi32> to vector<256x1xi32>
    %mul3A_36 = arith.constant 1024 : i32
    %mul3A_37 = arith.muli %arg0, %mul3A_36 : i32
    %add3A_38 = vector.broadcast %mul3A_37 : i32 to vector<256x1xi32>
    %add3A_39 = arith.addi %broadcast_in_dim3A_35, %add3A_38 : vector<256x1xi32>
    %eq3A_40 = vector.broadcast %broadcast_in_dim3A_35 : vector<256x1xi32> to vector<256x1024xi32>
    %eq3A_41 = arith.cmpi eq, %iota3A, %eq3A_40 : vector<256x1024xi32>
    %jit3A_42 = arith.constant 0xFF800000 : f32
    %broadcast_in_dim3A_43 = vector.broadcast %jit3A_42 : f32 to vector<256x1024xf32>
    %select_n3A_44 = arith.select %eq3A_41, %broadcast_in_dim3A_43, %select_n3A_24 : vector<256x1024xi1>, vector<256x1024xf32>
    %reduce_max3A_45 = arith.constant dense<0xFF800000> : vector<256xf32>
    %reduce_max3A_46 = vector.multi_reduction <maximumf>, %select_n3A_44, %reduce_max3A_45 [1] : vector<256x1024xf32> to vector<256xf32>
    %broadcast_in_dim3A_47 = vector.shape_cast %reduce_max3A_46 : vector<256xf32> to vector<256x1xf32>
    %eq3A_48 = vector.broadcast %broadcast_in_dim3A_47 : vector<256x1xf32> to vector<256x1024xf32>
    %eq3A_49 = arith.cmpf oeq, %select_n3A_44, %eq3A_48 : vector<256x1024xf32>
    %jit3A_50 = arith.constant 1024 : i32
    %broadcast_in_dim3A_51 = vector.broadcast %jit3A_50 : i32 to vector<256x1024xi32>
    %select_n3A_52 = arith.select %eq3A_49, %iota3A, %broadcast_in_dim3A_51 : vector<256x1024xi1>, vector<256x1024xi32>
    %reduce_min3A_53 = arith.constant dense<2147483647> : vector<256xi32>
    %reduce_min3A_54 = vector.multi_reduction <minsi>, %select_n3A_52, %reduce_min3A_53 [1] : vector<256x1024xi32> to vector<256xi32>
    %broadcast_in_dim3A_55 = vector.shape_cast %reduce_min3A_54 : vector<256xi32> to vector<256x1xi32>
    %mul3A_56 = arith.constant 1024 : i32
    %mul3A_57 = arith.muli %arg0, %mul3A_56 : i32
    %add3A_58 = vector.broadcast %mul3A_57 : i32 to vector<256x1xi32>
    %add3A_59 = arith.addi %broadcast_in_dim3A_55, %add3A_58 : vector<256x1xi32>
    %concatenate3A = tpu.concatenate %broadcast_in_dim3A, %broadcast_in_dim3A_27, %broadcast_in_dim3A_47 in 1 : vector<256x1xf32>, vector<256x1xf32>, vector<256x1xf32> -> vector<256x3xf32>
    %concatenate3A_60 = tpu.concatenate %add3A_19, %add3A_39, %add3A_59 in 1 : vector<256x1xi32>, vector<256x1xi32>, vector<256x1xi32> -> vector<256x3xi32>
    %mul3A_61 = arith.constant 256 : i32
    %mul3A_62 = arith.muli %arg1, %mul3A_61 : i32
    %eq3A_63 = arith.constant 0 : i32
    %eq3A_64 = arith.cmpi eq, %arg0, %eq3A_63 : i32
    %convert_element_type3A = arith.extui %eq3A_64 : i1 to i32
    %cond3A = arith.constant 0 : i32
    %cond3A_65 = arith.cmpi ne, %convert_element_type3A, %cond3A : i32
    scf.if %cond3A_65 {
      %swap3A = arith.index_cast %mul3A_62 : i32 to index
      %swap3A_75 = arith.constant 0 : index
      %swap3A_76 = vector.load %arg7[%swap3A, %swap3A_75] : memref<2048x3xf32, #tpu.memory_space<vmem>>, vector<256x3xf32>
      tpu.vector_store %arg7[%swap3A, %swap3A_75], %concatenate3A {strides = array<i32>} : memref<2048x3xf32, #tpu.memory_space<vmem>>, vector<256x3xf32>,
      %swap3A_77 = arith.index_cast %mul3A_62 : i32 to index
      %swap3A_78 = arith.constant 0 : index
      %swap3A_79 = vector.load %arg8[%swap3A_77, %swap3A_78] : memref<2048x3xi32, #tpu.memory_space<vmem>>, vector<256x3xi32>
      tpu.vector_store %arg8[%swap3A_77, %swap3A_78], %concatenate3A_60 {strides = array<i32>} : memref<2048x3xi32, #tpu.memory_space<vmem>>, vector<256x3xi32>,
    } else {
    }
    %gt3A = arith.constant 0 : i32
    %gt3A_66 = arith.cmpi sgt, %arg0, %gt3A : i32
    %convert_element_type3A_67 = arith.extui %gt3A_66 : i1 to i32
    %cond3A_68 = arith.constant 0 : i32
    %cond3A_69 = arith.cmpi ne, %convert_element_type3A_67, %cond3A_68 : i32
    scf.if %cond3A_69 {
      %get3A_75 = arith.index_cast %mul3A_62 : i32 to index
      %get3A_76 = arith.constant 0 : index
      %get3A_77 = vector.load %arg7[%get3A_75, %get3A_76] : memref<2048x3xf32, #tpu.memory_space<vmem>>, vector<256x3xf32>
      %concatenate3A_78 = tpu.concatenate %get3A_77, %concatenate3A in 1 : vector<256x3xf32>, vector<256x3xf32> -> vector<256x6xf32>
      %get3A_79 = arith.index_cast %mul3A_62 : i32 to index
      %get3A_80 = arith.constant 0 : index
      %get3A_81 = vector.load %arg8[%get3A_79, %get3A_80] : memref<2048x3xi32, #tpu.memory_space<vmem>>, vector<256x3xi32>
      %concatenate3A_82 = tpu.concatenate %get3A_81, %concatenate3A_60 in 1 : vector<256x3xi32>, vector<256x3xi32> -> vector<256x6xi32>
      %iota3A_83 = tpu.iota {dimensions = array<i32: 1>} : vector<256x6xi32>
      %reduce_max3A_84 = arith.constant dense<0xFF800000> : vector<256xf32>
      %reduce_max3A_85 = vector.multi_reduction <maximumf>, %concatenate3A_78, %reduce_max3A_84 [1] : vector<256x6xf32> to vector<256xf32>
      %broadcast_in_dim3A_86 = vector.shape_cast %reduce_max3A_85 : vector<256xf32> to vector<256x1xf32>
      %eq3A_87 = vector.broadcast %broadcast_in_dim3A_86 : vector<256x1xf32> to vector<256x6xf32>
      %eq3A_88 = arith.cmpf oeq, %concatenate3A_78, %eq3A_87 : vector<256x6xf32>
      %jit3A_89 = arith.constant 6 : i32
      %broadcast_in_dim3A_90 = vector.broadcast %jit3A_89 : i32 to vector<256x6xi32>
      %select_n3A_91 = arith.select %eq3A_88, %iota3A_83, %broadcast_in_dim3A_90 : vector<256x6xi1>, vector<256x6xi32>
      %reduce_min3A_92 = arith.constant dense<2147483647> : vector<256xi32>
      %reduce_min3A_93 = vector.multi_reduction <minsi>, %select_n3A_91, %reduce_min3A_92 [1] : vector<256x6xi32> to vector<256xi32>
      %broadcast_in_dim3A_94 = vector.shape_cast %reduce_min3A_93 : vector<256xi32> to vector<256x1xi32>
      %eq3A_95 = vector.broadcast %broadcast_in_dim3A_94 : vector<256x1xi32> to vector<256x6xi32>
      %eq3A_96 = arith.cmpi eq, %iota3A_83, %eq3A_95 : vector<256x6xi32>
      %jit3A_97 = arith.constant 0 : i32
      %broadcast_in_dim3A_98 = vector.broadcast %jit3A_97 : i32 to vector<256x6xi32>
      %select_n3A_99 = arith.select %eq3A_96, %concatenate3A_82, %broadcast_in_dim3A_98 : vector<256x6xi1>, vector<256x6xi32>
      %reduce_sum3A = arith.constant dense<0> : vector<256xi32>
      %reduce_sum3A_100 = vector.multi_reduction <add>, %select_n3A_99, %reduce_sum3A [1] : vector<256x6xi32> to vector<256xi32>
      %broadcast_in_dim3A_101 = vector.shape_cast %reduce_sum3A_100 : vector<256xi32> to vector<256x1xi32>
      %eq3A_102 = vector.broadcast %broadcast_in_dim3A_94 : vector<256x1xi32> to vector<256x6xi32>
      %eq3A_103 = arith.cmpi eq, %iota3A_83, %eq3A_102 : vector<256x6xi32>
      %jit3A_104 = arith.constant 0xFF800000 : f32
      %broadcast_in_dim3A_105 = vector.broadcast %jit3A_104 : f32 to vector<256x6xf32>
      %select_n3A_106 = arith.select %eq3A_103, %broadcast_in_dim3A_105, %concatenate3A_78 : vector<256x6xi1>, vector<256x6xf32>
      %reduce_max3A_107 = arith.constant dense<0xFF800000> : vector<256xf32>
      %reduce_max3A_108 = vector.multi_reduction <maximumf>, %select_n3A_106, %reduce_max3A_107 [1] : vector<256x6xf32> to vector<256xf32>
      %broadcast_in_dim3A_109 = vector.shape_cast %reduce_max3A_108 : vector<256xf32> to vector<256x1xf32>
      %eq3A_110 = vector.broadcast %broadcast_in_dim3A_109 : vector<256x1xf32> to vector<256x6xf32>
      %eq3A_111 = arith.cmpf oeq, %select_n3A_106, %eq3A_110 : vector<256x6xf32>
      %jit3A_112 = arith.constant 6 : i32
      %broadcast_in_dim3A_113 = vector.broadcast %jit3A_112 : i32 to vector<256x6xi32>
      %select_n3A_114 = arith.select %eq3A_111, %iota3A_83, %broadcast_in_dim3A_113 : vector<256x6xi1>, vector<256x6xi32>
      %reduce_min3A_115 = arith.constant dense<2147483647> : vector<256xi32>
      %reduce_min3A_116 = vector.multi_reduction <minsi>, %select_n3A_114, %reduce_min3A_115 [1] : vector<256x6xi32> to vector<256xi32>
      %broadcast_in_dim3A_117 = vector.shape_cast %reduce_min3A_116 : vector<256xi32> to vector<256x1xi32>
      %eq3A_118 = vector.broadcast %broadcast_in_dim3A_117 : vector<256x1xi32> to vector<256x6xi32>
      %eq3A_119 = arith.cmpi eq, %iota3A_83, %eq3A_118 : vector<256x6xi32>
      %jit3A_120 = arith.constant 0 : i32
      %broadcast_in_dim3A_121 = vector.broadcast %jit3A_120 : i32 to vector<256x6xi32>
      %select_n3A_122 = arith.select %eq3A_119, %concatenate3A_82, %broadcast_in_dim3A_121 : vector<256x6xi1>, vector<256x6xi32>
      %reduce_sum3A_123 = arith.constant dense<0> : vector<256xi32>
      %reduce_sum3A_124 = vector.multi_reduction <add>, %select_n3A_122, %reduce_sum3A_123 [1] : vector<256x6xi32> to vector<256xi32>
      %broadcast_in_dim3A_125 = vector.shape_cast %reduce_sum3A_124 : vector<256xi32> to vector<256x1xi32>
      %eq3A_126 = vector.broadcast %broadcast_in_dim3A_117 : vector<256x1xi32> to vector<256x6xi32>
      %eq3A_127 = arith.cmpi eq, %iota3A_83, %eq3A_126 : vector<256x6xi32>
      %jit3A_128 = arith.constant 0xFF800000 : f32
      %broadcast_in_dim3A_129 = vector.broadcast %jit3A_128 : f32 to vector<256x6xf32>
      %select_n3A_130 = arith.select %eq3A_127, %broadcast_in_dim3A_129, %select_n3A_106 : vector<256x6xi1>, vector<256x6xf32>
      %reduce_max3A_131 = arith.constant dense<0xFF800000> : vector<256xf32>
      %reduce_max3A_132 = vector.multi_reduction <maximumf>, %select_n3A_130, %reduce_max3A_131 [1] : vector<256x6xf32> to vector<256xf32>
      %broadcast_in_dim3A_133 = vector.shape_cast %reduce_max3A_132 : vector<256xf32> to vector<256x1xf32>
      %eq3A_134 = vector.broadcast %broadcast_in_dim3A_133 : vector<256x1xf32> to vector<256x6xf32>
      %eq3A_135 = arith.cmpf oeq, %select_n3A_130, %eq3A_134 : vector<256x6xf32>
      %jit3A_136 = arith.constant 6 : i32
      %broadcast_in_dim3A_137 = vector.broadcast %jit3A_136 : i32 to vector<256x6xi32>
      %select_n3A_138 = arith.select %eq3A_135, %iota3A_83, %broadcast_in_dim3A_137 : vector<256x6xi1>, vector<256x6xi32>
      %reduce_min3A_139 = arith.constant dense<2147483647> : vector<256xi32>
      %reduce_min3A_140 = vector.multi_reduction <minsi>, %select_n3A_138, %reduce_min3A_139 [1] : vector<256x6xi32> to vector<256xi32>
      %broadcast_in_dim3A_141 = vector.shape_cast %reduce_min3A_140 : vector<256xi32> to vector<256x1xi32>
      %eq3A_142 = vector.broadcast %broadcast_in_dim3A_141 : vector<256x1xi32> to vector<256x6xi32>
      %eq3A_143 = arith.cmpi eq, %iota3A_83, %eq3A_142 : vector<256x6xi32>
      %jit3A_144 = arith.constant 0 : i32
      %broadcast_in_dim3A_145 = vector.broadcast %jit3A_144 : i32 to vector<256x6xi32>
      %select_n3A_146 = arith.select %eq3A_143, %concatenate3A_82, %broadcast_in_dim3A_145 : vector<256x6xi1>, vector<256x6xi32>
      %reduce_sum3A_147 = arith.constant dense<0> : vector<256xi32>
      %reduce_sum3A_148 = vector.multi_reduction <add>, %select_n3A_146, %reduce_sum3A_147 [1] : vector<256x6xi32> to vector<256xi32>
      %broadcast_in_dim3A_149 = vector.shape_cast %reduce_sum3A_148 : vector<256xi32> to vector<256x1xi32>
      %concatenate3A_150 = tpu.concatenate %broadcast_in_dim3A_86, %broadcast_in_dim3A_109, %broadcast_in_dim3A_133 in 1 : vector<256x1xf32>, vector<256x1xf32>, vector<256x1xf32> -> vector<256x3xf32>
      %concatenate3A_151 = tpu.concatenate %broadcast_in_dim3A_101, %broadcast_in_dim3A_125, %broadcast_in_dim3A_149 in 1 : vector<256x1xi32>, vector<256x1xi32>, vector<256x1xi32> -> vector<256x3xi32>
      %swap3A = arith.index_cast %mul3A_62 : i32 to index
      %swap3A_152 = arith.constant 0 : index
      %swap3A_153 = vector.load %arg7[%swap3A, %swap3A_152] : memref<2048x3xf32, #tpu.memory_space<vmem>>, vector<256x3xf32>
      tpu.vector_store %arg7[%swap3A, %swap3A_152], %concatenate3A_150 {strides = array<i32>} : memref<2048x3xf32, #tpu.memory_space<vmem>>, vector<256x3xf32>,
      %swap3A_154 = arith.index_cast %mul3A_62 : i32 to index
      %swap3A_155 = arith.constant 0 : index
      %swap3A_156 = vector.load %arg8[%swap3A_154, %swap3A_155] : memref<2048x3xi32, #tpu.memory_space<vmem>>, vector<256x3xi32>
      tpu.vector_store %arg8[%swap3A_154, %swap3A_155], %concatenate3A_151 {strides = array<i32>} : memref<2048x3xi32, #tpu.memory_space<vmem>>, vector<256x3xi32>,
    } else {
    }
    %eq3A_70 = arith.constant 7 : i32
    %eq3A_71 = arith.cmpi eq, %arg0, %eq3A_70 : i32
    %convert_element_type3A_72 = arith.extui %eq3A_71 : i1 to i32
    %cond3A_73 = arith.constant 0 : i32
    %cond3A_74 = arith.cmpi ne, %convert_element_type3A_72, %cond3A_73 : i32
    scf.if %cond3A_74 {
      %broadcast_in_dim3A_75 = arith.constant 0.000000e+00 : f32
      %broadcast_in_dim3A_76 = vector.broadcast %broadcast_in_dim3A_75 : f32 to vector<256x13xf32>
      %broadcast_in_dim3A_77 = arith.constant 0 : i32
      %broadcast_in_dim3A_78 = vector.broadcast %broadcast_in_dim3A_77 : i32 to vector<256x13xi32>
      %get3A_79 = arith.index_cast %mul3A_62 : i32 to index
      %get3A_80 = arith.constant 0 : index
      %get3A_81 = vector.load %arg7[%get3A_79, %get3A_80] : memref<2048x3xf32, #tpu.memory_space<vmem>>, vector<256x3xf32>
      %concatenate3A_82 = tpu.concatenate %get3A_81, %broadcast_in_dim3A_76 in 1 : vector<256x3xf32>, vector<256x13xf32> -> vector<256x16xf32>
      %swap3A = arith.constant 0 : index
      %swap3A_83 = arith.constant 0 : index
      %swap3A_84 = vector.load %arg5[%swap3A, %swap3A_83] : memref<256x16xf32, #tpu.memory_space<vmem>>, vector<256x16xf32>
      tpu.vector_store %arg5[%swap3A, %swap3A_83], %concatenate3A_82 {strides = array<i32>} : memref<256x16xf32, #tpu.memory_space<vmem>>, vector<256x16xf32>,
      %get3A_85 = arith.index_cast %mul3A_62 : i32 to index
      %get3A_86 = arith.constant 0 : index
      %get3A_87 = vector.load %arg8[%get3A_85, %get3A_86] : memref<2048x3xi32, #tpu.memory_space<vmem>>, vector<256x3xi32>
      %concatenate3A_88 = tpu.concatenate %get3A_87, %broadcast_in_dim3A_78 in 1 : vector<256x3xi32>, vector<256x13xi32> -> vector<256x16xi32>
      %swap3A_89 = arith.constant 0 : index
      %swap3A_90 = arith.constant 0 : index
      %swap3A_91 = vector.load %arg6[%swap3A_89, %swap3A_90] : memref<256x16xi32, #tpu.memory_space<vmem>>, vector<256x16xi32>
      tpu.vector_store %arg6[%swap3A_89, %swap3A_90], %concatenate3A_88 {strides = array<i32>} : memref<256x16xi32, #tpu.memory_space<vmem>>, vector<256x16xi32>,
    } else {
    }
    return
  }
  func.func @transform_0(%arg0: i32, %arg1: i32) -> (i32, i32) {
    %c0_i32 = arith.constant 0 : i32
    %c0_i32_0 = arith.constant 0 : i32
    return %arg1, %c0_i32 : i32, i32
  }
  func.func @transform_1(%arg0: i32, %arg1: i32) -> (i32, i32) {
    %c0_i32 = arith.constant 0 : i32
    %c0_i32_0 = arith.constant 0 : i32
    return %arg0, %c0_i32 : i32, i32
  }
  func.func @transform_2(%arg0: i32, %arg1: i32) -> (i32, i32, i32) {
    %c0_i32 = arith.constant 0 : i32
    %c0_i32_0 = arith.constant 0 : i32
    %c0_i32_1 = arith.constant 0 : i32
    return %arg0, %c0_i32, %c0_i32_0 : i32, i32, i32
  }
  func.func @transform_3(%arg0: i32, %arg1: i32) -> (i32, i32) {
    %c0_i32 = arith.constant 0 : i32
    %c0_i32_0 = arith.constant 0 : i32
    return %arg1, %c0_i32 : i32, i32
  }
  func.func @transform_4(%arg0: i32, %arg1: i32) -> (i32, i32) {
    %c0_i32 = arith.constant 0 : i32
    %c0_i32_0 = arith.constant 0 : i32
    return %arg1, %c0_i32 : i32, i32
  }
}

module attributes {stable_mosaic.version = 14 : i64} {
  func.func @_count_body(%arg0: memref<32x3x8192xf32, #tpu.memory_space<vmem>>, %arg1: memref<3x128xi32, #tpu.memory_space<vmem>>) attributes {dimension_semantics = [], scalar_prefetch = 0 : i64, scratch_operands = 0 : i64, tpu.core_type = #tpu.core_type<tc>} {
    %get3A = arith.constant 0 : index
    %get3A_0 = arith.constant 0 : index
    %get3A_1 = arith.constant 0 : index
    %get3A_2 = vector.load %arg0[%get3A, %get3A_0, %get3A_1] : memref<32x3x8192xf32, #tpu.memory_space<vmem>>, vector<32x3x8192xf32>
    %reduce_max3A = arith.constant dense<0xFF800000> : vector<3x8192xf32>
    %reduce_max3A_3 = vector.multi_reduction <maximumf>, %get3A_2, %reduce_max3A [0] : vector<32x3x8192xf32> to vector<3x8192xf32>
    %gt3A = arith.constant 0.000000e+00 : f32
    %gt3A_4 = vector.broadcast %gt3A : f32 to vector<3x8192xf32>
    %gt3A_5 = arith.cmpf ogt, %reduce_max3A_3, %gt3A_4 : vector<3x8192xf32>
    %jit3A = arith.constant 1 : i32
    %jit3A_6 = arith.constant 0 : i32
    %broadcast_in_dim3A = vector.broadcast %jit3A : i32 to vector<3x8192xi32>
    %broadcast_in_dim3A_7 = vector.broadcast %jit3A_6 : i32 to vector<3x8192xi32>
    %select_n3A = arith.select %gt3A_5, %broadcast_in_dim3A, %broadcast_in_dim3A_7 : vector<3x8192xi1>, vector<3x8192xi32>
    %reduce_sum3A = arith.constant dense<0> : vector<3xi32>
    %reduce_sum3A_8 = vector.multi_reduction <add>, %select_n3A, %reduce_sum3A [1] : vector<3x8192xi32> to vector<3xi32>
    %broadcast_in_dim3A_9 = vector.shape_cast %reduce_sum3A_8 : vector<3xi32> to vector<3x1xi32>
    %broadcast_in_dim3A_10 = vector.shape_cast %broadcast_in_dim3A_9 : vector<3x1xi32> to vector<3x1xi32>
    %broadcast_in_dim3A_11 = vector.broadcast %broadcast_in_dim3A_10 : vector<3x1xi32> to vector<3x128xi32>
    %swap3A = arith.constant 0 : index
    %swap3A_12 = arith.constant 0 : index
    %swap3A_13 = vector.load %arg1[%swap3A, %swap3A_12] : memref<3x128xi32, #tpu.memory_space<vmem>>, vector<3x128xi32>
    tpu.vector_store %arg1[%swap3A, %swap3A_12], %broadcast_in_dim3A_11 {strides = array<i32>} : memref<3x128xi32, #tpu.memory_space<vmem>>, vector<3x128xi32>,
    return
  }
}

</mosaic_0001>

<sc_bundles>
// kernel: kernel.5.cloned.1.call-start
scs
__scs_entry_jumppad:
0x0: {  	(pc) =	sbr.rel $0x88, $3  }
0x1: {  	(tag) =	ssettag $0x0;
	lr =	simm.s32 $0x1  }
0x2: {  	[smem:$0x3F94] =	sst lr;
	_ =	strace $0xD0000000  }
0x3: {  	_ = 	snop  }
0x4: {  	_ = 	snop  }
0x5: {  	_ = 	snop  }
0x6: {  	_ = 	snop  }
0x7: {  	_ = 	snop  }
__scs_overlays_trampoline_lowered:
0x8: {  	[smem:$0x3FA3] =	sst s0  }
0x9: {  	[smem:$0x3FA4] =	sst s1  }
0xa: {  	[smem:$0x3FA5] =	sst s2  }
0xb: {  	[smem:$0x3FA6] =	sst s3  }
0xc: {  	[smem:$0x3FA7] =	sst s4  }
0xd: {  	[smem:$0x3FA8] =	sst s5  }
0xe: {  	[smem:$0x3FA9] =	sst s6  }
0xf: {  	[smem:$0x3FAA] =	sst s7  }
0x10: {  	[smem:$0x3FAB] =	sst s8  }
0x11: {  	[smem:$0x3FAC] =	sst s9;
	s0 =	simm.s32 @!p0 $0x0  }
0x12: {  	s1 =	sld [smem:$0x3F92];
	s0 =	simm.s32 @p0 $0x1  }
0x13: {  	[smem:$0x3FAD] =	sst s0;
	s0 =	simm.s32 @!p1 $0x0  }
0x14: {  	s2 =	sld [smem:$0x3F91];
	s0 =	simm.s32 @p1 $0x1  }
0x15: {  	[smem:$0x3FAE] =	sst s0;
	s0 =	simm.s32 @!p2 $0x0  }
0x16: {  	s3 =	sld [smem:$0x3FDB];
	s0 =	simm.s32 @p2 $0x1  }
0x17: {  	s4 =	simm.s32 $0x1BF5;
	[smem:$0x3FB0] =	sst s0  }
0x18: {  	s0 =	sld [smem:$0x3F93];
	_ =	swait.ge [sflag:s4], $0x0  }
0x19: {  	s7 =	sld [smem:$0x3F94]  }
0x1a: {  	s8 =	sadd.s32 $0xFFFFE003, lr  }
0x1b: {  	s9 =	sadd.s32 $0xFFFFFEF7, lr;
	s5 =	simm.s32 $0xFFFFFFFF;
	p2 =	slt.u32 s8, $0xFFFFF086  }
0x1c: {  	p1 =	slt.u32 s9, $0xF7A;
	s5 =	simm.s32 @!p2 $0x0  }
0x1d: {  	s5 =	simm.s32 @p1 $0x1;
	p0 =	seq.s32 s7, s2  }
0x1e: {  	s7 =	smul.u32 @!p0 $0xF7A, s2;
	p2 =	seq.s32 @!p0 s5, $0x0  }
0x1f: {  	s9 =	smul.u32 $0xF7A, s1;
	s8 =	simm.s32 @!p0 $0x1BF5;
	p2 =	por !p2, p0  }
0x20: {  	[sflag:s8] =	ssyncset.s32 @!p0 $0xFFFFF086;
	s6 =	sadd.s32 @!p0 s3, s7;
	s7 =	simm.s32 @!p0 $0x108  }
0x21: {  	s3 =	sadd.s32 s3, s9;
	s6 =	sadd.s32 @!p0 $0x88, s6;
	s7 =	simm.s32 @p2 $0x1082  }
0x22: {  	[simem:s7], [sflag:s8] =	dma.local @!p0 [hbm:s6], $0xF7A  }
0x23: {  	s9 =	sor.u32 $0xD0000000, s2;
	s6 =	simm.s32 $0x108;
	_ =	swait.ge @!p0 [sflag:s8], $0x0  }
0x24: {  	s3 =	sadd.s32 $0x88, s3;
	s6 =	simm.s32 @!p1 $0x1082;
	[sflag:s4] =	ssyncset.s32 $0xFFFFF086  }
0x25: {  	[simem:s6], [sflag:s4] =	dma.local [hbm:s3], $0xF7A  }
0x26: {  	[smem:$0x3F94] =	sst s1;
	(tag) =	ssettag s2;
	_ =	strace s9  }
0x27: {  	s1 =	sld [smem:$0x3FA4]  }
0x28: {  	s2 =	sld [smem:$0x3FA5]  }
0x29: {  	s4 =	sld [smem:$0x3FA7]  }
0x2a: {  	p0 =	seq.s32 s5, $0x0;
	s5 =	sld [smem:$0x3FA8]  }
0x2b: {  	s6 =	sld [smem:$0x3FA9]  }
0x2c: {  	s7 =	sld [smem:$0x3FAA]  }
0x2d: {  	s3 =	simm.s32 $0x108;
	s8 =	sld [smem:$0x3FAB]  }
0x2e: {  	s3 =	simm.s32 @!p0 $0x1082;
	s9 =	sld [smem:$0x3FAC]  }
0x2f: {  	lr =	sadd.s32 s0, s3;
	s0 =	sld [smem:$0x3FA3]  }
0x30: {  	s3 =	sld [smem:$0x3FA6]  }
0x31: {  	[smem:$0x3FAF] =	sst s10  }
0x32: {  	s10 =	sld [smem:$0x3FAD];
	_ =	sdelay $0x3  }
0x33: {  	p0 =	seq.s32 s10, $0x1;
	s10 =	sld [smem:$0x3FAF];
	_ =	sdelay $0x3  }
0x34: {  	[smem:$0x3FAF] =	sst s10  }
0x35: {  	s10 =	sld [smem:$0x3FAE];
	_ =	sdelay $0x3  }
0x36: {  	p1 =	seq.s32 s10, $0x1;
	s10 =	sld [smem:$0x3FAF];
	_ =	sdelay $0x3  }
0x37: {  	[smem:$0x3FAF] =	sst s10  }
0x38: {  	s10 =	sld [smem:$0x3FB0]  }
0x39: {  	_ = 	snop;
	(pc) =	sbr.ind lr, $3  }
0x3a: {  	_ = 	snop  }
0x3b: {  	_ = 	snop  }
0x3c: {  	p2 =	seq.s32 s10, $0x1;
	s10 =	sld [smem:$0x3FAF]  }
0x3d: {  	_ =	shalt  }
0x3e: {  	_ =	shalt  }
0x3f: {  	_ =	shalt  }
0x40: {  	_ =	shalt  }
0x41: {  	_ =	shalt  }
0x42: {  	_ =	shalt  }
0x43: {  	_ =	shalt  }
0x44: {  	_ =	shalt  }
0x45: {  	_ =	shalt  }
0x46: {  	_ =	shalt  }
0x47: {  	_ =	shalt  }
0x48: {  	_ =	shalt  }
0x49: {  	_ =	shalt  }
0x4a: {  	_ =	shalt  }
0x4b: {  	_ =	shalt  }
0x4c: {  	_ =	shalt  }
0x4d: {  	_ =	shalt  }
0x4e: {  	_ =	shalt  }
0x4f: {  	_ =	shalt  }
0x50: {  	_ =	shalt  }
0x51: {  	_ =	shalt  }
0x52: {  	_ =	shalt  }
0x53: {  	_ =	shalt  }
0x54: {  	_ =	shalt  }
0x55: {  	_ =	shalt  }
0x56: {  	_ =	shalt  }
0x57: {  	_ =	shalt  }
0x58: {  	_ =	shalt  }
0x59: {  	_ =	shalt  }
0x5a: {  	_ =	shalt  }
0x5b: {  	_ =	shalt  }
0x5c: {  	_ =	shalt  }
0x5d: {  	_ =	shalt  }
0x5e: {  	_ =	shalt  }
0x5f: {  	_ =	shalt  }
0x60: {  	_ =	shalt  }
0x61: {  	_ =	shalt  }
0x62: {  	_ =	shalt  }
0x63: {  	_ =	shalt  }
0x64: {  	_ =	shalt  }
0x65: {  	_ =	shalt  }
0x66: {  	_ =	shalt  }
0x67: {  	_ =	shalt  }
0x68: {  	_ =	shalt  }
0x69: {  	_ =	shalt  }
0x6a: {  	_ =	shalt  }
0x6b: {  	_ =	shalt  }
0x6c: {  	_ =	shalt  }
0x6d: {  	_ =	shalt  }
0x6e: {  	_ =	shalt  }
0x6f: {  	_ =	shalt  }
0x70: {  	_ =	shalt  }
0x71: {  	_ =	shalt  }
0x72: {  	_ =	shalt  }
0x73: {  	_ =	shalt  }
0x74: {  	_ =	shalt  }
0x75: {  	_ =	shalt  }
0x76: {  	_ =	shalt  }
0x77: {  	_ =	shalt  }
0x78: {  	_ =	shalt  }
0x79: {  	_ =	shalt  }
0x7a: {  	_ =	shalt  }
0x7b: {  	_ =	shalt  }
0x7c: {  	_ =	shalt  }
0x7d: {  	_ =	shalt  }
0x7e: {  	_ =	shalt  }
0x7f: {  	_ =	shalt  }
0x80: {  	_ =	shalt  }
0x81: {  	_ =	shalt  }
0x82: {  	_ =	shalt  }
0x83: {  	_ =	shalt  }
0x84: {  	_ =	shalt  }
0x85: {  	_ =	shalt  }
0x86: {  	_ =	shalt  }
0x87: {  	_ =	shalt  }
.Lfunc_end0:
.L_simem_size_0:
called_computation.5_lowered:
.L_overlay_start_0:
0x88: {  	s2 =	sld [smem:$0x3FD9]  }
0x89: {  	s3 =	sld [smem:$0x3FFE];
	_ =	sdelay $0x1  }
0x8a: {  	s1 =	srdreg.scid  }
0x8b: {  	s0 =	sand.u32 $0x1, s1  }
0x8c: {  	s14 =	sshll.u32 s0, $0xA;
	s2 =	sadd.s32 s3, s2  }
0x8d: {  	s2 =	sadd.s32 s2, s14  }
0x8e: {  	[smem:$0x3FBB] =	sst s2  }
0x8f: {  	_ = 	snop  }
0x90: {  	s2 =	sld [smem:$0x3FD0];
	_ =	sdelay $0x2  }
0x91: {  	s15 =	simm.s32 $0xE;
	s4 =	simm.s32 $0x10  }
0x92: {  	[smem:s4], [sflag:s15] =	dma.local [hbm:s2], $0x1  }
0x93: {  	_ =	swait.eq [sflag:s15], $0x1  }
0x94: {  	[sflag:s15] =	ssyncset.done $0x0  }
0x95: {  	[sflag:s15] =	ssyncadd.s32 $0xFFFFFFFF  }
0x96: {  	s16 =	sld [smem:$0x10];
	(tm) =	ssettm $0x1  }
0x97: {  	s17 =	sld [smem:$0x3FFB];
	_ =	sdelay $0x3  }
0x98: {  	_ =	strace s17  }
0x99: {  	s3 =	sld [smem:$0x3FFC];
	_ =	sdelay $0x3  }
0x9a: {  	_ =	strace s3  }
0x9b: {  	s3 =	sld [smem:$0x3FFD];
	_ =	sdelay $0x3  }
0x9c: {  	_ =	strace s3  }
0x9d: {  	_ =	strace $0x8FFFFFFF  }
0x9e: {  	s18 =	sld [smem:$0x3FDB];
	_ =	sdelay $0x1  }
0x9f: {  	s19 =	simm.s32 $_scs_section_size  }
0xa0: {  	s5 =	simm.s32 $_size__tile_overlayer_lowered;
	s6 =	simm.s32 $_tile_overlayer_lowered  }
0xa1: {  	s22 =	simm.s32 $0x1BFF;
	s21 =	sshll.u32 s6, $0x1;
	s3 =	sadd.s32 s19, s18  }
0xa2: {  	s7 =	simm.s32 $0x0;
	s20 =	sshll.u32 s5, $0x1;
	s5 =	sadd.s32 s21, s3  }
0xa3: {  	[timem:s7], [sflag:s22] =	dma.local [hbm:s5], s20  }
0xa4: {  	_ =	swait.ge [sflag:s22], s20  }
0xa5: {  	s4 =	ssub.s32 $0x0, s20;
	[sflag:s22] =	ssyncset.done $0x0  }
0xa6: {  	[sflag:s22] =	ssyncadd.s32 s4;
	_ =	sdelay $0x1  }
0xa7: {  	s23 =	simm.s32 $0x1B8B  }
0xa8: {  	_ =	swait.ge [sflag:s23], $0x1  }
0xa9: {  	[sflag:s23] =	ssyncset.done $0x0  }
0xaa: {  	s25 =	simm.s32 $0x1B8E;
	s24 =	sld [smem:$0x3FFE];
	[sflag:s23] =	ssyncadd.s32 $0xFFFFFFFF  }
0xab: {  	s26 =	simm.s32 $execute0_lowered;
	[smem:$0x3FD2] =	sst s25  }
0xac: {  	s5 =	sshll.u32 s26, $0x1;
	_ =	strace $0x80000055;
	[dreg:$0x1] =	wrdreg $0xFFFFFFFF  }
0xad: {  	s28 =	simm.s32 $_size_execute0_lowered;
	s3 =	sadd.s32 s3, s5;
	[dreg:$0x0] =	wrdreg $0x0  }
0xae: {  	s5 =	sshll.u32 s28, $0x1;
	[dreg:$0x2] =	wrdreg s3  }
0xaf: {  	[dreg:$0x3] =	wrdreg s5  }
0xb0: {  	[dreg:$0x4] =	wrdreg $0xC0  }
0xb1: {  	_ =	task [dreg:s7], $0x5FFFF  }
0xb2: {  	[dreg:$0x1] =	wrdreg $0xFFFFFFFF  }
0xb3: {  	[dreg:$0x0] =	wrdreg $0x60  }
0xb4: {  	[dreg:$0x2] =	wrdreg s16  }
0xb5: {  	[dreg:$0x3] =	wrdreg s24  }
0xb6: {  	[dreg:$0x4] =	wrdreg $0x9  }
0xb7: {  	_ =	task.clear_ibuf [dreg:s7], $0x5FFFF;
	_ =	strace $0x90000055  }
0xb8: {  	s29 =	simm.s32 $0x9;
	_ =	strace $0x80000057  }
0xb9: {  	_ =	swait.ge [sflag:s29], $0x1  }
0xba: {  	[sflag:s29] =	ssyncadd.s32 $0xFFFFFFFF  }
0xbb: {  	_ =	strace $0x90000057  }
0xbc: {  	_ =	sfence  }
0xbd: {  	s30 =	sld [smem:$0x0];
	_ =	sdelay $0x2  }
0xbe: {  	s31 =	sshll.u32 s1, $0xD;
	s1 =	sshrl.u32 s1, $0x2  }
0xbf: {  	s3 =	sand.u32 $0x4000, s31;
	s1 =	sadd.s32 s1, s30  }
0xc0: {  	s0 =	sor.u32 s3, s0;
	s1 =	sshll.u32 s1, $0x11  }
0xc1: {  	s0 =	sor.u32 s1, s0  }
0xc2: {  	s0 =	sadd.s32 $0x8F2B, s0  }
0xc3: {  	[sflag:s0] =	ssyncadd.remote.s32 $0x1  }
0xc4: {  	_ =	sfence.sel $0xFFFF  }
0xc5: {  	[dreg:$0x0] =	wrdreg $0xFFFFFFFF;
	(pc) =	sbr.abs _section_cstart, $3  }
0xc6: {  	[dreg:$0x1] =	wrdreg $0xFFFFFFFF  }
0xc7: {  	_ =	task.clear_ibuf [dreg:s7], $0x2FFFF;
	_ =	strace $0x9FFFFFFF  }
0xc8: {  	(tm) =	ssettm $0x7FFFFFFF  }
0xc9: {  	_ =	shalt  }
tec
execute0_lowered:
.L_overlay_start_1:
0x0: {  	(tag) =	ssettag $0x1  }
0x1: {  	s2 =	rddreg [dreg:$0x0]  }
0x2: {  	s0 =	rddreg [dreg:$0x1];
	s3 =	simm.s32 $0x0  }
0x3: {  	[smem:$0x7FF] =	sst s3;
	s1 =	sadd.s32 $0xC02E00, s0  }
0x4: {  	s9 =	sadd.s32 $0xE02E00, s0;
	_ =	strace $0x80000056;
	[dreg:$0x5] =	wrdreg s1  }
0x5: {  	s10 =	sadd.s32 $0xA02E00, s0;
	[dreg:$0x6] =	wrdreg s9  }
0x6: {  	s11 =	sadd.s32 $0x602E00, s0;
	[dreg:$0x7] =	wrdreg s10  }
0x7: {  	s12 =	sadd.s32 $0x202E00, s0;
	[dreg:$0x8] =	wrdreg s11  }
0x8: {  	s16 =	srdreg.scid;
	s13 =	sadd.s32 $0x1002E00, s0;
	[dreg:$0x9] =	wrdreg s12  }
0x9: {  	s17 =	stileid.u32;
	s14 =	sadd.s32 $0x1003400, s0;
	[dreg:$0xa] =	wrdreg s13  }
0xa: {  	s4 =	sadd.s32 $0x1003A00, s0;
	s15 =	sadd.s32 $0x1005A00, s0;
	[dreg:$0xb] =	wrdreg s14  }
0xb: {  	s5 =	sadd.s32 $0x1004A00, s0;
	s6 =	sadd.s32 $0x2E00, s0;
	[dreg:$0xc] =	wrdreg s15  }
0xc: {  	s7 =	sadd.s32 $0x3C00, s0;
	s0 =	sadd.s32 $0x83C00, s0;
	[dreg:$0xd] =	wrdreg s6  }
0xd: {  	s1 =	sand.u32 $0x1, s16;
	[dreg:$0xe] =	wrdreg s7;
	s11 =	sshll.u32 s17, $0x1  }
0xe: {  	[dreg:$0x3] =	wrdreg s4;
	s10 =	ssub.s32 $0x2, s1;
	s1 =	sor.u32 s1, s11  }
0xf: {  	[dreg:$0x4] =	wrdreg s5;
	s12 =	sshrl.u32 s10, $0x1;
	s18 =	sshll.u32 s1, $0x6  }
0x10: {  	s11 =	sshll.u32 s1, $0xE;
	s21 =	smul.u32 $0xC00, s1;
	s13 =	sshll.u32 s1, $0x7  }
0x11: {  	s1 =	smul.u32 $0x6000, s1;
	s19 =	sadd.s32 s2, s11;
	[dreg:$0xf] =	wrdreg s18  }
0x12: {  	s10 =	ssub.s32 s10, s12;
	s22 =	sadd.s32 s4, s13;
	[dreg:$0x10] =	wrdreg s19  }
0x13: {  	s20 =	sor.u32 $0x1, s18;
	s23 =	sadd.s32 s5, s13;
	[dreg:$0x11] =	wrdreg s22  }
0x14: {  	s30 =	sor.u32 $0x2, s18;
	s31 =	sor.u32 $0x3, s18;
	[dreg:$0x12] =	wrdreg s23  }
0x15: {  	s12 =	simm.s32 $0x2;
	s14 =	sshll.u32 s20, $0x8;
	[dreg:$0x1a] =	wrdreg s30  }
0x16: {  	s11 =	sshll.u32 s20, $0x1;
	s24 =	sadd.s32 s0, s21;
	[dreg:$0x1b] =	wrdreg s31  }
0x17: {  	s1 =	sshrl.u32 s1, $0x3;
	s29 =	smax.u32 s10, $0x1;
	[dreg:$0x14] =	wrdreg s24  }
0x18: {  	s10 =	simm.s32 $0x3;
	s2 =	sadd.s32 s2, s14;
	[dreg:$0x19] =	wrdreg s29  }
0x19: {  	s19 =	simm.s32 $0x1;
	s25 =	sadd.s32 s4, s11;
	[dreg:$0x13] =	wrdreg s2  }
0x1a: {  	s0 =	sadd.s32 s0, s1;
	s26 =	sadd.s32 s5, s11;
	[dreg:$0x15] =	wrdreg s25  }
0x1b: {  	s4 =	simm.s32 $0x15860;
	[dreg:$0x16] =	wrdreg s26;
	s28 =	sadd.s32 $0x400, s0  }
0x1c: {  	s11 =	simm.s32 $0x1010;
	s0 =	sadd.s32 $0x800, s0;
	[dreg:$0x17] =	wrdreg s28  }
0x1d: {  	v0 =	vimm.f32 $0.0e+00;
	vm0 =	vmmov $0x1;
	s1 =	simm.s32 $0x0;
	s2 =	simm.s32 $0x4;
	[dreg:$0x18] =	wrdreg s0  }
.LBB2_1:
0x1e: {  	[dreg:$0x1c] =	wrdreg s1  }
0x1f: {  	s0 =	rddreg [dreg:$0xa];
	s29 =	simm.s32 $0x11040  }
0x20: {  	[tilespmem:s29], [sflag:$0x4] =	stream.linear.gather [hbm4b:s0+s3], $0x2010, $0x38;
	[tilespmem:$0x1B8B0] =	vst v63  }
0x21: {  	_ =	swait.ge [sflag:s2], $0x2010  }
0x22: {  	[sflag:s2] =	ssyncset.done $0x0  }
0x23: {  	s31 =	simm.s32 $0x13050;
	s30 =	rddreg [dreg:$0xb];
	[sflag:s2] =	ssyncadd.s32 $0xFFFFDFF0  }
0x24: {  	[tilespmem:s31], [sflag:$0x4] =	stream.linear.gather [hbm4b:s30+s3], $0x2010, $0x38;
	[tilespmem:$0x1B8B0] =	vst v63  }
0x25: {  	_ =	swait.ge [sflag:s2], $0x2010  }
0x26: {  	[sflag:s2] =	ssyncset.done $0x0  }
0x27: {  	s5 =	simm.s32 $0x15060;
	s1 =	rddreg [dreg:$0xc];
	[sflag:s2] =	ssyncadd.s32 $0xFFFFDFF0  }
0x28: {  	[tilespmem:s5], [sflag:$0x4] =	stream.linear.gather [hbm4b:s1+s3], $0x800, $0x38;
	[tilespmem:$0x1B8B0] =	vst v63  }
0x29: {  	_ =	swait.ge [sflag:s2], $0x800  }
0x2a: {  	[sflag:s2] =	ssyncset.done $0x0  }
0x2b: {  	s6 =	rddreg [dreg:$0xd];
	[sflag:s2] =	ssyncadd.s32 $0xFFFFF800  }
0x2c: {  	[tilespmem:s4], [sflag:$0x4] =	stream.linear.gather [hbm4b:s6+s3], $0x6030, $0x38;
	[tilespmem:$0x1B8B0] =	vst v63  }
0x2d: {  	_ =	swait.ge [sflag:s2], $0x6030  }
0x2e: {  	[sflag:s2] =	ssyncset.done $0x0  }
0x2f: {  	[sflag:s2] =	ssyncadd.s32 $0xFFFF9FD0  }
0x30: {  	s7 =	rddreg [dreg:$0x10];
	[tilespmem:$0x1B8A0] =	vst v0  }
0x31: {  	[tilespmem:s3], [sflag:$0x4] =	stream.linear.gather [hbm4b:s7+s3], $0x800, $0x38;
	[tilespmem:$0x1B8B0] =	vst v63  }
0x32: {  	_ =	swait.ge [sflag:s2], $0x800  }
0x33: {  	[sflag:s2] =	ssyncset.done $0x0  }
0x34: {  	s9 =	simm.s32 $0x1000;
	s8 =	rddreg [dreg:$0x11];
	[sflag:s2] =	ssyncadd.s32 $0xFFFFF800  }
0x35: {  	[tilespmem:s9], [sflag:$0x4] =	stream.linear.gather [hbm4b:s8+s3], $0x10, $0x38;
	[tilespmem:$0x1B8B0] =	vst v63  }
0x36: {  	_ =	swait.ge [sflag:s2], $0x10  }
0x37: {  	[sflag:s2] =	ssyncset.done $0x0  }
0x38: {  	s14 =	simm.s32 $0x1020;
	s13 =	rddreg [dreg:$0x12];
	[sflag:s2] =	ssyncadd.s32 $0xFFFFFFF0  }
0x39: {  	[tilespmem:s14], [sflag:$0x4] =	stream.linear.gather [hbm4b:s13+s3], $0x10, $0x38;
	[tilespmem:$0x1B8B0] =	vst v63  }
0x3a: {  	_ =	swait.ge [sflag:s2], $0x10  }
0x3b: {  	[sflag:s2] =	ssyncset.done $0x0  }
0x3c: {  	s16 =	simm.s32 $0x800;
	s15 =	rddreg [dreg:$0x13];
	[sflag:s2] =	ssyncadd.s32 $0xFFFFFFF0  }
0x3d: {  	[tilespmem:s16], [sflag:$0x2] =	stream.linear.gather [hbm4b:s15+s3], $0x800, $0x38;
	[tilespmem:$0x1B8B0] =	vst v63  }
0x3e: {  	s17 =	rddreg [dreg:$0x15]  }
0x3f: {  	[tilespmem:s11], [sflag:$0x2] =	stream.linear.gather [hbm4b:s17+s3], $0x10, $0x38;
	[tilespmem:$0x1B8B0] =	vst v63  }
0x40: {  	s20 =	simm.s32 $0x1030;
	s18 =	rddreg [dreg:$0x16]  }
0x41: {  	[tilespmem:s20], [sflag:$0x2] =	stream.linear.gather [hbm4b:s18+s3], $0x10, $0x38;
	[tilespmem:$0x1B8B0] =	vst v63  }
0x42: {  	s22 =	simm.s32 $0x1040;
	s21 =	rddreg [dreg:$0x5]  }
0x43: {  	[tilespmem:s22], [sflag:$0x1] =	stream.indirect.gather [hbm4b:s21+s10], $0x800, s9, s10, $0xb8;
	[tilespmem:$0x1B8B0] =	vst v63  }
0x44: {  	s24 =	simm.s32 $0x4040;
	s23 =	rddreg [dreg:$0x6]  }
0x45: {  	[tilespmem:s24], [sflag:$0x1] =	stream.indirect.gather [hbm4b:s23+s10], $0x800, s9, s10, $0xb8;
	[tilespmem:$0x1B8B0] =	vst v63  }
0x46: {  	s26 =	simm.s32 $0x7040;
	s25 =	rddreg [dreg:$0x7]  }
0x47: {  	[tilespmem:s26], [sflag:$0x1] =	stream.indirect.gather [hbm4b:s25+s10], $0x800, s9, s10, $0xb8;
	[tilespmem:$0x1B8B0] =	vst v63  }
0x48: {  	s29 =	simm.s32 $0xA040;
	s28 =	rddreg [dreg:$0x8]  }
0x49: {  	[tilespmem:s29], [sflag:$0x1] =	stream.indirect.gather [hbm4b:s28+s10], $0x800, s9, s10, $0xb8;
	[tilespmem:$0x1B8B0] =	vst v63  }
0x4a: {  	s31 =	simm.s32 $0xD040;
	s30 =	rddreg [dreg:$0x9];
	s23 =	simm.s32 $0x0  }
0x4b: {  	[tilespmem:s31], [sflag:$0x1] =	stream.indirect.gather [hbm4b:s30+s10], $0x800, s9, s10, $0xb8;
	[tilespmem:$0x1B8B0] =	vst v63  }
.LBB2_2:
0x4c: {  	_ =	swait.ge [sflag:s12], $0x800  }
0x4d: {  	[sflag:s12] =	ssyncset.done $0x0  }
0x4e: {  	[sflag:s12] =	ssyncadd.s32 $0xFFFFF800  }
0x4f: {  	_ =	swait.ge [sflag:s12], $0x10  }
0x50: {  	[sflag:s12] =	ssyncset.done $0x0  }
0x51: {  	[sflag:s12] =	ssyncadd.s32 $0xFFFFFFF0  }
0x52: {  	_ =	swait.ge [sflag:s12], $0x10  }
0x53: {  	[sflag:s12] =	ssyncset.done $0x0  }
0x54: {  	s1 =	simm.s32 $0x2840;
	s0 =	rddreg [dreg:$0x5];
	[sflag:s12] =	ssyncadd.s32 $0xFFFFFFF0  }
0x55: {  	[tilespmem:s1], [sflag:$0x1] =	stream.indirect.gather [hbm4b:s0+s10], $0x800, s11, s10, $0xb8;
	[tilespmem:$0x1B8B0] =	vst v63  }
0x56: {  	s22 =	simm.s32 $0x5840;
	s21 =	rddreg [dreg:$0x6]  }
0x57: {  	[tilespmem:s22], [sflag:$0x1] =	stream.indirect.gather [hbm4b:s21+s10], $0x800, s11, s10, $0xb8;
	[tilespmem:$0x1B8B0] =	vst v63  }
0x58: {  	s25 =	simm.s32 $0x8840;
	s24 =	rddreg [dreg:$0x7]  }
0x59: {  	[tilespmem:s25], [sflag:$0x1] =	stream.indirect.gather [hbm4b:s24+s10], $0x800, s11, s10, $0xb8;
	[tilespmem:$0x1B8B0] =	vst v63  }
0x5a: {  	s28 =	simm.s32 $0xB840;
	s26 =	rddreg [dreg:$0x8]  }
0x5b: {  	[tilespmem:s28], [sflag:$0x1] =	stream.indirect.gather [hbm4b:s26+s10], $0x800, s11, s10, $0xb8;
	[tilespmem:$0x1B8B0] =	vst v63  }
0x5c: {  	s30 =	simm.s32 $0xE840;
	s29 =	rddreg [dreg:$0x9]  }
0x5d: {  	[tilespmem:s30], [sflag:$0x1] =	stream.indirect.gather [hbm4b:s29+s10], $0x800, s11, s10, $0xb8;
	[tilespmem:$0x1B8B0] =	vst v63  }
0x5e: {  	_ =	swait.ge [sflag:s19], $0x1800  }
0x5f: {  	[sflag:s19] =	ssyncset.done $0x0  }
0x60: {  	[sflag:s19] =	ssyncadd.s32 $0xFFFFE800  }
0x61: {  	_ =	swait.ge [sflag:s19], $0x1800  }
0x62: {  	[sflag:s19] =	ssyncset.done $0x0  }
0x63: {  	[sflag:s19] =	ssyncadd.s32 $0xFFFFE800  }
0x64: {  	_ =	swait.ge [sflag:s19], $0x1800  }
0x65: {  	[sflag:s19] =	ssyncset.done $0x0  }
0x66: {  	[sflag:s19] =	ssyncadd.s32 $0xFFFFE800  }
0x67: {  	_ =	swait.ge [sflag:s19], $0x1800  }
0x68: {  	[sflag:s19] =	ssyncset.done $0x0  }
0x69: {  	[sflag:s19] =	ssyncadd.s32 $0xFFFFE800  }
0x6a: {  	_ =	swait.ge [sflag:s19], $0x1800  }
0x6b: {  	[sflag:s19] =	ssyncset.done $0x0  }
0x6c: {  	s31 =	simm.s32 $0x0;
	[sflag:s19] =	ssyncadd.s32 $0xFFFFE800  }
0x6d: {  	v4 =	vld [tilespmem:s31+$0x0]  }
0x6e: {  	v2 =	vld [tilespmem:s31+$0x5040]  }
0x6f: {  	v6 =	vld [tilespmem:s31+$0x1040]  }
0x70: {  	v7 =	vld [tilespmem:s31+$0x1840]  }
0x71: {  	v5 =	vld [tilespmem:s31+$0x2040]  }
0x72: {  	v1 =	vimm.f32 $0.0e+00;
	v14 =	vimm.f32 $0.0e+00;
	v12 =	vld [tilespmem:s31+$0x4040]  }
0x73: {  	v11 =	vimm.f32 $0.0e+00;
	v13 =	vimm.f32 $0.0e+00;
	s0 =	simm.s32 $0x10;
	v10 =	vld [tilespmem:s31+$0x4840];
	v3 =	vmul.f32 v2, v4  }
0x74: {  	v9 =	vimm.f32 $0.0e+00;
	s1 =	simm.s32 $0x80;
	v15 =	vmul.f32 v6, v4;
	v2 =	vld [tilespmem:s0+$0x0];
	v6 =	vimm.f32 $0.0e+00  }
.LBB2_3:
0x75: {  	p0 =	sne.s32 s1, $0x1FC0;
	v8 =	vld [tilespmem:s0+$0x5040];
	v16 =	vmul.f32 v7, v4;
	v1 =	vadd.f32 v3, v1  }
0x76: {  	v17 =	vld [tilespmem:s0+$0x1040];
	v14 =	vadd.f32 v15, v14;
	v3 =	vmul.f32 v5, v4  }
.Ltmp0:
0x77: {  	v7 =	vld [tilespmem:s0+$0x1840];
	v11 =	vadd.f32 v16, v11;
	v15 =	vmul.f32 v12, v4;
	(pc) =	sbr.rel @p0 .LBB2_3-.Ltmp0, $4  }
0x78: {  	v5 =	vld [tilespmem:s0+$0x2040];
	v6 =	vadd.f32 v3, v6;
	v16 =	vmul.f32 v10, v4  }
0x79: {  	v12 =	vld [tilespmem:s0+$0x4040];
	v13 =	vadd.f32 v15, v13;
	v4 =	vmov v2  }
0x7a: {  	v10 =	vld [tilespmem:s0+$0x4840];
	s0 =	sshra.s32 s1, $0x2;
	v3 =	vmul.f32 v8, v4;
	v9 =	vadd.f32 v16, v9  }
0x7b: {  	s1 =	sadd.s32 $0x40, s1;
	v2 =	vld [tilespmem:s0+$0x0];
	v15 =	vmul.f32 v17, v4  }
0x7c: {  	v8 =	vld [tilespmem:s0+$0x5040]  }
0x7d: {  	v16 =	vld [tilespmem:s0+$0x1040]  }
0x7e: {  	s24 =	sshll.u32 s23, $0x1;
	p0 =	seq.s32 s23, $0x1F;
	v17 =	vld [tilespmem:s0+$0x1840];
	s1 =	rddreg [dreg:$0x1a]  }
0x7f: {  	v18 =	vld [tilespmem:s0+$0x2040];
	s1 =	sadd.s32 @!p0 s24, s1  }
0x80: {  	v19 =	vld [tilespmem:s0+$0x4040];
	s13 =	sshll.u32 @!p0 s1, $0x8  }
0x81: {  	v20 =	vld [tilespmem:s0+$0x4840];
	s0 =	rddreg [dreg:$0x0];
	s13 =	sand.u32 @!p0 $0x1FFFFE00, s13  }
0x82: {  	s0 =	sadd.s32 @!p0 s0, s13;
	s13 =	simm.s32 @!p0 $0x0  }
0x83: {  	[tilespmem:s13], [sflag:$0x2] =	stream.linear.gather @!p0 [hbm4b:s0+s13], $0x800, $0x38;
	[tilespmem:$0x1B8B0] =	vst v63  }
0x84: {  	s0 =	sshll.u32 @!p0 s1, $0x1  }
0x85: {  	s1 =	rddreg [dreg:$0x3];
	s0 =	sand.u32 @!p0 $0x1FFFFFFC, s0  }
0x86: {  	s14 =	simm.s32 @!p0 $0x1000;
	s1 =	sadd.s32 @!p0 s1, s0  }
0x87: {  	v14 =	vadd.f32 v15, v14;
	v15 =	vmul.f32 v16, v2;
	[tilespmem:s14], [sflag:$0x2] =	stream.linear.gather @!p0 [hbm4b:s1+s13], $0x10, $0x38;
	[tilespmem:$0x1B8B0] =	vst v63  }
0x88: {  	s1 =	rddreg [dreg:$0x4]  }
0x89: {  	v14 =	vadd.f32 v15, v14;
	s0 =	sadd.s32 @!p0 s1, s0;
	s1 =	simm.s32 @!p0 $0x1020  }
0x8a: {  	[tilespmem:s1], [sflag:$0x2] =	stream.linear.gather @!p0 [hbm4b:s0+s13], $0x10, $0x38;
	[tilespmem:$0x1B8B0] =	vst v63  }
0x8b: {  	[tilespmem:$0x1B890] =	vst v14  }
0x8c: {  	v15 =	vld [tilespmem:$0x1B898];
	_ =	sdelay $0x3  }
0x8d: {  	v16 =	vld [tilespmem:$0x1000]  }
0x8e: {  	v14 =	vadd.f32 v15, v14;
	_ =	sdelay $0x1  }
0x8f: {  	[tilespmem:$0x1B890] =	vst v14  }
0x90: {  	v15 =	vld [tilespmem:$0x1B894]  }
0x91: {  	(v2sf) =	vpush v16, $0x0;
	_ =	sdelay $0x3  }
0x92: {  	v14 =	vadd.f32 v15, v14;
	_ =	sdelay $0x1  }
0x93: {  	[tilespmem:$0x1B890] =	vst v14  }
0x94: {  	v15 =	vld [tilespmem:$0x1B892];
	_ =	sdelay $0x2  }
0x95: {  	v12 =	vmul.f32 v12, v4;
	_ =	sdelay $0x1  }
0x96: {  	v12 =	vadd.f32 v12, v13;
	v13 =	vmul.f32 v19, v2;
	v14 =	vadd.f32 v15, v14;
	_ =	sdelay $0x1  }
0x97: {  	v12 =	vadd.f32 v13, v12;
	[tilespmem:$0x1B890] =	vst v14  }
0x98: {  	s25 =	spop (v2sf);
	v13 =	vld [tilespmem:$0x1B891]  }
0x99: {  	v15 =	vld [tilespmem:s25+$0x11040];
	[tilespmem:$0x1B890] =	vst v12  }
0x9a: {  	v19 =	vld [tilespmem:$0x1B898];
	_ =	sdelay $0x4  }
0x9b: {  	v12 =	vadd.f32 v19, v12;
	_ =	sdelay $0x1  }
0x9c: {  	[tilespmem:$0x1B890] =	vst v12  }
0x9d: {  	v19 =	vld [tilespmem:$0x1B894];
	_ =	sdelay $0x4  }
0x9e: {  	v12 =	vadd.f32 v19, v12;
	_ =	sdelay $0x1  }
0x9f: {  	[tilespmem:$0x1B890] =	vst v12  }
0xa0: {  	v19 =	vld [tilespmem:$0x1B892];
	_ =	sdelay $0x2  }
0xa1: {  	v7 =	vmul.f32 v7, v4;
	_ =	sdelay $0x1  }
0xa2: {  	v7 =	vadd.f32 v7, v11;
	v11 =	vmul.f32 v17, v2;
	v12 =	vadd.f32 v19, v12;
	_ =	sdelay $0x1  }
0xa3: {  	v11 =	vadd.f32 v11, v7;
	[tilespmem:$0x1B890] =	vst v12  }
0xa4: {  	v17 =	vld [tilespmem:$0x1B891]  }
0xa5: {  	v19 =	vld [tilespmem:s25+$0x13050];
	[tilespmem:$0x1B890] =	vst v11  }
0xa6: {  	v21 =	vld [tilespmem:$0x1B898];
	_ =	sdelay $0x1  }
0xa7: {  	(v2sf) =	vpush v14, $0x0  }
0xa8: {  	v7 =	vld [tilespmem:$0x1020];
	(v2sf) =	vpush v13, $0x0  }
0xa9: {  	(v2sf) =	vpush v15, $0x0  }
0xaa: {  	(v2sf) =	vpush v12, $0x0;
	v11 =	vadd.f32 v21, v11  }
0xab: {  	(v2sf) =	vpush v17, $0x0  }
0xac: {  	(v2sf) =	vpush v19, $0x0;
	[tilespmem:$0x1B890] =	vst v11  }
0xad: {  	(v2sf) =	vpush v7, $0x0;
	v12 =	vld [tilespmem:$0x1B894]  }
0xae: {  	(v2sf) =	vpush v16, $0x1;
	_ =	sdelay $0x3  }
0xaf: {  	v11 =	vadd.f32 v12, v11;
	_ =	sdelay $0x1  }
0xb0: {  	[tilespmem:$0x1B890] =	vst v11  }
0xb1: {  	v12 =	vld [tilespmem:$0x1B892]  }
0xb2: {  	s9 =	spop (v2sf)  }
0xb3: {  	s17 =	spop (v2sf)  }
0xb4: {  	v10 =	vmul.f32 v10, v4;
	s14 =	spop (v2sf)  }
0xb5: {  	s18 =	spop (v2sf)  }
0xb6: {  	v9 =	vadd.f32 v10, v9;
	v10 =	vmul.f32 v20, v2;
	s20 =	spop (v2sf);
	v11 =	vadd.f32 v12, v11  }
0xb7: {  	s21 =	spop (v2sf)  }
0xb8: {  	v9 =	vadd.f32 v10, v9;
	s13 =	spop (v2sf);
	[tilespmem:$0x1B890] =	vst v11  }
0xb9: {  	s26 =	spop (v2sf);
	v10 =	vld [tilespmem:$0x1B891]  }
0xba: {  	v12 =	vld [tilespmem:s26+$0x11040];
	[tilespmem:$0x1B890] =	vst v9  }
0xbb: {  	v13 =	vld [tilespmem:$0x1B898];
	_ =	sdelay $0x4  }
0xbc: {  	v9 =	vadd.f32 v13, v9;
	_ =	sdelay $0x1  }
0xbd: {  	[tilespmem:$0x1B890] =	vst v9  }
0xbe: {  	v13 =	vld [tilespmem:$0x1B894];
	_ =	sdelay $0x4  }
0xbf: {  	v9 =	vadd.f32 v13, v9;
	_ =	sdelay $0x1  }
0xc0: {  	[tilespmem:$0x1B890] =	vst v9  }
0xc1: {  	v13 =	vld [tilespmem:$0x1B892];
	_ =	sdelay $0x2  }
0xc2: {  	v4 =	vmul.f32 v5, v4;
	_ =	sdelay $0x1  }
0xc3: {  	v4 =	vadd.f32 v4, v6;
	v6 =	vmul.f32 v18, v2;
	v5 =	vadd.f32 v13, v9;
	_ =	sdelay $0x1  }
0xc4: {  	v4 =	vadd.f32 v6, v4;
	[tilespmem:$0x1B890] =	vst v5  }
0xc5: {  	v6 =	vld [tilespmem:$0x1B891]  }
0xc6: {  	v9 =	vld [tilespmem:s26+$0x13050];
	[tilespmem:$0x1B890] =	vst v4  }
0xc7: {  	v13 =	vld [tilespmem:$0x1B898];
	_ =	sdelay $0x1  }
0xc8: {  	(v2sf) =	vpush v11, $0x0  }
0xc9: {  	(v2sf) =	vpush v10, $0x0  }
0xca: {  	(v2sf) =	vpush v12, $0x0  }
0xcb: {  	(v2sf) =	vpush v5, $0x0;
	v4 =	vadd.f32 v13, v4  }
0xcc: {  	(v2sf) =	vpush v6, $0x0  }
0xcd: {  	(v2sf) =	vpush v9, $0x0;
	[tilespmem:$0x1B890] =	vst v4  }
0xce: {  	(v2sf) =	vpush v7, $0x1;
	v5 =	vld [tilespmem:$0x1B894]  }
0xcf: {  	(v2sf) =	vpush v16, $0x2;
	_ =	sdelay $0x3  }
0xd0: {  	v4 =	vadd.f32 v5, v4;
	_ =	sdelay $0x1  }
0xd1: {  	[tilespmem:$0x1B890] =	vst v4  }
0xd2: {  	v5 =	vld [tilespmem:$0x1B892]  }
0xd3: {  	s22 =	spop (v2sf)  }
0xd4: {  	s28 =	spop (v2sf)  }
0xd5: {  	s31 =	spop (v2sf)  }
0xd6: {  	s29 =	spop (v2sf)  }
0xd7: {  	v1 =	vadd.f32 v3, v1;
	v2 =	vmul.f32 v8, v2;
	s2 =	spop (v2sf);
	v4 =	vadd.f32 v5, v4  }
0xd8: {  	s3 =	spop (v2sf)  }
0xd9: {  	v1 =	vadd.f32 v2, v1;
	s30 =	spop (v2sf);
	[tilespmem:$0x1B890] =	vst v4  }
0xda: {  	s0 =	spop (v2sf);
	v2 =	vld [tilespmem:$0x1B891]  }
0xdb: {  	v3 =	vld [tilespmem:s0+$0x11040];
	[tilespmem:$0x1B890] =	vst v1  }
0xdc: {  	v5 =	vld [tilespmem:$0x1B898];
	_ =	sdelay $0x4  }
0xdd: {  	v1 =	vadd.f32 v5, v1;
	_ =	sdelay $0x1  }
0xde: {  	[tilespmem:$0x1B890] =	vst v1  }
0xdf: {  	v5 =	vld [tilespmem:$0x1B894];
	_ =	sdelay $0x4  }
0xe0: {  	v1 =	vadd.f32 v5, v1;
	_ =	sdelay $0x1  }
0xe1: {  	[tilespmem:$0x1B890] =	vst v1  }
0xe2: {  	v5 =	vld [tilespmem:$0x1B892];
	_ =	sdelay $0x4  }
0xe3: {  	v1 =	vadd.f32 v5, v1;
	_ =	sdelay $0x1  }
0xe4: {  	[tilespmem:$0x1B890] =	vst v1  }
0xe5: {  	v5 =	vld [tilespmem:$0x1B891]  }
0xe6: {  	(v2sf) =	vpush v4, $0x0;
	v4 =	vld [tilespmem:s0+$0x13050]  }
0xe7: {  	(v2sf) =	vpush v2, $0x0  }
0xe8: {  	(v2sf) =	vpush v3, $0x0  }
0xe9: {  	(v2sf) =	vpush v1, $0x0  }
0xea: {  	(v2sf) =	vpush v5, $0x0  }
0xeb: {  	(v2sf) =	vpush v4, $0x0  }
0xec: {  	(v2sf) =	vpush v7, $0x2;
	_ =	sdelay $0x8  }
0xed: {  	s4 =	spop (v2sf)  }
0xee: {  	s15 =	spop (v2sf)  }
0xef: {  	s5 =	spop (v2sf)  }
0xf0: {  	s6 =	spop (v2sf)  }
0xf1: {  	s7 =	spop (v2sf)  }
0xf2: {  	p1 =	seq.s32 s23, $0x0;
	s16 =	spop (v2sf)  }
0xf3: {  	s1 =	sadd.f32 s17, s9;
	s9 =	simm.s32 @!p1 $0x3;
	s8 =	spop (v2sf)  }
0xf4: {  	s20 =	sadd.f32 s20, s18;
	_ =	swait.ge @!p1 [sflag:s9], $0x800  }
0xf5: {  	s18 =	sadd.f32 s14, s1;
	[sflag:s9] =	ssyncset.done @!p1 $0x0  }
0xf6: {  	s17 =	sadd.f32 s21, s20;
	s20 =	simm.s32 $0x0;
	[sflag:s9] =	ssyncadd.s32 @!p1 $0xFFFFF800  }
0xf7: {  	s22 =	sadd.f32 s28, s22;
	v3 =	vld [tilespmem:s20+$0x7040]  }
0xf8: {  	p2 =	slt.f32 s13, $0.0e+00;
	s2 =	sadd.f32 s2, s29;
	v4 =	vld [tilespmem:s20+$0x15060]  }
0xf9: {  	p4 =	sgt.f32 s13, $0.0e+00;
	s14 =	sadd.f32 s31, s22;
	v5 =	vld [tilespmem:s20+$0x7840]  }
0xfa: {  	p3 =	sgt.f32 s18, s17;
	s13 =	sadd.f32 s3, s2;
	v1 =	vbroadcast v7, $0x0  }
0xfb: {  	s1 =	simm.s32 @!p1 $0x0;
	p5 =	slt.f32 s30, $0.0e+00;
	p6 =	sgt.f32 s30, $0.0e+00;
	v6 =	vld [tilespmem:s20+$0x8040]  }
0xfc: {  	s1 =	simm.s32 @p1 $0x1;
	s18 =	simm.s32 @!p3 $0x0;
	v2 =	vbroadcast v7, $0x1;
	s9 =	sadd.f32 s15, s4;
	v9 =	vld [tilespmem:s20+$0xA040];
	v8 =	vmul.f32 v3, v1  }
0xfd: {  	s30 =	simm.s32 $0x10;
	p6 =	por p6, p5;
	s15 =	sadd.f32 s7, s6;
	v10 =	vld [tilespmem:s20+$0xD040]  }
0xfe: {  	p1 =	por p4, p2;
	p4 =	sgt.f32 s14, s13;
	v11 =	vld [tilespmem:s30+$0x7040];
	s22 =	sadd.f32 s5, s9;
	v3 =	vbroadcast v7, $0x2;
	v5 =	vmul.f32 v5, v2;
	v4 =	vadd.f32 v8, v4  }
0xff: {  	p2 =	slt.f32 s8, $0.0e+00;
	s3 =	simm.s32 @!p1 $0x0;
	s31 =	sadd.f32 s16, s15;
	v7 =	vld [tilespmem:s20+$0xA840]  }
0x100: {  	s18 =	simm.s32 @!p1 $0x0;
	v12 =	vld [tilespmem:s30+$0x15060];
	s3 =	simm.s32 @p1 $0x1;
	p1 =	sgt.f32 s8, $0.0e+00;
	v6 =	vmul.f32 v6, v3;
	v5 =	vadd.f32 v5, v4  }
0x101: {  	s14 =	simm.s32 @!p4 $0x0;
	[smem:$0x7FD] =	sst s3;
	p5 =	sgt.f32 s22, s31;
	v8 =	vld [tilespmem:s20+$0xB040];
	v4 =	vmov s18  }
0x102: {  	v13 =	vld [tilespmem:s30+$0x7840];
	s14 =	simm.s32 @!p6 $0x0;
	s21 =	sld [smem:$0x7FD];
	v9 =	vmul.f32 v9, v4;
	v6 =	vadd.f32 v6, v5  }
0x103: {  	s17 =	simm.s32 @p3 $0x0;
	v15 =	vld [tilespmem:s20+$0xD840];
	p3 =	por p1, p2;
	s22 =	simm.s32 @!p5 $0x0;
	v5 =	vmov s14  }
0x104: {  	v16 =	vld [tilespmem:s30+$0x8040];
	s22 =	simm.s32 @!p3 $0x0;
	v14 =	vmul.f32 v7, v5;
	v9 =	vadd.f32 v9, v6  }
0x105: {  	v17 =	vmul.f32 v11, v1;
	p1 =	seq.s32 s21, $0x1;
	v7 =	vmov s22  }
0x106: {  	s13 =	simm.s32 @p4 $0x0;
	s17 =	simm.s32 @!p1 $0x0;
	v18 =	vmul.f32 v8, v7;
	v9 =	vadd.f32 v14, v9;
	v14 =	vld [tilespmem:s20+$0xE040]  }
0x107: {  	s13 =	simm.s32 @!p6 $0x0;
	v11 =	vld [tilespmem:s30+$0xA040];
	v13 =	vmul.f32 v13, v2;
	v20 =	vadd.f32 v17, v12;
	v6 =	vmov s17  }
0x108: {  	s31 =	simm.s32 @p5 $0x0;
	v12 =	vld [tilespmem:s30+$0xA840];
	v8 =	vmov s13;
	v19 =	vmul.f32 v10, v6;
	v18 =	vadd.f32 v18, v9  }
0x109: {  	s28 =	simm.s32 $0xC0;
	s29 =	rddreg [dreg:$0xf];
	s31 =	simm.s32 @!p3 $0x0;
	v16 =	vmul.f32 v16, v3;
	v10 =	vld [tilespmem:s30+$0xD040];
	v17 =	vmul.f32 v15, v8  }
0x10a: {  	[smem:$0x7FC] =	sst s1;
	s1 =	simm.s32 $0x20;
	s21 =	sadd.s32 s29, s24;
	v15 =	vadd.f32 v13, v20;
	v13 =	vld [tilespmem:s30+$0xB040];
	v9 =	vmov s31;
	v18 =	vadd.f32 v19, v18  }
.LBB2_5:
0x10b: {  	p2 =	sne.s32 s28, $0x1FC0;
	v19 =	vld [tilespmem:s1+$0x7040];
	v14 =	vmul.f32 v14, v9  }
0x10c: {  	v20 =	vld [tilespmem:s1+$0x15060];
	v15 =	vadd.f32 v16, v15;
	v11 =	vmul.f32 v11, v4;
	v16 =	vadd.f32 v17, v18  }
0x10d: {  	v17 =	vld [tilespmem:s1+$0x7840]  }
0x10e: {  	v11 =	vadd.f32 v11, v15;
	v12 =	vmul.f32 v12, v5;
	v15 =	vld [tilespmem:s30+$0xD840];
	v16 =	vadd.f32 v14, v16  }
0x10f: {  	v18 =	vld [tilespmem:s1+$0x8040]  }
.Ltmp1:
0x110: {  	v13 =	vmul.f32 v13, v7;
	v19 =	vmul.f32 v19, v1;
	v12 =	vadd.f32 v12, v11;
	v14 =	vld [tilespmem:s30+$0xE040];
	[tilespmem:s20+$0x10040] =	vst v16;
	s20 =	smov.u32 s30;
	s30 =	smov.u32 s1;
	(pc) =	sbr.rel @p2 .LBB2_5-.Ltmp1, $4  }
0x111: {  	v21 =	vmul.f32 v10, v6;
	v11 =	vld [tilespmem:s30+$0xA040]  }
0x112: {  	v16 =	vadd.f32 v19, v20;
	v19 =	vmul.f32 v17, v2;
	v10 =	vld [tilespmem:s30+$0xD040];
	v20 =	vadd.f32 v13, v12  }
0x113: {  	v12 =	vld [tilespmem:s30+$0xA840];
	v17 =	vmul.f32 v15, v8  }
0x114: {  	s1 =	sshra.s32 s28, $0x2;
	s28 =	sadd.s32 $0x40, s28;
	v15 =	vadd.f32 v19, v16;
	v16 =	vmul.f32 v18, v3;
	v13 =	vld [tilespmem:s30+$0xB040];
	v18 =	vadd.f32 v21, v20  }
0x115: {  	v19 =	vld [tilespmem:s1+$0x7040]  }
0x116: {  	v20 =	vld [tilespmem:s1+$0x15060];
	v14 =	vmul.f32 v14, v9;
	v17 =	vadd.f32 v17, v18  }
0x117: {  	v62 =	vld [tilespmem:s1+$0x7840]  }
0x118: {  	v21 =	vld [tilespmem:s30+$0xD840];
	v14 =	vadd.f32 v14, v17  }
0x119: {  	v17 =	vld [tilespmem:s1+$0x8040]  }
0x11a: {  	v22 =	vld [tilespmem:s30+$0xE040];
	v1 =	vmul.f32 v19, v1;
	[tilespmem:s20+$0x10040] =	vst v14  }
0x11b: {  	v14 =	vld [tilespmem:s1+$0xA040]  }
0x11c: {  	v2 =	vmul.f32 v62, v2;
	v1 =	vadd.f32 v1, v20  }
0x11d: {  	v63 =	vld [tilespmem:s1+$0xA840]  }
0x11e: {  	v1 =	vadd.f32 v2, v1;
	v2 =	vmul.f32 v17, v3  }
0x11f: {  	v11 =	vmul.f32 v11, v4;
	v3 =	vadd.f32 v16, v15;
	v15 =	vld [tilespmem:s1+$0xB040]  }
0x120: {  	v1 =	vadd.f32 v2, v1;
	v2 =	vmul.f32 v14, v4  }
0x121: {  	v3 =	vadd.f32 v11, v3;
	v4 =	vmul.f32 v12, v5;
	v11 =	vld [tilespmem:s1+$0xD040]  }
0x122: {  	v1 =	vadd.f32 v2, v1;
	v2 =	vmul.f32 v63, v5  }
0x123: {  	v3 =	vadd.f32 v4, v3;
	v4 =	vmul.f32 v13, v7;
	v5 =	vld [tilespmem:s1+$0xD840]  }
0x124: {  	v1 =	vadd.f32 v2, v1;
	v2 =	vmul.f32 v15, v7  }
0x125: {  	v7 =	vmul.f32 v10, v6;
	v3 =	vadd.f32 v4, v3;
	v4 =	vld [tilespmem:s1+$0xE040]  }
0x126: {  	v6 =	vmul.f32 v11, v6;
	v1 =	vadd.f32 v2, v1  }
0x127: {  	v2 =	vmul.f32 v21, v8;
	v3 =	vadd.f32 v7, v3  }
0x128: {  	v5 =	vmul.f32 v5, v8;
	v1 =	vadd.f32 v6, v1  }
0x129: {  	v6 =	vmul.f32 v22, v9;
	v2 =	vadd.f32 v2, v3  }
0x12a: {  	v3 =	vmul.f32 v4, v9;
	v1 =	vadd.f32 v5, v1  }
0x12b: {  	v2 =	vadd.f32 v6, v2  }
0x12c: {  	v1 =	vadd.f32 v3, v1  }
0x12d: {  	s2 =	sshll.u32 s21, $0x8;
	s21 =	rddreg [dreg:$0xe];
	[tilespmem:s30+$0x10040] =	vst v2  }
0x12e: {  	s28 =	simm.s32 $0x0;
	s3 =	simm.s32 $0x10040;
	[tilespmem:s1+$0x10040] =	vst v1;
	s1 =	sadd.s32 s21, s2  }
0x12f: {  	[hbm4b:s1+s28] =	stream.linear.scatter [tilespmem:s3], [sflag:$0x3], $0x800, $0x38;
	[tilespmem:$0x1B8B0] =	vst v63  }
0x130: {  	v1 =	vld [tilespmem:s25+$0x15860]  }
0x131: {  	v2 =	vld [tilespmem:s25+$0x17870]  }
0x132: {  	p1 =	slt.f32 s18, $0.0e+00;
	v3 =	vld [tilespmem:s25+$0x19880]  }
0x133: {  	p2 =	sgt.f32 s18, $0.0e+00;
	p3 =	slt.f32 s17, $0.0e+00;
	s1 =	simm.f32 $1.000000000e+00  }
0x134: {  	s2 =	simm.f32 $1.000000000e+00;
	s1 =	simm.s32 @!p1 $0x0;
	p1 =	sgt.f32 s17, $0.0e+00  }
0x135: {  	s2 =	simm.s32 @!p3 $0x0;
	s1 =	simm.s32 @p2 $0x3F800000;
	v4 =	vmax.f32 v1, $1.000000000e+00  }
0x136: {  	s2 =	simm.s32 @p1 $0x3F800000;
	v1 =	vsel vm0, v4, v1;
	v4 =	vmax.f32 v2, s1  }
0x137: {  	[tilespmem:s25+$0x15860] =	vst v1;
	v1 =	vsel vm0, v4, v2;
	v2 =	vmax.f32 v3, s2  }
0x138: {  	[tilespmem:s25+$0x17870] =	vst v1;
	v1 =	vsel vm0, v2, v3  }
0x139: {  	[tilespmem:s25+$0x19880] =	vst v1  }
0x13a: {  	v1 =	vld [tilespmem:s26+$0x15860]  }
0x13b: {  	v2 =	vld [tilespmem:s26+$0x17870]  }
0x13c: {  	p1 =	slt.f32 s14, $0.0e+00;
	v3 =	vld [tilespmem:s26+$0x19880]  }
0x13d: {  	p3 =	slt.f32 s13, $0.0e+00;
	p2 =	sgt.f32 s14, $0.0e+00;
	s1 =	simm.f32 $1.000000000e+00  }
0x13e: {  	s1 =	simm.s32 @!p1 $0x0;
	p1 =	sgt.f32 s13, $0.0e+00;
	s2 =	simm.f32 $1.000000000e+00  }
0x13f: {  	s1 =	simm.s32 @p2 $0x3F800000;
	s2 =	simm.s32 @!p3 $0x0;
	v4 =	vmax.f32 v1, $1.000000000e+00  }
0x140: {  	s2 =	simm.s32 @p1 $0x3F800000;
	v1 =	vsel vm0, v4, v1;
	v4 =	vmax.f32 v2, s1  }
0x141: {  	[tilespmem:s26+$0x15860] =	vst v1;
	v1 =	vsel vm0, v4, v2;
	v2 =	vmax.f32 v3, s2  }
0x142: {  	[tilespmem:s26+$0x17870] =	vst v1;
	v1 =	vsel vm0, v2, v3  }
0x143: {  	[tilespmem:s26+$0x19880] =	vst v1  }
0x144: {  	v1 =	vld [tilespmem:s0+$0x15860]  }
0x145: {  	v2 =	vld [tilespmem:s0+$0x17870]  }
0x146: {  	p1 =	slt.f32 s22, $0.0e+00;
	v3 =	vld [tilespmem:s0+$0x19880]  }
0x147: {  	p2 =	sgt.f32 s22, $0.0e+00;
	p3 =	slt.f32 s31, $0.0e+00;
	s1 =	simm.f32 $1.000000000e+00  }
0x148: {  	s1 =	simm.s32 @!p1 $0x0;
	p1 =	sgt.f32 s31, $0.0e+00;
	s2 =	simm.f32 $1.000000000e+00  }
0x149: {  	s1 =	simm.s32 @p2 $0x3F800000;
	s2 =	simm.s32 @!p3 $0x0;
	v4 =	vmax.f32 v1, $1.000000000e+00  }
0x14a: {  	s2 =	simm.s32 @p1 $0x3F800000;
	v1 =	vsel vm0, v4, v1;
	v4 =	vmax.f32 v2, s1  }
0x14b: {  	[tilespmem:s0+$0x15860] =	vst v1;
	v1 =	vsel vm0, v4, v2;
	v2 =	vmax.f32 v3, s2  }
0x14c: {  	[tilespmem:s0+$0x17870] =	vst v1;
	v1 =	vsel vm0, v2, v3  }
0x14d: {  	[tilespmem:s0+$0x19880] =	vst v1;
	s0 =	simm.s32 @!p0 $0x2  }
0x14e: {  	_ =	swait.ge @!p0 [sflag:s0], $0x800  }
0x14f: {  	[sflag:s0] =	ssyncset.done @!p0 $0x0  }
0x150: {  	[sflag:s0] =	ssyncadd.s32 @!p0 $0xFFFFF800  }
0x151: {  	_ =	swait.ge @!p0 [sflag:s0], $0x10  }
0x152: {  	[sflag:s0] =	ssyncset.done @!p0 $0x0  }
0x153: {  	[sflag:s0] =	ssyncadd.s32 @!p0 $0xFFFFFFF0  }
0x154: {  	_ =	swait.ge @!p0 [sflag:s0], $0x10  }
0x155: {  	s1 =	simm.s32 @!p0 $0x1000;
	s2 =	simm.s32 @!p0 $0x1040;
	[sflag:s0] =	ssyncset.done @!p0 $0x0  }
0x156: {  	s3 =	rddreg [dreg:$0x5];
	[sflag:s0] =	ssyncadd.s32 @!p0 $0xFFFFFFF0;
	s0 =	simm.s32 @!p0 $0x3  }
0x157: {  	[tilespmem:s2], [sflag:$0x1] =	stream.indirect.gather @!p0 [hbm4b:s3+s0], $0x800, s1, s0, $0xb8;
	[tilespmem:$0x1B8B0] =	vst v63  }
0x158: {  	s2 =	simm.s32 @!p0 $0x4040;
	s3 =	rddreg [dreg:$0x6]  }
0x159: {  	[tilespmem:s2], [sflag:$0x1] =	stream.indirect.gather @!p0 [hbm4b:s3+s0], $0x800, s1, s0, $0xb8;
	[tilespmem:$0x1B8B0] =	vst v63  }
0x15a: {  	s2 =	simm.s32 @!p0 $0x7040;
	s3 =	rddreg [dreg:$0x7]  }
0x15b: {  	[tilespmem:s2], [sflag:$0x1] =	stream.indirect.gather @!p0 [hbm4b:s3+s0], $0x800, s1, s0, $0xb8;
	[tilespmem:$0x1B8B0] =	vst v63  }
0x15c: {  	s2 =	simm.s32 @!p0 $0xA040;
	s3 =	rddreg [dreg:$0x8]  }
0x15d: {  	[tilespmem:s2], [sflag:$0x1] =	stream.indirect.gather @!p0 [hbm4b:s3+s0], $0x800, s1, s0, $0xb8;
	[tilespmem:$0x1B8B0] =	vst v63  }
0x15e: {  	s2 =	simm.s32 @!p0 $0xD040;
	s3 =	rddreg [dreg:$0x9]  }
0x15f: {  	[tilespmem:s2], [sflag:$0x1] =	stream.indirect.gather @!p0 [hbm4b:s3+s0], $0x800, s1, s0, $0xb8;
	[tilespmem:$0x1B8B0] =	vst v63  }
0x160: {  	_ =	swait.ge [sflag:s19], $0x1800  }
0x161: {  	[sflag:s19] =	ssyncset.done $0x0  }
0x162: {  	[sflag:s19] =	ssyncadd.s32 $0xFFFFE800  }
0x163: {  	_ =	swait.ge [sflag:s19], $0x1800  }
0x164: {  	[sflag:s19] =	ssyncset.done $0x0  }
0x165: {  	[sflag:s19] =	ssyncadd.s32 $0xFFFFE800  }
0x166: {  	_ =	swait.ge [sflag:s19], $0x1800  }
0x167: {  	[sflag:s19] =	ssyncset.done $0x0  }
0x168: {  	[sflag:s19] =	ssyncadd.s32 $0xFFFFE800  }
0x169: {  	_ =	swait.ge [sflag:s19], $0x1800  }
0x16a: {  	[sflag:s19] =	ssyncset.done $0x0  }
0x16b: {  	[sflag:s19] =	ssyncadd.s32 $0xFFFFE800  }
0x16c: {  	_ =	swait.ge [sflag:s19], $0x1800  }
0x16d: {  	[sflag:s19] =	ssyncset.done $0x0  }
0x16e: {  	s29 =	simm.s32 $0x0;
	[sflag:s19] =	ssyncadd.s32 $0xFFFFE800  }
0x16f: {  	v4 =	vld [tilespmem:s29+$0x800]  }
0x170: {  	v2 =	vld [tilespmem:s29+$0x6840]  }
0x171: {  	v6 =	vld [tilespmem:s29+$0x2840]  }
0x172: {  	v7 =	vld [tilespmem:s29+$0x3040]  }
0x173: {  	v5 =	vld [tilespmem:s29+$0x3840]  }
0x174: {  	v14 =	vimm.f32 $0.0e+00;
	v13 =	vimm.f32 $0.0e+00;
	s30 =	rddreg [dreg:$0xf];
	v12 =	vld [tilespmem:s29+$0x5840]  }
0x175: {  	v11 =	vimm.f32 $0.0e+00;
	v9 =	vimm.f32 $0.0e+00;
	s0 =	simm.s32 $0x10;
	s31 =	sadd.s32 s24, s30;
	v10 =	vld [tilespmem:s29+$0x6040];
	v3 =	vmul.f32 v2, v4  }
0x176: {  	v1 =	vimm.f32 $0.0e+00;
	s1 =	simm.s32 $0x80;
	s25 =	sadd.s32 $0x1, s31;
	v15 =	vmul.f32 v6, v4;
	v2 =	vld [tilespmem:s0+$0x800];
	v6 =	vimm.f32 $0.0e+00  }
.LBB2_7:
0x177: {  	p2 =	sne.s32 s1, $0x1FC0;
	v8 =	vld [tilespmem:s0+$0x6840];
	v16 =	vmul.f32 v7, v4;
	v1 =	vadd.f32 v3, v1  }
0x178: {  	v17 =	vld [tilespmem:s0+$0x2840];
	v14 =	vadd.f32 v15, v14;
	v3 =	vmul.f32 v5, v4  }
.Ltmp2:
0x179: {  	v7 =	vld [tilespmem:s0+$0x3040];
	v11 =	vadd.f32 v16, v11;
	v15 =	vmul.f32 v12, v4;
	(pc) =	sbr.rel @p2 .LBB2_7-.Ltmp2, $4  }
0x17a: {  	v5 =	vld [tilespmem:s0+$0x3840];
	v6 =	vadd.f32 v3, v6;
	v16 =	vmul.f32 v10, v4  }
0x17b: {  	v12 =	vld [tilespmem:s0+$0x5840];
	v13 =	vadd.f32 v15, v13;
	v4 =	vmov v2  }
0x17c: {  	v10 =	vld [tilespmem:s0+$0x6040];
	s0 =	sshra.s32 s1, $0x2;
	v3 =	vmul.f32 v8, v4;
	v9 =	vadd.f32 v16, v9  }
0x17d: {  	s1 =	sadd.s32 $0x40, s1;
	v2 =	vld [tilespmem:s0+$0x800];
	v15 =	vmul.f32 v17, v4  }
0x17e: {  	v8 =	vld [tilespmem:s0+$0x6840]  }
0x17f: {  	v16 =	vld [tilespmem:s0+$0x2840]  }
0x180: {  	v17 =	vld [tilespmem:s0+$0x3040];
	s1 =	rddreg [dreg:$0x1b]  }
0x181: {  	v18 =	vld [tilespmem:s0+$0x3840];
	s1 =	sadd.s32 @!p0 s24, s1  }
0x182: {  	v19 =	vld [tilespmem:s0+$0x5840];
	s2 =	sshll.u32 @!p0 s1, $0x8  }
0x183: {  	v20 =	vld [tilespmem:s0+$0x6040];
	s0 =	rddreg [dreg:$0x0];
	s2 =	sand.u32 @!p0 $0x1FFFFF00, s2  }
0x184: {  	s3 =	simm.s32 @!p0 $0x800;
	s0 =	sadd.s32 @!p0 s0, s2;
	s2 =	simm.s32 @!p0 $0x0  }
0x185: {  	[tilespmem:s3], [sflag:$0x2] =	stream.linear.gather @!p0 [hbm4b:s0+s2], $0x800, $0x38;
	[tilespmem:$0x1B8B0] =	vst v63  }
0x186: {  	s0 =	sshll.u32 @!p0 s1, $0x1  }
0x187: {  	s1 =	rddreg [dreg:$0x3];
	s0 =	sand.u32 @!p0 $0x1FFFFFFE, s0  }
0x188: {  	s3 =	simm.s32 @!p0 $0x1010;
	s1 =	sadd.s32 @!p0 s1, s0  }
0x189: {  	v14 =	vadd.f32 v15, v14;
	v15 =	vmul.f32 v16, v2;
	[tilespmem:s3], [sflag:$0x2] =	stream.linear.gather @!p0 [hbm4b:s1+s2], $0x10, $0x38;
	[tilespmem:$0x1B8B0] =	vst v63  }
0x18a: {  	s1 =	rddreg [dreg:$0x4]  }
0x18b: {  	v14 =	vadd.f32 v15, v14;
	s0 =	sadd.s32 @!p0 s1, s0;
	s1 =	simm.s32 @!p0 $0x1030  }
0x18c: {  	[tilespmem:s1], [sflag:$0x2] =	stream.linear.gather @!p0 [hbm4b:s0+s2], $0x10, $0x38;
	[tilespmem:$0x1B8B0] =	vst v63  }
0x18d: {  	[tilespmem:$0x1B890] =	vst v14  }
0x18e: {  	v15 =	vld [tilespmem:$0x1B898];
	_ =	sdelay $0x3  }
0x18f: {  	v16 =	vld [tilespmem:$0x1010]  }
0x190: {  	v14 =	vadd.f32 v15, v14;
	_ =	sdelay $0x1  }
0x191: {  	[tilespmem:$0x1B890] =	vst v14  }
0x192: {  	v15 =	vld [tilespmem:$0x1B894]  }
0x193: {  	(v2sf) =	vpush v16, $0x0;
	_ =	sdelay $0x3  }
0x194: {  	v14 =	vadd.f32 v15, v14;
	_ =	sdelay $0x1  }
0x195: {  	[tilespmem:$0x1B890] =	vst v14  }
0x196: {  	v15 =	vld [tilespmem:$0x1B892];
	_ =	sdelay $0x2  }
0x197: {  	v12 =	vmul.f32 v12, v4;
	_ =	sdelay $0x1  }
0x198: {  	v12 =	vadd.f32 v12, v13;
	v13 =	vmul.f32 v19, v2;
	v14 =	vadd.f32 v15, v14;
	_ =	sdelay $0x1  }
0x199: {  	v12 =	vadd.f32 v13, v12;
	[tilespmem:$0x1B890] =	vst v14  }
0x19a: {  	s24 =	spop (v2sf);
	v13 =	vld [tilespmem:$0x1B891]  }
0x19b: {  	v15 =	vld [tilespmem:s24+$0x11040];
	[tilespmem:$0x1B890] =	vst v12  }
0x19c: {  	v19 =	vld [tilespmem:$0x1B898];
	_ =	sdelay $0x4  }
0x19d: {  	v12 =	vadd.f32 v19, v12;
	_ =	sdelay $0x1  }
0x19e: {  	[tilespmem:$0x1B890] =	vst v12  }
0x19f: {  	v19 =	vld [tilespmem:$0x1B894];
	_ =	sdelay $0x4  }
0x1a0: {  	v12 =	vadd.f32 v19, v12;
	_ =	sdelay $0x1  }
0x1a1: {  	[tilespmem:$0x1B890] =	vst v12  }
0x1a2: {  	v19 =	vld [tilespmem:$0x1B892];
	_ =	sdelay $0x2  }
0x1a3: {  	v7 =	vmul.f32 v7, v4;
	_ =	sdelay $0x1  }
0x1a4: {  	v7 =	vadd.f32 v7, v11;
	v11 =	vmul.f32 v17, v2;
	v12 =	vadd.f32 v19, v12;
	_ =	sdelay $0x1  }
0x1a5: {  	v11 =	vadd.f32 v11, v7;
	[tilespmem:$0x1B890] =	vst v12  }
0x1a6: {  	v17 =	vld [tilespmem:$0x1B891]  }
0x1a7: {  	v19 =	vld [tilespmem:s24+$0x13050];
	[tilespmem:$0x1B890] =	vst v11  }
0x1a8: {  	v21 =	vld [tilespmem:$0x1B898];
	_ =	sdelay $0x1  }
0x1a9: {  	(v2sf) =	vpush v14, $0x0  }
0x1aa: {  	v7 =	vld [tilespmem:$0x1030];
	(v2sf) =	vpush v13, $0x0  }
0x1ab: {  	(v2sf) =	vpush v15, $0x0  }
0x1ac: {  	(v2sf) =	vpush v12, $0x0;
	v11 =	vadd.f32 v21, v11  }
0x1ad: {  	(v2sf) =	vpush v17, $0x0  }
0x1ae: {  	(v2sf) =	vpush v19, $0x0;
	[tilespmem:$0x1B890] =	vst v11  }
0x1af: {  	(v2sf) =	vpush v7, $0x0;
	v12 =	vld [tilespmem:$0x1B894]  }
0x1b0: {  	(v2sf) =	vpush v16, $0x1;
	_ =	sdelay $0x3  }
0x1b1: {  	v11 =	vadd.f32 v12, v11;
	_ =	sdelay $0x1  }
0x1b2: {  	[tilespmem:$0x1B890] =	vst v11  }
0x1b3: {  	v12 =	vld [tilespmem:$0x1B892]  }
0x1b4: {  	s17 =	spop (v2sf)  }
0x1b5: {  	s21 =	spop (v2sf)  }
0x1b6: {  	v10 =	vmul.f32 v10, v4;
	s1 =	spop (v2sf)  }
0x1b7: {  	s14 =	spop (v2sf)  }
0x1b8: {  	v9 =	vadd.f32 v10, v9;
	v10 =	vmul.f32 v20, v2;
	s20 =	spop (v2sf);
	v11 =	vadd.f32 v12, v11  }
0x1b9: {  	s18 =	spop (v2sf)  }
0x1ba: {  	v9 =	vadd.f32 v10, v9;
	s13 =	spop (v2sf);
	[tilespmem:$0x1B890] =	vst v11  }
0x1bb: {  	s26 =	spop (v2sf);
	v10 =	vld [tilespmem:$0x1B891]  }
0x1bc: {  	v12 =	vld [tilespmem:s26+$0x11040];
	[tilespmem:$0x1B890] =	vst v9  }
0x1bd: {  	v13 =	vld [tilespmem:$0x1B898];
	_ =	sdelay $0x4  }
0x1be: {  	v9 =	vadd.f32 v13, v9;
	_ =	sdelay $0x1  }
0x1bf: {  	[tilespmem:$0x1B890] =	vst v9  }
0x1c0: {  	v13 =	vld [tilespmem:$0x1B894];
	_ =	sdelay $0x4  }
0x1c1: {  	v9 =	vadd.f32 v13, v9;
	_ =	sdelay $0x1  }
0x1c2: {  	[tilespmem:$0x1B890] =	vst v9  }
0x1c3: {  	v13 =	vld [tilespmem:$0x1B892];
	_ =	sdelay $0x2  }
0x1c4: {  	v4 =	vmul.f32 v5, v4;
	_ =	sdelay $0x1  }
0x1c5: {  	v4 =	vadd.f32 v4, v6;
	v6 =	vmul.f32 v18, v2;
	v5 =	vadd.f32 v13, v9;
	_ =	sdelay $0x1  }
0x1c6: {  	v4 =	vadd.f32 v6, v4;
	[tilespmem:$0x1B890] =	vst v5  }
0x1c7: {  	v6 =	vld [tilespmem:$0x1B891]  }
0x1c8: {  	v9 =	vld [tilespmem:s26+$0x13050];
	[tilespmem:$0x1B890] =	vst v4  }
0x1c9: {  	v13 =	vld [tilespmem:$0x1B898];
	_ =	sdelay $0x1  }
0x1ca: {  	(v2sf) =	vpush v11, $0x0  }
0x1cb: {  	(v2sf) =	vpush v10, $0x0  }
0x1cc: {  	(v2sf) =	vpush v12, $0x0  }
0x1cd: {  	(v2sf) =	vpush v5, $0x0;
	v4 =	vadd.f32 v13, v4  }
0x1ce: {  	(v2sf) =	vpush v6, $0x0  }
0x1cf: {  	(v2sf) =	vpush v9, $0x0;
	[tilespmem:$0x1B890] =	vst v4  }
0x1d0: {  	(v2sf) =	vpush v7, $0x1;
	v5 =	vld [tilespmem:$0x1B894]  }
0x1d1: {  	(v2sf) =	vpush v16, $0x2;
	_ =	sdelay $0x3  }
0x1d2: {  	v4 =	vadd.f32 v5, v4;
	_ =	sdelay $0x1  }
0x1d3: {  	[tilespmem:$0x1B890] =	vst v4  }
0x1d4: {  	v5 =	vld [tilespmem:$0x1B892]  }
0x1d5: {  	s2 =	spop (v2sf)  }
0x1d6: {  	s3 =	spop (v2sf)  }
0x1d7: {  	s4 =	spop (v2sf)  }
0x1d8: {  	s5 =	spop (v2sf)  }
0x1d9: {  	v1 =	vadd.f32 v3, v1;
	v2 =	vmul.f32 v8, v2;
	s6 =	spop (v2sf);
	v4 =	vadd.f32 v5, v4  }
0x1da: {  	s7 =	spop (v2sf)  }
0x1db: {  	v1 =	vadd.f32 v2, v1;
	s30 =	spop (v2sf);
	[tilespmem:$0x1B890] =	vst v4  }
0x1dc: {  	s0 =	spop (v2sf);
	v2 =	vld [tilespmem:$0x1B891]  }
0x1dd: {  	v3 =	vld [tilespmem:s0+$0x11040];
	[tilespmem:$0x1B890] =	vst v1  }
0x1de: {  	v5 =	vld [tilespmem:$0x1B898];
	_ =	sdelay $0x4  }
0x1df: {  	v1 =	vadd.f32 v5, v1;
	_ =	sdelay $0x1  }
0x1e0: {  	[tilespmem:$0x1B890] =	vst v1  }
0x1e1: {  	v5 =	vld [tilespmem:$0x1B894];
	_ =	sdelay $0x4  }
0x1e2: {  	v1 =	vadd.f32 v5, v1;
	_ =	sdelay $0x1  }
0x1e3: {  	[tilespmem:$0x1B890] =	vst v1  }
0x1e4: {  	v5 =	vld [tilespmem:$0x1B892];
	_ =	sdelay $0x4  }
0x1e5: {  	v1 =	vadd.f32 v5, v1;
	_ =	sdelay $0x1  }
0x1e6: {  	[tilespmem:$0x1B890] =	vst v1  }
0x1e7: {  	v5 =	vld [tilespmem:$0x1B891]  }
0x1e8: {  	(v2sf) =	vpush v4, $0x0;
	v4 =	vld [tilespmem:s0+$0x13050]  }
0x1e9: {  	(v2sf) =	vpush v2, $0x0  }
0x1ea: {  	(v2sf) =	vpush v3, $0x0  }
0x1eb: {  	(v2sf) =	vpush v1, $0x0  }
0x1ec: {  	(v2sf) =	vpush v5, $0x0  }
0x1ed: {  	(v2sf) =	vpush v4, $0x0  }
0x1ee: {  	(v2sf) =	vpush v7, $0x2;
	_ =	sdelay $0x8  }
0x1ef: {  	s8 =	spop (v2sf)  }
0x1f0: {  	s9 =	spop (v2sf)  }
0x1f1: {  	s22 =	sld [smem:$0x7FC];
	s15 =	spop (v2sf)  }
0x1f2: {  	s16 =	spop (v2sf)  }
0x1f3: {  	s28 =	spop (v2sf)  }
0x1f4: {  	p0 =	seq.s32 s22, $0x1;
	s29 =	spop (v2sf)  }
0x1f5: {  	s22 =	simm.s32 @!p0 $0x3;
	s17 =	sadd.f32 s21, s17;
	s21 =	spop (v2sf)  }
0x1f6: {  	_ =	swait.ge @!p0 [sflag:s22], $0x800  }
0x1f7: {  	s14 =	sadd.f32 s20, s14;
	[sflag:s22] =	ssyncset.done @!p0 $0x0  }
0x1f8: {  	s17 =	sadd.f32 s1, s17;
	s20 =	simm.s32 $0x0;
	[sflag:s22] =	ssyncadd.s32 @!p0 $0xFFFFF800  }
0x1f9: {  	s18 =	sadd.f32 s18, s14;
	v3 =	vld [tilespmem:s20+$0x8840]  }
0x1fa: {  	s2 =	sadd.f32 s3, s2;
	v4 =	vld [tilespmem:s20+$0x15060]  }
0x1fb: {  	p6 =	slt.f32 s13, $0.0e+00;
	s14 =	sadd.f32 s6, s5;
	v5 =	vld [tilespmem:s20+$0x9040]  }
0x1fc: {  	p2 =	sgt.f32 s13, $0.0e+00;
	s31 =	sadd.f32 s4, s2;
	v1 =	vbroadcast v7, $0x0  }
0x1fd: {  	p1 =	sgt.f32 s17, s18;
	s14 =	sadd.f32 s7, s14;
	v6 =	vld [tilespmem:s20+$0x9840]  }
0x1fe: {  	p3 =	slt.f32 s30, $0.0e+00;
	v2 =	vbroadcast v7, $0x1;
	s28 =	sadd.f32 s28, s16;
	v9 =	vld [tilespmem:s20+$0xB840];
	v8 =	vmul.f32 v3, v1  }
0x1ff: {  	p4 =	sgt.f32 s30, $0.0e+00;
	s30 =	simm.s32 $0x10;
	s22 =	sadd.f32 s9, s8;
	v10 =	vld [tilespmem:s20+$0xE840]  }
0x200: {  	s17 =	simm.s32 @!p1 $0x0;
	s13 =	sadd.f32 s29, s28;
	v11 =	vld [tilespmem:s30+$0x8840];
	v3 =	vbroadcast v7, $0x2;
	v5 =	vmul.f32 v5, v2;
	v4 =	vadd.f32 v8, v4  }
0x201: {  	p0 =	por p2, p6;
	p2 =	sgt.f32 s31, s14;
	s22 =	sadd.f32 s15, s22;
	v7 =	vld [tilespmem:s20+$0xC040]  }
0x202: {  	p4 =	por p4, p3;
	p5 =	slt.f32 s21, $0.0e+00;
	s17 =	simm.s32 @!p0 $0x0;
	v12 =	vld [tilespmem:s30+$0x15060];
	v6 =	vmul.f32 v6, v3;
	v5 =	vadd.f32 v5, v4  }
0x203: {  	p6 =	sgt.f32 s21, $0.0e+00;
	s31 =	simm.s32 @!p2 $0x0;
	p3 =	sgt.f32 s22, s13;
	v8 =	vld [tilespmem:s20+$0xC840];
	v4 =	vmov s17  }
0x204: {  	v13 =	vld [tilespmem:s30+$0x9040];
	s31 =	simm.s32 @!p4 $0x0;
	v9 =	vmul.f32 v9, v4;
	v6 =	vadd.f32 v6, v5  }
0x205: {  	s18 =	simm.s32 @p1 $0x0;
	v15 =	vld [tilespmem:s20+$0xF040];
	p1 =	por p6, p5;
	s22 =	simm.s32 @!p3 $0x0;
	v5 =	vmov s31  }
0x206: {  	v16 =	vld [tilespmem:s30+$0x9840];
	s22 =	simm.s32 @!p1 $0x0;
	v14 =	vmul.f32 v7, v5;
	v9 =	vadd.f32 v9, v6  }
0x207: {  	v17 =	vmul.f32 v11, v1;
	v7 =	vmov s22  }
0x208: {  	s18 =	simm.s32 @!p0 $0x0;
	s14 =	simm.s32 @p2 $0x0;
	v18 =	vmul.f32 v8, v7;
	v9 =	vadd.f32 v14, v9;
	v14 =	vld [tilespmem:s20+$0xF840]  }
0x209: {  	s14 =	simm.s32 @!p4 $0x0;
	v11 =	vld [tilespmem:s30+$0xB840];
	v13 =	vmul.f32 v13, v2;
	v20 =	vadd.f32 v17, v12;
	v6 =	vmov s18  }
0x20a: {  	s13 =	simm.s32 @p3 $0x0;
	v12 =	vld [tilespmem:s30+$0xC040];
	v8 =	vmov s14;
	v19 =	vmul.f32 v10, v6;
	v18 =	vadd.f32 v18, v9  }
0x20b: {  	s13 =	simm.s32 @!p1 $0x0;
	v16 =	vmul.f32 v16, v3;
	v10 =	vld [tilespmem:s30+$0xE840];
	v17 =	vmul.f32 v15, v8  }
0x20c: {  	s1 =	simm.s32 $0xC0;
	s21 =	simm.s32 $0x20;
	v15 =	vadd.f32 v13, v20;
	v13 =	vld [tilespmem:s30+$0xC840];
	v9 =	vmov s13;
	v18 =	vadd.f32 v19, v18  }
.LBB2_9:
0x20d: {  	p0 =	sne.s32 s1, $0x1FC0;
	v19 =	vld [tilespmem:s21+$0x8840];
	v14 =	vmul.f32 v14, v9  }
0x20e: {  	v20 =	vld [tilespmem:s21+$0x15060];
	v15 =	vadd.f32 v16, v15;
	v11 =	vmul.f32 v11, v4;
	v16 =	vadd.f32 v17, v18  }
0x20f: {  	v17 =	vld [tilespmem:s21+$0x9040]  }
0x210: {  	v11 =	vadd.f32 v11, v15;
	v12 =	vmul.f32 v12, v5;
	v15 =	vld [tilespmem:s30+$0xF040];
	v16 =	vadd.f32 v14, v16  }
0x211: {  	v18 =	vld [tilespmem:s21+$0x9840]  }
.Ltmp3:
0x212: {  	v13 =	vmul.f32 v13, v7;
	v19 =	vmul.f32 v19, v1;
	v12 =	vadd.f32 v12, v11;
	v14 =	vld [tilespmem:s30+$0xF840];
	[tilespmem:s20+$0x10840] =	vst v16;
	s20 =	smov.u32 s30;
	s30 =	smov.u32 s21;
	(pc) =	sbr.rel @p0 .LBB2_9-.Ltmp3, $4  }
0x213: {  	v21 =	vmul.f32 v10, v6;
	v11 =	vld [tilespmem:s30+$0xB840]  }
0x214: {  	v16 =	vadd.f32 v19, v20;
	v19 =	vmul.f32 v17, v2;
	v10 =	vld [tilespmem:s30+$0xE840];
	v20 =	vadd.f32 v13, v12  }
0x215: {  	v12 =	vld [tilespmem:s30+$0xC040];
	v17 =	vmul.f32 v15, v8  }
0x216: {  	s21 =	sshra.s32 s1, $0x2;
	s1 =	sadd.s32 $0x40, s1;
	v15 =	vadd.f32 v19, v16;
	v16 =	vmul.f32 v18, v3;
	v13 =	vld [tilespmem:s30+$0xC840];
	v18 =	vadd.f32 v21, v20  }
0x217: {  	v19 =	vld [tilespmem:s21+$0x8840]  }
0x218: {  	v20 =	vld [tilespmem:s21+$0x15060];
	v14 =	vmul.f32 v14, v9;
	v17 =	vadd.f32 v17, v18  }
0x219: {  	v46 =	vld [tilespmem:s21+$0x9040]  }
0x21a: {  	v21 =	vld [tilespmem:s30+$0xF040];
	v14 =	vadd.f32 v14, v17  }
0x21b: {  	v47 =	vld [tilespmem:s21+$0x9840]  }
0x21c: {  	v22 =	vld [tilespmem:s30+$0xF840];
	v1 =	vmul.f32 v19, v1;
	[tilespmem:s20+$0x10840] =	vst v14  }
0x21d: {  	v14 =	vld [tilespmem:s21+$0xB840]  }
0x21e: {  	v2 =	vmul.f32 v46, v2;
	v1 =	vadd.f32 v1, v20  }
0x21f: {  	v48 =	vld [tilespmem:s21+$0xC040]  }
0x220: {  	v1 =	vadd.f32 v2, v1;
	v2 =	vmul.f32 v47, v3  }
0x221: {  	v11 =	vmul.f32 v11, v4;
	v49 =	vld [tilespmem:s21+$0xC840];
	v3 =	vadd.f32 v16, v15  }
0x222: {  	v1 =	vadd.f32 v2, v1;
	v2 =	vmul.f32 v14, v4  }
0x223: {  	v50 =	vmul.f32 v12, v5;
	v51 =	vld [tilespmem:s21+$0xE840];
	v3 =	vadd.f32 v11, v3  }
0x224: {  	v1 =	vadd.f32 v2, v1;
	v2 =	vmul.f32 v48, v5  }
0x225: {  	v52 =	vmul.f32 v13, v7;
	v53 =	vld [tilespmem:s21+$0xF040];
	v3 =	vadd.f32 v50, v3  }
0x226: {  	v1 =	vadd.f32 v2, v1;
	v2 =	vmul.f32 v49, v7  }
0x227: {  	v54 =	vmul.f32 v10, v6;
	v55 =	vld [tilespmem:s21+$0xF840];
	v3 =	vadd.f32 v52, v3  }
0x228: {  	v56 =	vmul.f32 v51, v6;
	v1 =	vadd.f32 v2, v1  }
0x229: {  	v2 =	vmul.f32 v21, v8;
	v3 =	vadd.f32 v54, v3  }
0x22a: {  	v5 =	vmul.f32 v53, v8;
	v1 =	vadd.f32 v56, v1  }
0x22b: {  	v57 =	vmul.f32 v22, v9;
	v2 =	vadd.f32 v2, v3  }
0x22c: {  	v3 =	vmul.f32 v55, v9;
	v1 =	vadd.f32 v5, v1  }
0x22d: {  	v2 =	vadd.f32 v57, v2  }
0x22e: {  	s1 =	sshll.u32 s25, $0x8;
	v1 =	vadd.f32 v3, v1  }
0x22f: {  	s2 =	rddreg [dreg:$0xe];
	s1 =	sand.u32 $0x1FFFFF00, s1;
	[tilespmem:s30+$0x10840] =	vst v2  }
0x230: {  	s3 =	simm.s32 $0x0;
	s1 =	sadd.s32 s2, s1;
	s30 =	simm.s32 $0x10840;
	[tilespmem:s21+$0x10840] =	vst v1  }
0x231: {  	[hbm4b:s1+s3] =	stream.linear.scatter [tilespmem:s30], [sflag:$0x3], $0x800, $0x38;
	[tilespmem:$0x1B8B0] =	vst v63  }
0x232: {  	v1 =	vld [tilespmem:s24+$0x15860]  }
0x233: {  	v2 =	vld [tilespmem:s24+$0x17870]  }
0x234: {  	p0 =	slt.f32 s17, $0.0e+00;
	v3 =	vld [tilespmem:s24+$0x19880]  }
0x235: {  	p1 =	sgt.f32 s17, $0.0e+00;
	p2 =	slt.f32 s18, $0.0e+00;
	s1 =	simm.f32 $1.000000000e+00  }
0x236: {  	s2 =	simm.f32 $1.000000000e+00;
	s1 =	simm.s32 @!p0 $0x0;
	p0 =	sgt.f32 s18, $0.0e+00  }
0x237: {  	s2 =	simm.s32 @!p2 $0x0;
	s1 =	simm.s32 @p1 $0x3F800000;
	v58 =	vmax.f32 v1, $1.000000000e+00  }
0x238: {  	s2 =	simm.s32 @p0 $0x3F800000;
	v59 =	vmax.f32 v2, s1;
	v1 =	vsel vm0, v58, v1  }
0x239: {  	[tilespmem:s24+$0x15860] =	vst v1;
	v1 =	vsel vm0, v59, v2;
	v2 =	vmax.f32 v3, s2  }
0x23a: {  	[tilespmem:s24+$0x17870] =	vst v1;
	v1 =	vsel vm0, v2, v3  }
0x23b: {  	[tilespmem:s24+$0x19880] =	vst v1  }
0x23c: {  	v1 =	vld [tilespmem:s26+$0x15860]  }
0x23d: {  	v2 =	vld [tilespmem:s26+$0x17870]  }
0x23e: {  	p0 =	slt.f32 s31, $0.0e+00;
	v3 =	vld [tilespmem:s26+$0x19880]  }
0x23f: {  	p2 =	slt.f32 s14, $0.0e+00;
	p1 =	sgt.f32 s31, $0.0e+00;
	s1 =	simm.f32 $1.000000000e+00  }
0x240: {  	s1 =	simm.s32 @!p0 $0x0;
	p0 =	sgt.f32 s14, $0.0e+00;
	s2 =	simm.f32 $1.000000000e+00  }
0x241: {  	s1 =	simm.s32 @p1 $0x3F800000;
	s2 =	simm.s32 @!p2 $0x0;
	v60 =	vmax.f32 v1, $1.000000000e+00  }
0x242: {  	s2 =	simm.s32 @p0 $0x3F800000;
	v61 =	vmax.f32 v2, s1;
	v1 =	vsel vm0, v60, v1  }
0x243: {  	[tilespmem:s26+$0x15860] =	vst v1;
	v1 =	vsel vm0, v61, v2;
	v2 =	vmax.f32 v3, s2  }
0x244: {  	[tilespmem:s26+$0x17870] =	vst v1;
	v1 =	vsel vm0, v2, v3  }
0x245: {  	[tilespmem:s26+$0x19880] =	vst v1  }
0x246: {  	p0 =	slt.f32 s22, $0.0e+00;
	v1 =	vld [tilespmem:s0+$0x15860]  }
0x247: {  	p2 =	slt.f32 s13, $0.0e+00;
	s1 =	simm.f32 $1.000000000e+00;
	v2 =	vld [tilespmem:s0+$0x17870]  }
0x248: {  	s1 =	simm.s32 @!p0 $0x0;
	p0 =	sgt.f32 s13, $0.0e+00;
	s2 =	simm.f32 $1.000000000e+00;
	v3 =	vld [tilespmem:s0+$0x19880]  }
0x249: {  	s23 =	sadd.s32 $0x1, s23;
	p1 =	sgt.f32 s22, $0.0e+00;
	s2 =	simm.s32 @!p2 $0x0  }
0x24a: {  	s2 =	simm.s32 @p0 $0x3F800000;
	p0 =	sne.s32 s23, $0x20  }
.Ltmp4:
0x24b: {  	s1 =	simm.s32 @p1 $0x3F800000;
	v62 =	vmax.f32 v1, $1.000000000e+00;
	(pc) =	sbr.rel @p0 .LBB2_2-.Ltmp4, $4  }
0x24c: {  	v63 =	vmax.f32 v2, s1;
	v1 =	vsel vm0, v62, v1  }
0x24d: {  	[tilespmem:s0+$0x15860] =	vst v1;
	v1 =	vsel vm0, v63, v2;
	v2 =	vmax.f32 v3, s2  }
0x24e: {  	[tilespmem:s0+$0x17870] =	vst v1;
	v1 =	vsel vm0, v2, v3  }
0x24f: {  	[tilespmem:s0+$0x19880] =	vst v1  }
0x250: {  	_ =	swait.ge [sflag:s10], $0x800  }
0x251: {  	[sflag:s10] =	ssyncset.done $0x0  }
0x252: {  	[sflag:s10] =	ssyncadd.s32 $0xFFFFF800  }
0x253: {  	_ =	swait.ge [sflag:s10], $0x800  }
0x254: {  	s4 =	simm.s32 $0x15860;
	[sflag:s10] =	ssyncset.done $0x0  }
0x255: {  	s2 =	simm.s32 $0x4;
	s0 =	rddreg [dreg:$0x14];
	[sflag:s10] =	ssyncadd.s32 $0xFFFFF800  }
0x256: {  	[hbm4b:s0+s3] =	stream.linear.scatter [tilespmem:s4], [sflag:$0x4], $0x2000, $0x38;
	[tilespmem:$0x1B8B0] =	vst v63  }
0x257: {  	_ =	swait.ge [sflag:s2], $0x2000  }
0x258: {  	[sflag:s2] =	ssyncset.done $0x0  }
0x259: {  	s1 =	simm.s32 $0x17870;
	s26 =	rddreg [dreg:$0x17];
	[sflag:s2] =	ssyncadd.s32 $0xFFFFE000  }
0x25a: {  	[hbm4b:s26+s3] =	stream.linear.scatter [tilespmem:s1], [sflag:$0x4], $0x2000, $0x38;
	[tilespmem:$0x1B8B0] =	vst v63  }
0x25b: {  	_ =	swait.ge [sflag:s2], $0x2000  }
0x25c: {  	[sflag:s2] =	ssyncset.done $0x0  }
0x25d: {  	s29 =	simm.s32 $0x19880;
	s28 =	rddreg [dreg:$0x18];
	[sflag:s2] =	ssyncadd.s32 $0xFFFFE000  }
0x25e: {  	[hbm4b:s28+s3] =	stream.linear.scatter [tilespmem:s29], [sflag:$0x4], $0x2000, $0x38;
	[tilespmem:$0x1B8B0] =	vst v63  }
0x25f: {  	_ =	swait.ge [sflag:s2], $0x2000  }
0x260: {  	s30 =	rddreg [dreg:$0x1c]  }
0x261: {  	s31 =	rddreg [dreg:$0x19];
	s1 =	sadd.s32 $0x1, s30  }
0x262: {  	p0 =	sne.s32 s1, s31  }
.Ltmp5:
0x263: {  	_ = 	snop;
	(pc) =	sbr.rel @p0 .LBB2_1-.Ltmp5, $3  }
0x264: {  	_ =	sdelay $0x1  }
0x265: {  	[sflag:s2] =	ssyncset.done $0x0  }
0x266: {  	[sflag:s2] =	ssyncadd.s32 $0xFFFFE000  }
0x267: {  	_ =	sfence.sel $0x180000  }
0x268: {  	[bflag:$0x0] =	sbarrier.arrive $0xFFFF  }
0x269: {  	_ =	strace $0x90000056  }
0x26a: {  	s0 =	stileid.u32;
	[bflag:$0x2] =	sbarrier.arrive $0xFFFF  }
0x26b: {  	p0 =	sne.s32 s0, $0x0;
	s0 =	rddreg [dreg:$0x2]  }
0x26c: {  	s0 =	sadd.s32 @!p0 $0x100000, s0  }
0x26d: {  	[sflag:s0] =	ssyncadd.tile.s32 @!p0 $0x1;
	_ =	shalt  }
.Lfunc_end2:
_tile_overlayer_lowered:
.L_overlay_start_2:
0x26e: {  	(tag) =	ssettag $0x2  }
0x26f: {  	s0 =	rddreg [dreg:$0x0];
	s2 =	stileid.u32  }
0x270: {  	s1 =	rddreg [dreg:$0x1];
	p0 =	sne.s32 s2, $0x0  }
0x271: {  	s3 =	rddreg [dreg:$0x2];
	[bflag:$0x3] =	sbarrier.arrive $0xFFFF;
	s2 =	simm.s32 @!p0 $0x1C04  }
0x272: {  	[timem:s3], [sflag:s2] =	dma.local @!p0 [hbm:s0], s1  }
0x273: {  	s0 =	simm.s32 @!p0 $0x4  }
0x274: {  	_ =	swait.ge @!p0 [sflag:s0], s1  }
0x275: {  	s1 =	ssub.s32 @!p0 $0x0, s1;
	[sflag:s0] =	ssyncset.done @!p0 $0x0  }
0x276: {  	[sflag:s0] =	ssyncadd.s32 @!p0 s1  }
0x277: {  	[bflag:$0x3] =	sbarrier.arrive $0xFFFF  }
0x278: {  	_ =	shalt  }

// kernel: sparse-core-data-format-call.1.cloned.1.call-start
scs
called_computation.1_lowered:
.L_overlay_start_0:
0x0: {  	s2 =	sld [smem:$0x3FD9]  }
0x1: {  	s3 =	sld [smem:$0x3FFE];
	_ =	sdelay $0x1  }
0x2: {  	s1 =	srdreg.scid  }
0x3: {  	s0 =	sand.u32 $0x1, s1  }
0x4: {  	s18 =	sshll.u32 s0, $0xA;
	s2 =	sadd.s32 s3, s2  }
0x5: {  	s2 =	sadd.s32 s2, s18  }
0x6: {  	[smem:$0x3FBB] =	sst s2  }
0x7: {  	_ = 	snop  }
0x8: {  	(tm) =	ssettm $0x1  }
0x9: {  	s19 =	sld [smem:$0x3FFB];
	_ =	sdelay $0x3  }
0xa: {  	_ =	strace s19  }
0xb: {  	s2 =	sld [smem:$0x3FFC];
	_ =	sdelay $0x3  }
0xc: {  	_ =	strace s2  }
0xd: {  	s2 =	sld [smem:$0x3FFD];
	_ =	sdelay $0x3  }
0xe: {  	_ =	strace s2  }
0xf: {  	_ =	strace $0x8FFFFFFF  }
0x10: {  	s20 =	sld [smem:$0x3FDB];
	_ =	sdelay $0x1  }
0x11: {  	s21 =	simm.s32 $_scs_section_size  }
0x12: {  	s4 =	simm.s32 $_size__tile_overlayer_lowered;
	s5 =	simm.s32 $_tile_overlayer_lowered  }
0x13: {  	s6 =	simm.s32 $0x1BFF;
	s22 =	sshll.u32 s5, $0x1;
	s3 =	sadd.s32 s21, s20  }
0x14: {  	s23 =	simm.s32 $0x0;
	s4 =	sshll.u32 s4, $0x1;
	s5 =	sadd.s32 s22, s3  }
0x15: {  	[timem:s23], [sflag:s6] =	dma.local [hbm:s5], s4  }
0x16: {  	_ =	swait.ge [sflag:s6], s4  }
0x17: {  	s4 =	ssub.s32 $0x0, s4;
	[sflag:s6] =	ssyncset.done $0x0  }
0x18: {  	[sflag:s6] =	ssyncadd.s32 s4;
	_ =	sdelay $0x1  }
0x19: {  	s24 =	simm.s32 $0x1B8B  }
0x1a: {  	_ =	swait.ge [sflag:s24], $0x1  }
0x1b: {  	[sflag:s24] =	ssyncset.done $0x0  }
0x1c: {  	[sflag:s24] =	ssyncadd.s32 $0xFFFFFFFF  }
0x1d: {  	s4 =	sld [smem:$0x0]  }
0x1e: {  	s5 =	sand.u32 $0xFFFFFFFE, s1  }
0x1f: {  	p0 =	sne.s32 s1, s5  }
0x20: {  	s5 =	sshll.u32 @p0 s5, $0xE  }
0x21: {  	s5 =	sadd.s32 @p0 $0x11B8D, s5;
	s6 =	sshll.u32 @p0 s4, $0x11  }
0x22: {  	s5 =	sor.u32 @p0 s6, s5  }
0x23: {  	[sflag:s5] =	ssyncadd.remote.s32 @p0 $0x1;
	_ =	sdelay $0x1  }
0x24: {  	s5 =	simm.s32 @p0 $0x1B8D  }
0x25: {  	_ =	swait.eq @p0 [sflag:s5], $0x1  }
0x26: {  	[sflag:s5] =	ssyncadd.s32 @p0 $0xFFFFFFFF  }
0x27: {  	s6 =	sshll.u32 @!p0 s1, $0xE  }
0x28: {  	s6 =	sor.u32 @!p0 $0x4000, s6;
	s5 =	simm.s32 @!p0 $0x1B8D  }
0x29: {  	s4 =	sshll.u32 @!p0 s4, $0x11;
	s6 =	sadd.s32 @!p0 $0x11B8D, s6;
	_ =	swait.eq @!p0 [sflag:s5], $0x1  }
0x2a: {  	s4 =	sor.u32 @!p0 s4, s6;
	[sflag:s5] =	ssyncadd.s32 @!p0 $0xFFFFFFFF  }
0x2b: {  	s26 =	simm.s32 $0x1B8E;
	s25 =	sld [smem:$0x3FFE];
	[sflag:s4] =	ssyncadd.remote.s32 @!p0 $0x1  }
0x2c: {  	s27 =	simm.s32 $execute0_lowered;
	[smem:$0x3FD2] =	sst s26  }
0x2d: {  	s5 =	sshll.u32 s27, $0x1;
	_ =	strace $0x80000049;
	[dreg:$0x1] =	wrdreg $0xFFFFFFFF  }
0x2e: {  	s28 =	simm.s32 $_size_execute0_lowered;
	s3 =	sadd.s32 s3, s5;
	[dreg:$0x0] =	wrdreg $0x0  }
0x2f: {  	s5 =	sshll.u32 s28, $0x1;
	[dreg:$0x2] =	wrdreg s3  }
0x30: {  	[dreg:$0x3] =	wrdreg s5  }
0x31: {  	[dreg:$0x4] =	wrdreg $0xC0  }
0x32: {  	_ =	task [dreg:s23], $0x5FFFF  }
0x33: {  	[dreg:$0x1] =	wrdreg $0xFFFFFFFF  }
0x34: {  	[dreg:$0x0] =	wrdreg $0x60  }
0x35: {  	[dreg:$0x2] =	wrdreg s25  }
0x36: {  	[dreg:$0x3] =	wrdreg $0xA  }
0x37: {  	_ =	task.clear_ibuf [dreg:s23], $0x4FFFF;
	_ =	strace $0x90000049  }
0x38: {  	s29 =	simm.s32 $0xA;
	_ =	strace $0x8000004B  }
0x39: {  	_ =	swait.ge [sflag:s29], $0x1  }
0x3a: {  	[sflag:s29] =	ssyncadd.s32 $0xFFFFFFFF  }
0x3b: {  	_ =	strace $0x9000004B  }
0x3c: {  	_ =	sfence  }
0x3d: {  	s30 =	sld [smem:$0x0];
	_ =	sdelay $0x2  }
0x3e: {  	s31 =	sshll.u32 s1, $0xD;
	s1 =	sshrl.u32 s1, $0x2  }
0x3f: {  	s4 =	sand.u32 $0x4000, s31;
	s1 =	sadd.s32 s1, s30  }
0x40: {  	s0 =	sor.u32 s4, s0;
	s1 =	sshll.u32 s1, $0x11  }
0x41: {  	s0 =	sor.u32 s1, s0  }
0x42: {  	s0 =	sadd.s32 $0x8F2B, s0  }
0x43: {  	[sflag:s0] =	ssyncadd.remote.s32 $0x1  }
0x44: {  	_ =	sfence.sel $0xFFFF  }
0x45: {  	[dreg:$0x0] =	wrdreg $0xFFFFFFFF;
	(pc) =	sbr.abs _section_cstart, $3  }
0x46: {  	[dreg:$0x1] =	wrdreg $0xFFFFFFFF  }
0x47: {  	_ =	task.clear_ibuf [dreg:s23], $0x2FFFF;
	_ =	strace $0x9FFFFFFF  }
0x48: {  	(tm) =	ssettm $0x7FFFFFFF  }
0x49: {  	_ =	shalt  }
tec
execute0_lowered:
.L_overlay_start_1:
0x0: {  	(tag) =	ssettag $0x1  }
0x1: {  	s1 =	rddreg [dreg:$0x0]  }
0x2: {  	s0 =	rddreg [dreg:$0x1]  }
0x3: {  	_ =	strace $0x8000004A;
	s4 =	srdreg.scid;
	s6 =	simm.s32 $0x2  }
.Ltmp0:
0x4: {  	p0 =	por $0x0, $0x0;
	s9 =	simm.s32 $0x0;
	(pc) =	sbr.rel .LBB1_1-.Ltmp0, $4  }
0x5: {  	s2 =	sadd.s32 $0x402E00, s1;
	s3 =	sadd.s32 $0x602E00, s1;
	s5 =	sshll.u32 s4, $0x4  }
0x6: {  	s1 =	stileid.u32;
	s4 =	simm.s32 $0x1;
	s5 =	sand.u32 $0x10, s5  }
0x7: {  	s7 =	simm.s32 $0x0;
	[sflag:s4] =	ssyncpa.u1 $0x0;
	s5 =	sor.u32 s1, s5  }
0x8: {  	[sflag:s6] =	ssyncpa.u1 $0x0;
	s6 =	simm.s32 $0x0;
	s8 =	smov.u32 s5  }
.LBB1_7:
0x9: {  	s11 =	sadd.s32 $0x20, s8  }
0xa: {  	p1 =	slt.u32 s7, $0x2;
	s7 =	sadd.s32 $0x1, s7;
	p2 =	sgt.s32 s11, $0x3FF  }
0xb: {  	s11 =	smov.u32 @p2 s5;
	p2 =	sne.s32 s7, $0x22  }
.Ltmp1:
0xc: {  	_ = 	snop;
	(pc) =	sbr.rel @!p2 .LBB1_8-.Ltmp1, $4  }
0xd: {  	s10 =	simm.s32 @!p1 $0x2  }
0xe: {  	_ =	swait.ge @!p1 [sflag:s10], $0x4000  }
0xf: {  	s9 =	smov.u32 s8;
	[sflag:s10] =	ssyncset.done @!p1 $0x0  }
0x10: {  	p0 =	por !p0, !p0;
	s8 =	smov.u32 s11;
	[sflag:s10] =	ssyncadd.s32 @!p1 $0xFFFFC000  }
.LBB1_1:
0x11: {  	p1 =	sgt.u32 s7, $0x1F  }
0x12: {  	s10 =	sxor.u32 @!p1 $0xFFFFFFFF, s7  }
0x13: {  	s11 =	sshll.u32 @!p1 s8, $0xB;
	s10 =	sshll.u32 @!p1 s10, $0xE  }
0x14: {  	s12 =	simm.s32 @!p1 $0x0;
	s11 =	sadd.s32 @!p1 s2, s11;
	s10 =	sand.u32 @!p1 $0x4000, s10  }
0x15: {  	[tilespmem:s10], [sflag:$0x1] =	stream.linear.gather @!p1 [hbm4b:s11+s12], $0x4000, $0x38;
	[tilespmem:$0x10000] =	vst v63  }
0x16: {  	p1 =	seq.s32 s7, $0x0  }
0x17: {  	p2 =	seq.s32 @!p1 s7, $0x21  }
0x18: {  	p1 =	por p1, p2  }
.Ltmp2:
0x19: {  	_ = 	snop;
	(pc) =	sbr.rel @p1 .LBB1_7-.Ltmp2, $1  }
0x1a: {  	_ =	sdelay $0x3  }
0x1b: {  	s10 =	simm.s32 $0x1;
	_ =	swait.ge [sflag:s4], $0x4000;
	s12 =	sshll.u32 s7, $0xE  }
0x1c: {  	s13 =	simm.s32 $0x0;
	s10 =	simm.s32 @!p0 $0x0;
	[sflag:s4] =	ssyncset.done $0x0  }
0x1d: {  	s12 =	sand.u32 $0x4000, s12;
	s11 =	sshll.u32 s10, $0xE;
	[sflag:s4] =	ssyncadd.s32 $0xFFFFC000  }
0x1e: {  	s12 =	sor.u32 $0x8000, s12;
	s10 =	sor.u32 $0x8040, s11;
	s11 =	sor.u32 $0x40, s11  }
.LBB1_3:
0x1f: {  	v0 =	vmov s11;
	_ =	sdelay $0x3  }
0x20: {  	s15 =	simm.s32 $0x0  }
0x21: {  	v6 =	vld.idx.msk [tilespmem:v0+s15+$0x30 ss:$0x1], $0xffff  }
0x22: {  	v7 =	vld.idx.msk [tilespmem:v0+s15+$0xFFFFFFC0 ss:$0x1], $0xffff  }
0x23: {  	v5 =	vld.idx.msk [tilespmem:v0+s15+$0xFFFFFFD0 ss:$0x1], $0xffff  }
0x24: {  	v4 =	vld.idx.msk [tilespmem:v0+s15+$0xFFFFFFE0 ss:$0x1], $0xffff  }
0x25: {  	v3 =	vld.idx.msk [tilespmem:v0+s15+$0xFFFFFFF0 ss:$0x1], $0xffff  }
0x26: {  	v1 =	vld.idx.msk [tilespmem:v0+s15+$0x0 ss:$0x1], $0xffff  }
0x27: {  	v2 =	vld.idx.msk [tilespmem:v0+s15+$0x10 ss:$0x1], $0xffff;
	[tilespmem:s10+$0x30] =	vst v6  }
0x28: {  	s14 =	simm.s32 $0x80;
	s16 =	simm.s32 $0x400;
	[tilespmem:s10+$0xFFFFFFC0] =	vst v7;
	v6 =	vld.idx.msk [tilespmem:v0+s15+$0x20 ss:$0x1], $0xffff;
	s15 =	smov.u32 s10  }
.LBB1_4:
0x29: {  	p1 =	sne.s32 s16, $0xE00;
	v7 =	vld.idx.msk [tilespmem:v0+s14+$0x30 ss:$0x1], $0xffff;
	[tilespmem:s15+$0xFFFFFFD0] =	vst v5  }
0x2a: {  	v8 =	vld.idx.msk [tilespmem:v0+s14+$0xFFFFFFC0 ss:$0x1], $0xffff;
	[tilespmem:s15+$0xFFFFFFE0] =	vst v4  }
0x2b: {  	v5 =	vld.idx.msk [tilespmem:v0+s14+$0xFFFFFFD0 ss:$0x1], $0xffff;
	[tilespmem:s15+$0xFFFFFFF0] =	vst v3  }
.Ltmp3:
0x2c: {  	v4 =	vld.idx.msk [tilespmem:v0+s14+$0xFFFFFFE0 ss:$0x1], $0xffff;
	[tilespmem:s15+$0x0] =	vst v1;
	(pc) =	sbr.rel @p1 .LBB1_4-.Ltmp3, $4  }
0x2d: {  	v3 =	vld.idx.msk [tilespmem:v0+s14+$0xFFFFFFF0 ss:$0x1], $0xffff;
	[tilespmem:s15+$0x10] =	vst v2  }
0x2e: {  	v1 =	vld.idx.msk [tilespmem:v0+s14+$0x0 ss:$0x1], $0xffff;
	[tilespmem:s15+$0x20] =	vst v6;
	s15 =	sadd.s32 $0x800, s15  }
0x2f: {  	v2 =	vld.idx.msk [tilespmem:v0+s14+$0x10 ss:$0x1], $0xffff;
	[tilespmem:s15+$0x30] =	vst v7  }
0x30: {  	[tilespmem:s15+$0xFFFFFFC0] =	vst v8;
	v6 =	vld.idx.msk [tilespmem:v0+s14+$0x20 ss:$0x1], $0xffff;
	s14 =	sshra.s32 s16, $0x2;
	s16 =	sadd.s32 $0x200, s16  }
0x31: {  	_ =	sdelay $0x2  }
0x32: {  	[tilespmem:s15+$0xFFFFFFD0] =	vst v5  }
0x33: {  	v56 =	vld.idx.msk [tilespmem:v0+s14+$0x30 ss:$0x1], $0xffff;
	[tilespmem:s15+$0xFFFFFFE0] =	vst v4  }
0x34: {  	v57 =	vld.idx.msk [tilespmem:v0+s14+$0xFFFFFFC0 ss:$0x1], $0xffff;
	[tilespmem:s15+$0xFFFFFFF0] =	vst v3  }
0x35: {  	v58 =	vld.idx.msk [tilespmem:v0+s14+$0xFFFFFFD0 ss:$0x1], $0xffff;
	[tilespmem:s15+$0x0] =	vst v1  }
0x36: {  	v59 =	vld.idx.msk [tilespmem:v0+s14+$0xFFFFFFE0 ss:$0x1], $0xffff;
	[tilespmem:s15+$0x10] =	vst v2  }
0x37: {  	v60 =	vld.idx.msk [tilespmem:v0+s14+$0xFFFFFFF0 ss:$0x1], $0xffff;
	s31 =	sadd.s32 $0x800, s15;
	[tilespmem:s15+$0x20] =	vst v6  }
0x38: {  	v61 =	vld.idx.msk [tilespmem:v0+s14+$0x0 ss:$0x1], $0xffff;
	[tilespmem:s31+$0x30] =	vst v56  }
0x39: {  	v62 =	vld.idx.msk [tilespmem:v0+s14+$0x10 ss:$0x1], $0xffff;
	s13 =	sadd.s32 $0x1, s13;
	[tilespmem:s31+$0xFFFFFFC0] =	vst v57  }
0x3a: {  	v63 =	vld.idx.msk [tilespmem:v0+s14+$0x20 ss:$0x1], $0xffff;
	p1 =	sne.s32 s13, $0x10;
	[tilespmem:s31+$0xFFFFFFD0] =	vst v58  }
.Ltmp4:
0x3b: {  	[tilespmem:s31+$0xFFFFFFE0] =	vst v59;
	(pc) =	sbr.rel @p1 .LBB1_3-.Ltmp4, $4  }
0x3c: {  	[tilespmem:s31+$0xFFFFFFF0] =	vst v60  }
0x3d: {  	[tilespmem:s31+$0x0] =	vst v61  }
0x3e: {  	[tilespmem:s31+$0x10] =	vst v62  }
0x3f: {  	s10 =	sadd.s32 $0x80, s10;
	s11 =	sadd.s32 $0x400, s11;
	[tilespmem:s31+$0x20] =	vst v63  }
.Ltmp5:
0x40: {  	(pc) =	sbr.rel .LBB1_7-.Ltmp5, $4  }
0x41: {  	_ = 	snop  }
0x42: {  	s9 =	sshll.u32 s9, $0xB  }
0x43: {  	s9 =	sadd.s32 s3, s9  }
0x44: {  	[hbm4b:s9+s6] =	stream.linear.scatter [tilespmem:s12], [sflag:$0x2], $0x4000, $0x38;
	[tilespmem:$0x10000] =	vst v63  }
.LBB1_8:
0x45: {  	_ =	sfence.sel $0x180000  }
0x46: {  	s2 =	simm.s32 $0x1;
	[bflag:$0x0] =	sbarrier.arrive $0xFFFF  }
0x47: {  	s31 =	simm.s32 $0x2;
	[sflag:s2] =	ssyncpa.u1 $0x1  }
0x48: {  	[sflag:s31] =	ssyncpa.u1 $0x1  }
0x49: {  	p0 =	sne.s32 s1, $0x0;
	_ =	strace $0x9000004A  }
0x4a: {  	s0 =	sadd.s32 @!p0 $0x100000, s0;
	[bflag:$0x2] =	sbarrier.arrive $0xFFFF  }
0x4b: {  	[sflag:s0] =	ssyncadd.tile.s32 @!p0 $0x1;
	_ =	shalt  }
.Lfunc_end1:
_tile_overlayer_lowered:
.L_overlay_start_2:
0x4c: {  	(tag) =	ssettag $0x2  }
0x4d: {  	s0 =	rddreg [dreg:$0x0];
	s2 =	stileid.u32  }
0x4e: {  	s1 =	rddreg [dreg:$0x1];
	p0 =	sne.s32 s2, $0x0  }
0x4f: {  	s3 =	rddreg [dreg:$0x2];
	[bflag:$0x3] =	sbarrier.arrive $0xFFFF;
	s2 =	simm.s32 @!p0 $0x1C01  }
0x50: {  	[timem:s3], [sflag:s2] =	dma.local @!p0 [hbm:s0], s1  }
0x51: {  	s0 =	simm.s32 @!p0 $0x1  }
0x52: {  	_ =	swait.ge @!p0 [sflag:s0], s1  }
0x53: {  	s1 =	ssub.s32 @!p0 $0x0, s1;
	[sflag:s0] =	ssyncset.done @!p0 $0x0  }
0x54: {  	[sflag:s0] =	ssyncadd.s32 @!p0 s1  }
0x55: {  	[bflag:$0x3] =	sbarrier.arrive $0xFFFF  }
0x56: {  	_ =	shalt  }

// kernel: sparse-core-data-format-call.2.cloned.1.call-start
scs
called_computation.2_lowered:
.L_overlay_start_0:
0x0: {  	s2 =	sld [smem:$0x3FD9]  }
0x1: {  	s3 =	sld [smem:$0x3FFE];
	_ =	sdelay $0x1  }
0x2: {  	s1 =	srdreg.scid  }
0x3: {  	s0 =	sand.u32 $0x1, s1  }
0x4: {  	s18 =	sshll.u32 s0, $0xA;
	s2 =	sadd.s32 s3, s2  }
0x5: {  	s2 =	sadd.s32 s2, s18  }
0x6: {  	[smem:$0x3FBB] =	sst s2  }
0x7: {  	_ = 	snop  }
0x8: {  	(tm) =	ssettm $0x1  }
0x9: {  	s19 =	sld [smem:$0x3FFB];
	_ =	sdelay $0x3  }
0xa: {  	_ =	strace s19  }
0xb: {  	s2 =	sld [smem:$0x3FFC];
	_ =	sdelay $0x3  }
0xc: {  	_ =	strace s2  }
0xd: {  	s2 =	sld [smem:$0x3FFD];
	_ =	sdelay $0x3  }
0xe: {  	_ =	strace s2  }
0xf: {  	_ =	strace $0x8FFFFFFF  }
0x10: {  	s20 =	sld [smem:$0x3FDB];
	_ =	sdelay $0x1  }
0x11: {  	s21 =	simm.s32 $_scs_section_size  }
0x12: {  	s4 =	simm.s32 $_size__tile_overlayer_lowered;
	s5 =	simm.s32 $_tile_overlayer_lowered  }
0x13: {  	s6 =	simm.s32 $0x1BFF;
	s22 =	sshll.u32 s5, $0x1;
	s3 =	sadd.s32 s21, s20  }
0x14: {  	s23 =	simm.s32 $0x0;
	s4 =	sshll.u32 s4, $0x1;
	s5 =	sadd.s32 s22, s3  }
0x15: {  	[timem:s23], [sflag:s6] =	dma.local [hbm:s5], s4  }
0x16: {  	_ =	swait.ge [sflag:s6], s4  }
0x17: {  	s4 =	ssub.s32 $0x0, s4;
	[sflag:s6] =	ssyncset.done $0x0  }
0x18: {  	[sflag:s6] =	ssyncadd.s32 s4;
	_ =	sdelay $0x1  }
0x19: {  	s24 =	simm.s32 $0x1B8B  }
0x1a: {  	_ =	swait.ge [sflag:s24], $0x1  }
0x1b: {  	[sflag:s24] =	ssyncset.done $0x0  }
0x1c: {  	[sflag:s24] =	ssyncadd.s32 $0xFFFFFFFF  }
0x1d: {  	s4 =	sld [smem:$0x0]  }
0x1e: {  	s5 =	sand.u32 $0xFFFFFFFE, s1  }
0x1f: {  	p0 =	sne.s32 s1, s5  }
0x20: {  	s5 =	sshll.u32 @p0 s5, $0xE  }
0x21: {  	s5 =	sadd.s32 @p0 $0x11B8D, s5;
	s6 =	sshll.u32 @p0 s4, $0x11  }
0x22: {  	s5 =	sor.u32 @p0 s6, s5  }
0x23: {  	[sflag:s5] =	ssyncadd.remote.s32 @p0 $0x1;
	_ =	sdelay $0x1  }
0x24: {  	s5 =	simm.s32 @p0 $0x1B8D  }
0x25: {  	_ =	swait.eq @p0 [sflag:s5], $0x1  }
0x26: {  	[sflag:s5] =	ssyncadd.s32 @p0 $0xFFFFFFFF  }
0x27: {  	s6 =	sshll.u32 @!p0 s1, $0xE  }
0x28: {  	s6 =	sor.u32 @!p0 $0x4000, s6;
	s5 =	simm.s32 @!p0 $0x1B8D  }
0x29: {  	s4 =	sshll.u32 @!p0 s4, $0x11;
	s6 =	sadd.s32 @!p0 $0x11B8D, s6;
	_ =	swait.eq @!p0 [sflag:s5], $0x1  }
0x2a: {  	s4 =	sor.u32 @!p0 s4, s6;
	[sflag:s5] =	ssyncadd.s32 @!p0 $0xFFFFFFFF  }
0x2b: {  	s26 =	simm.s32 $0x1B8E;
	s25 =	sld [smem:$0x3FFE];
	[sflag:s4] =	ssyncadd.remote.s32 @!p0 $0x1  }
0x2c: {  	s27 =	simm.s32 $execute0_lowered;
	[smem:$0x3FD2] =	sst s26  }
0x2d: {  	s5 =	sshll.u32 s27, $0x1;
	_ =	strace $0x8000004C;
	[dreg:$0x1] =	wrdreg $0xFFFFFFFF  }
0x2e: {  	s28 =	simm.s32 $_size_execute0_lowered;
	s3 =	sadd.s32 s3, s5;
	[dreg:$0x0] =	wrdreg $0x0  }
0x2f: {  	s5 =	sshll.u32 s28, $0x1;
	[dreg:$0x2] =	wrdreg s3  }
0x30: {  	[dreg:$0x3] =	wrdreg s5  }
0x31: {  	[dreg:$0x4] =	wrdreg $0xC0  }
0x32: {  	_ =	task [dreg:s23], $0x5FFFF  }
0x33: {  	[dreg:$0x1] =	wrdreg $0xFFFFFFFF  }
0x34: {  	[dreg:$0x0] =	wrdreg $0x60  }
0x35: {  	[dreg:$0x2] =	wrdreg s25  }
0x36: {  	[dreg:$0x3] =	wrdreg $0xB  }
0x37: {  	_ =	task.clear_ibuf [dreg:s23], $0x4FFFF;
	_ =	strace $0x9000004C  }
0x38: {  	s29 =	simm.s32 $0xB;
	_ =	strace $0x8000004E  }
0x39: {  	_ =	swait.ge [sflag:s29], $0x1  }
0x3a: {  	[sflag:s29] =	ssyncadd.s32 $0xFFFFFFFF  }
0x3b: {  	_ =	strace $0x9000004E  }
0x3c: {  	_ =	sfence  }
0x3d: {  	s30 =	sld [smem:$0x0];
	_ =	sdelay $0x2  }
0x3e: {  	s31 =	sshll.u32 s1, $0xD;
	s1 =	sshrl.u32 s1, $0x2  }
0x3f: {  	s4 =	sand.u32 $0x4000, s31;
	s1 =	sadd.s32 s1, s30  }
0x40: {  	s0 =	sor.u32 s4, s0;
	s1 =	sshll.u32 s1, $0x11  }
0x41: {  	s0 =	sor.u32 s1, s0  }
0x42: {  	s0 =	sadd.s32 $0x8F2B, s0  }
0x43: {  	[sflag:s0] =	ssyncadd.remote.s32 $0x1  }
0x44: {  	_ =	sfence.sel $0xFFFF  }
0x45: {  	[dreg:$0x0] =	wrdreg $0xFFFFFFFF;
	(pc) =	sbr.abs _section_cstart, $3  }
0x46: {  	[dreg:$0x1] =	wrdreg $0xFFFFFFFF  }
0x47: {  	_ =	task.clear_ibuf [dreg:s23], $0x2FFFF;
	_ =	strace $0x9FFFFFFF  }
0x48: {  	(tm) =	ssettm $0x7FFFFFFF  }
0x49: {  	_ =	shalt  }
tec
execute0_lowered:
.L_overlay_start_1:
0x0: {  	(tag) =	ssettag $0x1  }
0x1: {  	s1 =	rddreg [dreg:$0x0]  }
0x2: {  	s0 =	rddreg [dreg:$0x1]  }
0x3: {  	_ =	strace $0x8000004D;
	s4 =	srdreg.scid;
	s6 =	simm.s32 $0x2  }
.Ltmp0:
0x4: {  	p0 =	por $0x0, $0x0;
	s9 =	simm.s32 $0x0;
	(pc) =	sbr.rel .LBB1_1-.Ltmp0, $4  }
0x5: {  	s2 =	sadd.s32 $0x802E00, s1;
	s3 =	sadd.s32 $0xA02E00, s1;
	s5 =	sshll.u32 s4, $0x4  }
0x6: {  	s1 =	stileid.u32;
	s4 =	simm.s32 $0x1;
	s5 =	sand.u32 $0x10, s5  }
0x7: {  	s7 =	simm.s32 $0x0;
	[sflag:s4] =	ssyncpa.u1 $0x0;
	s5 =	sor.u32 s1, s5  }
0x8: {  	[sflag:s6] =	ssyncpa.u1 $0x0;
	s6 =	simm.s32 $0x0;
	s8 =	smov.u32 s5  }
.LBB1_7:
0x9: {  	s11 =	sadd.s32 $0x20, s8  }
0xa: {  	p1 =	slt.u32 s7, $0x2;
	s7 =	sadd.s32 $0x1, s7;
	p2 =	sgt.s32 s11, $0x3FF  }
0xb: {  	s11 =	smov.u32 @p2 s5;
	p2 =	sne.s32 s7, $0x22  }
.Ltmp1:
0xc: {  	_ = 	snop;
	(pc) =	sbr.rel @!p2 .LBB1_8-.Ltmp1, $4  }
0xd: {  	s10 =	simm.s32 @!p1 $0x2  }
0xe: {  	_ =	swait.ge @!p1 [sflag:s10], $0x4000  }
0xf: {  	s9 =	smov.u32 s8;
	[sflag:s10] =	ssyncset.done @!p1 $0x0  }
0x10: {  	p0 =	por !p0, !p0;
	s8 =	smov.u32 s11;
	[sflag:s10] =	ssyncadd.s32 @!p1 $0xFFFFC000  }
.LBB1_1:
0x11: {  	p1 =	sgt.u32 s7, $0x1F  }
0x12: {  	s10 =	sxor.u32 @!p1 $0xFFFFFFFF, s7  }
0x13: {  	s11 =	sshll.u32 @!p1 s8, $0xB;
	s10 =	sshll.u32 @!p1 s10, $0xE  }
0x14: {  	s12 =	simm.s32 @!p1 $0x0;
	s11 =	sadd.s32 @!p1 s2, s11;
	s10 =	sand.u32 @!p1 $0x4000, s10  }
0x15: {  	[tilespmem:s10], [sflag:$0x1] =	stream.linear.gather @!p1 [hbm4b:s11+s12], $0x4000, $0x38;
	[tilespmem:$0x10000] =	vst v63  }
0x16: {  	p1 =	seq.s32 s7, $0x0  }
0x17: {  	p2 =	seq.s32 @!p1 s7, $0x21  }
0x18: {  	p1 =	por p1, p2  }
.Ltmp2:
0x19: {  	_ = 	snop;
	(pc) =	sbr.rel @p1 .LBB1_7-.Ltmp2, $1  }
0x1a: {  	_ =	sdelay $0x3  }
0x1b: {  	s10 =	simm.s32 $0x1;
	_ =	swait.ge [sflag:s4], $0x4000;
	s12 =	sshll.u32 s7, $0xE  }
0x1c: {  	s13 =	simm.s32 $0x0;
	s10 =	simm.s32 @!p0 $0x0;
	[sflag:s4] =	ssyncset.done $0x0  }
0x1d: {  	s12 =	sand.u32 $0x4000, s12;
	s11 =	sshll.u32 s10, $0xE;
	[sflag:s4] =	ssyncadd.s32 $0xFFFFC000  }
0x1e: {  	s12 =	sor.u32 $0x8000, s12;
	s10 =	sor.u32 $0x8040, s11;
	s11 =	sor.u32 $0x40, s11  }
.LBB1_3:
0x1f: {  	v0 =	vmov s11;
	_ =	sdelay $0x3  }
0x20: {  	s15 =	simm.s32 $0x0  }
0x21: {  	v6 =	vld.idx.msk [tilespmem:v0+s15+$0x30 ss:$0x1], $0xffff  }
0x22: {  	v7 =	vld.idx.msk [tilespmem:v0+s15+$0xFFFFFFC0 ss:$0x1], $0xffff  }
0x23: {  	v5 =	vld.idx.msk [tilespmem:v0+s15+$0xFFFFFFD0 ss:$0x1], $0xffff  }
0x24: {  	v4 =	vld.idx.msk [tilespmem:v0+s15+$0xFFFFFFE0 ss:$0x1], $0xffff  }
0x25: {  	v3 =	vld.idx.msk [tilespmem:v0+s15+$0xFFFFFFF0 ss:$0x1], $0xffff  }
0x26: {  	v1 =	vld.idx.msk [tilespmem:v0+s15+$0x0 ss:$0x1], $0xffff  }
0x27: {  	v2 =	vld.idx.msk [tilespmem:v0+s15+$0x10 ss:$0x1], $0xffff;
	[tilespmem:s10+$0x30] =	vst v6  }
0x28: {  	s14 =	simm.s32 $0x80;
	s16 =	simm.s32 $0x400;
	[tilespmem:s10+$0xFFFFFFC0] =	vst v7;
	v6 =	vld.idx.msk [tilespmem:v0+s15+$0x20 ss:$0x1], $0xffff;
	s15 =	smov.u32 s10  }
.LBB1_4:
0x29: {  	p1 =	sne.s32 s16, $0xE00;
	v7 =	vld.idx.msk [tilespmem:v0+s14+$0x30 ss:$0x1], $0xffff;
	[tilespmem:s15+$0xFFFFFFD0] =	vst v5  }
0x2a: {  	v8 =	vld.idx.msk [tilespmem:v0+s14+$0xFFFFFFC0 ss:$0x1], $0xffff;
	[tilespmem:s15+$0xFFFFFFE0] =	vst v4  }
0x2b: {  	v5 =	vld.idx.msk [tilespmem:v0+s14+$0xFFFFFFD0 ss:$0x1], $0xffff;
	[tilespmem:s15+$0xFFFFFFF0] =	vst v3  }
.Ltmp3:
0x2c: {  	v4 =	vld.idx.msk [tilespmem:v0+s14+$0xFFFFFFE0 ss:$0x1], $0xffff;
	[tilespmem:s15+$0x0] =	vst v1;
	(pc) =	sbr.rel @p1 .LBB1_4-.Ltmp3, $4  }
0x2d: {  	v3 =	vld.idx.msk [tilespmem:v0+s14+$0xFFFFFFF0 ss:$0x1], $0xffff;
	[tilespmem:s15+$0x10] =	vst v2  }
0x2e: {  	v1 =	vld.idx.msk [tilespmem:v0+s14+$0x0 ss:$0x1], $0xffff;
	[tilespmem:s15+$0x20] =	vst v6;
	s15 =	sadd.s32 $0x800, s15  }
0x2f: {  	v2 =	vld.idx.msk [tilespmem:v0+s14+$0x10 ss:$0x1], $0xffff;
	[tilespmem:s15+$0x30] =	vst v7  }
0x30: {  	[tilespmem:s15+$0xFFFFFFC0] =	vst v8;
	v6 =	vld.idx.msk [tilespmem:v0+s14+$0x20 ss:$0x1], $0xffff;
	s14 =	sshra.s32 s16, $0x2;
	s16 =	sadd.s32 $0x200, s16  }
0x31: {  	_ =	sdelay $0x2  }
0x32: {  	[tilespmem:s15+$0xFFFFFFD0] =	vst v5  }
0x33: {  	v56 =	vld.idx.msk [tilespmem:v0+s14+$0x30 ss:$0x1], $0xffff;
	[tilespmem:s15+$0xFFFFFFE0] =	vst v4  }
0x34: {  	v57 =	vld.idx.msk [tilespmem:v0+s14+$0xFFFFFFC0 ss:$0x1], $0xffff;
	[tilespmem:s15+$0xFFFFFFF0] =	vst v3  }
0x35: {  	v58 =	vld.idx.msk [tilespmem:v0+s14+$0xFFFFFFD0 ss:$0x1], $0xffff;
	[tilespmem:s15+$0x0] =	vst v1  }
0x36: {  	v59 =	vld.idx.msk [tilespmem:v0+s14+$0xFFFFFFE0 ss:$0x1], $0xffff;
	[tilespmem:s15+$0x10] =	vst v2  }
0x37: {  	v60 =	vld.idx.msk [tilespmem:v0+s14+$0xFFFFFFF0 ss:$0x1], $0xffff;
	s31 =	sadd.s32 $0x800, s15;
	[tilespmem:s15+$0x20] =	vst v6  }
0x38: {  	v61 =	vld.idx.msk [tilespmem:v0+s14+$0x0 ss:$0x1], $0xffff;
	[tilespmem:s31+$0x30] =	vst v56  }
0x39: {  	v62 =	vld.idx.msk [tilespmem:v0+s14+$0x10 ss:$0x1], $0xffff;
	s13 =	sadd.s32 $0x1, s13;
	[tilespmem:s31+$0xFFFFFFC0] =	vst v57  }
0x3a: {  	v63 =	vld.idx.msk [tilespmem:v0+s14+$0x20 ss:$0x1], $0xffff;
	p1 =	sne.s32 s13, $0x10;
	[tilespmem:s31+$0xFFFFFFD0] =	vst v58  }
.Ltmp4:
0x3b: {  	[tilespmem:s31+$0xFFFFFFE0] =	vst v59;
	(pc) =	sbr.rel @p1 .LBB1_3-.Ltmp4, $4  }
0x3c: {  	[tilespmem:s31+$0xFFFFFFF0] =	vst v60  }
0x3d: {  	[tilespmem:s31+$0x0] =	vst v61  }
0x3e: {  	[tilespmem:s31+$0x10] =	vst v62  }
0x3f: {  	s10 =	sadd.s32 $0x80, s10;
	s11 =	sadd.s32 $0x400, s11;
	[tilespmem:s31+$0x20] =	vst v63  }
.Ltmp5:
0x40: {  	(pc) =	sbr.rel .LBB1_7-.Ltmp5, $4  }
0x41: {  	_ = 	snop  }
0x42: {  	s9 =	sshll.u32 s9, $0xB  }
0x43: {  	s9 =	sadd.s32 s3, s9  }
0x44: {  	[hbm4b:s9+s6] =	stream.linear.scatter [tilespmem:s12], [sflag:$0x2], $0x4000, $0x38;
	[tilespmem:$0x10000] =	vst v63  }
.LBB1_8:
0x45: {  	_ =	sfence.sel $0x180000  }
0x46: {  	s2 =	simm.s32 $0x1;
	[bflag:$0x0] =	sbarrier.arrive $0xFFFF  }
0x47: {  	s31 =	simm.s32 $0x2;
	[sflag:s2] =	ssyncpa.u1 $0x1  }
0x48: {  	[sflag:s31] =	ssyncpa.u1 $0x1  }
0x49: {  	p0 =	sne.s32 s1, $0x0;
	_ =	strace $0x9000004D  }
0x4a: {  	s0 =	sadd.s32 @!p0 $0x100000, s0;
	[bflag:$0x2] =	sbarrier.arrive $0xFFFF  }
0x4b: {  	[sflag:s0] =	ssyncadd.tile.s32 @!p0 $0x1;
	_ =	shalt  }
.Lfunc_end1:
_tile_overlayer_lowered:
.L_overlay_start_2:
0x4c: {  	(tag) =	ssettag $0x2  }
0x4d: {  	s0 =	rddreg [dreg:$0x0];
	s2 =	stileid.u32  }
0x4e: {  	s1 =	rddreg [dreg:$0x1];
	p0 =	sne.s32 s2, $0x0  }
0x4f: {  	s3 =	rddreg [dreg:$0x2];
	[bflag:$0x3] =	sbarrier.arrive $0xFFFF;
	s2 =	simm.s32 @!p0 $0x1C01  }
0x50: {  	[timem:s3], [sflag:s2] =	dma.local @!p0 [hbm:s0], s1  }
0x51: {  	s0 =	simm.s32 @!p0 $0x1  }
0x52: {  	_ =	swait.ge @!p0 [sflag:s0], s1  }
0x53: {  	s1 =	ssub.s32 @!p0 $0x0, s1;
	[sflag:s0] =	ssyncset.done @!p0 $0x0  }
0x54: {  	[sflag:s0] =	ssyncadd.s32 @!p0 s1  }
0x55: {  	[bflag:$0x3] =	sbarrier.arrive $0xFFFF  }
0x56: {  	_ =	shalt  }

// kernel: sparse-core-data-format-call.3.cloned.1.call-start
scs
called_computation.3_lowered:
.L_overlay_start_0:
0x0: {  	s2 =	sld [smem:$0x3FD9]  }
0x1: {  	s3 =	sld [smem:$0x3FFE];
	_ =	sdelay $0x1  }
0x2: {  	s1 =	srdreg.scid  }
0x3: {  	s0 =	sand.u32 $0x1, s1  }
0x4: {  	s18 =	sshll.u32 s0, $0xA;
	s2 =	sadd.s32 s3, s2  }
0x5: {  	s2 =	sadd.s32 s2, s18  }
0x6: {  	[smem:$0x3FBB] =	sst s2  }
0x7: {  	_ = 	snop  }
0x8: {  	s19 =	sld [smem:$0x3FC0];
	(tm) =	ssettm $0x1  }
0x9: {  	s20 =	sld [smem:$0x3FFB];
	_ =	sdelay $0x3  }
0xa: {  	_ =	strace s20  }
0xb: {  	s2 =	sld [smem:$0x3FFC];
	_ =	sdelay $0x3  }
0xc: {  	_ =	strace s2  }
0xd: {  	s2 =	sld [smem:$0x3FFD];
	_ =	sdelay $0x3  }
0xe: {  	_ =	strace s2  }
0xf: {  	_ =	strace $0x8FFFFFFF  }
0x10: {  	s21 =	sld [smem:$0x3FDB];
	_ =	sdelay $0x1  }
0x11: {  	s4 =	simm.s32 $_scs_section_size  }
0x12: {  	s5 =	simm.s32 $_size__tile_overlayer_lowered;
	s6 =	simm.s32 $_tile_overlayer_lowered  }
0x13: {  	s7 =	simm.s32 $0x1BFF;
	s22 =	sshll.u32 s6, $0x1;
	s4 =	sadd.s32 s4, s21  }
0x14: {  	s23 =	simm.s32 $0x0;
	s5 =	sshll.u32 s5, $0x1;
	s6 =	sadd.s32 s22, s4  }
0x15: {  	[timem:s23], [sflag:s7] =	dma.local [hbm:s6], s5  }
0x16: {  	_ =	swait.ge [sflag:s7], s5  }
0x17: {  	s5 =	ssub.s32 $0x0, s5;
	[sflag:s7] =	ssyncset.done $0x0  }
0x18: {  	[sflag:s7] =	ssyncadd.s32 s5;
	_ =	sdelay $0x1  }
0x19: {  	s24 =	simm.s32 $0x1B8B  }
0x1a: {  	_ =	swait.ge [sflag:s24], $0x1  }
0x1b: {  	[sflag:s24] =	ssyncset.done $0x0  }
0x1c: {  	[sflag:s24] =	ssyncadd.s32 $0xFFFFFFFF  }
0x1d: {  	s5 =	sld [smem:$0x0]  }
0x1e: {  	s6 =	sand.u32 $0xFFFFFFFE, s1  }
0x1f: {  	p0 =	sne.s32 s1, s6  }
0x20: {  	s6 =	sshll.u32 @p0 s6, $0xE  }
0x21: {  	s6 =	sadd.s32 @p0 $0x11B8D, s6;
	s7 =	sshll.u32 @p0 s5, $0x11  }
0x22: {  	s6 =	sor.u32 @p0 s7, s6  }
0x23: {  	[sflag:s6] =	ssyncadd.remote.s32 @p0 $0x1;
	_ =	sdelay $0x1  }
0x24: {  	s6 =	simm.s32 @p0 $0x1B8D  }
0x25: {  	_ =	swait.eq @p0 [sflag:s6], $0x1  }
0x26: {  	[sflag:s6] =	ssyncadd.s32 @p0 $0xFFFFFFFF  }
0x27: {  	s7 =	sshll.u32 @!p0 s1, $0xE  }
0x28: {  	s7 =	sor.u32 @!p0 $0x4000, s7;
	s6 =	simm.s32 @!p0 $0x1B8D  }
0x29: {  	s5 =	sshll.u32 @!p0 s5, $0x11;
	s7 =	sadd.s32 @!p0 $0x11B8D, s7;
	_ =	swait.eq @!p0 [sflag:s6], $0x1  }
0x2a: {  	s5 =	sor.u32 @!p0 s5, s7;
	[sflag:s6] =	ssyncadd.s32 @!p0 $0xFFFFFFFF  }
0x2b: {  	s26 =	simm.s32 $0x1B8E;
	s25 =	sld [smem:$0x3FFE];
	[sflag:s5] =	ssyncadd.remote.s32 @!p0 $0x1  }
0x2c: {  	s27 =	simm.s32 $execute0_lowered;
	[smem:$0x3FD2] =	sst s26  }
0x2d: {  	s6 =	sshll.u32 s27, $0x1;
	_ =	strace $0x80000052;
	[dreg:$0x1] =	wrdreg $0xFFFFFFFF  }
0x2e: {  	s28 =	simm.s32 $_size_execute0_lowered;
	s4 =	sadd.s32 s4, s6;
	[dreg:$0x0] =	wrdreg $0x0  }
0x2f: {  	s6 =	sshll.u32 s28, $0x1;
	[dreg:$0x2] =	wrdreg s4  }
0x30: {  	[dreg:$0x3] =	wrdreg s6  }
0x31: {  	[dreg:$0x4] =	wrdreg $0xC0  }
0x32: {  	_ =	task [dreg:s23], $0x5FFFF  }
0x33: {  	[dreg:$0x1] =	wrdreg $0xFFFFFFFF  }
0x34: {  	[dreg:$0x0] =	wrdreg $0x60  }
0x35: {  	[dreg:$0x2] =	wrdreg s19  }
0x36: {  	[dreg:$0x3] =	wrdreg s25  }
0x37: {  	[dreg:$0x4] =	wrdreg $0xC  }
0x38: {  	_ =	task.clear_ibuf [dreg:s23], $0x5FFFF;
	_ =	strace $0x90000052  }
0x39: {  	s29 =	simm.s32 $0xC;
	_ =	strace $0x80000054  }
0x3a: {  	_ =	swait.ge [sflag:s29], $0x1  }
0x3b: {  	[sflag:s29] =	ssyncadd.s32 $0xFFFFFFFF  }
0x3c: {  	_ =	strace $0x90000054  }
0x3d: {  	_ =	sfence  }
0x3e: {  	s30 =	sld [smem:$0x0];
	_ =	sdelay $0x2  }
0x3f: {  	s31 =	sshll.u32 s1, $0xD;
	s1 =	sshrl.u32 s1, $0x2  }
0x40: {  	s4 =	sand.u32 $0x4000, s31;
	s1 =	sadd.s32 s1, s30  }
0x41: {  	s0 =	sor.u32 s4, s0;
	s1 =	sshll.u32 s1, $0x11  }
0x42: {  	s0 =	sor.u32 s1, s0  }
0x43: {  	s0 =	sadd.s32 $0x8F2B, s0  }
0x44: {  	[sflag:s0] =	ssyncadd.remote.s32 $0x1  }
0x45: {  	_ =	sfence.sel $0xFFFF  }
0x46: {  	[dreg:$0x0] =	wrdreg $0xFFFFFFFF;
	(pc) =	sbr.abs _section_cstart, $3  }
0x47: {  	[dreg:$0x1] =	wrdreg $0xFFFFFFFF  }
0x48: {  	_ =	task.clear_ibuf [dreg:s23], $0x2FFFF;
	_ =	strace $0x9FFFFFFF  }
0x49: {  	(tm) =	ssettm $0x7FFFFFFF  }
tec
execute0_lowered:
.L_overlay_start_1:
0x0: {  	(tag) =	ssettag $0x1  }
0x1: {  	s2 =	rddreg [dreg:$0x0]  }
0x2: {  	s1 =	rddreg [dreg:$0x1]  }
0x3: {  	s0 =	rddreg [dreg:$0x2];
	_ =	strace $0x80000053;
	s4 =	srdreg.scid  }
.Ltmp0:
0x4: {  	s6 =	simm.s32 $0x2;
	p0 =	por $0x0, $0x0;
	(pc) =	sbr.rel .LBB1_1-.Ltmp0, $4  }
0x5: {  	s9 =	simm.s32 $0x0;
	s3 =	sadd.s32 $0xE02E00, s1;
	s5 =	sshll.u32 s4, $0x4  }
0x6: {  	s1 =	stileid.u32;
	s4 =	simm.s32 $0x1;
	s5 =	sand.u32 $0x10, s5  }
0x7: {  	s7 =	simm.s32 $0x0;
	[sflag:s4] =	ssyncpa.u1 $0x0;
	s5 =	sor.u32 s1, s5  }
0x8: {  	[sflag:s6] =	ssyncpa.u1 $0x0;
	s6 =	simm.s32 $0x0;
	s8 =	smov.u32 s5  }
.LBB1_7:
0x9: {  	s11 =	sadd.s32 $0x20, s8  }
0xa: {  	p1 =	slt.u32 s7, $0x2;
	s7 =	sadd.s32 $0x1, s7;
	p2 =	sgt.s32 s11, $0x3FF  }
0xb: {  	s11 =	smov.u32 @p2 s5;
	p2 =	sne.s32 s7, $0x22  }
.Ltmp1:
0xc: {  	_ = 	snop;
	(pc) =	sbr.rel @!p2 .LBB1_8-.Ltmp1, $4  }
0xd: {  	s10 =	simm.s32 @!p1 $0x2  }
0xe: {  	_ =	swait.ge @!p1 [sflag:s10], $0x4000  }
0xf: {  	s9 =	smov.u32 s8;
	[sflag:s10] =	ssyncset.done @!p1 $0x0  }
0x10: {  	p0 =	por !p0, !p0;
	s8 =	smov.u32 s11;
	[sflag:s10] =	ssyncadd.s32 @!p1 $0xFFFFC000  }
.LBB1_1:
0x11: {  	p1 =	sgt.u32 s7, $0x1F  }
0x12: {  	s10 =	sxor.u32 @!p1 $0xFFFFFFFF, s7  }
0x13: {  	s11 =	sshll.u32 @!p1 s8, $0xB;
	s10 =	sshll.u32 @!p1 s10, $0xE  }
0x14: {  	s12 =	simm.s32 @!p1 $0x0;
	s11 =	sadd.s32 @!p1 s2, s11;
	s10 =	sand.u32 @!p1 $0x4000, s10  }
0x15: {  	[tilespmem:s10], [sflag:$0x1] =	stream.linear.gather @!p1 [hbm4b:s11+s12], $0x4000, $0x38;
	[tilespmem:$0x10000] =	vst v63  }
0x16: {  	p1 =	seq.s32 s7, $0x0  }
0x17: {  	p2 =	seq.s32 @!p1 s7, $0x21  }
0x18: {  	p1 =	por p1, p2  }
.Ltmp2:
0x19: {  	_ = 	snop;
	(pc) =	sbr.rel @p1 .LBB1_7-.Ltmp2, $1  }
0x1a: {  	_ =	sdelay $0x3  }
0x1b: {  	s10 =	simm.s32 $0x1;
	_ =	swait.ge [sflag:s4], $0x4000;
	s12 =	sshll.u32 s7, $0xE  }
0x1c: {  	s13 =	simm.s32 $0x0;
	s10 =	simm.s32 @!p0 $0x0;
	[sflag:s4] =	ssyncset.done $0x0  }
0x1d: {  	s12 =	sand.u32 $0x4000, s12;
	s11 =	sshll.u32 s10, $0xE;
	[sflag:s4] =	ssyncadd.s32 $0xFFFFC000  }
0x1e: {  	s12 =	sor.u32 $0x8000, s12;
	s10 =	sor.u32 $0x8040, s11;
	s11 =	sor.u32 $0x40, s11  }
.LBB1_3:
0x1f: {  	v0 =	vmov s11;
	_ =	sdelay $0x3  }
0x20: {  	s15 =	simm.s32 $0x0  }
0x21: {  	v6 =	vld.idx.msk [tilespmem:v0+s15+$0x30 ss:$0x1], $0xffff  }
0x22: {  	v7 =	vld.idx.msk [tilespmem:v0+s15+$0xFFFFFFC0 ss:$0x1], $0xffff  }
0x23: {  	v5 =	vld.idx.msk [tilespmem:v0+s15+$0xFFFFFFD0 ss:$0x1], $0xffff  }
0x24: {  	v4 =	vld.idx.msk [tilespmem:v0+s15+$0xFFFFFFE0 ss:$0x1], $0xffff  }
0x25: {  	v3 =	vld.idx.msk [tilespmem:v0+s15+$0xFFFFFFF0 ss:$0x1], $0xffff  }
0x26: {  	v1 =	vld.idx.msk [tilespmem:v0+s15+$0x0 ss:$0x1], $0xffff  }
0x27: {  	v2 =	vld.idx.msk [tilespmem:v0+s15+$0x10 ss:$0x1], $0xffff;
	[tilespmem:s10+$0x30] =	vst v6  }
0x28: {  	s14 =	simm.s32 $0x80;
	s16 =	simm.s32 $0x400;
	[tilespmem:s10+$0xFFFFFFC0] =	vst v7;
	v6 =	vld.idx.msk [tilespmem:v0+s15+$0x20 ss:$0x1], $0xffff;
	s15 =	smov.u32 s10  }
.LBB1_4:
0x29: {  	p1 =	sne.s32 s16, $0xE00;
	v7 =	vld.idx.msk [tilespmem:v0+s14+$0x30 ss:$0x1], $0xffff;
	[tilespmem:s15+$0xFFFFFFD0] =	vst v5  }
0x2a: {  	v8 =	vld.idx.msk [tilespmem:v0+s14+$0xFFFFFFC0 ss:$0x1], $0xffff;
	[tilespmem:s15+$0xFFFFFFE0] =	vst v4  }
0x2b: {  	v5 =	vld.idx.msk [tilespmem:v0+s14+$0xFFFFFFD0 ss:$0x1], $0xffff;
	[tilespmem:s15+$0xFFFFFFF0] =	vst v3  }
.Ltmp3:
0x2c: {  	v4 =	vld.idx.msk [tilespmem:v0+s14+$0xFFFFFFE0 ss:$0x1], $0xffff;
	[tilespmem:s15+$0x0] =	vst v1;
	(pc) =	sbr.rel @p1 .LBB1_4-.Ltmp3, $4  }
0x2d: {  	v3 =	vld.idx.msk [tilespmem:v0+s14+$0xFFFFFFF0 ss:$0x1], $0xffff;
	[tilespmem:s15+$0x10] =	vst v2  }
0x2e: {  	v1 =	vld.idx.msk [tilespmem:v0+s14+$0x0 ss:$0x1], $0xffff;
	[tilespmem:s15+$0x20] =	vst v6;
	s15 =	sadd.s32 $0x800, s15  }
0x2f: {  	v2 =	vld.idx.msk [tilespmem:v0+s14+$0x10 ss:$0x1], $0xffff;
	[tilespmem:s15+$0x30] =	vst v7  }
0x30: {  	[tilespmem:s15+$0xFFFFFFC0] =	vst v8;
	v6 =	vld.idx.msk [tilespmem:v0+s14+$0x20 ss:$0x1], $0xffff;
	s14 =	sshra.s32 s16, $0x2;
	s16 =	sadd.s32 $0x200, s16  }
0x31: {  	_ =	sdelay $0x2  }
0x32: {  	[tilespmem:s15+$0xFFFFFFD0] =	vst v5  }
0x33: {  	v56 =	vld.idx.msk [tilespmem:v0+s14+$0x30 ss:$0x1], $0xffff;
	[tilespmem:s15+$0xFFFFFFE0] =	vst v4  }
0x34: {  	v57 =	vld.idx.msk [tilespmem:v0+s14+$0xFFFFFFC0 ss:$0x1], $0xffff;
	[tilespmem:s15+$0xFFFFFFF0] =	vst v3  }
0x35: {  	v58 =	vld.idx.msk [tilespmem:v0+s14+$0xFFFFFFD0 ss:$0x1], $0xffff;
	[tilespmem:s15+$0x0] =	vst v1  }
0x36: {  	v59 =	vld.idx.msk [tilespmem:v0+s14+$0xFFFFFFE0 ss:$0x1], $0xffff;
	[tilespmem:s15+$0x10] =	vst v2  }
0x37: {  	v60 =	vld.idx.msk [tilespmem:v0+s14+$0xFFFFFFF0 ss:$0x1], $0xffff;
	s31 =	sadd.s32 $0x800, s15;
	[tilespmem:s15+$0x20] =	vst v6  }
0x38: {  	v61 =	vld.idx.msk [tilespmem:v0+s14+$0x0 ss:$0x1], $0xffff;
	[tilespmem:s31+$0x30] =	vst v56  }
0x39: {  	v62 =	vld.idx.msk [tilespmem:v0+s14+$0x10 ss:$0x1], $0xffff;
	s13 =	sadd.s32 $0x1, s13;
	[tilespmem:s31+$0xFFFFFFC0] =	vst v57  }
0x3a: {  	v63 =	vld.idx.msk [tilespmem:v0+s14+$0x20 ss:$0x1], $0xffff;
	p1 =	sne.s32 s13, $0x10;
	[tilespmem:s31+$0xFFFFFFD0] =	vst v58  }
.Ltmp4:
0x3b: {  	[tilespmem:s31+$0xFFFFFFE0] =	vst v59;
	(pc) =	sbr.rel @p1 .LBB1_3-.Ltmp4, $4  }
0x3c: {  	[tilespmem:s31+$0xFFFFFFF0] =	vst v60  }
0x3d: {  	[tilespmem:s31+$0x0] =	vst v61  }
0x3e: {  	[tilespmem:s31+$0x10] =	vst v62  }
0x3f: {  	s10 =	sadd.s32 $0x80, s10;
	s11 =	sadd.s32 $0x400, s11;
	[tilespmem:s31+$0x20] =	vst v63  }
.Ltmp5:
0x40: {  	(pc) =	sbr.rel .LBB1_7-.Ltmp5, $4  }
0x41: {  	_ = 	snop  }
0x42: {  	s9 =	sshll.u32 s9, $0xB  }
0x43: {  	s9 =	sadd.s32 s3, s9  }
0x44: {  	[hbm4b:s9+s6] =	stream.linear.scatter [tilespmem:s12], [sflag:$0x2], $0x4000, $0x38;
	[tilespmem:$0x10000] =	vst v63  }
.LBB1_8:
0x45: {  	_ =	sfence.sel $0x180000  }
0x46: {  	s2 =	simm.s32 $0x1;
	[bflag:$0x0] =	sbarrier.arrive $0xFFFF  }
0x47: {  	s31 =	simm.s32 $0x2;
	[sflag:s2] =	ssyncpa.u1 $0x1  }
0x48: {  	[sflag:s31] =	ssyncpa.u1 $0x1  }
0x49: {  	p0 =	sne.s32 s1, $0x0;
	_ =	strace $0x90000053  }
0x4a: {  	s0 =	sadd.s32 @!p0 $0x100000, s0;
	[bflag:$0x2] =	sbarrier.arrive $0xFFFF  }
0x4b: {  	[sflag:s0] =	ssyncadd.tile.s32 @!p0 $0x1;
	_ =	shalt  }
.Lfunc_end1:
_tile_overlayer_lowered:
.L_overlay_start_2:
0x4c: {  	(tag) =	ssettag $0x2  }
0x4d: {  	s0 =	rddreg [dreg:$0x0];
	s2 =	stileid.u32  }
0x4e: {  	s1 =	rddreg [dreg:$0x1];
	p0 =	sne.s32 s2, $0x0  }
0x4f: {  	s3 =	rddreg [dreg:$0x2];
	[bflag:$0x3] =	sbarrier.arrive $0xFFFF;
	s2 =	simm.s32 @!p0 $0x1C01  }
0x50: {  	[timem:s3], [sflag:s2] =	dma.local @!p0 [hbm:s0], s1  }
0x51: {  	s0 =	simm.s32 @!p0 $0x1  }
0x52: {  	_ =	swait.ge @!p0 [sflag:s0], s1  }
0x53: {  	s1 =	ssub.s32 @!p0 $0x0, s1;
	[sflag:s0] =	ssyncset.done @!p0 $0x0  }
0x54: {  	[sflag:s0] =	ssyncadd.s32 @!p0 s1  }
0x55: {  	[bflag:$0x3] =	sbarrier.arrive $0xFFFF  }
0x56: {  	_ =	shalt  }

// kernel: sparse-core-data-format-call.4.cloned.1.call-start
scs
called_computation.4_lowered:
.L_overlay_start_0:
0x0: {  	s2 =	sld [smem:$0x3FD9]  }
0x1: {  	s3 =	sld [smem:$0x3FFE];
	_ =	sdelay $0x1  }
0x2: {  	s1 =	srdreg.scid  }
0x3: {  	s0 =	sand.u32 $0x1, s1  }
0x4: {  	s18 =	sshll.u32 s0, $0xA;
	s2 =	sadd.s32 s3, s2  }
0x5: {  	s2 =	sadd.s32 s2, s18  }
0x6: {  	[smem:$0x3FBB] =	sst s2  }
0x7: {  	_ = 	snop  }
0x8: {  	s19 =	sld [smem:$0x3FC4];
	(tm) =	ssettm $0x1  }
0x9: {  	s20 =	sld [smem:$0x3FFB];
	_ =	sdelay $0x3  }
0xa: {  	_ =	strace s20  }
0xb: {  	s2 =	sld [smem:$0x3FFC];
	_ =	sdelay $0x3  }
0xc: {  	_ =	strace s2  }
0xd: {  	s2 =	sld [smem:$0x3FFD];
	_ =	sdelay $0x3  }
0xe: {  	_ =	strace s2  }
0xf: {  	_ =	strace $0x8FFFFFFF  }
0x10: {  	s21 =	sld [smem:$0x3FDB];
	_ =	sdelay $0x1  }
0x11: {  	s4 =	simm.s32 $_scs_section_size  }
0x12: {  	s5 =	simm.s32 $_size__tile_overlayer_lowered;
	s6 =	simm.s32 $_tile_overlayer_lowered  }
0x13: {  	s7 =	simm.s32 $0x1BFF;
	s22 =	sshll.u32 s6, $0x1;
	s4 =	sadd.s32 s4, s21  }
0x14: {  	s23 =	simm.s32 $0x0;
	s5 =	sshll.u32 s5, $0x1;
	s6 =	sadd.s32 s22, s4  }
0x15: {  	[timem:s23], [sflag:s7] =	dma.local [hbm:s6], s5  }
0x16: {  	_ =	swait.ge [sflag:s7], s5  }
0x17: {  	s5 =	ssub.s32 $0x0, s5;
	[sflag:s7] =	ssyncset.done $0x0  }
0x18: {  	[sflag:s7] =	ssyncadd.s32 s5;
	_ =	sdelay $0x1  }
0x19: {  	s24 =	simm.s32 $0x1B8B  }
0x1a: {  	_ =	swait.ge [sflag:s24], $0x1  }
0x1b: {  	[sflag:s24] =	ssyncset.done $0x0  }
0x1c: {  	[sflag:s24] =	ssyncadd.s32 $0xFFFFFFFF  }
0x1d: {  	s5 =	sld [smem:$0x0]  }
0x1e: {  	s6 =	sand.u32 $0xFFFFFFFE, s1  }
0x1f: {  	p0 =	sne.s32 s1, s6  }
0x20: {  	s6 =	sshll.u32 @p0 s6, $0xE  }
0x21: {  	s6 =	sadd.s32 @p0 $0x11B8D, s6;
	s7 =	sshll.u32 @p0 s5, $0x11  }
0x22: {  	s6 =	sor.u32 @p0 s7, s6  }
0x23: {  	[sflag:s6] =	ssyncadd.remote.s32 @p0 $0x1;
	_ =	sdelay $0x1  }
0x24: {  	s6 =	simm.s32 @p0 $0x1B8D  }
0x25: {  	_ =	swait.eq @p0 [sflag:s6], $0x1  }
0x26: {  	[sflag:s6] =	ssyncadd.s32 @p0 $0xFFFFFFFF  }
0x27: {  	s7 =	sshll.u32 @!p0 s1, $0xE  }
0x28: {  	s7 =	sor.u32 @!p0 $0x4000, s7;
	s6 =	simm.s32 @!p0 $0x1B8D  }
0x29: {  	s5 =	sshll.u32 @!p0 s5, $0x11;
	s7 =	sadd.s32 @!p0 $0x11B8D, s7;
	_ =	swait.eq @!p0 [sflag:s6], $0x1  }
0x2a: {  	s5 =	sor.u32 @!p0 s5, s7;
	[sflag:s6] =	ssyncadd.s32 @!p0 $0xFFFFFFFF  }
0x2b: {  	s26 =	simm.s32 $0x1B8E;
	s25 =	sld [smem:$0x3FFE];
	[sflag:s5] =	ssyncadd.remote.s32 @!p0 $0x1  }
0x2c: {  	s27 =	simm.s32 $execute0_lowered;
	[smem:$0x3FD2] =	sst s26  }
0x2d: {  	s6 =	sshll.u32 s27, $0x1;
	_ =	strace $0x8000004F;
	[dreg:$0x1] =	wrdreg $0xFFFFFFFF  }
0x2e: {  	s28 =	simm.s32 $_size_execute0_lowered;
	s4 =	sadd.s32 s4, s6;
	[dreg:$0x0] =	wrdreg $0x0  }
0x2f: {  	s6 =	sshll.u32 s28, $0x1;
	[dreg:$0x2] =	wrdreg s4  }
0x30: {  	[dreg:$0x3] =	wrdreg s6  }
0x31: {  	[dreg:$0x4] =	wrdreg $0xC0  }
0x32: {  	_ =	task [dreg:s23], $0x5FFFF  }
0x33: {  	[dreg:$0x1] =	wrdreg $0xFFFFFFFF  }
0x34: {  	[dreg:$0x0] =	wrdreg $0x60  }
0x35: {  	[dreg:$0x2] =	wrdreg s19  }
0x36: {  	[dreg:$0x3] =	wrdreg s25  }
0x37: {  	[dreg:$0x4] =	wrdreg $0xD  }
0x38: {  	_ =	task.clear_ibuf [dreg:s23], $0x5FFFF;
	_ =	strace $0x9000004F  }
0x39: {  	s29 =	simm.s32 $0xD;
	_ =	strace $0x80000051  }
0x3a: {  	_ =	swait.ge [sflag:s29], $0x1  }
0x3b: {  	[sflag:s29] =	ssyncadd.s32 $0xFFFFFFFF  }
0x3c: {  	_ =	strace $0x90000051  }
0x3d: {  	_ =	sfence  }
0x3e: {  	s30 =	sld [smem:$0x0];
	_ =	sdelay $0x2  }
0x3f: {  	s31 =	sshll.u32 s1, $0xD;
	s1 =	sshrl.u32 s1, $0x2  }
0x40: {  	s4 =	sand.u32 $0x4000, s31;
	s1 =	sadd.s32 s1, s30  }
0x41: {  	s0 =	sor.u32 s4, s0;
	s1 =	sshll.u32 s1, $0x11  }
0x42: {  	s0 =	sor.u32 s1, s0  }
0x43: {  	s0 =	sadd.s32 $0x8F2B, s0  }
0x44: {  	[sflag:s0] =	ssyncadd.remote.s32 $0x1  }
0x45: {  	_ =	sfence.sel $0xFFFF  }
0x46: {  	[dreg:$0x0] =	wrdreg $0xFFFFFFFF;
	(pc) =	sbr.abs _section_cstart, $3  }
0x47: {  	[dreg:$0x1] =	wrdreg $0xFFFFFFFF  }
0x48: {  	_ =	task.clear_ibuf [dreg:s23], $0x2FFFF;
	_ =	strace $0x9FFFFFFF  }
0x49: {  	(tm) =	ssettm $0x7FFFFFFF  }
tec
execute0_lowered:
.L_overlay_start_1:
0x0: {  	(tag) =	ssettag $0x1  }
0x1: {  	s2 =	rddreg [dreg:$0x0]  }
0x2: {  	s1 =	rddreg [dreg:$0x1]  }
0x3: {  	s0 =	rddreg [dreg:$0x2];
	_ =	strace $0x80000050;
	s4 =	srdreg.scid  }
.Ltmp0:
0x4: {  	s6 =	simm.s32 $0x2;
	p0 =	por $0x0, $0x0;
	(pc) =	sbr.rel .LBB1_1-.Ltmp0, $4  }
0x5: {  	s9 =	simm.s32 $0x0;
	s3 =	sadd.s32 $0xC02E00, s1;
	s5 =	sshll.u32 s4, $0x4  }
0x6: {  	s1 =	stileid.u32;
	s4 =	simm.s32 $0x1;
	s5 =	sand.u32 $0x10, s5  }
0x7: {  	s7 =	simm.s32 $0x0;
	[sflag:s4] =	ssyncpa.u1 $0x0;
	s5 =	sor.u32 s1, s5  }
0x8: {  	[sflag:s6] =	ssyncpa.u1 $0x0;
	s6 =	simm.s32 $0x0;
	s8 =	smov.u32 s5  }
.LBB1_7:
0x9: {  	s11 =	sadd.s32 $0x20, s8  }
0xa: {  	p1 =	slt.u32 s7, $0x2;
	s7 =	sadd.s32 $0x1, s7;
	p2 =	sgt.s32 s11, $0x3FF  }
0xb: {  	s11 =	smov.u32 @p2 s5;
	p2 =	sne.s32 s7, $0x22  }
.Ltmp1:
0xc: {  	_ = 	snop;
	(pc) =	sbr.rel @!p2 .LBB1_8-.Ltmp1, $4  }
0xd: {  	s10 =	simm.s32 @!p1 $0x2  }
0xe: {  	_ =	swait.ge @!p1 [sflag:s10], $0x4000  }
0xf: {  	s9 =	smov.u32 s8;
	[sflag:s10] =	ssyncset.done @!p1 $0x0  }
0x10: {  	p0 =	por !p0, !p0;
	s8 =	smov.u32 s11;
	[sflag:s10] =	ssyncadd.s32 @!p1 $0xFFFFC000  }
.LBB1_1:
0x11: {  	p1 =	sgt.u32 s7, $0x1F  }
0x12: {  	s10 =	sxor.u32 @!p1 $0xFFFFFFFF, s7  }
0x13: {  	s11 =	sshll.u32 @!p1 s8, $0xB;
	s10 =	sshll.u32 @!p1 s10, $0xE  }
0x14: {  	s12 =	simm.s32 @!p1 $0x0;
	s11 =	sadd.s32 @!p1 s2, s11;
	s10 =	sand.u32 @!p1 $0x4000, s10  }
0x15: {  	[tilespmem:s10], [sflag:$0x1] =	stream.linear.gather @!p1 [hbm4b:s11+s12], $0x4000, $0x38;
	[tilespmem:$0x10000] =	vst v63  }
0x16: {  	p1 =	seq.s32 s7, $0x0  }
0x17: {  	p2 =	seq.s32 @!p1 s7, $0x21  }
0x18: {  	p1 =	por p1, p2  }
.Ltmp2:
0x19: {  	_ = 	snop;
	(pc) =	sbr.rel @p1 .LBB1_7-.Ltmp2, $1  }
0x1a: {  	_ =	sdelay $0x3  }
0x1b: {  	s10 =	simm.s32 $0x1;
	_ =	swait.ge [sflag:s4], $0x4000;
	s12 =	sshll.u32 s7, $0xE  }
0x1c: {  	s13 =	simm.s32 $0x0;
	s10 =	simm.s32 @!p0 $0x0;
	[sflag:s4] =	ssyncset.done $0x0  }
0x1d: {  	s12 =	sand.u32 $0x4000, s12;
	s11 =	sshll.u32 s10, $0xE;
	[sflag:s4] =	ssyncadd.s32 $0xFFFFC000  }
0x1e: {  	s12 =	sor.u32 $0x8000, s12;
	s10 =	sor.u32 $0x8040, s11;
	s11 =	sor.u32 $0x40, s11  }
.LBB1_3:
0x1f: {  	v0 =	vmov s11;
	_ =	sdelay $0x3  }
0x20: {  	s15 =	simm.s32 $0x0  }
0x21: {  	v6 =	vld.idx.msk [tilespmem:v0+s15+$0x30 ss:$0x1], $0xffff  }
0x22: {  	v7 =	vld.idx.msk [tilespmem:v0+s15+$0xFFFFFFC0 ss:$0x1], $0xffff  }
0x23: {  	v5 =	vld.idx.msk [tilespmem:v0+s15+$0xFFFFFFD0 ss:$0x1], $0xffff  }
0x24: {  	v4 =	vld.idx.msk [tilespmem:v0+s15+$0xFFFFFFE0 ss:$0x1], $0xffff  }
0x25: {  	v3 =	vld.idx.msk [tilespmem:v0+s15+$0xFFFFFFF0 ss:$0x1], $0xffff  }
0x26: {  	v1 =	vld.idx.msk [tilespmem:v0+s15+$0x0 ss:$0x1], $0xffff  }
0x27: {  	v2 =	vld.idx.msk [tilespmem:v0+s15+$0x10 ss:$0x1], $0xffff;
	[tilespmem:s10+$0x30] =	vst v6  }
0x28: {  	s14 =	simm.s32 $0x80;
	s16 =	simm.s32 $0x400;
	[tilespmem:s10+$0xFFFFFFC0] =	vst v7;
	v6 =	vld.idx.msk [tilespmem:v0+s15+$0x20 ss:$0x1], $0xffff;
	s15 =	smov.u32 s10  }
.LBB1_4:
0x29: {  	p1 =	sne.s32 s16, $0xE00;
	v7 =	vld.idx.msk [tilespmem:v0+s14+$0x30 ss:$0x1], $0xffff;
	[tilespmem:s15+$0xFFFFFFD0] =	vst v5  }
0x2a: {  	v8 =	vld.idx.msk [tilespmem:v0+s14+$0xFFFFFFC0 ss:$0x1], $0xffff;
	[tilespmem:s15+$0xFFFFFFE0] =	vst v4  }
0x2b: {  	v5 =	vld.idx.msk [tilespmem:v0+s14+$0xFFFFFFD0 ss:$0x1], $0xffff;
	[tilespmem:s15+$0xFFFFFFF0] =	vst v3  }
.Ltmp3:
0x2c: {  	v4 =	vld.idx.msk [tilespmem:v0+s14+$0xFFFFFFE0 ss:$0x1], $0xffff;
	[tilespmem:s15+$0x0] =	vst v1;
	(pc) =	sbr.rel @p1 .LBB1_4-.Ltmp3, $4  }
0x2d: {  	v3 =	vld.idx.msk [tilespmem:v0+s14+$0xFFFFFFF0 ss:$0x1], $0xffff;
	[tilespmem:s15+$0x10] =	vst v2  }
0x2e: {  	v1 =	vld.idx.msk [tilespmem:v0+s14+$0x0 ss:$0x1], $0xffff;
	[tilespmem:s15+$0x20] =	vst v6;
	s15 =	sadd.s32 $0x800, s15  }
0x2f: {  	v2 =	vld.idx.msk [tilespmem:v0+s14+$0x10 ss:$0x1], $0xffff;
	[tilespmem:s15+$0x30] =	vst v7  }
0x30: {  	[tilespmem:s15+$0xFFFFFFC0] =	vst v8;
	v6 =	vld.idx.msk [tilespmem:v0+s14+$0x20 ss:$0x1], $0xffff;
	s14 =	sshra.s32 s16, $0x2;
	s16 =	sadd.s32 $0x200, s16  }
0x31: {  	_ =	sdelay $0x2  }
0x32: {  	[tilespmem:s15+$0xFFFFFFD0] =	vst v5  }
0x33: {  	v56 =	vld.idx.msk [tilespmem:v0+s14+$0x30 ss:$0x1], $0xffff;
	[tilespmem:s15+$0xFFFFFFE0] =	vst v4  }
0x34: {  	v57 =	vld.idx.msk [tilespmem:v0+s14+$0xFFFFFFC0 ss:$0x1], $0xffff;
	[tilespmem:s15+$0xFFFFFFF0] =	vst v3  }
0x35: {  	v58 =	vld.idx.msk [tilespmem:v0+s14+$0xFFFFFFD0 ss:$0x1], $0xffff;
	[tilespmem:s15+$0x0] =	vst v1  }
0x36: {  	v59 =	vld.idx.msk [tilespmem:v0+s14+$0xFFFFFFE0 ss:$0x1], $0xffff;
	[tilespmem:s15+$0x10] =	vst v2  }
0x37: {  	v60 =	vld.idx.msk [tilespmem:v0+s14+$0xFFFFFFF0 ss:$0x1], $0xffff;
	s31 =	sadd.s32 $0x800, s15;
	[tilespmem:s15+$0x20] =	vst v6  }
0x38: {  	v61 =	vld.idx.msk [tilespmem:v0+s14+$0x0 ss:$0x1], $0xffff;
	[tilespmem:s31+$0x30] =	vst v56  }
0x39: {  	v62 =	vld.idx.msk [tilespmem:v0+s14+$0x10 ss:$0x1], $0xffff;
	s13 =	sadd.s32 $0x1, s13;
	[tilespmem:s31+$0xFFFFFFC0] =	vst v57  }
0x3a: {  	v63 =	vld.idx.msk [tilespmem:v0+s14+$0x20 ss:$0x1], $0xffff;
	p1 =	sne.s32 s13, $0x10;
	[tilespmem:s31+$0xFFFFFFD0] =	vst v58  }
.Ltmp4:
0x3b: {  	[tilespmem:s31+$0xFFFFFFE0] =	vst v59;
	(pc) =	sbr.rel @p1 .LBB1_3-.Ltmp4, $4  }
0x3c: {  	[tilespmem:s31+$0xFFFFFFF0] =	vst v60  }
0x3d: {  	[tilespmem:s31+$0x0] =	vst v61  }
0x3e: {  	[tilespmem:s31+$0x10] =	vst v62  }
0x3f: {  	s10 =	sadd.s32 $0x80, s10;
	s11 =	sadd.s32 $0x400, s11;
	[tilespmem:s31+$0x20] =	vst v63  }
.Ltmp5:
0x40: {  	(pc) =	sbr.rel .LBB1_7-.Ltmp5, $4  }
0x41: {  	_ = 	snop  }
0x42: {  	s9 =	sshll.u32 s9, $0xB  }
0x43: {  	s9 =	sadd.s32 s3, s9  }
0x44: {  	[hbm4b:s9+s6] =	stream.linear.scatter [tilespmem:s12], [sflag:$0x2], $0x4000, $0x38;
	[tilespmem:$0x10000] =	vst v63  }
.LBB1_8:
0x45: {  	_ =	sfence.sel $0x180000  }
0x46: {  	s2 =	simm.s32 $0x1;
	[bflag:$0x0] =	sbarrier.arrive $0xFFFF  }
0x47: {  	s31 =	simm.s32 $0x2;
	[sflag:s2] =	ssyncpa.u1 $0x1  }
0x48: {  	[sflag:s31] =	ssyncpa.u1 $0x1  }
0x49: {  	p0 =	sne.s32 s1, $0x0;
	_ =	strace $0x90000050  }
0x4a: {  	s0 =	sadd.s32 @!p0 $0x100000, s0;
	[bflag:$0x2] =	sbarrier.arrive $0xFFFF  }
0x4b: {  	[sflag:s0] =	ssyncadd.tile.s32 @!p0 $0x1;
	_ =	shalt  }
.Lfunc_end1:
_tile_overlayer_lowered:
.L_overlay_start_2:
0x4c: {  	(tag) =	ssettag $0x2  }
0x4d: {  	s0 =	rddreg [dreg:$0x0];
	s2 =	stileid.u32  }
0x4e: {  	s1 =	rddreg [dreg:$0x1];
	p0 =	sne.s32 s2, $0x0  }
0x4f: {  	s3 =	rddreg [dreg:$0x2];
	[bflag:$0x3] =	sbarrier.arrive $0xFFFF;
	s2 =	simm.s32 @!p0 $0x1C01  }
0x50: {  	[timem:s3], [sflag:s2] =	dma.local @!p0 [hbm:s0], s1  }
0x51: {  	s0 =	simm.s32 @!p0 $0x1  }
0x52: {  	_ =	swait.ge @!p0 [sflag:s0], s1  }
0x53: {  	s1 =	ssub.s32 @!p0 $0x0, s1;
	[sflag:s0] =	ssyncset.done @!p0 $0x0  }
0x54: {  	[sflag:s0] =	ssyncadd.s32 @!p0 s1  }
0x55: {  	[bflag:$0x3] =	sbarrier.arrive $0xFFFF  }
0x56: {  	_ =	shalt  }

// kernel: sparse-core-data-format-call.cloned.1.call-start
scs
called_computation_lowered:
.L_overlay_start_0:
0x0: {  	s1 =	sld [smem:$0x3FD9]  }
0x1: {  	s2 =	sld [smem:$0x3FFE];
	_ =	sdelay $0x1  }
0x2: {  	s3 =	srdreg.scid  }
0x3: {  	s0 =	sand.u32 $0x1, s3  }
0x4: {  	s17 =	sshll.u32 s0, $0xA;
	s1 =	sadd.s32 s2, s1  }
0x5: {  	s1 =	sadd.s32 s1, s17  }
0x6: {  	[smem:$0x3FBB] =	sst s1  }
0x7: {  	_ = 	snop  }
0x8: {  	(tm) =	ssettm $0x1  }
0x9: {  	s18 =	sld [smem:$0x3FFB];
	_ =	sdelay $0x3  }
0xa: {  	_ =	strace s18  }
0xb: {  	s1 =	sld [smem:$0x3FFC];
	_ =	sdelay $0x3  }
0xc: {  	_ =	strace s1  }
0xd: {  	s1 =	sld [smem:$0x3FFD];
	_ =	sdelay $0x3  }
0xe: {  	_ =	strace s1  }
0xf: {  	_ =	strace $0x8FFFFFFF  }
0x10: {  	s19 =	sld [smem:$0x3FDB];
	_ =	sdelay $0x1  }
0x11: {  	s20 =	simm.s32 $_scs_section_size  }
0x12: {  	s4 =	simm.s32 $_size__tile_overlayer_lowered;
	s5 =	simm.s32 $_tile_overlayer_lowered  }
0x13: {  	s23 =	simm.s32 $0x1BFF;
	s22 =	sshll.u32 s5, $0x1;
	s1 =	sadd.s32 s20, s19  }
0x14: {  	s6 =	simm.s32 $0x0;
	s21 =	sshll.u32 s4, $0x1;
	s4 =	sadd.s32 s22, s1  }
0x15: {  	[timem:s6], [sflag:s23] =	dma.local [hbm:s4], s21  }
0x16: {  	_ =	swait.ge [sflag:s23], s21  }
0x17: {  	s2 =	ssub.s32 $0x0, s21;
	[sflag:s23] =	ssyncset.done $0x0  }
0x18: {  	[sflag:s23] =	ssyncadd.s32 s2;
	_ =	sdelay $0x1  }
0x19: {  	s24 =	simm.s32 $0x1B8B  }
0x1a: {  	_ =	swait.ge [sflag:s24], $0x1  }
0x1b: {  	[sflag:s24] =	ssyncset.done $0x0  }
0x1c: {  	s26 =	simm.s32 $0x1B8E;
	s25 =	sld [smem:$0x3FFE];
	[sflag:s24] =	ssyncadd.s32 $0xFFFFFFFF  }
0x1d: {  	s27 =	simm.s32 $execute0_lowered;
	[smem:$0x3FD2] =	sst s26  }
0x1e: {  	s4 =	sshll.u32 s27, $0x1;
	_ =	strace $0x80000046;
	[dreg:$0x1] =	wrdreg $0xFFFFFFFF  }
0x1f: {  	s28 =	simm.s32 $_size_execute0_lowered;
	s1 =	sadd.s32 s1, s4;
	[dreg:$0x0] =	wrdreg $0x0  }
0x20: {  	s4 =	sshll.u32 s28, $0x1;
	[dreg:$0x2] =	wrdreg s1  }
0x21: {  	[dreg:$0x3] =	wrdreg s4  }
0x22: {  	[dreg:$0x4] =	wrdreg $0xC0  }
0x23: {  	_ =	task [dreg:s6], $0x5FFFF  }
0x24: {  	[dreg:$0x1] =	wrdreg $0xFFFFFFFF  }
0x25: {  	[dreg:$0x0] =	wrdreg $0x60  }
0x26: {  	[dreg:$0x2] =	wrdreg s25  }
0x27: {  	[dreg:$0x3] =	wrdreg $0x9  }
0x28: {  	_ =	task.clear_ibuf [dreg:s6], $0x4FFFF;
	_ =	strace $0x90000046  }
0x29: {  	s29 =	simm.s32 $0x9;
	_ =	strace $0x80000048  }
0x2a: {  	_ =	swait.ge [sflag:s29], $0x1  }
0x2b: {  	[sflag:s29] =	ssyncadd.s32 $0xFFFFFFFF  }
0x2c: {  	_ =	strace $0x90000048  }
0x2d: {  	_ =	sfence  }
0x2e: {  	s30 =	sld [smem:$0x0];
	_ =	sdelay $0x2  }
0x2f: {  	s31 =	sshll.u32 s3, $0xD;
	s3 =	sshrl.u32 s3, $0x2  }
0x30: {  	s2 =	sand.u32 $0x4000, s31;
	s1 =	sadd.s32 s3, s30  }
0x31: {  	s0 =	sor.u32 s2, s0;
	s1 =	sshll.u32 s1, $0x11  }
0x32: {  	s0 =	sor.u32 s1, s0  }
0x33: {  	s0 =	sadd.s32 $0x8F2B, s0  }
0x34: {  	[sflag:s0] =	ssyncadd.remote.s32 $0x1  }
0x35: {  	_ =	sfence.sel $0xFFFF  }
0x36: {  	[dreg:$0x0] =	wrdreg $0xFFFFFFFF;
	(pc) =	sbr.abs _section_cstart, $3  }
0x37: {  	[dreg:$0x1] =	wrdreg $0xFFFFFFFF  }
0x38: {  	_ =	task.clear_ibuf [dreg:s6], $0x2FFFF;
	_ =	strace $0x9FFFFFFF  }
0x39: {  	(tm) =	ssettm $0x7FFFFFFF  }
tec
execute0_lowered:
.L_overlay_start_1:
0x0: {  	(tag) =	ssettag $0x1  }
0x1: {  	s1 =	rddreg [dreg:$0x0]  }
0x2: {  	s0 =	rddreg [dreg:$0x1]  }
0x3: {  	_ =	strace $0x80000047;
	s4 =	srdreg.scid;
	s6 =	simm.s32 $0x2  }
.Ltmp0:
0x4: {  	p0 =	por $0x0, $0x0;
	s9 =	simm.s32 $0x0;
	(pc) =	sbr.rel .LBB1_1-.Ltmp0, $4  }
0x5: {  	s2 =	sadd.s32 $0x2E00, s1;
	s3 =	sadd.s32 $0x202E00, s1;
	s5 =	sshll.u32 s4, $0x4  }
0x6: {  	s1 =	stileid.u32;
	s4 =	simm.s32 $0x1;
	s5 =	sand.u32 $0x10, s5  }
0x7: {  	s7 =	simm.s32 $0x0;
	[sflag:s4] =	ssyncpa.u1 $0x0;
	s5 =	sor.u32 s1, s5  }
0x8: {  	[sflag:s6] =	ssyncpa.u1 $0x0;
	s6 =	simm.s32 $0x0;
	s8 =	smov.u32 s5  }
.LBB1_7:
0x9: {  	s11 =	sadd.s32 $0x20, s8  }
0xa: {  	p1 =	slt.u32 s7, $0x2;
	s7 =	sadd.s32 $0x1, s7;
	p2 =	sgt.s32 s11, $0x3FF  }
0xb: {  	s11 =	smov.u32 @p2 s5;
	p2 =	sne.s32 s7, $0x22  }
.Ltmp1:
0xc: {  	_ = 	snop;
	(pc) =	sbr.rel @!p2 .LBB1_8-.Ltmp1, $4  }
0xd: {  	s10 =	simm.s32 @!p1 $0x2  }
0xe: {  	_ =	swait.ge @!p1 [sflag:s10], $0x4000  }
0xf: {  	s9 =	smov.u32 s8;
	[sflag:s10] =	ssyncset.done @!p1 $0x0  }
0x10: {  	p0 =	por !p0, !p0;
	s8 =	smov.u32 s11;
	[sflag:s10] =	ssyncadd.s32 @!p1 $0xFFFFC000  }
.LBB1_1:
0x11: {  	p1 =	sgt.u32 s7, $0x1F  }
0x12: {  	s10 =	sxor.u32 @!p1 $0xFFFFFFFF, s7  }
0x13: {  	s11 =	sshll.u32 @!p1 s8, $0xB;
	s10 =	sshll.u32 @!p1 s10, $0xE  }
0x14: {  	s12 =	simm.s32 @!p1 $0x0;
	s11 =	sadd.s32 @!p1 s2, s11;
	s10 =	sand.u32 @!p1 $0x4000, s10  }
0x15: {  	[tilespmem:s10], [sflag:$0x1] =	stream.linear.gather @!p1 [hbm4b:s11+s12], $0x4000, $0x38;
	[tilespmem:$0x10000] =	vst v63  }
0x16: {  	p1 =	seq.s32 s7, $0x0  }
0x17: {  	p2 =	seq.s32 @!p1 s7, $0x21  }
0x18: {  	p1 =	por p1, p2  }
.Ltmp2:
0x19: {  	_ = 	snop;
	(pc) =	sbr.rel @p1 .LBB1_7-.Ltmp2, $1  }
0x1a: {  	_ =	sdelay $0x3  }
0x1b: {  	s10 =	simm.s32 $0x1;
	_ =	swait.ge [sflag:s4], $0x4000;
	s12 =	sshll.u32 s7, $0xE  }
0x1c: {  	s13 =	simm.s32 $0x0;
	s10 =	simm.s32 @!p0 $0x0;
	[sflag:s4] =	ssyncset.done $0x0  }
0x1d: {  	s12 =	sand.u32 $0x4000, s12;
	s11 =	sshll.u32 s10, $0xE;
	[sflag:s4] =	ssyncadd.s32 $0xFFFFC000  }
0x1e: {  	s12 =	sor.u32 $0x8000, s12;
	s10 =	sor.u32 $0x8040, s11;
	s11 =	sor.u32 $0x40, s11  }
.LBB1_3:
0x1f: {  	v0 =	vmov s11;
	_ =	sdelay $0x3  }
0x20: {  	s15 =	simm.s32 $0x0  }
0x21: {  	v6 =	vld.idx.msk [tilespmem:v0+s15+$0x30 ss:$0x1], $0xffff  }
0x22: {  	v7 =	vld.idx.msk [tilespmem:v0+s15+$0xFFFFFFC0 ss:$0x1], $0xffff  }
0x23: {  	v5 =	vld.idx.msk [tilespmem:v0+s15+$0xFFFFFFD0 ss:$0x1], $0xffff  }
0x24: {  	v4 =	vld.idx.msk [tilespmem:v0+s15+$0xFFFFFFE0 ss:$0x1], $0xffff  }
0x25: {  	v3 =	vld.idx.msk [tilespmem:v0+s15+$0xFFFFFFF0 ss:$0x1], $0xffff  }
0x26: {  	v1 =	vld.idx.msk [tilespmem:v0+s15+$0x0 ss:$0x1], $0xffff  }
0x27: {  	v2 =	vld.idx.msk [tilespmem:v0+s15+$0x10 ss:$0x1], $0xffff;
	[tilespmem:s10+$0x30] =	vst v6  }
0x28: {  	s14 =	simm.s32 $0x80;
	s16 =	simm.s32 $0x400;
	[tilespmem:s10+$0xFFFFFFC0] =	vst v7;
	v6 =	vld.idx.msk [tilespmem:v0+s15+$0x20 ss:$0x1], $0xffff;
	s15 =	smov.u32 s10  }
.LBB1_4:
0x29: {  	p1 =	sne.s32 s16, $0xE00;
	v7 =	vld.idx.msk [tilespmem:v0+s14+$0x30 ss:$0x1], $0xffff;
	[tilespmem:s15+$0xFFFFFFD0] =	vst v5  }
0x2a: {  	v8 =	vld.idx.msk [tilespmem:v0+s14+$0xFFFFFFC0 ss:$0x1], $0xffff;
	[tilespmem:s15+$0xFFFFFFE0] =	vst v4  }
0x2b: {  	v5 =	vld.idx.msk [tilespmem:v0+s14+$0xFFFFFFD0 ss:$0x1], $0xffff;
	[tilespmem:s15+$0xFFFFFFF0] =	vst v3  }
.Ltmp3:
0x2c: {  	v4 =	vld.idx.msk [tilespmem:v0+s14+$0xFFFFFFE0 ss:$0x1], $0xffff;
	[tilespmem:s15+$0x0] =	vst v1;
	(pc) =	sbr.rel @p1 .LBB1_4-.Ltmp3, $4  }
0x2d: {  	v3 =	vld.idx.msk [tilespmem:v0+s14+$0xFFFFFFF0 ss:$0x1], $0xffff;
	[tilespmem:s15+$0x10] =	vst v2  }
0x2e: {  	v1 =	vld.idx.msk [tilespmem:v0+s14+$0x0 ss:$0x1], $0xffff;
	[tilespmem:s15+$0x20] =	vst v6;
	s15 =	sadd.s32 $0x800, s15  }
0x2f: {  	v2 =	vld.idx.msk [tilespmem:v0+s14+$0x10 ss:$0x1], $0xffff;
	[tilespmem:s15+$0x30] =	vst v7  }
0x30: {  	[tilespmem:s15+$0xFFFFFFC0] =	vst v8;
	v6 =	vld.idx.msk [tilespmem:v0+s14+$0x20 ss:$0x1], $0xffff;
	s14 =	sshra.s32 s16, $0x2;
	s16 =	sadd.s32 $0x200, s16  }
0x31: {  	_ =	sdelay $0x2  }
0x32: {  	[tilespmem:s15+$0xFFFFFFD0] =	vst v5  }
0x33: {  	v56 =	vld.idx.msk [tilespmem:v0+s14+$0x30 ss:$0x1], $0xffff;
	[tilespmem:s15+$0xFFFFFFE0] =	vst v4  }
0x34: {  	v57 =	vld.idx.msk [tilespmem:v0+s14+$0xFFFFFFC0 ss:$0x1], $0xffff;
	[tilespmem:s15+$0xFFFFFFF0] =	vst v3  }
0x35: {  	v58 =	vld.idx.msk [tilespmem:v0+s14+$0xFFFFFFD0 ss:$0x1], $0xffff;
	[tilespmem:s15+$0x0] =	vst v1  }
0x36: {  	v59 =	vld.idx.msk [tilespmem:v0+s14+$0xFFFFFFE0 ss:$0x1], $0xffff;
	[tilespmem:s15+$0x10] =	vst v2  }
0x37: {  	v60 =	vld.idx.msk [tilespmem:v0+s14+$0xFFFFFFF0 ss:$0x1], $0xffff;
	s31 =	sadd.s32 $0x800, s15;
	[tilespmem:s15+$0x20] =	vst v6  }
0x38: {  	v61 =	vld.idx.msk [tilespmem:v0+s14+$0x0 ss:$0x1], $0xffff;
	[tilespmem:s31+$0x30] =	vst v56  }
0x39: {  	v62 =	vld.idx.msk [tilespmem:v0+s14+$0x10 ss:$0x1], $0xffff;
	s13 =	sadd.s32 $0x1, s13;
	[tilespmem:s31+$0xFFFFFFC0] =	vst v57  }
0x3a: {  	v63 =	vld.idx.msk [tilespmem:v0+s14+$0x20 ss:$0x1], $0xffff;
	p1 =	sne.s32 s13, $0x10;
	[tilespmem:s31+$0xFFFFFFD0] =	vst v58  }
.Ltmp4:
0x3b: {  	[tilespmem:s31+$0xFFFFFFE0] =	vst v59;
	(pc) =	sbr.rel @p1 .LBB1_3-.Ltmp4, $4  }
0x3c: {  	[tilespmem:s31+$0xFFFFFFF0] =	vst v60  }
0x3d: {  	[tilespmem:s31+$0x0] =	vst v61  }
0x3e: {  	[tilespmem:s31+$0x10] =	vst v62  }
0x3f: {  	s10 =	sadd.s32 $0x80, s10;
	s11 =	sadd.s32 $0x400, s11;
	[tilespmem:s31+$0x20] =	vst v63  }
.Ltmp5:
0x40: {  	(pc) =	sbr.rel .LBB1_7-.Ltmp5, $4  }
0x41: {  	_ = 	snop  }
0x42: {  	s9 =	sshll.u32 s9, $0xB  }
0x43: {  	s9 =	sadd.s32 s3, s9  }
0x44: {  	[hbm4b:s9+s6] =	stream.linear.scatter [tilespmem:s12], [sflag:$0x2], $0x4000, $0x38;
	[tilespmem:$0x10000] =	vst v63  }
.LBB1_8:
0x45: {  	_ =	sfence.sel $0x180000  }
0x46: {  	s2 =	simm.s32 $0x1;
	[bflag:$0x0] =	sbarrier.arrive $0xFFFF  }
0x47: {  	s31 =	simm.s32 $0x2;
	[sflag:s2] =	ssyncpa.u1 $0x1  }
0x48: {  	[sflag:s31] =	ssyncpa.u1 $0x1  }
0x49: {  	p0 =	sne.s32 s1, $0x0;
	_ =	strace $0x90000047  }
0x4a: {  	s0 =	sadd.s32 @!p0 $0x100000, s0;
	[bflag:$0x2] =	sbarrier.arrive $0xFFFF  }
0x4b: {  	[sflag:s0] =	ssyncadd.tile.s32 @!p0 $0x1;
	_ =	shalt  }
.Lfunc_end1:
_tile_overlayer_lowered:
.L_overlay_start_2:
0x4c: {  	(tag) =	ssettag $0x2  }
0x4d: {  	s0 =	rddreg [dreg:$0x0];
	s2 =	stileid.u32  }
0x4e: {  	s1 =	rddreg [dreg:$0x1];
	p0 =	sne.s32 s2, $0x0  }
0x4f: {  	s3 =	rddreg [dreg:$0x2];
	[bflag:$0x3] =	sbarrier.arrive $0xFFFF;
	s2 =	simm.s32 @!p0 $0x1C01  }
0x50: {  	[timem:s3], [sflag:s2] =	dma.local @!p0 [hbm:s0], s1  }
0x51: {  	s0 =	simm.s32 @!p0 $0x1  }
0x52: {  	_ =	swait.ge @!p0 [sflag:s0], s1  }
0x53: {  	s1 =	ssub.s32 @!p0 $0x0, s1;
	[sflag:s0] =	ssyncset.done @!p0 $0x0  }
0x54: {  	[sflag:s0] =	ssyncadd.s32 @!p0 s1  }
0x55: {  	[bflag:$0x3] =	sbarrier.arrive $0xFFFF  }
0x56: {  	_ =	shalt  }

</sc_bundles>
